<compile_context>
chip_gen: v7x
topology: tpu7x:2x2x1
jax: 0.10.2.dev20260603
libtpu: 0.0.44.dev20260713+nightly
codegen_flags: <defaults>
</compile_context>

<pallas_src>
import functools

import numpy as np
import jax
import jax.numpy as jnp
from jax import lax
from jax.experimental import pallas as pl
from jax.experimental.pallas import tpu as pltpu
from jax.experimental.pallas import tpu_sc as plsc

N = 10000
M = 50000
K = 16
IN_DIM = 128
OUT_DIM = 128
D = IN_DIM * 3
GW = 8
GWT = 128

NW = 32
NQW = 320
NP = NW * NQW
CQ = 4
EC = CQ * K
FCH = NQW // CQ

B = 128
BK = B * K
NB = NP // B

_INV_PI = float(1.0 / np.pi)
_EPS = 1e-08

@functools.cache
def _make_sc_gather():
    mesh = plsc.VectorSubcoreMesh(
        core_axis_name="c", subcore_axis_name="s", num_cores=2, num_subcores=16)
    return functools.partial(
        pl.kernel,
        out_type=(
            jax.ShapeDtypeStruct((NP * D,), jnp.float32),
            jax.ShapeDtypeStruct((NP * K * GW,), jnp.float32),
        ),
        mesh=mesh,
        scratch_types=[
            pltpu.VMEM((NQW * K,), jnp.int32),
            pltpu.VMEM((EC, D), jnp.float32),
            pltpu.VMEM((EC, D), jnp.float32),
            pltpu.VMEM((CQ * D,), jnp.float32),
            pltpu.VMEM((CQ * D,), jnp.float32),
            pltpu.VMEM((EC, GWT), jnp.float32),
            pltpu.VMEM((EC, GWT), jnp.float32),
            pltpu.VMEM((EC * GW + 16,), jnp.float32),
            pltpu.VMEM((EC * GW + 16,), jnp.float32),
        ] + [pltpu.SemaphoreType.DMA] * 8,
    )(_sc_gather_body)


def _sc_gather_body(idx_hbm, feats_hbm, geom_hbm, agg_hbm, geom_out_hbm,
                    idx_all, rows0, rows1, acc0, acc1, grows0, grows1,
                    gout0, gout1, fsem0, fsem1, gsem0, gsem1,
                    wsem0, wsem1, vsem0, vsem1):
    rows = (rows0, rows1)
    acc = (acc0, acc1)
    grows = (grows0, grows1)
    gout = (gout0, gout1)
    fsem = (fsem0, fsem1)
    gsem = (gsem0, gsem1)
    wsem = (wsem0, wsem1)
    vsem = (vsem0, vsem1)

    wid = lax.axis_index("s") * 2 + lax.axis_index("c")
    qbase = wid * NQW
    ebase = qbase * K

    pltpu.sync_copy(idx_hbm.at[pl.ds(ebase, NQW * K)], idx_all)

    def fgather(ch, b):
        return pltpu.make_async_copy(
            feats_hbm.at[idx_all.at[pl.ds(ch * EC, EC)]], rows[b], fsem[b])

    def ggather(ch, b):
        return pltpu.make_async_copy(
            geom_hbm.at[idx_all.at[pl.ds(ch * EC, EC)]], grows[b], gsem[b])

    def acc_wb(ch, b):
        return pltpu.make_async_copy(
            acc[b], agg_hbm.at[pl.ds((qbase + ch * CQ) * D, CQ * D)], wsem[b])

    def gout_wb(ch, b):
        return pltpu.make_async_copy(
            gout[b].at[pl.ds(0, EC * GW)],
            geom_out_hbm.at[pl.ds((ebase + ch * EC) * GW, EC * GW)],
            vsem[b])

    for b in range(2):
        fgather(b, b).start()
        ggather(b, b).start()

    def body(g, carry):
        for b in range(2):
            ch = 2 * g + b

            fgather(ch, b).wait()

            @pl.when(g >= 1)
            def _():
                acc_wb(ch, b).wait()

            def col_body(cc, c2):
                cb = cc * 32
                for q in range(CQ):
                    s0 = rows[b][q * K, pl.ds(cb, 16)]
                    s1 = rows[b][q * K, pl.ds(cb + 16, 16)]
                    for r in range(1, K):
                        s0 = s0 + rows[b][q * K + r, pl.ds(cb, 16)]
                        s1 = s1 + rows[b][q * K + r, pl.ds(cb + 16, 16)]
                    acc[b][pl.ds(q * D + cb, 16)] = s0 * np.float32(1.0 / K)
                    acc[b][pl.ds(q * D + cb + 16, 16)] = s1 * np.float32(1.0 / K)
                return c2

            lax.fori_loop(0, D // 32, col_body, 0)
            acc_wb(ch, b).start()

            ggather(ch, b).wait()

            @pl.when(g >= 1)
            def _():
                gout_wb(ch, b).wait()

            lane = lax.iota(jnp.int32, 16)
            rot8 = (lane + 8) & 15

            def pack_body(p, c2):
                a = grows[b][2 * p, pl.ds(0, 16)]
                bb = grows[b][2 * p + 1, pl.ds(0, 16)]
                merged = jnp.where(lane < GW, a, jnp.take(bb, rot8))
                gout[b][pl.ds(p * 16, 16)] = merged
                return c2

            lax.fori_loop(0, EC // 2, pack_body, 0)
            gout_wb(ch, b).start()

            @pl.when(ch + 2 < FCH)
            def _():
                fgather(ch + 2, b).start()
                ggather(ch + 2, b).start()
        return carry

    lax.fori_loop(0, FCH // 2, body, 0)

    for b in range(2):
        acc_wb(FCH - 2 + b, b).wait()
        gout_wb(FCH - 2 + b, b).wait()


def _safe_atan2(y, x):
    x_safe = jnp.where(jnp.abs(x) < _EPS, jnp.sign(x) * _EPS, x)
    return jnp.arctan2(y, x_safe)


def _tc_body(geomT_ref, qpT_ref, agg_ref, W1_ref, b1_ref, W2_ref, b2_ref,
             W3_ref, b3_ref, Wg_ref, bg_ref, Wvc_ref, RT_ref, S0T_ref,
             SKT_ref, E_ref, out_ref):
    f32 = jnp.float32
    geomT = geomT_ref[...]
    nbp = geomT[0:3, :]
    nbn = geomT[3:6, :]
    RT = RT_ref[...]
    qe = jnp.dot(qpT_ref[...], RT, preferred_element_type=f32)
    qn_small = jnp.dot(nbn, S0T_ref[...], preferred_element_type=f32)
    qn = jnp.dot(qn_small, RT, preferred_element_type=f32)

    vd = nbp - qe

    def dot3(a, b):
        return a[0:1, :] * b[0:1, :] + a[1:2, :] * b[1:2, :] + a[2:3, :] * b[2:3, :]

    def crossnorm(a, b):
        cx = a[1:2, :] * b[2:3, :] - a[2:3, :] * b[1:2, :]
        cy = a[2:3, :] * b[0:1, :] - a[0:1, :] * b[2:3, :]
        cz = a[0:1, :] * b[1:2, :] - a[1:2, :] * b[0:1, :]
        return jnp.sqrt(cx * cx + cy * cy + cz * cz)

    d = jnp.sqrt(dot3(vd, vd))
    a1 = _safe_atan2(crossnorm(qn, vd), dot3(qn, vd)) * _INV_PI
    a2 = _safe_atan2(crossnorm(nbn, vd), dot3(nbn, vd)) * _INV_PI
    a3 = _safe_atan2(crossnorm(qn, nbn), dot3(qn, nbn)) * _INV_PI
    ppfT = jnp.concatenate([d, a1, a2, a3], axis=0)

    h = jnp.dot(W1_ref[...], ppfT, preferred_element_type=f32) + b1_ref[...]
    h = jnp.maximum(h, 0.0)
    h = jnp.dot(W2_ref[...], h, preferred_element_type=f32) + b2_ref[...]
    h = jnp.maximum(h, 0.0)
    hm = jnp.dot(h, SKT_ref[...], preferred_element_type=f32)
    pm = jnp.dot(W3_ref[...], hm, preferred_element_type=f32) + b3_ref[...]
    gT = jax.nn.sigmoid(
        jnp.dot(Wg_ref[...], pm, preferred_element_type=f32) + bg_ref[...])
    ge = lax.dot_general(gT, E_ref[...], (((0,), (0,)), ((), ())),
                         preferred_element_type=f32)
    out_ref[...] = jnp.dot(agg_ref[...], Wvc_ref[...],
                           preferred_element_type=f32) * ge


_RT = np.kron(np.eye(B, dtype=np.float32), np.ones((1, K), np.float32))
_S0T = np.kron(np.eye(B, dtype=np.float32),
               np.eye(K, 1, dtype=np.float32))
_SKT = np.kron(np.eye(B, dtype=np.float32),
               np.full((K, 1), 1.0 / K, np.float32))
_E = np.kron(np.eye(OUT_DIM, dtype=np.float32), np.ones((1, 3), np.float32))
_EYE3 = np.eye(3, dtype=np.float32)


def kernel(q_pts, s_pts, s_feats, neighbor_indices, normals,
           W1, b1, W2, b2, W3, b3, Wg, bg, Wv):
    hid = W1.shape[0]
    od3 = W3.shape[0]

    idx = neighbor_indices.astype(jnp.int32).reshape(-1)
    idx_pad = jnp.concatenate(
        [idx, jnp.zeros((NP * K - N * K,), jnp.int32)])
    feats2d = s_feats.transpose(0, 2, 1).reshape(M, D)
    geom_tab = jnp.concatenate(
        [s_pts, normals, jnp.zeros((M, GWT - 6), jnp.float32)],
        axis=1)
    qpT = jnp.pad(q_pts, ((0, NP - N), (0, 0))).T

    agg_flat, geom_flat = _make_sc_gather()(idx_pad, feats2d, geom_tab)
    agg = agg_flat.reshape(NP, D)
    geomT = geom_flat.reshape(NP * K, GW).T

    Wvc = (jnp.asarray(_EYE3)[:, None, None, :]
           * Wv.T[None, :, :, None]).reshape(D, D)
    out2d = pl.pallas_call(
        _tc_body,
        grid=(NB,),
        in_specs=[
            pl.BlockSpec((GW, BK), lambda i: (0, i)),
            pl.BlockSpec((3, B), lambda i: (0, i)),
            pl.BlockSpec((B, D), lambda i: (i, 0)),
            pl.BlockSpec((hid, 4), lambda i: (0, 0)),
            pl.BlockSpec((hid, 1), lambda i: (0, 0)),
            pl.BlockSpec((hid, hid), lambda i: (0, 0)),
            pl.BlockSpec((hid, 1), lambda i: (0, 0)),
            pl.BlockSpec((od3, hid), lambda i: (0, 0)),
            pl.BlockSpec((od3, 1), lambda i: (0, 0)),
            pl.BlockSpec((OUT_DIM, od3), lambda i: (0, 0)),
            pl.BlockSpec((OUT_DIM, 1), lambda i: (0, 0)),
            pl.BlockSpec((D, D), lambda i: (0, 0)),
            pl.BlockSpec((B, BK), lambda i: (0, 0)),
            pl.BlockSpec((BK, B), lambda i: (0, 0)),
            pl.BlockSpec((BK, B), lambda i: (0, 0)),
            pl.BlockSpec((OUT_DIM, D), lambda i: (0, 0)),
        ],
        out_specs=pl.BlockSpec((B, D), lambda i: (i, 0)),
        out_shape=jax.ShapeDtypeStruct((NP, D), jnp.float32),
    )(geomT, qpT, agg,
      W1, b1.reshape(hid, 1), W2, b2.reshape(hid, 1),
      W3, b3.reshape(od3, 1), Wg, bg.reshape(OUT_DIM, 1),
      Wvc, jnp.asarray(_RT), jnp.asarray(_S0T), jnp.asarray(_SKT),
      jnp.asarray(_E))

    return out2d[:N].reshape(N, OUT_DIM, 3)

# --- scband reference (transcript-rebuilt; emitter-appended) ---
"""Pipeline reference for scband-equivariant-ppfattention-73014444032168 (READ-ONLY COPY).

The authoritative reference and input builder live on the scoring server;
editing this copy changes nothing except your own understanding.
"""

import jax, jax.numpy as jnp
import numpy as np

IN_DIM = 128
OUT_DIM = 128
HIDDEN = 64
N = 10000
M = 50000
K = 16


def safe_atan2(y, x):
    eps = 1e-08
    x_safe = jnp.where(jnp.abs(x) < eps, jnp.sign(x) * eps, x)
    return jnp.arctan2(y, x_safe)


def calc_ppf(points, point_normals, neighbor_points, neighbor_normals):
    # points: [N,3] -> [N,1,3]; neighbor_*: [N,K,3]
    points = points[:, None, :]
    point_normals = point_normals[:, None, :]
    Kn = neighbor_points.shape[1]
    points_expanded = jnp.broadcast_to(points, (points.shape[0], Kn, 3))
    point_normals_expanded = jnp.broadcast_to(point_normals, (points.shape[0], Kn, 3))
    vec_d = neighbor_points - points_expanded
    d = jnp.linalg.norm(vec_d, axis=-1, keepdims=True)
    y = jnp.sum(point_normals_expanded * vec_d, axis=-1, keepdims=True)
    x = jnp.cross(point_normals_expanded, vec_d)
    x_norm = jnp.linalg.norm(x, axis=-1, keepdims=True)
    angle1 = safe_atan2(x_norm, y) / np.pi
    y = jnp.sum(neighbor_normals * vec_d, axis=-1, keepdims=True)
    x = jnp.cross(neighbor_normals, vec_d)
    x_norm = jnp.linalg.norm(x, axis=-1, keepdims=True)
    angle2 = safe_atan2(x_norm, y) / np.pi
    y = jnp.sum(point_normals_expanded * neighbor_normals, axis=-1, keepdims=True)
    x = jnp.cross(point_normals_expanded, neighbor_normals)
    x_norm = jnp.linalg.norm(x, axis=-1, keepdims=True)
    angle3 = safe_atan2(x_norm, y) / np.pi
    return jnp.concatenate([d, angle1, angle2, angle3], axis=-1)


def setup_inputs(seed: int = 0) -> dict:
    key = jax.random.key(seed)
    ks = jax.random.split(key, 16)
    q_pts = jax.random.normal(ks[0], (N, 3), dtype=jnp.float32)
    s_pts = jax.random.normal(ks[1], (M, 3), dtype=jnp.float32)
    s_feats = jax.random.normal(ks[2], (M, IN_DIM, 3), dtype=jnp.float32)
    neighbor_indices = jax.random.randint(ks[3], (N, K), 0, M, dtype=jnp.int64 if jax.config.jax_enable_x64 else jnp.int32)
    normals = jax.random.normal(ks[4], (M, 3), dtype=jnp.float32)
    # ppf_encoder: Linear(4,64) -> ReLU -> Linear(64,64) -> ReLU -> Linear(64, OUT_DIM//3)
    W1 = jax.random.normal(ks[5], (HIDDEN, 4), dtype=jnp.float32) * 0.1
    b1 = jnp.zeros((HIDDEN,), dtype=jnp.float32)
    W2 = jax.random.normal(ks[6], (HIDDEN, HIDDEN), dtype=jnp.float32) * 0.1
    b2 = jnp.zeros((HIDDEN,), dtype=jnp.float32)
    W3 = jax.random.normal(ks[7], (OUT_DIM // 3, HIDDEN), dtype=jnp.float32) * 0.1
    b3 = jnp.zeros((OUT_DIM // 3,), dtype=jnp.float32)
    # gate_proj: Linear(OUT_DIM//3, OUT_DIM)
    Wg = jax.random.normal(ks[8], (OUT_DIM, OUT_DIM // 3), dtype=jnp.float32) * 0.1
    bg = jnp.zeros((OUT_DIM,), dtype=jnp.float32)
    # vn_value: VNLinear(IN_DIM, OUT_DIM), bias-free linear over the channel dim
    Wv = jax.random.normal(ks[9], (OUT_DIM, IN_DIM), dtype=jnp.float32) * 0.1
    return {
        'q_pts': q_pts, 's_pts': s_pts, 's_feats': s_feats,
        'neighbor_indices': neighbor_indices, 'normals': normals,
        'W1': W1, 'b1': b1, 'W2': W2, 'b2': b2, 'W3': W3, 'b3': b3,
        'Wg': Wg, 'bg': bg, 'Wv': Wv,
    }


def reference(q_pts, s_pts, s_feats, neighbor_indices, normals, W1, b1, W2, b2, W3, b3, Wg, bg, Wv):
    # gathers (memory-bound)
    neighbor_pts = jnp.take(s_pts, neighbor_indices, axis=0)        # [N,K,3]
    neighbor_norms = jnp.take(normals, neighbor_indices, axis=0)    # [N,K,3]
    q_normals = jnp.take(normals, neighbor_indices[:, 0], axis=0)   # [N,3]
    ppf = calc_ppf(q_pts, q_normals, neighbor_pts, neighbor_norms)  # [N,K,4]
    h = jax.nn.relu(ppf @ W1.T + b1)
    h = jax.nn.relu(h @ W2.T + b2)
    ppf_encoded = h @ W3.T + b3                                     # [N,K,OUT_DIM//3]
    ppf_modulation = ppf_encoded.mean(axis=1)                       # [N,OUT_DIM//3]
    gate_weights = jax.nn.sigmoid(ppf_modulation @ Wg.T + bg)       # [N,OUT_DIM]
    neighbor_feats = jnp.take(s_feats, neighbor_indices, axis=0)    # [N,K,IN_DIM,3]
    aggregated = neighbor_feats.mean(axis=1)                        # [N,IN_DIM,3]
    transformed = jnp.einsum('ndc,od->noc', aggregated, Wv)         # [N,OUT_DIM,3]
    modulated = transformed * gate_weights[:, :, None]
    return modulated

if __name__ == "__main__":
    import jax
    _d = setup_inputs()
    print(jax.jit(kernel)(*tuple(_d.values())))

</pallas_src>

<mosaic_0001>
#map = affine_map<(d0, d1) -> (0)>
#map1 = affine_map<(d0, d1) -> (0, 0)>
module attributes {stable_mosaic.version = 14 : i64} {
  func.func @_sc_gather_body(%arg0: i32, %arg1: i32, %arg2: memref<163840xi32, #tpu.memory_space<hbm>>, %arg3: memref<50000x384xf32, #tpu.memory_space<hbm>>, %arg4: memref<50000x128xf32, #tpu.memory_space<hbm>>, %arg5: memref<3932160xf32, #tpu.memory_space<hbm>>, %arg6: memref<1310720xf32, #tpu.memory_space<hbm>>, %arg7: memref<5120xi32, #tpu.memory_space<vmem>>, %arg8: memref<64x384xf32, #tpu.memory_space<vmem>>, %arg9: memref<64x384xf32, #tpu.memory_space<vmem>>, %arg10: memref<1536xf32, #tpu.memory_space<vmem>>, %arg11: memref<1536xf32, #tpu.memory_space<vmem>>, %arg12: memref<64x128xf32, #tpu.memory_space<vmem>>, %arg13: memref<64x128xf32, #tpu.memory_space<vmem>>, %arg14: memref<528xf32, #tpu.memory_space<vmem>>, %arg15: memref<528xf32, #tpu.memory_space<vmem>>, %arg16: memref<!tpu.dma_semaphore, #tpu.memory_space<semaphore_mem>>, %arg17: memref<!tpu.dma_semaphore, #tpu.memory_space<semaphore_mem>>, %arg18: memref<!tpu.dma_semaphore, #tpu.memory_space<semaphore_mem>>, %arg19: memref<!tpu.dma_semaphore, #tpu.memory_space<semaphore_mem>>, %arg20: memref<!tpu.dma_semaphore, #tpu.memory_space<semaphore_mem>>, %arg21: memref<!tpu.dma_semaphore, #tpu.memory_space<semaphore_mem>>, %arg22: memref<!tpu.dma_semaphore, #tpu.memory_space<semaphore_mem>>, %arg23: memref<!tpu.dma_semaphore, #tpu.memory_space<semaphore_mem>>) attributes {dimension_semantics = [#tpu.dimension_semantics<core_parallel>, #tpu.dimension_semantics<subcore_parallel>], iteration_bounds = array<i64: 2, 16>, scalar_prefetch = 0 : i64, scratch_operands = 17 : i64, tpu.core_type = #tpu.core_type<sc_vector_subcore>, window_params = [{transform_indices = #map}, {transform_indices = #map1}, {transform_indices = #map1}, {transform_indices = #map}, {transform_indices = #map}]} {
    %mul3A = arith.constant 2 : i32
    %mul3A_0 = arith.muli %arg1, %mul3A : i32
    %add3A = arith.addi %mul3A_0, %arg0 : i32
    %mul3A_1 = arith.constant 320 : i32
    %mul3A_2 = arith.muli %add3A, %mul3A_1 : i32
    %mul3A_3 = arith.constant 16 : i32
    %mul3A_4 = arith.muli %mul3A_2, %mul3A_3 : i32
    "tpu.region"() ({
      %run_scoped3A = tpu.sem_alloc : memref<!tpu.dma_semaphore, #tpu.memory_space<semaphore_mem>>
      %dma_start3A_60 = tpu.memref_slice %arg2[%mul3A_4] : memref<163840xi32, #tpu.memory_space<hbm>> -> memref<5120xi32, #tpu.memory_space<hbm>>
      %dma_start3A_61 = tpu.memref_slice %arg2[%mul3A_4] : memref<163840xi32, #tpu.memory_space<hbm>> -> memref<5120xi32, #tpu.memory_space<hbm>>
      tpu.enqueue_dma source(%dma_start3A_61 : memref<5120xi32, #tpu.memory_space<hbm>>) target(%arg7 : memref<5120xi32, #tpu.memory_space<vmem>>) target_semaphore(%run_scoped3A : memref<!tpu.dma_semaphore, #tpu.memory_space<semaphore_mem>>)
      %dma_wait3A_62 = tpu.memref_slice %arg2[%mul3A_4] : memref<163840xi32, #tpu.memory_space<hbm>> -> memref<5120xi32, #tpu.memory_space<hbm>>
      %dma_wait3A_63 = tpu.memref_slice %arg2[%mul3A_4] : memref<163840xi32, #tpu.memory_space<hbm>> -> memref<5120xi32, #tpu.memory_space<hbm>>
      tpu.wait_dma2 semaphore(%run_scoped3A : memref<!tpu.dma_semaphore, #tpu.memory_space<semaphore_mem>>) src(%dma_wait3A_63 : memref<5120xi32, #tpu.memory_space<hbm>>) dst(%arg7 : memref<5120xi32, #tpu.memory_space<vmem>>)
      tpu.yield
    }) : () -> ()
    %dma_start3A = arith.constant 0 : i32
    %dma_start3A_5 = tpu.memref_slice %arg7[%dma_start3A] : memref<5120xi32, #tpu.memory_space<vmem>> -> memref<64xi32, #tpu.memory_space<vmem>>
    %dma_start3A_6 = arith.constant 0 : i32
    %dma_start3A_7 = arith.constant 0 : i32
    %dma_start3A_8 = tpu.memref_slice %arg3[%dma_start3A_6, %dma_start3A_7] : memref<50000x384xf32, #tpu.memory_space<hbm>> -> memref<50000x384xf32, #tpu.memory_space<hbm>>
    tpu.enqueue_indirect_dma source(%dma_start3A_8 : memref<50000x384xf32, #tpu.memory_space<hbm>>) target(%arg8 : memref<64x384xf32, #tpu.memory_space<vmem>>) offsets(%dma_start3A_5 : memref<64xi32, #tpu.memory_space<vmem>>) semaphore(%arg16 : memref<!tpu.dma_semaphore, #tpu.memory_space<semaphore_mem>>)
    %dma_start3A_9 = arith.constant 0 : i32
    %dma_start3A_10 = tpu.memref_slice %arg7[%dma_start3A_9] : memref<5120xi32, #tpu.memory_space<vmem>> -> memref<64xi32, #tpu.memory_space<vmem>>
    %dma_start3A_11 = arith.constant 0 : i32
    %dma_start3A_12 = arith.constant 0 : i32
    %dma_start3A_13 = tpu.memref_slice %arg4[%dma_start3A_11, %dma_start3A_12] : memref<50000x128xf32, #tpu.memory_space<hbm>> -> memref<50000x128xf32, #tpu.memory_space<hbm>>
    tpu.enqueue_indirect_dma source(%dma_start3A_13 : memref<50000x128xf32, #tpu.memory_space<hbm>>) target(%arg12 : memref<64x128xf32, #tpu.memory_space<vmem>>) offsets(%dma_start3A_10 : memref<64xi32, #tpu.memory_space<vmem>>) semaphore(%arg18 : memref<!tpu.dma_semaphore, #tpu.memory_space<semaphore_mem>>)
    %dma_start3A_14 = arith.constant 64 : i32
    %dma_start3A_15 = tpu.memref_slice %arg7[%dma_start3A_14] : memref<5120xi32, #tpu.memory_space<vmem>> -> memref<64xi32, #tpu.memory_space<vmem>>
    %dma_start3A_16 = arith.constant 0 : i32
    %dma_start3A_17 = arith.constant 0 : i32
    %dma_start3A_18 = tpu.memref_slice %arg3[%dma_start3A_16, %dma_start3A_17] : memref<50000x384xf32, #tpu.memory_space<hbm>> -> memref<50000x384xf32, #tpu.memory_space<hbm>>
    tpu.enqueue_indirect_dma source(%dma_start3A_18 : memref<50000x384xf32, #tpu.memory_space<hbm>>) target(%arg9 : memref<64x384xf32, #tpu.memory_space<vmem>>) offsets(%dma_start3A_15 : memref<64xi32, #tpu.memory_space<vmem>>) semaphore(%arg17 : memref<!tpu.dma_semaphore, #tpu.memory_space<semaphore_mem>>)
    %dma_start3A_19 = arith.constant 64 : i32
    %dma_start3A_20 = tpu.memref_slice %arg7[%dma_start3A_19] : memref<5120xi32, #tpu.memory_space<vmem>> -> memref<64xi32, #tpu.memory_space<vmem>>
    %dma_start3A_21 = arith.constant 0 : i32
    %dma_start3A_22 = arith.constant 0 : i32
    %dma_start3A_23 = tpu.memref_slice %arg4[%dma_start3A_21, %dma_start3A_22] : memref<50000x128xf32, #tpu.memory_space<hbm>> -> memref<50000x128xf32, #tpu.memory_space<hbm>>
    tpu.enqueue_indirect_dma source(%dma_start3A_23 : memref<50000x128xf32, #tpu.memory_space<hbm>>) target(%arg13 : memref<64x128xf32, #tpu.memory_space<vmem>>) offsets(%dma_start3A_20 : memref<64xi32, #tpu.memory_space<vmem>>) semaphore(%arg19 : memref<!tpu.dma_semaphore, #tpu.memory_space<semaphore_mem>>)
    %scan3A = arith.constant 0 : i32
    %scan3A_24 = arith.constant 0 : i32
    %scan3A_25 = arith.constant 40 : i32
    %scan3A_26 = arith.addi %scan3A_24, %scan3A_25 : i32
    %scan3A_27 = arith.constant 1 : i32
    scf.for %scan3A_60 = %scan3A_24 to %scan3A_26 step %scan3A_27  : i32 {
      %mul3A_61 = arith.constant 2 : i32
      %mul3A_62 = arith.muli %mul3A_61, %scan3A_60 : i32
      %add3A_63 = arith.constant 0 : i32
      %add3A_64 = arith.addi %mul3A_62, %add3A_63 : i32
      %mul3A_65 = arith.constant 64 : i32
      %mul3A_66 = arith.muli %add3A_64, %mul3A_65 : i32
      %dma_wait3A_67 = tpu.memref_slice %arg7[%mul3A_66] : memref<5120xi32, #tpu.memory_space<vmem>> -> memref<64xi32, #tpu.memory_space<vmem>>
      %dma_wait3A_68 = arith.constant 0 : i32
      %dma_wait3A_69 = arith.constant 0 : i32
      %dma_wait3A_70 = tpu.memref_slice %arg3[%dma_wait3A_68, %dma_wait3A_69] : memref<50000x384xf32, #tpu.memory_space<hbm>> -> memref<50000x384xf32, #tpu.memory_space<hbm>>
      tpu.wait_indirect_dma semaphore(%arg16 : memref<!tpu.dma_semaphore, #tpu.memory_space<semaphore_mem>>) src(%dma_wait3A_70 : memref<50000x384xf32, #tpu.memory_space<hbm>>) dst(%arg8 : memref<64x384xf32, #tpu.memory_space<vmem>>)
      %ge3A = arith.constant 1 : i32
      %ge3A_71 = arith.cmpi sge, %scan3A_60, %ge3A : i32
      %convert_element_type3A = arith.extui %ge3A_71 : i1 to i32
      %cond3A = arith.constant 0 : i32
      %cond3A_72 = arith.cmpi ne, %convert_element_type3A, %cond3A : i32
      scf.if %cond3A_72 {
        %mul3A_195 = arith.constant 4 : i32
        %mul3A_196 = arith.muli %add3A_64, %mul3A_195 : i32
        %add3A_197 = arith.addi %mul3A_2, %mul3A_196 : i32
        %mul3A_198 = arith.constant 384 : i32
        %mul3A_199 = arith.muli %add3A_197, %mul3A_198 : i32
        %dma_wait3A_200 = tpu.memref_slice %arg5[%mul3A_199] : memref<3932160xf32, #tpu.memory_space<hbm>> -> memref<1536xf32, #tpu.memory_space<hbm>>
        %dma_wait3A_201 = tpu.memref_slice %arg5[%mul3A_199] : memref<3932160xf32, #tpu.memory_space<hbm>> -> memref<1536xf32, #tpu.memory_space<hbm>>
        tpu.wait_dma2 semaphore(%arg20 : memref<!tpu.dma_semaphore, #tpu.memory_space<semaphore_mem>>) src(%arg10 : memref<1536xf32, #tpu.memory_space<vmem>>) dst(%dma_wait3A_201 : memref<1536xf32, #tpu.memory_space<hbm>>)
      } else {
      }
      %scan3A_73 = arith.constant 0 : i32
      %scan3A_74 = arith.constant 0 : i32
      %scan3A_75 = arith.constant 12 : i32
      %scan3A_76 = arith.addi %scan3A_74, %scan3A_75 : i32
      %scan3A_77 = arith.constant 1 : i32
      scf.for %scan3A_195 = %scan3A_74 to %scan3A_76 step %scan3A_77  : i32 {
        %mul3A_196 = arith.constant 32 : i32
        %mul3A_197 = arith.muli %scan3A_195, %mul3A_196 : i32
        %get3A = arith.constant 0 : i32
        %get3A_198 = arith.index_cast %get3A : i32 to index
        %get3A_199 = arith.index_cast %mul3A_197 : i32 to index
        %get3A_200 = tpu.vector_load %arg8[%get3A_198, %get3A_199] {strides = array<i32>} : memref<64x384xf32, #tpu.memory_space<vmem>>, vector<1x16xf32>,
        %get3A_201 = vector.shape_cast %get3A_200 : vector<1x16xf32> to vector<16xf32>
        %add3A_202 = arith.constant 16 : i32
        %add3A_203 = arith.addi %mul3A_197, %add3A_202 : i32
        %get3A_204 = arith.constant 0 : i32
        %get3A_205 = arith.index_cast %get3A_204 : i32 to index
        %get3A_206 = arith.index_cast %add3A_203 : i32 to index
        %get3A_207 = tpu.vector_load %arg8[%get3A_205, %get3A_206] {strides = array<i32>} : memref<64x384xf32, #tpu.memory_space<vmem>>, vector<1x16xf32>,
        %get3A_208 = vector.shape_cast %get3A_207 : vector<1x16xf32> to vector<16xf32>
        %get3A_209 = arith.constant 1 : i32
        %get3A_210 = arith.index_cast %get3A_209 : i32 to index
        %get3A_211 = arith.index_cast %mul3A_197 : i32 to index
        %get3A_212 = tpu.vector_load %arg8[%get3A_210, %get3A_211] {strides = array<i32>} : memref<64x384xf32, #tpu.memory_space<vmem>>, vector<1x16xf32>,
        %get3A_213 = vector.shape_cast %get3A_212 : vector<1x16xf32> to vector<16xf32>
        %add3A_214 = arith.addf %get3A_201, %get3A_213 : vector<16xf32>
        %add3A_215 = arith.constant 16 : i32
        %add3A_216 = arith.addi %mul3A_197, %add3A_215 : i32
        %get3A_217 = arith.constant 1 : i32
        %get3A_218 = arith.index_cast %get3A_217 : i32 to index
        %get3A_219 = arith.index_cast %add3A_216 : i32 to index
        %get3A_220 = tpu.vector_load %arg8[%get3A_218, %get3A_219] {strides = array<i32>} : memref<64x384xf32, #tpu.memory_space<vmem>>, vector<1x16xf32>,
        %get3A_221 = vector.shape_cast %get3A_220 : vector<1x16xf32> to vector<16xf32>
        %add3A_222 = arith.addf %get3A_208, %get3A_221 : vector<16xf32>
        %get3A_223 = arith.constant 2 : i32
        %get3A_224 = arith.index_cast %get3A_223 : i32 to index
        %get3A_225 = arith.index_cast %mul3A_197 : i32 to index
        %get3A_226 = tpu.vector_load %arg8[%get3A_224, %get3A_225] {strides = array<i32>} : memref<64x384xf32, #tpu.memory_space<vmem>>, vector<1x16xf32>,
        %get3A_227 = vector.shape_cast %get3A_226 : vector<1x16xf32> to vector<16xf32>
        %add3A_228 = arith.addf %add3A_214, %get3A_227 : vector<16xf32>
        %add3A_229 = arith.constant 16 : i32
        %add3A_230 = arith.addi %mul3A_197, %add3A_229 : i32
        %get3A_231 = arith.constant 2 : i32
        %get3A_232 = arith.index_cast %get3A_231 : i32 to index
        %get3A_233 = arith.index_cast %add3A_230 : i32 to index
        %get3A_234 = tpu.vector_load %arg8[%get3A_232, %get3A_233] {strides = array<i32>} : memref<64x384xf32, #tpu.memory_space<vmem>>, vector<1x16xf32>,
        %get3A_235 = vector.shape_cast %get3A_234 : vector<1x16xf32> to vector<16xf32>
        %add3A_236 = arith.addf %add3A_222, %get3A_235 : vector<16xf32>
        %get3A_237 = arith.constant 3 : i32
        %get3A_238 = arith.index_cast %get3A_237 : i32 to index
        %get3A_239 = arith.index_cast %mul3A_197 : i32 to index
        %get3A_240 = tpu.vector_load %arg8[%get3A_238, %get3A_239] {strides = array<i32>} : memref<64x384xf32, #tpu.memory_space<vmem>>, vector<1x16xf32>,
        %get3A_241 = vector.shape_cast %get3A_240 : vector<1x16xf32> to vector<16xf32>
        %add3A_242 = arith.addf %add3A_228, %get3A_241 : vector<16xf32>
        %add3A_243 = arith.constant 16 : i32
        %add3A_244 = arith.addi %mul3A_197, %add3A_243 : i32
        %get3A_245 = arith.constant 3 : i32
        %get3A_246 = arith.index_cast %get3A_245 : i32 to index
        %get3A_247 = arith.index_cast %add3A_244 : i32 to index
        %get3A_248 = tpu.vector_load %arg8[%get3A_246, %get3A_247] {strides = array<i32>} : memref<64x384xf32, #tpu.memory_space<vmem>>, vector<1x16xf32>,
        %get3A_249 = vector.shape_cast %get3A_248 : vector<1x16xf32> to vector<16xf32>
        %add3A_250 = arith.addf %add3A_236, %get3A_249 : vector<16xf32>
        %get3A_251 = arith.constant 4 : i32
        %get3A_252 = arith.index_cast %get3A_251 : i32 to index
        %get3A_253 = arith.index_cast %mul3A_197 : i32 to index
        %get3A_254 = tpu.vector_load %arg8[%get3A_252, %get3A_253] {strides = array<i32>} : memref<64x384xf32, #tpu.memory_space<vmem>>, vector<1x16xf32>,
        %get3A_255 = vector.shape_cast %get3A_254 : vector<1x16xf32> to vector<16xf32>
        %add3A_256 = arith.addf %add3A_242, %get3A_255 : vector<16xf32>
        %add3A_257 = arith.constant 16 : i32
        %add3A_258 = arith.addi %mul3A_197, %add3A_257 : i32
        %get3A_259 = arith.constant 4 : i32
        %get3A_260 = arith.index_cast %get3A_259 : i32 to index
        %get3A_261 = arith.index_cast %add3A_258 : i32 to index
        %get3A_262 = tpu.vector_load %arg8[%get3A_260, %get3A_261] {strides = array<i32>} : memref<64x384xf32, #tpu.memory_space<vmem>>, vector<1x16xf32>,
        %get3A_263 = vector.shape_cast %get3A_262 : vector<1x16xf32> to vector<16xf32>
        %add3A_264 = arith.addf %add3A_250, %get3A_263 : vector<16xf32>
        %get3A_265 = arith.constant 5 : i32
        %get3A_266 = arith.index_cast %get3A_265 : i32 to index
        %get3A_267 = arith.index_cast %mul3A_197 : i32 to index
        %get3A_268 = tpu.vector_load %arg8[%get3A_266, %get3A_267] {strides = array<i32>} : memref<64x384xf32, #tpu.memory_space<vmem>>, vector<1x16xf32>,
        %get3A_269 = vector.shape_cast %get3A_268 : vector<1x16xf32> to vector<16xf32>
        %add3A_270 = arith.addf %add3A_256, %get3A_269 : vector<16xf32>
        %add3A_271 = arith.constant 16 : i32
        %add3A_272 = arith.addi %mul3A_197, %add3A_271 : i32
        %get3A_273 = arith.constant 5 : i32
        %get3A_274 = arith.index_cast %get3A_273 : i32 to index
        %get3A_275 = arith.index_cast %add3A_272 : i32 to index
        %get3A_276 = tpu.vector_load %arg8[%get3A_274, %get3A_275] {strides = array<i32>} : memref<64x384xf32, #tpu.memory_space<vmem>>, vector<1x16xf32>,
        %get3A_277 = vector.shape_cast %get3A_276 : vector<1x16xf32> to vector<16xf32>
        %add3A_278 = arith.addf %add3A_264, %get3A_277 : vector<16xf32>
        %get3A_279 = arith.constant 6 : i32
        %get3A_280 = arith.index_cast %get3A_279 : i32 to index
        %get3A_281 = arith.index_cast %mul3A_197 : i32 to index
        %get3A_282 = tpu.vector_load %arg8[%get3A_280, %get3A_281] {strides = array<i32>} : memref<64x384xf32, #tpu.memory_space<vmem>>, vector<1x16xf32>,
        %get3A_283 = vector.shape_cast %get3A_282 : vector<1x16xf32> to vector<16xf32>
        %add3A_284 = arith.addf %add3A_270, %get3A_283 : vector<16xf32>
        %add3A_285 = arith.constant 16 : i32
        %add3A_286 = arith.addi %mul3A_197, %add3A_285 : i32
        %get3A_287 = arith.constant 6 : i32
        %get3A_288 = arith.index_cast %get3A_287 : i32 to index
        %get3A_289 = arith.index_cast %add3A_286 : i32 to index
        %get3A_290 = tpu.vector_load %arg8[%get3A_288, %get3A_289] {strides = array<i32>} : memref<64x384xf32, #tpu.memory_space<vmem>>, vector<1x16xf32>,
        %get3A_291 = vector.shape_cast %get3A_290 : vector<1x16xf32> to vector<16xf32>
        %add3A_292 = arith.addf %add3A_278, %get3A_291 : vector<16xf32>
        %get3A_293 = arith.constant 7 : i32
        %get3A_294 = arith.index_cast %get3A_293 : i32 to index
        %get3A_295 = arith.index_cast %mul3A_197 : i32 to index
        %get3A_296 = tpu.vector_load %arg8[%get3A_294, %get3A_295] {strides = array<i32>} : memref<64x384xf32, #tpu.memory_space<vmem>>, vector<1x16xf32>,
        %get3A_297 = vector.shape_cast %get3A_296 : vector<1x16xf32> to vector<16xf32>
        %add3A_298 = arith.addf %add3A_284, %get3A_297 : vector<16xf32>
        %add3A_299 = arith.constant 16 : i32
        %add3A_300 = arith.addi %mul3A_197, %add3A_299 : i32
        %get3A_301 = arith.constant 7 : i32
        %get3A_302 = arith.index_cast %get3A_301 : i32 to index
        %get3A_303 = arith.index_cast %add3A_300 : i32 to index
        %get3A_304 = tpu.vector_load %arg8[%get3A_302, %get3A_303] {strides = array<i32>} : memref<64x384xf32, #tpu.memory_space<vmem>>, vector<1x16xf32>,
        %get3A_305 = vector.shape_cast %get3A_304 : vector<1x16xf32> to vector<16xf32>
        %add3A_306 = arith.addf %add3A_292, %get3A_305 : vector<16xf32>
        %get3A_307 = arith.constant 8 : i32
        %get3A_308 = arith.index_cast %get3A_307 : i32 to index
        %get3A_309 = arith.index_cast %mul3A_197 : i32 to index
        %get3A_310 = tpu.vector_load %arg8[%get3A_308, %get3A_309] {strides = array<i32>} : memref<64x384xf32, #tpu.memory_space<vmem>>, vector<1x16xf32>,
        %get3A_311 = vector.shape_cast %get3A_310 : vector<1x16xf32> to vector<16xf32>
        %add3A_312 = arith.addf %add3A_298, %get3A_311 : vector<16xf32>
        %add3A_313 = arith.constant 16 : i32
        %add3A_314 = arith.addi %mul3A_197, %add3A_313 : i32
        %get3A_315 = arith.constant 8 : i32
        %get3A_316 = arith.index_cast %get3A_315 : i32 to index
        %get3A_317 = arith.index_cast %add3A_314 : i32 to index
        %get3A_318 = tpu.vector_load %arg8[%get3A_316, %get3A_317] {strides = array<i32>} : memref<64x384xf32, #tpu.memory_space<vmem>>, vector<1x16xf32>,
        %get3A_319 = vector.shape_cast %get3A_318 : vector<1x16xf32> to vector<16xf32>
        %add3A_320 = arith.addf %add3A_306, %get3A_319 : vector<16xf32>
        %get3A_321 = arith.constant 9 : i32
        %get3A_322 = arith.index_cast %get3A_321 : i32 to index
        %get3A_323 = arith.index_cast %mul3A_197 : i32 to index
        %get3A_324 = tpu.vector_load %arg8[%get3A_322, %get3A_323] {strides = array<i32>} : memref<64x384xf32, #tpu.memory_space<vmem>>, vector<1x16xf32>,
        %get3A_325 = vector.shape_cast %get3A_324 : vector<1x16xf32> to vector<16xf32>
        %add3A_326 = arith.addf %add3A_312, %get3A_325 : vector<16xf32>
        %add3A_327 = arith.constant 16 : i32
        %add3A_328 = arith.addi %mul3A_197, %add3A_327 : i32
        %get3A_329 = arith.constant 9 : i32
        %get3A_330 = arith.index_cast %get3A_329 : i32 to index
        %get3A_331 = arith.index_cast %add3A_328 : i32 to index
        %get3A_332 = tpu.vector_load %arg8[%get3A_330, %get3A_331] {strides = array<i32>} : memref<64x384xf32, #tpu.memory_space<vmem>>, vector<1x16xf32>,
        %get3A_333 = vector.shape_cast %get3A_332 : vector<1x16xf32> to vector<16xf32>
        %add3A_334 = arith.addf %add3A_320, %get3A_333 : vector<16xf32>
        %get3A_335 = arith.constant 10 : i32
        %get3A_336 = arith.index_cast %get3A_335 : i32 to index
        %get3A_337 = arith.index_cast %mul3A_197 : i32 to index
        %get3A_338 = tpu.vector_load %arg8[%get3A_336, %get3A_337] {strides = array<i32>} : memref<64x384xf32, #tpu.memory_space<vmem>>, vector<1x16xf32>,
        %get3A_339 = vector.shape_cast %get3A_338 : vector<1x16xf32> to vector<16xf32>
        %add3A_340 = arith.addf %add3A_326, %get3A_339 : vector<16xf32>
        %add3A_341 = arith.constant 16 : i32
        %add3A_342 = arith.addi %mul3A_197, %add3A_341 : i32
        %get3A_343 = arith.constant 10 : i32
        %get3A_344 = arith.index_cast %get3A_343 : i32 to index
        %get3A_345 = arith.index_cast %add3A_342 : i32 to index
        %get3A_346 = tpu.vector_load %arg8[%get3A_344, %get3A_345] {strides = array<i32>} : memref<64x384xf32, #tpu.memory_space<vmem>>, vector<1x16xf32>,
        %get3A_347 = vector.shape_cast %get3A_346 : vector<1x16xf32> to vector<16xf32>
        %add3A_348 = arith.addf %add3A_334, %get3A_347 : vector<16xf32>
        %get3A_349 = arith.constant 11 : i32
        %get3A_350 = arith.index_cast %get3A_349 : i32 to index
        %get3A_351 = arith.index_cast %mul3A_197 : i32 to index
        %get3A_352 = tpu.vector_load %arg8[%get3A_350, %get3A_351] {strides = array<i32>} : memref<64x384xf32, #tpu.memory_space<vmem>>, vector<1x16xf32>,
        %get3A_353 = vector.shape_cast %get3A_352 : vector<1x16xf32> to vector<16xf32>
        %add3A_354 = arith.addf %add3A_340, %get3A_353 : vector<16xf32>
        %add3A_355 = arith.constant 16 : i32
        %add3A_356 = arith.addi %mul3A_197, %add3A_355 : i32
        %get3A_357 = arith.constant 11 : i32
        %get3A_358 = arith.index_cast %get3A_357 : i32 to index
        %get3A_359 = arith.index_cast %add3A_356 : i32 to index
        %get3A_360 = tpu.vector_load %arg8[%get3A_358, %get3A_359] {strides = array<i32>} : memref<64x384xf32, #tpu.memory_space<vmem>>, vector<1x16xf32>,
        %get3A_361 = vector.shape_cast %get3A_360 : vector<1x16xf32> to vector<16xf32>
        %add3A_362 = arith.addf %add3A_348, %get3A_361 : vector<16xf32>
        %get3A_363 = arith.constant 12 : i32
        %get3A_364 = arith.index_cast %get3A_363 : i32 to index
        %get3A_365 = arith.index_cast %mul3A_197 : i32 to index
        %get3A_366 = tpu.vector_load %arg8[%get3A_364, %get3A_365] {strides = array<i32>} : memref<64x384xf32, #tpu.memory_space<vmem>>, vector<1x16xf32>,
        %get3A_367 = vector.shape_cast %get3A_366 : vector<1x16xf32> to vector<16xf32>
        %add3A_368 = arith.addf %add3A_354, %get3A_367 : vector<16xf32>
        %add3A_369 = arith.constant 16 : i32
        %add3A_370 = arith.addi %mul3A_197, %add3A_369 : i32
        %get3A_371 = arith.constant 12 : i32
        %get3A_372 = arith.index_cast %get3A_371 : i32 to index
        %get3A_373 = arith.index_cast %add3A_370 : i32 to index
        %get3A_374 = tpu.vector_load %arg8[%get3A_372, %get3A_373] {strides = array<i32>} : memref<64x384xf32, #tpu.memory_space<vmem>>, vector<1x16xf32>,
        %get3A_375 = vector.shape_cast %get3A_374 : vector<1x16xf32> to vector<16xf32>
        %add3A_376 = arith.addf %add3A_362, %get3A_375 : vector<16xf32>
        %get3A_377 = arith.constant 13 : i32
        %get3A_378 = arith.index_cast %get3A_377 : i32 to index
        %get3A_379 = arith.index_cast %mul3A_197 : i32 to index
        %get3A_380 = tpu.vector_load %arg8[%get3A_378, %get3A_379] {strides = array<i32>} : memref<64x384xf32, #tpu.memory_space<vmem>>, vector<1x16xf32>,
        %get3A_381 = vector.shape_cast %get3A_380 : vector<1x16xf32> to vector<16xf32>
        %add3A_382 = arith.addf %add3A_368, %get3A_381 : vector<16xf32>
        %add3A_383 = arith.constant 16 : i32
        %add3A_384 = arith.addi %mul3A_197, %add3A_383 : i32
        %get3A_385 = arith.constant 13 : i32
        %get3A_386 = arith.index_cast %get3A_385 : i32 to index
        %get3A_387 = arith.index_cast %add3A_384 : i32 to index
        %get3A_388 = tpu.vector_load %arg8[%get3A_386, %get3A_387] {strides = array<i32>} : memref<64x384xf32, #tpu.memory_space<vmem>>, vector<1x16xf32>,
        %get3A_389 = vector.shape_cast %get3A_388 : vector<1x16xf32> to vector<16xf32>
        %add3A_390 = arith.addf %add3A_376, %get3A_389 : vector<16xf32>
        %get3A_391 = arith.constant 14 : i32
        %get3A_392 = arith.index_cast %get3A_391 : i32 to index
        %get3A_393 = arith.index_cast %mul3A_197 : i32 to index
        %get3A_394 = tpu.vector_load %arg8[%get3A_392, %get3A_393] {strides = array<i32>} : memref<64x384xf32, #tpu.memory_space<vmem>>, vector<1x16xf32>,
        %get3A_395 = vector.shape_cast %get3A_394 : vector<1x16xf32> to vector<16xf32>
        %add3A_396 = arith.addf %add3A_382, %get3A_395 : vector<16xf32>
        %add3A_397 = arith.constant 16 : i32
        %add3A_398 = arith.addi %mul3A_197, %add3A_397 : i32
        %get3A_399 = arith.constant 14 : i32
        %get3A_400 = arith.index_cast %get3A_399 : i32 to index
        %get3A_401 = arith.index_cast %add3A_398 : i32 to index
        %get3A_402 = tpu.vector_load %arg8[%get3A_400, %get3A_401] {strides = array<i32>} : memref<64x384xf32, #tpu.memory_space<vmem>>, vector<1x16xf32>,
        %get3A_403 = vector.shape_cast %get3A_402 : vector<1x16xf32> to vector<16xf32>
        %add3A_404 = arith.addf %add3A_390, %get3A_403 : vector<16xf32>
        %get3A_405 = arith.constant 15 : i32
        %get3A_406 = arith.index_cast %get3A_405 : i32 to index
        %get3A_407 = arith.index_cast %mul3A_197 : i32 to index
        %get3A_408 = tpu.vector_load %arg8[%get3A_406, %get3A_407] {strides = array<i32>} : memref<64x384xf32, #tpu.memory_space<vmem>>, vector<1x16xf32>,
        %get3A_409 = vector.shape_cast %get3A_408 : vector<1x16xf32> to vector<16xf32>
        %add3A_410 = arith.addf %add3A_396, %get3A_409 : vector<16xf32>
        %add3A_411 = arith.constant 16 : i32
        %add3A_412 = arith.addi %mul3A_197, %add3A_411 : i32
        %get3A_413 = arith.constant 15 : i32
        %get3A_414 = arith.index_cast %get3A_413 : i32 to index
        %get3A_415 = arith.index_cast %add3A_412 : i32 to index
        %get3A_416 = tpu.vector_load %arg8[%get3A_414, %get3A_415] {strides = array<i32>} : memref<64x384xf32, #tpu.memory_space<vmem>>, vector<1x16xf32>,
        %get3A_417 = vector.shape_cast %get3A_416 : vector<1x16xf32> to vector<16xf32>
        %add3A_418 = arith.addf %add3A_404, %get3A_417 : vector<16xf32>
        %mul3A_419 = arith.constant 6.250000e-02 : f32
        %mul3A_420 = vector.broadcast %mul3A_419 : f32 to vector<16xf32>
        %mul3A_421 = arith.mulf %add3A_410, %mul3A_420 : vector<16xf32>
        %add3A_422 = arith.constant 0 : i32
        %add3A_423 = arith.addi %add3A_422, %mul3A_197 : i32
        %swap3A = arith.index_cast %add3A_423 : i32 to index
        %swap3A_424 = tpu.vector_load %arg10[%swap3A] {strides = array<i32>} : memref<1536xf32, #tpu.memory_space<vmem>>, vector<16xf32>,
        %swap3A_425 = vector.shape_cast %swap3A_424 : vector<16xf32> to vector<16xf32>
        %swap3A_426 = vector.shape_cast %mul3A_421 : vector<16xf32> to vector<16xf32>
        tpu.vector_store %arg10[%swap3A], %swap3A_426 {strides = array<i32>} : memref<1536xf32, #tpu.memory_space<vmem>>, vector<16xf32>,
        %mul3A_427 = arith.constant 6.250000e-02 : f32
        %mul3A_428 = vector.broadcast %mul3A_427 : f32 to vector<16xf32>
        %mul3A_429 = arith.mulf %add3A_418, %mul3A_428 : vector<16xf32>
        %add3A_430 = arith.constant 0 : i32
        %add3A_431 = arith.addi %add3A_430, %mul3A_197 : i32
        %add3A_432 = arith.constant 16 : i32
        %add3A_433 = arith.addi %add3A_431, %add3A_432 : i32
        %swap3A_434 = arith.index_cast %add3A_433 : i32 to index
        %swap3A_435 = tpu.vector_load %arg10[%swap3A_434] {strides = array<i32>} : memref<1536xf32, #tpu.memory_space<vmem>>, vector<16xf32>,
        %swap3A_436 = vector.shape_cast %swap3A_435 : vector<16xf32> to vector<16xf32>
        %swap3A_437 = vector.shape_cast %mul3A_429 : vector<16xf32> to vector<16xf32>
        tpu.vector_store %arg10[%swap3A_434], %swap3A_437 {strides = array<i32>} : memref<1536xf32, #tpu.memory_space<vmem>>, vector<16xf32>,
        %get3A_438 = arith.constant 16 : i32
        %get3A_439 = arith.index_cast %get3A_438 : i32 to index
        %get3A_440 = arith.index_cast %mul3A_197 : i32 to index
        %get3A_441 = tpu.vector_load %arg8[%get3A_439, %get3A_440] {strides = array<i32>} : memref<64x384xf32, #tpu.memory_space<vmem>>, vector<1x16xf32>,
        %get3A_442 = vector.shape_cast %get3A_441 : vector<1x16xf32> to vector<16xf32>
        %add3A_443 = arith.constant 16 : i32
        %add3A_444 = arith.addi %mul3A_197, %add3A_443 : i32
        %get3A_445 = arith.constant 16 : i32
        %get3A_446 = arith.index_cast %get3A_445 : i32 to index
        %get3A_447 = arith.index_cast %add3A_444 : i32 to index
        %get3A_448 = tpu.vector_load %arg8[%get3A_446, %get3A_447] {strides = array<i32>} : memref<64x384xf32, #tpu.memory_space<vmem>>, vector<1x16xf32>,
        %get3A_449 = vector.shape_cast %get3A_448 : vector<1x16xf32> to vector<16xf32>
        %get3A_450 = arith.constant 17 : i32
        %get3A_451 = arith.index_cast %get3A_450 : i32 to index
        %get3A_452 = arith.index_cast %mul3A_197 : i32 to index
        %get3A_453 = tpu.vector_load %arg8[%get3A_451, %get3A_452] {strides = array<i32>} : memref<64x384xf32, #tpu.memory_space<vmem>>, vector<1x16xf32>,
        %get3A_454 = vector.shape_cast %get3A_453 : vector<1x16xf32> to vector<16xf32>
        %add3A_455 = arith.addf %get3A_442, %get3A_454 : vector<16xf32>
        %add3A_456 = arith.constant 16 : i32
        %add3A_457 = arith.addi %mul3A_197, %add3A_456 : i32
        %get3A_458 = arith.constant 17 : i32
        %get3A_459 = arith.index_cast %get3A_458 : i32 to index
        %get3A_460 = arith.index_cast %add3A_457 : i32 to index
        %get3A_461 = tpu.vector_load %arg8[%get3A_459, %get3A_460] {strides = array<i32>} : memref<64x384xf32, #tpu.memory_space<vmem>>, vector<1x16xf32>,
        %get3A_462 = vector.shape_cast %get3A_461 : vector<1x16xf32> to vector<16xf32>
        %add3A_463 = arith.addf %get3A_449, %get3A_462 : vector<16xf32>
        %get3A_464 = arith.constant 18 : i32
        %get3A_465 = arith.index_cast %get3A_464 : i32 to index
        %get3A_466 = arith.index_cast %mul3A_197 : i32 to index
        %get3A_467 = tpu.vector_load %arg8[%get3A_465, %get3A_466] {strides = array<i32>} : memref<64x384xf32, #tpu.memory_space<vmem>>, vector<1x16xf32>,
        %get3A_468 = vector.shape_cast %get3A_467 : vector<1x16xf32> to vector<16xf32>
        %add3A_469 = arith.addf %add3A_455, %get3A_468 : vector<16xf32>
        %add3A_470 = arith.constant 16 : i32
        %add3A_471 = arith.addi %mul3A_197, %add3A_470 : i32
        %get3A_472 = arith.constant 18 : i32
        %get3A_473 = arith.index_cast %get3A_472 : i32 to index
        %get3A_474 = arith.index_cast %add3A_471 : i32 to index
        %get3A_475 = tpu.vector_load %arg8[%get3A_473, %get3A_474] {strides = array<i32>} : memref<64x384xf32, #tpu.memory_space<vmem>>, vector<1x16xf32>,
        %get3A_476 = vector.shape_cast %get3A_475 : vector<1x16xf32> to vector<16xf32>
        %add3A_477 = arith.addf %add3A_463, %get3A_476 : vector<16xf32>
        %get3A_478 = arith.constant 19 : i32
        %get3A_479 = arith.index_cast %get3A_478 : i32 to index
        %get3A_480 = arith.index_cast %mul3A_197 : i32 to index
        %get3A_481 = tpu.vector_load %arg8[%get3A_479, %get3A_480] {strides = array<i32>} : memref<64x384xf32, #tpu.memory_space<vmem>>, vector<1x16xf32>,
        %get3A_482 = vector.shape_cast %get3A_481 : vector<1x16xf32> to vector<16xf32>
        %add3A_483 = arith.addf %add3A_469, %get3A_482 : vector<16xf32>
        %add3A_484 = arith.constant 16 : i32
        %add3A_485 = arith.addi %mul3A_197, %add3A_484 : i32
        %get3A_486 = arith.constant 19 : i32
        %get3A_487 = arith.index_cast %get3A_486 : i32 to index
        %get3A_488 = arith.index_cast %add3A_485 : i32 to index
        %get3A_489 = tpu.vector_load %arg8[%get3A_487, %get3A_488] {strides = array<i32>} : memref<64x384xf32, #tpu.memory_space<vmem>>, vector<1x16xf32>,
        %get3A_490 = vector.shape_cast %get3A_489 : vector<1x16xf32> to vector<16xf32>
        %add3A_491 = arith.addf %add3A_477, %get3A_490 : vector<16xf32>
        %get3A_492 = arith.constant 20 : i32
        %get3A_493 = arith.index_cast %get3A_492 : i32 to index
        %get3A_494 = arith.index_cast %mul3A_197 : i32 to index
        %get3A_495 = tpu.vector_load %arg8[%get3A_493, %get3A_494] {strides = array<i32>} : memref<64x384xf32, #tpu.memory_space<vmem>>, vector<1x16xf32>,
        %get3A_496 = vector.shape_cast %get3A_495 : vector<1x16xf32> to vector<16xf32>
        %add3A_497 = arith.addf %add3A_483, %get3A_496 : vector<16xf32>
        %add3A_498 = arith.constant 16 : i32
        %add3A_499 = arith.addi %mul3A_197, %add3A_498 : i32
        %get3A_500 = arith.constant 20 : i32
        %get3A_501 = arith.index_cast %get3A_500 : i32 to index
        %get3A_502 = arith.index_cast %add3A_499 : i32 to index
        %get3A_503 = tpu.vector_load %arg8[%get3A_501, %get3A_502] {strides = array<i32>} : memref<64x384xf32, #tpu.memory_space<vmem>>, vector<1x16xf32>,
        %get3A_504 = vector.shape_cast %get3A_503 : vector<1x16xf32> to vector<16xf32>
        %add3A_505 = arith.addf %add3A_491, %get3A_504 : vector<16xf32>
        %get3A_506 = arith.constant 21 : i32
        %get3A_507 = arith.index_cast %get3A_506 : i32 to index
        %get3A_508 = arith.index_cast %mul3A_197 : i32 to index
        %get3A_509 = tpu.vector_load %arg8[%get3A_507, %get3A_508] {strides = array<i32>} : memref<64x384xf32, #tpu.memory_space<vmem>>, vector<1x16xf32>,
        %get3A_510 = vector.shape_cast %get3A_509 : vector<1x16xf32> to vector<16xf32>
        %add3A_511 = arith.addf %add3A_497, %get3A_510 : vector<16xf32>
        %add3A_512 = arith.constant 16 : i32
        %add3A_513 = arith.addi %mul3A_197, %add3A_512 : i32
        %get3A_514 = arith.constant 21 : i32
        %get3A_515 = arith.index_cast %get3A_514 : i32 to index
        %get3A_516 = arith.index_cast %add3A_513 : i32 to index
        %get3A_517 = tpu.vector_load %arg8[%get3A_515, %get3A_516] {strides = array<i32>} : memref<64x384xf32, #tpu.memory_space<vmem>>, vector<1x16xf32>,
        %get3A_518 = vector.shape_cast %get3A_517 : vector<1x16xf32> to vector<16xf32>
        %add3A_519 = arith.addf %add3A_505, %get3A_518 : vector<16xf32>
        %get3A_520 = arith.constant 22 : i32
        %get3A_521 = arith.index_cast %get3A_520 : i32 to index
        %get3A_522 = arith.index_cast %mul3A_197 : i32 to index
        %get3A_523 = tpu.vector_load %arg8[%get3A_521, %get3A_522] {strides = array<i32>} : memref<64x384xf32, #tpu.memory_space<vmem>>, vector<1x16xf32>,
        %get3A_524 = vector.shape_cast %get3A_523 : vector<1x16xf32> to vector<16xf32>
        %add3A_525 = arith.addf %add3A_511, %get3A_524 : vector<16xf32>
        %add3A_526 = arith.constant 16 : i32
        %add3A_527 = arith.addi %mul3A_197, %add3A_526 : i32
        %get3A_528 = arith.constant 22 : i32
        %get3A_529 = arith.index_cast %get3A_528 : i32 to index
        %get3A_530 = arith.index_cast %add3A_527 : i32 to index
        %get3A_531 = tpu.vector_load %arg8[%get3A_529, %get3A_530] {strides = array<i32>} : memref<64x384xf32, #tpu.memory_space<vmem>>, vector<1x16xf32>,
        %get3A_532 = vector.shape_cast %get3A_531 : vector<1x16xf32> to vector<16xf32>
        %add3A_533 = arith.addf %add3A_519, %get3A_532 : vector<16xf32>
        %get3A_534 = arith.constant 23 : i32
        %get3A_535 = arith.index_cast %get3A_534 : i32 to index
        %get3A_536 = arith.index_cast %mul3A_197 : i32 to index
        %get3A_537 = tpu.vector_load %arg8[%get3A_535, %get3A_536] {strides = array<i32>} : memref<64x384xf32, #tpu.memory_space<vmem>>, vector<1x16xf32>,
        %get3A_538 = vector.shape_cast %get3A_537 : vector<1x16xf32> to vector<16xf32>
        %add3A_539 = arith.addf %add3A_525, %get3A_538 : vector<16xf32>
        %add3A_540 = arith.constant 16 : i32
        %add3A_541 = arith.addi %mul3A_197, %add3A_540 : i32
        %get3A_542 = arith.constant 23 : i32
        %get3A_543 = arith.index_cast %get3A_542 : i32 to index
        %get3A_544 = arith.index_cast %add3A_541 : i32 to index
        %get3A_545 = tpu.vector_load %arg8[%get3A_543, %get3A_544] {strides = array<i32>} : memref<64x384xf32, #tpu.memory_space<vmem>>, vector<1x16xf32>,
        %get3A_546 = vector.shape_cast %get3A_545 : vector<1x16xf32> to vector<16xf32>
        %add3A_547 = arith.addf %add3A_533, %get3A_546 : vector<16xf32>
        %get3A_548 = arith.constant 24 : i32
        %get3A_549 = arith.index_cast %get3A_548 : i32 to index
        %get3A_550 = arith.index_cast %mul3A_197 : i32 to index
        %get3A_551 = tpu.vector_load %arg8[%get3A_549, %get3A_550] {strides = array<i32>} : memref<64x384xf32, #tpu.memory_space<vmem>>, vector<1x16xf32>,
        %get3A_552 = vector.shape_cast %get3A_551 : vector<1x16xf32> to vector<16xf32>
        %add3A_553 = arith.addf %add3A_539, %get3A_552 : vector<16xf32>
        %add3A_554 = arith.constant 16 : i32
        %add3A_555 = arith.addi %mul3A_197, %add3A_554 : i32
        %get3A_556 = arith.constant 24 : i32
        %get3A_557 = arith.index_cast %get3A_556 : i32 to index
        %get3A_558 = arith.index_cast %add3A_555 : i32 to index
        %get3A_559 = tpu.vector_load %arg8[%get3A_557, %get3A_558] {strides = array<i32>} : memref<64x384xf32, #tpu.memory_space<vmem>>, vector<1x16xf32>,
        %get3A_560 = vector.shape_cast %get3A_559 : vector<1x16xf32> to vector<16xf32>
        %add3A_561 = arith.addf %add3A_547, %get3A_560 : vector<16xf32>
        %get3A_562 = arith.constant 25 : i32
        %get3A_563 = arith.index_cast %get3A_562 : i32 to index
        %get3A_564 = arith.index_cast %mul3A_197 : i32 to index
        %get3A_565 = tpu.vector_load %arg8[%get3A_563, %get3A_564] {strides = array<i32>} : memref<64x384xf32, #tpu.memory_space<vmem>>, vector<1x16xf32>,
        %get3A_566 = vector.shape_cast %get3A_565 : vector<1x16xf32> to vector<16xf32>
        %add3A_567 = arith.addf %add3A_553, %get3A_566 : vector<16xf32>
        %add3A_568 = arith.constant 16 : i32
        %add3A_569 = arith.addi %mul3A_197, %add3A_568 : i32
        %get3A_570 = arith.constant 25 : i32
        %get3A_571 = arith.index_cast %get3A_570 : i32 to index
        %get3A_572 = arith.index_cast %add3A_569 : i32 to index
        %get3A_573 = tpu.vector_load %arg8[%get3A_571, %get3A_572] {strides = array<i32>} : memref<64x384xf32, #tpu.memory_space<vmem>>, vector<1x16xf32>,
        %get3A_574 = vector.shape_cast %get3A_573 : vector<1x16xf32> to vector<16xf32>
        %add3A_575 = arith.addf %add3A_561, %get3A_574 : vector<16xf32>
        %get3A_576 = arith.constant 26 : i32
        %get3A_577 = arith.index_cast %get3A_576 : i32 to index
        %get3A_578 = arith.index_cast %mul3A_197 : i32 to index
        %get3A_579 = tpu.vector_load %arg8[%get3A_577, %get3A_578] {strides = array<i32>} : memref<64x384xf32, #tpu.memory_space<vmem>>, vector<1x16xf32>,
        %get3A_580 = vector.shape_cast %get3A_579 : vector<1x16xf32> to vector<16xf32>
        %add3A_581 = arith.addf %add3A_567, %get3A_580 : vector<16xf32>
        %add3A_582 = arith.constant 16 : i32
        %add3A_583 = arith.addi %mul3A_197, %add3A_582 : i32
        %get3A_584 = arith.constant 26 : i32
        %get3A_585 = arith.index_cast %get3A_584 : i32 to index
        %get3A_586 = arith.index_cast %add3A_583 : i32 to index
        %get3A_587 = tpu.vector_load %arg8[%get3A_585, %get3A_586] {strides = array<i32>} : memref<64x384xf32, #tpu.memory_space<vmem>>, vector<1x16xf32>,
        %get3A_588 = vector.shape_cast %get3A_587 : vector<1x16xf32> to vector<16xf32>
        %add3A_589 = arith.addf %add3A_575, %get3A_588 : vector<16xf32>
        %get3A_590 = arith.constant 27 : i32
        %get3A_591 = arith.index_cast %get3A_590 : i32 to index
        %get3A_592 = arith.index_cast %mul3A_197 : i32 to index
        %get3A_593 = tpu.vector_load %arg8[%get3A_591, %get3A_592] {strides = array<i32>} : memref<64x384xf32, #tpu.memory_space<vmem>>, vector<1x16xf32>,
        %get3A_594 = vector.shape_cast %get3A_593 : vector<1x16xf32> to vector<16xf32>
        %add3A_595 = arith.addf %add3A_581, %get3A_594 : vector<16xf32>
        %add3A_596 = arith.constant 16 : i32
        %add3A_597 = arith.addi %mul3A_197, %add3A_596 : i32
        %get3A_598 = arith.constant 27 : i32
        %get3A_599 = arith.index_cast %get3A_598 : i32 to index
        %get3A_600 = arith.index_cast %add3A_597 : i32 to index
        %get3A_601 = tpu.vector_load %arg8[%get3A_599, %get3A_600] {strides = array<i32>} : memref<64x384xf32, #tpu.memory_space<vmem>>, vector<1x16xf32>,
        %get3A_602 = vector.shape_cast %get3A_601 : vector<1x16xf32> to vector<16xf32>
        %add3A_603 = arith.addf %add3A_589, %get3A_602 : vector<16xf32>
        %get3A_604 = arith.constant 28 : i32
        %get3A_605 = arith.index_cast %get3A_604 : i32 to index
        %get3A_606 = arith.index_cast %mul3A_197 : i32 to index
        %get3A_607 = tpu.vector_load %arg8[%get3A_605, %get3A_606] {strides = array<i32>} : memref<64x384xf32, #tpu.memory_space<vmem>>, vector<1x16xf32>,
        %get3A_608 = vector.shape_cast %get3A_607 : vector<1x16xf32> to vector<16xf32>
        %add3A_609 = arith.addf %add3A_595, %get3A_608 : vector<16xf32>
        %add3A_610 = arith.constant 16 : i32
        %add3A_611 = arith.addi %mul3A_197, %add3A_610 : i32
        %get3A_612 = arith.constant 28 : i32
        %get3A_613 = arith.index_cast %get3A_612 : i32 to index
        %get3A_614 = arith.index_cast %add3A_611 : i32 to index
        %get3A_615 = tpu.vector_load %arg8[%get3A_613, %get3A_614] {strides = array<i32>} : memref<64x384xf32, #tpu.memory_space<vmem>>, vector<1x16xf32>,
        %get3A_616 = vector.shape_cast %get3A_615 : vector<1x16xf32> to vector<16xf32>
        %add3A_617 = arith.addf %add3A_603, %get3A_616 : vector<16xf32>
        %get3A_618 = arith.constant 29 : i32
        %get3A_619 = arith.index_cast %get3A_618 : i32 to index
        %get3A_620 = arith.index_cast %mul3A_197 : i32 to index
        %get3A_621 = tpu.vector_load %arg8[%get3A_619, %get3A_620] {strides = array<i32>} : memref<64x384xf32, #tpu.memory_space<vmem>>, vector<1x16xf32>,
        %get3A_622 = vector.shape_cast %get3A_621 : vector<1x16xf32> to vector<16xf32>
        %add3A_623 = arith.addf %add3A_609, %get3A_622 : vector<16xf32>
        %add3A_624 = arith.constant 16 : i32
        %add3A_625 = arith.addi %mul3A_197, %add3A_624 : i32
        %get3A_626 = arith.constant 29 : i32
        %get3A_627 = arith.index_cast %get3A_626 : i32 to index
        %get3A_628 = arith.index_cast %add3A_625 : i32 to index
        %get3A_629 = tpu.vector_load %arg8[%get3A_627, %get3A_628] {strides = array<i32>} : memref<64x384xf32, #tpu.memory_space<vmem>>, vector<1x16xf32>,
        %get3A_630 = vector.shape_cast %get3A_629 : vector<1x16xf32> to vector<16xf32>
        %add3A_631 = arith.addf %add3A_617, %get3A_630 : vector<16xf32>
        %get3A_632 = arith.constant 30 : i32
        %get3A_633 = arith.index_cast %get3A_632 : i32 to index
        %get3A_634 = arith.index_cast %mul3A_197 : i32 to index
        %get3A_635 = tpu.vector_load %arg8[%get3A_633, %get3A_634] {strides = array<i32>} : memref<64x384xf32, #tpu.memory_space<vmem>>, vector<1x16xf32>,
        %get3A_636 = vector.shape_cast %get3A_635 : vector<1x16xf32> to vector<16xf32>
        %add3A_637 = arith.addf %add3A_623, %get3A_636 : vector<16xf32>
        %add3A_638 = arith.constant 16 : i32
        %add3A_639 = arith.addi %mul3A_197, %add3A_638 : i32
        %get3A_640 = arith.constant 30 : i32
        %get3A_641 = arith.index_cast %get3A_640 : i32 to index
        %get3A_642 = arith.index_cast %add3A_639 : i32 to index
        %get3A_643 = tpu.vector_load %arg8[%get3A_641, %get3A_642] {strides = array<i32>} : memref<64x384xf32, #tpu.memory_space<vmem>>, vector<1x16xf32>,
        %get3A_644 = vector.shape_cast %get3A_643 : vector<1x16xf32> to vector<16xf32>
        %add3A_645 = arith.addf %add3A_631, %get3A_644 : vector<16xf32>
        %get3A_646 = arith.constant 31 : i32
        %get3A_647 = arith.index_cast %get3A_646 : i32 to index
        %get3A_648 = arith.index_cast %mul3A_197 : i32 to index
        %get3A_649 = tpu.vector_load %arg8[%get3A_647, %get3A_648] {strides = array<i32>} : memref<64x384xf32, #tpu.memory_space<vmem>>, vector<1x16xf32>,
        %get3A_650 = vector.shape_cast %get3A_649 : vector<1x16xf32> to vector<16xf32>
        %add3A_651 = arith.addf %add3A_637, %get3A_650 : vector<16xf32>
        %add3A_652 = arith.constant 16 : i32
        %add3A_653 = arith.addi %mul3A_197, %add3A_652 : i32
        %get3A_654 = arith.constant 31 : i32
        %get3A_655 = arith.index_cast %get3A_654 : i32 to index
        %get3A_656 = arith.index_cast %add3A_653 : i32 to index
        %get3A_657 = tpu.vector_load %arg8[%get3A_655, %get3A_656] {strides = array<i32>} : memref<64x384xf32, #tpu.memory_space<vmem>>, vector<1x16xf32>,
        %get3A_658 = vector.shape_cast %get3A_657 : vector<1x16xf32> to vector<16xf32>
        %add3A_659 = arith.addf %add3A_645, %get3A_658 : vector<16xf32>
        %mul3A_660 = arith.constant 6.250000e-02 : f32
        %mul3A_661 = vector.broadcast %mul3A_660 : f32 to vector<16xf32>
        %mul3A_662 = arith.mulf %add3A_651, %mul3A_661 : vector<16xf32>
        %add3A_663 = arith.constant 384 : i32
        %add3A_664 = arith.addi %add3A_663, %mul3A_197 : i32
        %swap3A_665 = arith.index_cast %add3A_664 : i32 to index
        %swap3A_666 = tpu.vector_load %arg10[%swap3A_665] {strides = array<i32>} : memref<1536xf32, #tpu.memory_space<vmem>>, vector<16xf32>,
        %swap3A_667 = vector.shape_cast %swap3A_666 : vector<16xf32> to vector<16xf32>
        %swap3A_668 = vector.shape_cast %mul3A_662 : vector<16xf32> to vector<16xf32>
        tpu.vector_store %arg10[%swap3A_665], %swap3A_668 {strides = array<i32>} : memref<1536xf32, #tpu.memory_space<vmem>>, vector<16xf32>,
        %mul3A_669 = arith.constant 6.250000e-02 : f32
        %mul3A_670 = vector.broadcast %mul3A_669 : f32 to vector<16xf32>
        %mul3A_671 = arith.mulf %add3A_659, %mul3A_670 : vector<16xf32>
        %add3A_672 = arith.constant 384 : i32
        %add3A_673 = arith.addi %add3A_672, %mul3A_197 : i32
        %add3A_674 = arith.constant 16 : i32
        %add3A_675 = arith.addi %add3A_673, %add3A_674 : i32
        %swap3A_676 = arith.index_cast %add3A_675 : i32 to index
        %swap3A_677 = tpu.vector_load %arg10[%swap3A_676] {strides = array<i32>} : memref<1536xf32, #tpu.memory_space<vmem>>, vector<16xf32>,
        %swap3A_678 = vector.shape_cast %swap3A_677 : vector<16xf32> to vector<16xf32>
        %swap3A_679 = vector.shape_cast %mul3A_671 : vector<16xf32> to vector<16xf32>
        tpu.vector_store %arg10[%swap3A_676], %swap3A_679 {strides = array<i32>} : memref<1536xf32, #tpu.memory_space<vmem>>, vector<16xf32>,
        %get3A_680 = arith.constant 32 : i32
        %get3A_681 = arith.index_cast %get3A_680 : i32 to index
        %get3A_682 = arith.index_cast %mul3A_197 : i32 to index
        %get3A_683 = tpu.vector_load %arg8[%get3A_681, %get3A_682] {strides = array<i32>} : memref<64x384xf32, #tpu.memory_space<vmem>>, vector<1x16xf32>,
        %get3A_684 = vector.shape_cast %get3A_683 : vector<1x16xf32> to vector<16xf32>
        %add3A_685 = arith.constant 16 : i32
        %add3A_686 = arith.addi %mul3A_197, %add3A_685 : i32
        %get3A_687 = arith.constant 32 : i32
        %get3A_688 = arith.index_cast %get3A_687 : i32 to index
        %get3A_689 = arith.index_cast %add3A_686 : i32 to index
        %get3A_690 = tpu.vector_load %arg8[%get3A_688, %get3A_689] {strides = array<i32>} : memref<64x384xf32, #tpu.memory_space<vmem>>, vector<1x16xf32>,
        %get3A_691 = vector.shape_cast %get3A_690 : vector<1x16xf32> to vector<16xf32>
        %get3A_692 = arith.constant 33 : i32
        %get3A_693 = arith.index_cast %get3A_692 : i32 to index
        %get3A_694 = arith.index_cast %mul3A_197 : i32 to index
        %get3A_695 = tpu.vector_load %arg8[%get3A_693, %get3A_694] {strides = array<i32>} : memref<64x384xf32, #tpu.memory_space<vmem>>, vector<1x16xf32>,
        %get3A_696 = vector.shape_cast %get3A_695 : vector<1x16xf32> to vector<16xf32>
        %add3A_697 = arith.addf %get3A_684, %get3A_696 : vector<16xf32>
        %add3A_698 = arith.constant 16 : i32
        %add3A_699 = arith.addi %mul3A_197, %add3A_698 : i32
        %get3A_700 = arith.constant 33 : i32
        %get3A_701 = arith.index_cast %get3A_700 : i32 to index
        %get3A_702 = arith.index_cast %add3A_699 : i32 to index
        %get3A_703 = tpu.vector_load %arg8[%get3A_701, %get3A_702] {strides = array<i32>} : memref<64x384xf32, #tpu.memory_space<vmem>>, vector<1x16xf32>,
        %get3A_704 = vector.shape_cast %get3A_703 : vector<1x16xf32> to vector<16xf32>
        %add3A_705 = arith.addf %get3A_691, %get3A_704 : vector<16xf32>
        %get3A_706 = arith.constant 34 : i32
        %get3A_707 = arith.index_cast %get3A_706 : i32 to index
        %get3A_708 = arith.index_cast %mul3A_197 : i32 to index
        %get3A_709 = tpu.vector_load %arg8[%get3A_707, %get3A_708] {strides = array<i32>} : memref<64x384xf32, #tpu.memory_space<vmem>>, vector<1x16xf32>,
        %get3A_710 = vector.shape_cast %get3A_709 : vector<1x16xf32> to vector<16xf32>
        %add3A_711 = arith.addf %add3A_697, %get3A_710 : vector<16xf32>
        %add3A_712 = arith.constant 16 : i32
        %add3A_713 = arith.addi %mul3A_197, %add3A_712 : i32
        %get3A_714 = arith.constant 34 : i32
        %get3A_715 = arith.index_cast %get3A_714 : i32 to index
        %get3A_716 = arith.index_cast %add3A_713 : i32 to index
        %get3A_717 = tpu.vector_load %arg8[%get3A_715, %get3A_716] {strides = array<i32>} : memref<64x384xf32, #tpu.memory_space<vmem>>, vector<1x16xf32>,
        %get3A_718 = vector.shape_cast %get3A_717 : vector<1x16xf32> to vector<16xf32>
        %add3A_719 = arith.addf %add3A_705, %get3A_718 : vector<16xf32>
        %get3A_720 = arith.constant 35 : i32
        %get3A_721 = arith.index_cast %get3A_720 : i32 to index
        %get3A_722 = arith.index_cast %mul3A_197 : i32 to index
        %get3A_723 = tpu.vector_load %arg8[%get3A_721, %get3A_722] {strides = array<i32>} : memref<64x384xf32, #tpu.memory_space<vmem>>, vector<1x16xf32>,
        %get3A_724 = vector.shape_cast %get3A_723 : vector<1x16xf32> to vector<16xf32>
        %add3A_725 = arith.addf %add3A_711, %get3A_724 : vector<16xf32>
        %add3A_726 = arith.constant 16 : i32
        %add3A_727 = arith.addi %mul3A_197, %add3A_726 : i32
        %get3A_728 = arith.constant 35 : i32
        %get3A_729 = arith.index_cast %get3A_728 : i32 to index
        %get3A_730 = arith.index_cast %add3A_727 : i32 to index
        %get3A_731 = tpu.vector_load %arg8[%get3A_729, %get3A_730] {strides = array<i32>} : memref<64x384xf32, #tpu.memory_space<vmem>>, vector<1x16xf32>,
        %get3A_732 = vector.shape_cast %get3A_731 : vector<1x16xf32> to vector<16xf32>
        %add3A_733 = arith.addf %add3A_719, %get3A_732 : vector<16xf32>
        %get3A_734 = arith.constant 36 : i32
        %get3A_735 = arith.index_cast %get3A_734 : i32 to index
        %get3A_736 = arith.index_cast %mul3A_197 : i32 to index
        %get3A_737 = tpu.vector_load %arg8[%get3A_735, %get3A_736] {strides = array<i32>} : memref<64x384xf32, #tpu.memory_space<vmem>>, vector<1x16xf32>,
        %get3A_738 = vector.shape_cast %get3A_737 : vector<1x16xf32> to vector<16xf32>
        %add3A_739 = arith.addf %add3A_725, %get3A_738 : vector<16xf32>
        %add3A_740 = arith.constant 16 : i32
        %add3A_741 = arith.addi %mul3A_197, %add3A_740 : i32
        %get3A_742 = arith.constant 36 : i32
        %get3A_743 = arith.index_cast %get3A_742 : i32 to index
        %get3A_744 = arith.index_cast %add3A_741 : i32 to index
        %get3A_745 = tpu.vector_load %arg8[%get3A_743, %get3A_744] {strides = array<i32>} : memref<64x384xf32, #tpu.memory_space<vmem>>, vector<1x16xf32>,
        %get3A_746 = vector.shape_cast %get3A_745 : vector<1x16xf32> to vector<16xf32>
        %add3A_747 = arith.addf %add3A_733, %get3A_746 : vector<16xf32>
        %get3A_748 = arith.constant 37 : i32
        %get3A_749 = arith.index_cast %get3A_748 : i32 to index
        %get3A_750 = arith.index_cast %mul3A_197 : i32 to index
        %get3A_751 = tpu.vector_load %arg8[%get3A_749, %get3A_750] {strides = array<i32>} : memref<64x384xf32, #tpu.memory_space<vmem>>, vector<1x16xf32>,
        %get3A_752 = vector.shape_cast %get3A_751 : vector<1x16xf32> to vector<16xf32>
        %add3A_753 = arith.addf %add3A_739, %get3A_752 : vector<16xf32>
        %add3A_754 = arith.constant 16 : i32
        %add3A_755 = arith.addi %mul3A_197, %add3A_754 : i32
        %get3A_756 = arith.constant 37 : i32
        %get3A_757 = arith.index_cast %get3A_756 : i32 to index
        %get3A_758 = arith.index_cast %add3A_755 : i32 to index
        %get3A_759 = tpu.vector_load %arg8[%get3A_757, %get3A_758] {strides = array<i32>} : memref<64x384xf32, #tpu.memory_space<vmem>>, vector<1x16xf32>,
        %get3A_760 = vector.shape_cast %get3A_759 : vector<1x16xf32> to vector<16xf32>
        %add3A_761 = arith.addf %add3A_747, %get3A_760 : vector<16xf32>
        %get3A_762 = arith.constant 38 : i32
        %get3A_763 = arith.index_cast %get3A_762 : i32 to index
        %get3A_764 = arith.index_cast %mul3A_197 : i32 to index
        %get3A_765 = tpu.vector_load %arg8[%get3A_763, %get3A_764] {strides = array<i32>} : memref<64x384xf32, #tpu.memory_space<vmem>>, vector<1x16xf32>,
        %get3A_766 = vector.shape_cast %get3A_765 : vector<1x16xf32> to vector<16xf32>
        %add3A_767 = arith.addf %add3A_753, %get3A_766 : vector<16xf32>
        %add3A_768 = arith.constant 16 : i32
        %add3A_769 = arith.addi %mul3A_197, %add3A_768 : i32
        %get3A_770 = arith.constant 38 : i32
        %get3A_771 = arith.index_cast %get3A_770 : i32 to index
        %get3A_772 = arith.index_cast %add3A_769 : i32 to index
        %get3A_773 = tpu.vector_load %arg8[%get3A_771, %get3A_772] {strides = array<i32>} : memref<64x384xf32, #tpu.memory_space<vmem>>, vector<1x16xf32>,
        %get3A_774 = vector.shape_cast %get3A_773 : vector<1x16xf32> to vector<16xf32>
        %add3A_775 = arith.addf %add3A_761, %get3A_774 : vector<16xf32>
        %get3A_776 = arith.constant 39 : i32
        %get3A_777 = arith.index_cast %get3A_776 : i32 to index
        %get3A_778 = arith.index_cast %mul3A_197 : i32 to index
        %get3A_779 = tpu.vector_load %arg8[%get3A_777, %get3A_778] {strides = array<i32>} : memref<64x384xf32, #tpu.memory_space<vmem>>, vector<1x16xf32>,
        %get3A_780 = vector.shape_cast %get3A_779 : vector<1x16xf32> to vector<16xf32>
        %add3A_781 = arith.addf %add3A_767, %get3A_780 : vector<16xf32>
        %add3A_782 = arith.constant 16 : i32
        %add3A_783 = arith.addi %mul3A_197, %add3A_782 : i32
        %get3A_784 = arith.constant 39 : i32
        %get3A_785 = arith.index_cast %get3A_784 : i32 to index
        %get3A_786 = arith.index_cast %add3A_783 : i32 to index
        %get3A_787 = tpu.vector_load %arg8[%get3A_785, %get3A_786] {strides = array<i32>} : memref<64x384xf32, #tpu.memory_space<vmem>>, vector<1x16xf32>,
        %get3A_788 = vector.shape_cast %get3A_787 : vector<1x16xf32> to vector<16xf32>
        %add3A_789 = arith.addf %add3A_775, %get3A_788 : vector<16xf32>
        %get3A_790 = arith.constant 40 : i32
        %get3A_791 = arith.index_cast %get3A_790 : i32 to index
        %get3A_792 = arith.index_cast %mul3A_197 : i32 to index
        %get3A_793 = tpu.vector_load %arg8[%get3A_791, %get3A_792] {strides = array<i32>} : memref<64x384xf32, #tpu.memory_space<vmem>>, vector<1x16xf32>,
        %get3A_794 = vector.shape_cast %get3A_793 : vector<1x16xf32> to vector<16xf32>
        %add3A_795 = arith.addf %add3A_781, %get3A_794 : vector<16xf32>
        %add3A_796 = arith.constant 16 : i32
        %add3A_797 = arith.addi %mul3A_197, %add3A_796 : i32
        %get3A_798 = arith.constant 40 : i32
        %get3A_799 = arith.index_cast %get3A_798 : i32 to index
        %get3A_800 = arith.index_cast %add3A_797 : i32 to index
        %get3A_801 = tpu.vector_load %arg8[%get3A_799, %get3A_800] {strides = array<i32>} : memref<64x384xf32, #tpu.memory_space<vmem>>, vector<1x16xf32>,
        %get3A_802 = vector.shape_cast %get3A_801 : vector<1x16xf32> to vector<16xf32>
        %add3A_803 = arith.addf %add3A_789, %get3A_802 : vector<16xf32>
        %get3A_804 = arith.constant 41 : i32
        %get3A_805 = arith.index_cast %get3A_804 : i32 to index
        %get3A_806 = arith.index_cast %mul3A_197 : i32 to index
        %get3A_807 = tpu.vector_load %arg8[%get3A_805, %get3A_806] {strides = array<i32>} : memref<64x384xf32, #tpu.memory_space<vmem>>, vector<1x16xf32>,
        %get3A_808 = vector.shape_cast %get3A_807 : vector<1x16xf32> to vector<16xf32>
        %add3A_809 = arith.addf %add3A_795, %get3A_808 : vector<16xf32>
        %add3A_810 = arith.constant 16 : i32
        %add3A_811 = arith.addi %mul3A_197, %add3A_810 : i32
        %get3A_812 = arith.constant 41 : i32
        %get3A_813 = arith.index_cast %get3A_812 : i32 to index
        %get3A_814 = arith.index_cast %add3A_811 : i32 to index
        %get3A_815 = tpu.vector_load %arg8[%get3A_813, %get3A_814] {strides = array<i32>} : memref<64x384xf32, #tpu.memory_space<vmem>>, vector<1x16xf32>,
        %get3A_816 = vector.shape_cast %get3A_815 : vector<1x16xf32> to vector<16xf32>
        %add3A_817 = arith.addf %add3A_803, %get3A_816 : vector<16xf32>
        %get3A_818 = arith.constant 42 : i32
        %get3A_819 = arith.index_cast %get3A_818 : i32 to index
        %get3A_820 = arith.index_cast %mul3A_197 : i32 to index
        %get3A_821 = tpu.vector_load %arg8[%get3A_819, %get3A_820] {strides = array<i32>} : memref<64x384xf32, #tpu.memory_space<vmem>>, vector<1x16xf32>,
        %get3A_822 = vector.shape_cast %get3A_821 : vector<1x16xf32> to vector<16xf32>
        %add3A_823 = arith.addf %add3A_809, %get3A_822 : vector<16xf32>
        %add3A_824 = arith.constant 16 : i32
        %add3A_825 = arith.addi %mul3A_197, %add3A_824 : i32
        %get3A_826 = arith.constant 42 : i32
        %get3A_827 = arith.index_cast %get3A_826 : i32 to index
        %get3A_828 = arith.index_cast %add3A_825 : i32 to index
        %get3A_829 = tpu.vector_load %arg8[%get3A_827, %get3A_828] {strides = array<i32>} : memref<64x384xf32, #tpu.memory_space<vmem>>, vector<1x16xf32>,
        %get3A_830 = vector.shape_cast %get3A_829 : vector<1x16xf32> to vector<16xf32>
        %add3A_831 = arith.addf %add3A_817, %get3A_830 : vector<16xf32>
        %get3A_832 = arith.constant 43 : i32
        %get3A_833 = arith.index_cast %get3A_832 : i32 to index
        %get3A_834 = arith.index_cast %mul3A_197 : i32 to index
        %get3A_835 = tpu.vector_load %arg8[%get3A_833, %get3A_834] {strides = array<i32>} : memref<64x384xf32, #tpu.memory_space<vmem>>, vector<1x16xf32>,
        %get3A_836 = vector.shape_cast %get3A_835 : vector<1x16xf32> to vector<16xf32>
        %add3A_837 = arith.addf %add3A_823, %get3A_836 : vector<16xf32>
        %add3A_838 = arith.constant 16 : i32
        %add3A_839 = arith.addi %mul3A_197, %add3A_838 : i32
        %get3A_840 = arith.constant 43 : i32
        %get3A_841 = arith.index_cast %get3A_840 : i32 to index
        %get3A_842 = arith.index_cast %add3A_839 : i32 to index
        %get3A_843 = tpu.vector_load %arg8[%get3A_841, %get3A_842] {strides = array<i32>} : memref<64x384xf32, #tpu.memory_space<vmem>>, vector<1x16xf32>,
        %get3A_844 = vector.shape_cast %get3A_843 : vector<1x16xf32> to vector<16xf32>
        %add3A_845 = arith.addf %add3A_831, %get3A_844 : vector<16xf32>
        %get3A_846 = arith.constant 44 : i32
        %get3A_847 = arith.index_cast %get3A_846 : i32 to index
        %get3A_848 = arith.index_cast %mul3A_197 : i32 to index
        %get3A_849 = tpu.vector_load %arg8[%get3A_847, %get3A_848] {strides = array<i32>} : memref<64x384xf32, #tpu.memory_space<vmem>>, vector<1x16xf32>,
        %get3A_850 = vector.shape_cast %get3A_849 : vector<1x16xf32> to vector<16xf32>
        %add3A_851 = arith.addf %add3A_837, %get3A_850 : vector<16xf32>
        %add3A_852 = arith.constant 16 : i32
        %add3A_853 = arith.addi %mul3A_197, %add3A_852 : i32
        %get3A_854 = arith.constant 44 : i32
        %get3A_855 = arith.index_cast %get3A_854 : i32 to index
        %get3A_856 = arith.index_cast %add3A_853 : i32 to index
        %get3A_857 = tpu.vector_load %arg8[%get3A_855, %get3A_856] {strides = array<i32>} : memref<64x384xf32, #tpu.memory_space<vmem>>, vector<1x16xf32>,
        %get3A_858 = vector.shape_cast %get3A_857 : vector<1x16xf32> to vector<16xf32>
        %add3A_859 = arith.addf %add3A_845, %get3A_858 : vector<16xf32>
        %get3A_860 = arith.constant 45 : i32
        %get3A_861 = arith.index_cast %get3A_860 : i32 to index
        %get3A_862 = arith.index_cast %mul3A_197 : i32 to index
        %get3A_863 = tpu.vector_load %arg8[%get3A_861, %get3A_862] {strides = array<i32>} : memref<64x384xf32, #tpu.memory_space<vmem>>, vector<1x16xf32>,
        %get3A_864 = vector.shape_cast %get3A_863 : vector<1x16xf32> to vector<16xf32>
        %add3A_865 = arith.addf %add3A_851, %get3A_864 : vector<16xf32>
        %add3A_866 = arith.constant 16 : i32
        %add3A_867 = arith.addi %mul3A_197, %add3A_866 : i32
        %get3A_868 = arith.constant 45 : i32
        %get3A_869 = arith.index_cast %get3A_868 : i32 to index
        %get3A_870 = arith.index_cast %add3A_867 : i32 to index
        %get3A_871 = tpu.vector_load %arg8[%get3A_869, %get3A_870] {strides = array<i32>} : memref<64x384xf32, #tpu.memory_space<vmem>>, vector<1x16xf32>,
        %get3A_872 = vector.shape_cast %get3A_871 : vector<1x16xf32> to vector<16xf32>
        %add3A_873 = arith.addf %add3A_859, %get3A_872 : vector<16xf32>
        %get3A_874 = arith.constant 46 : i32
        %get3A_875 = arith.index_cast %get3A_874 : i32 to index
        %get3A_876 = arith.index_cast %mul3A_197 : i32 to index
        %get3A_877 = tpu.vector_load %arg8[%get3A_875, %get3A_876] {strides = array<i32>} : memref<64x384xf32, #tpu.memory_space<vmem>>, vector<1x16xf32>,
        %get3A_878 = vector.shape_cast %get3A_877 : vector<1x16xf32> to vector<16xf32>
        %add3A_879 = arith.addf %add3A_865, %get3A_878 : vector<16xf32>
        %add3A_880 = arith.constant 16 : i32
        %add3A_881 = arith.addi %mul3A_197, %add3A_880 : i32
        %get3A_882 = arith.constant 46 : i32
        %get3A_883 = arith.index_cast %get3A_882 : i32 to index
        %get3A_884 = arith.index_cast %add3A_881 : i32 to index
        %get3A_885 = tpu.vector_load %arg8[%get3A_883, %get3A_884] {strides = array<i32>} : memref<64x384xf32, #tpu.memory_space<vmem>>, vector<1x16xf32>,
        %get3A_886 = vector.shape_cast %get3A_885 : vector<1x16xf32> to vector<16xf32>
        %add3A_887 = arith.addf %add3A_873, %get3A_886 : vector<16xf32>
        %get3A_888 = arith.constant 47 : i32
        %get3A_889 = arith.index_cast %get3A_888 : i32 to index
        %get3A_890 = arith.index_cast %mul3A_197 : i32 to index
        %get3A_891 = tpu.vector_load %arg8[%get3A_889, %get3A_890] {strides = array<i32>} : memref<64x384xf32, #tpu.memory_space<vmem>>, vector<1x16xf32>,
        %get3A_892 = vector.shape_cast %get3A_891 : vector<1x16xf32> to vector<16xf32>
        %add3A_893 = arith.addf %add3A_879, %get3A_892 : vector<16xf32>
        %add3A_894 = arith.constant 16 : i32
        %add3A_895 = arith.addi %mul3A_197, %add3A_894 : i32
        %get3A_896 = arith.constant 47 : i32
        %get3A_897 = arith.index_cast %get3A_896 : i32 to index
        %get3A_898 = arith.index_cast %add3A_895 : i32 to index
        %get3A_899 = tpu.vector_load %arg8[%get3A_897, %get3A_898] {strides = array<i32>} : memref<64x384xf32, #tpu.memory_space<vmem>>, vector<1x16xf32>,
        %get3A_900 = vector.shape_cast %get3A_899 : vector<1x16xf32> to vector<16xf32>
        %add3A_901 = arith.addf %add3A_887, %get3A_900 : vector<16xf32>
        %mul3A_902 = arith.constant 6.250000e-02 : f32
        %mul3A_903 = vector.broadcast %mul3A_902 : f32 to vector<16xf32>
        %mul3A_904 = arith.mulf %add3A_893, %mul3A_903 : vector<16xf32>
        %add3A_905 = arith.constant 768 : i32
        %add3A_906 = arith.addi %add3A_905, %mul3A_197 : i32
        %swap3A_907 = arith.index_cast %add3A_906 : i32 to index
        %swap3A_908 = tpu.vector_load %arg10[%swap3A_907] {strides = array<i32>} : memref<1536xf32, #tpu.memory_space<vmem>>, vector<16xf32>,
        %swap3A_909 = vector.shape_cast %swap3A_908 : vector<16xf32> to vector<16xf32>
        %swap3A_910 = vector.shape_cast %mul3A_904 : vector<16xf32> to vector<16xf32>
        tpu.vector_store %arg10[%swap3A_907], %swap3A_910 {strides = array<i32>} : memref<1536xf32, #tpu.memory_space<vmem>>, vector<16xf32>,
        %mul3A_911 = arith.constant 6.250000e-02 : f32
        %mul3A_912 = vector.broadcast %mul3A_911 : f32 to vector<16xf32>
        %mul3A_913 = arith.mulf %add3A_901, %mul3A_912 : vector<16xf32>
        %add3A_914 = arith.constant 768 : i32
        %add3A_915 = arith.addi %add3A_914, %mul3A_197 : i32
        %add3A_916 = arith.constant 16 : i32
        %add3A_917 = arith.addi %add3A_915, %add3A_916 : i32
        %swap3A_918 = arith.index_cast %add3A_917 : i32 to index
        %swap3A_919 = tpu.vector_load %arg10[%swap3A_918] {strides = array<i32>} : memref<1536xf32, #tpu.memory_space<vmem>>, vector<16xf32>,
        %swap3A_920 = vector.shape_cast %swap3A_919 : vector<16xf32> to vector<16xf32>
        %swap3A_921 = vector.shape_cast %mul3A_913 : vector<16xf32> to vector<16xf32>
        tpu.vector_store %arg10[%swap3A_918], %swap3A_921 {strides = array<i32>} : memref<1536xf32, #tpu.memory_space<vmem>>, vector<16xf32>,
        %get3A_922 = arith.constant 48 : i32
        %get3A_923 = arith.index_cast %get3A_922 : i32 to index
        %get3A_924 = arith.index_cast %mul3A_197 : i32 to index
        %get3A_925 = tpu.vector_load %arg8[%get3A_923, %get3A_924] {strides = array<i32>} : memref<64x384xf32, #tpu.memory_space<vmem>>, vector<1x16xf32>,
        %get3A_926 = vector.shape_cast %get3A_925 : vector<1x16xf32> to vector<16xf32>
        %add3A_927 = arith.constant 16 : i32
        %add3A_928 = arith.addi %mul3A_197, %add3A_927 : i32
        %get3A_929 = arith.constant 48 : i32
        %get3A_930 = arith.index_cast %get3A_929 : i32 to index
        %get3A_931 = arith.index_cast %add3A_928 : i32 to index
        %get3A_932 = tpu.vector_load %arg8[%get3A_930, %get3A_931] {strides = array<i32>} : memref<64x384xf32, #tpu.memory_space<vmem>>, vector<1x16xf32>,
        %get3A_933 = vector.shape_cast %get3A_932 : vector<1x16xf32> to vector<16xf32>
        %get3A_934 = arith.constant 49 : i32
        %get3A_935 = arith.index_cast %get3A_934 : i32 to index
        %get3A_936 = arith.index_cast %mul3A_197 : i32 to index
        %get3A_937 = tpu.vector_load %arg8[%get3A_935, %get3A_936] {strides = array<i32>} : memref<64x384xf32, #tpu.memory_space<vmem>>, vector<1x16xf32>,
        %get3A_938 = vector.shape_cast %get3A_937 : vector<1x16xf32> to vector<16xf32>
        %add3A_939 = arith.addf %get3A_926, %get3A_938 : vector<16xf32>
        %add3A_940 = arith.constant 16 : i32
        %add3A_941 = arith.addi %mul3A_197, %add3A_940 : i32
        %get3A_942 = arith.constant 49 : i32
        %get3A_943 = arith.index_cast %get3A_942 : i32 to index
        %get3A_944 = arith.index_cast %add3A_941 : i32 to index
        %get3A_945 = tpu.vector_load %arg8[%get3A_943, %get3A_944] {strides = array<i32>} : memref<64x384xf32, #tpu.memory_space<vmem>>, vector<1x16xf32>,
        %get3A_946 = vector.shape_cast %get3A_945 : vector<1x16xf32> to vector<16xf32>
        %add3A_947 = arith.addf %get3A_933, %get3A_946 : vector<16xf32>
        %get3A_948 = arith.constant 50 : i32
        %get3A_949 = arith.index_cast %get3A_948 : i32 to index
        %get3A_950 = arith.index_cast %mul3A_197 : i32 to index
        %get3A_951 = tpu.vector_load %arg8[%get3A_949, %get3A_950] {strides = array<i32>} : memref<64x384xf32, #tpu.memory_space<vmem>>, vector<1x16xf32>,
        %get3A_952 = vector.shape_cast %get3A_951 : vector<1x16xf32> to vector<16xf32>
        %add3A_953 = arith.addf %add3A_939, %get3A_952 : vector<16xf32>
        %add3A_954 = arith.constant 16 : i32
        %add3A_955 = arith.addi %mul3A_197, %add3A_954 : i32
        %get3A_956 = arith.constant 50 : i32
        %get3A_957 = arith.index_cast %get3A_956 : i32 to index
        %get3A_958 = arith.index_cast %add3A_955 : i32 to index
        %get3A_959 = tpu.vector_load %arg8[%get3A_957, %get3A_958] {strides = array<i32>} : memref<64x384xf32, #tpu.memory_space<vmem>>, vector<1x16xf32>,
        %get3A_960 = vector.shape_cast %get3A_959 : vector<1x16xf32> to vector<16xf32>
        %add3A_961 = arith.addf %add3A_947, %get3A_960 : vector<16xf32>
        %get3A_962 = arith.constant 51 : i32
        %get3A_963 = arith.index_cast %get3A_962 : i32 to index
        %get3A_964 = arith.index_cast %mul3A_197 : i32 to index
        %get3A_965 = tpu.vector_load %arg8[%get3A_963, %get3A_964] {strides = array<i32>} : memref<64x384xf32, #tpu.memory_space<vmem>>, vector<1x16xf32>,
        %get3A_966 = vector.shape_cast %get3A_965 : vector<1x16xf32> to vector<16xf32>
        %add3A_967 = arith.addf %add3A_953, %get3A_966 : vector<16xf32>
        %add3A_968 = arith.constant 16 : i32
        %add3A_969 = arith.addi %mul3A_197, %add3A_968 : i32
        %get3A_970 = arith.constant 51 : i32
        %get3A_971 = arith.index_cast %get3A_970 : i32 to index
        %get3A_972 = arith.index_cast %add3A_969 : i32 to index
        %get3A_973 = tpu.vector_load %arg8[%get3A_971, %get3A_972] {strides = array<i32>} : memref<64x384xf32, #tpu.memory_space<vmem>>, vector<1x16xf32>,
        %get3A_974 = vector.shape_cast %get3A_973 : vector<1x16xf32> to vector<16xf32>
        %add3A_975 = arith.addf %add3A_961, %get3A_974 : vector<16xf32>
        %get3A_976 = arith.constant 52 : i32
        %get3A_977 = arith.index_cast %get3A_976 : i32 to index
        %get3A_978 = arith.index_cast %mul3A_197 : i32 to index
        %get3A_979 = tpu.vector_load %arg8[%get3A_977, %get3A_978] {strides = array<i32>} : memref<64x384xf32, #tpu.memory_space<vmem>>, vector<1x16xf32>,
        %get3A_980 = vector.shape_cast %get3A_979 : vector<1x16xf32> to vector<16xf32>
        %add3A_981 = arith.addf %add3A_967, %get3A_980 : vector<16xf32>
        %add3A_982 = arith.constant 16 : i32
        %add3A_983 = arith.addi %mul3A_197, %add3A_982 : i32
        %get3A_984 = arith.constant 52 : i32
        %get3A_985 = arith.index_cast %get3A_984 : i32 to index
        %get3A_986 = arith.index_cast %add3A_983 : i32 to index
        %get3A_987 = tpu.vector_load %arg8[%get3A_985, %get3A_986] {strides = array<i32>} : memref<64x384xf32, #tpu.memory_space<vmem>>, vector<1x16xf32>,
        %get3A_988 = vector.shape_cast %get3A_987 : vector<1x16xf32> to vector<16xf32>
        %add3A_989 = arith.addf %add3A_975, %get3A_988 : vector<16xf32>
        %get3A_990 = arith.constant 53 : i32
        %get3A_991 = arith.index_cast %get3A_990 : i32 to index
        %get3A_992 = arith.index_cast %mul3A_197 : i32 to index
        %get3A_993 = tpu.vector_load %arg8[%get3A_991, %get3A_992] {strides = array<i32>} : memref<64x384xf32, #tpu.memory_space<vmem>>, vector<1x16xf32>,
        %get3A_994 = vector.shape_cast %get3A_993 : vector<1x16xf32> to vector<16xf32>
        %add3A_995 = arith.addf %add3A_981, %get3A_994 : vector<16xf32>
        %add3A_996 = arith.constant 16 : i32
        %add3A_997 = arith.addi %mul3A_197, %add3A_996 : i32
        %get3A_998 = arith.constant 53 : i32
        %get3A_999 = arith.index_cast %get3A_998 : i32 to index
        %get3A_1000 = arith.index_cast %add3A_997 : i32 to index
        %get3A_1001 = tpu.vector_load %arg8[%get3A_999, %get3A_1000] {strides = array<i32>} : memref<64x384xf32, #tpu.memory_space<vmem>>, vector<1x16xf32>,
        %get3A_1002 = vector.shape_cast %get3A_1001 : vector<1x16xf32> to vector<16xf32>
        %add3A_1003 = arith.addf %add3A_989, %get3A_1002 : vector<16xf32>
        %get3A_1004 = arith.constant 54 : i32
        %get3A_1005 = arith.index_cast %get3A_1004 : i32 to index
        %get3A_1006 = arith.index_cast %mul3A_197 : i32 to index
        %get3A_1007 = tpu.vector_load %arg8[%get3A_1005, %get3A_1006] {strides = array<i32>} : memref<64x384xf32, #tpu.memory_space<vmem>>, vector<1x16xf32>,
        %get3A_1008 = vector.shape_cast %get3A_1007 : vector<1x16xf32> to vector<16xf32>
        %add3A_1009 = arith.addf %add3A_995, %get3A_1008 : vector<16xf32>
        %add3A_1010 = arith.constant 16 : i32
        %add3A_1011 = arith.addi %mul3A_197, %add3A_1010 : i32
        %get3A_1012 = arith.constant 54 : i32
        %get3A_1013 = arith.index_cast %get3A_1012 : i32 to index
        %get3A_1014 = arith.index_cast %add3A_1011 : i32 to index
        %get3A_1015 = tpu.vector_load %arg8[%get3A_1013, %get3A_1014] {strides = array<i32>} : memref<64x384xf32, #tpu.memory_space<vmem>>, vector<1x16xf32>,
        %get3A_1016 = vector.shape_cast %get3A_1015 : vector<1x16xf32> to vector<16xf32>
        %add3A_1017 = arith.addf %add3A_1003, %get3A_1016 : vector<16xf32>
        %get3A_1018 = arith.constant 55 : i32
        %get3A_1019 = arith.index_cast %get3A_1018 : i32 to index
        %get3A_1020 = arith.index_cast %mul3A_197 : i32 to index
        %get3A_1021 = tpu.vector_load %arg8[%get3A_1019, %get3A_1020] {strides = array<i32>} : memref<64x384xf32, #tpu.memory_space<vmem>>, vector<1x16xf32>,
        %get3A_1022 = vector.shape_cast %get3A_1021 : vector<1x16xf32> to vector<16xf32>
        %add3A_1023 = arith.addf %add3A_1009, %get3A_1022 : vector<16xf32>
        %add3A_1024 = arith.constant 16 : i32
        %add3A_1025 = arith.addi %mul3A_197, %add3A_1024 : i32
        %get3A_1026 = arith.constant 55 : i32
        %get3A_1027 = arith.index_cast %get3A_1026 : i32 to index
        %get3A_1028 = arith.index_cast %add3A_1025 : i32 to index
        %get3A_1029 = tpu.vector_load %arg8[%get3A_1027, %get3A_1028] {strides = array<i32>} : memref<64x384xf32, #tpu.memory_space<vmem>>, vector<1x16xf32>,
        %get3A_1030 = vector.shape_cast %get3A_1029 : vector<1x16xf32> to vector<16xf32>
        %add3A_1031 = arith.addf %add3A_1017, %get3A_1030 : vector<16xf32>
        %get3A_1032 = arith.constant 56 : i32
        %get3A_1033 = arith.index_cast %get3A_1032 : i32 to index
        %get3A_1034 = arith.index_cast %mul3A_197 : i32 to index
        %get3A_1035 = tpu.vector_load %arg8[%get3A_1033, %get3A_1034] {strides = array<i32>} : memref<64x384xf32, #tpu.memory_space<vmem>>, vector<1x16xf32>,
        %get3A_1036 = vector.shape_cast %get3A_1035 : vector<1x16xf32> to vector<16xf32>
        %add3A_1037 = arith.addf %add3A_1023, %get3A_1036 : vector<16xf32>
        %add3A_1038 = arith.constant 16 : i32
        %add3A_1039 = arith.addi %mul3A_197, %add3A_1038 : i32
        %get3A_1040 = arith.constant 56 : i32
        %get3A_1041 = arith.index_cast %get3A_1040 : i32 to index
        %get3A_1042 = arith.index_cast %add3A_1039 : i32 to index
        %get3A_1043 = tpu.vector_load %arg8[%get3A_1041, %get3A_1042] {strides = array<i32>} : memref<64x384xf32, #tpu.memory_space<vmem>>, vector<1x16xf32>,
        %get3A_1044 = vector.shape_cast %get3A_1043 : vector<1x16xf32> to vector<16xf32>
        %add3A_1045 = arith.addf %add3A_1031, %get3A_1044 : vector<16xf32>
        %get3A_1046 = arith.constant 57 : i32
        %get3A_1047 = arith.index_cast %get3A_1046 : i32 to index
        %get3A_1048 = arith.index_cast %mul3A_197 : i32 to index
        %get3A_1049 = tpu.vector_load %arg8[%get3A_1047, %get3A_1048] {strides = array<i32>} : memref<64x384xf32, #tpu.memory_space<vmem>>, vector<1x16xf32>,
        %get3A_1050 = vector.shape_cast %get3A_1049 : vector<1x16xf32> to vector<16xf32>
        %add3A_1051 = arith.addf %add3A_1037, %get3A_1050 : vector<16xf32>
        %add3A_1052 = arith.constant 16 : i32
        %add3A_1053 = arith.addi %mul3A_197, %add3A_1052 : i32
        %get3A_1054 = arith.constant 57 : i32
        %get3A_1055 = arith.index_cast %get3A_1054 : i32 to index
        %get3A_1056 = arith.index_cast %add3A_1053 : i32 to index
        %get3A_1057 = tpu.vector_load %arg8[%get3A_1055, %get3A_1056] {strides = array<i32>} : memref<64x384xf32, #tpu.memory_space<vmem>>, vector<1x16xf32>,
        %get3A_1058 = vector.shape_cast %get3A_1057 : vector<1x16xf32> to vector<16xf32>
        %add3A_1059 = arith.addf %add3A_1045, %get3A_1058 : vector<16xf32>
        %get3A_1060 = arith.constant 58 : i32
        %get3A_1061 = arith.index_cast %get3A_1060 : i32 to index
        %get3A_1062 = arith.index_cast %mul3A_197 : i32 to index
        %get3A_1063 = tpu.vector_load %arg8[%get3A_1061, %get3A_1062] {strides = array<i32>} : memref<64x384xf32, #tpu.memory_space<vmem>>, vector<1x16xf32>,
        %get3A_1064 = vector.shape_cast %get3A_1063 : vector<1x16xf32> to vector<16xf32>
        %add3A_1065 = arith.addf %add3A_1051, %get3A_1064 : vector<16xf32>
        %add3A_1066 = arith.constant 16 : i32
        %add3A_1067 = arith.addi %mul3A_197, %add3A_1066 : i32
        %get3A_1068 = arith.constant 58 : i32
        %get3A_1069 = arith.index_cast %get3A_1068 : i32 to index
        %get3A_1070 = arith.index_cast %add3A_1067 : i32 to index
        %get3A_1071 = tpu.vector_load %arg8[%get3A_1069, %get3A_1070] {strides = array<i32>} : memref<64x384xf32, #tpu.memory_space<vmem>>, vector<1x16xf32>,
        %get3A_1072 = vector.shape_cast %get3A_1071 : vector<1x16xf32> to vector<16xf32>
        %add3A_1073 = arith.addf %add3A_1059, %get3A_1072 : vector<16xf32>
        %get3A_1074 = arith.constant 59 : i32
        %get3A_1075 = arith.index_cast %get3A_1074 : i32 to index
        %get3A_1076 = arith.index_cast %mul3A_197 : i32 to index
        %get3A_1077 = tpu.vector_load %arg8[%get3A_1075, %get3A_1076] {strides = array<i32>} : memref<64x384xf32, #tpu.memory_space<vmem>>, vector<1x16xf32>,
        %get3A_1078 = vector.shape_cast %get3A_1077 : vector<1x16xf32> to vector<16xf32>
        %add3A_1079 = arith.addf %add3A_1065, %get3A_1078 : vector<16xf32>
        %add3A_1080 = arith.constant 16 : i32
        %add3A_1081 = arith.addi %mul3A_197, %add3A_1080 : i32
        %get3A_1082 = arith.constant 59 : i32
        %get3A_1083 = arith.index_cast %get3A_1082 : i32 to index
        %get3A_1084 = arith.index_cast %add3A_1081 : i32 to index
        %get3A_1085 = tpu.vector_load %arg8[%get3A_1083, %get3A_1084] {strides = array<i32>} : memref<64x384xf32, #tpu.memory_space<vmem>>, vector<1x16xf32>,
        %get3A_1086 = vector.shape_cast %get3A_1085 : vector<1x16xf32> to vector<16xf32>
        %add3A_1087 = arith.addf %add3A_1073, %get3A_1086 : vector<16xf32>
        %get3A_1088 = arith.constant 60 : i32
        %get3A_1089 = arith.index_cast %get3A_1088 : i32 to index
        %get3A_1090 = arith.index_cast %mul3A_197 : i32 to index
        %get3A_1091 = tpu.vector_load %arg8[%get3A_1089, %get3A_1090] {strides = array<i32>} : memref<64x384xf32, #tpu.memory_space<vmem>>, vector<1x16xf32>,
        %get3A_1092 = vector.shape_cast %get3A_1091 : vector<1x16xf32> to vector<16xf32>
        %add3A_1093 = arith.addf %add3A_1079, %get3A_1092 : vector<16xf32>
        %add3A_1094 = arith.constant 16 : i32
        %add3A_1095 = arith.addi %mul3A_197, %add3A_1094 : i32
        %get3A_1096 = arith.constant 60 : i32
        %get3A_1097 = arith.index_cast %get3A_1096 : i32 to index
        %get3A_1098 = arith.index_cast %add3A_1095 : i32 to index
        %get3A_1099 = tpu.vector_load %arg8[%get3A_1097, %get3A_1098] {strides = array<i32>} : memref<64x384xf32, #tpu.memory_space<vmem>>, vector<1x16xf32>,
        %get3A_1100 = vector.shape_cast %get3A_1099 : vector<1x16xf32> to vector<16xf32>
        %add3A_1101 = arith.addf %add3A_1087, %get3A_1100 : vector<16xf32>
        %get3A_1102 = arith.constant 61 : i32
        %get3A_1103 = arith.index_cast %get3A_1102 : i32 to index
        %get3A_1104 = arith.index_cast %mul3A_197 : i32 to index
        %get3A_1105 = tpu.vector_load %arg8[%get3A_1103, %get3A_1104] {strides = array<i32>} : memref<64x384xf32, #tpu.memory_space<vmem>>, vector<1x16xf32>,
        %get3A_1106 = vector.shape_cast %get3A_1105 : vector<1x16xf32> to vector<16xf32>
        %add3A_1107 = arith.addf %add3A_1093, %get3A_1106 : vector<16xf32>
        %add3A_1108 = arith.constant 16 : i32
        %add3A_1109 = arith.addi %mul3A_197, %add3A_1108 : i32
        %get3A_1110 = arith.constant 61 : i32
        %get3A_1111 = arith.index_cast %get3A_1110 : i32 to index
        %get3A_1112 = arith.index_cast %add3A_1109 : i32 to index
        %get3A_1113 = tpu.vector_load %arg8[%get3A_1111, %get3A_1112] {strides = array<i32>} : memref<64x384xf32, #tpu.memory_space<vmem>>, vector<1x16xf32>,
        %get3A_1114 = vector.shape_cast %get3A_1113 : vector<1x16xf32> to vector<16xf32>
        %add3A_1115 = arith.addf %add3A_1101, %get3A_1114 : vector<16xf32>
        %get3A_1116 = arith.constant 62 : i32
        %get3A_1117 = arith.index_cast %get3A_1116 : i32 to index
        %get3A_1118 = arith.index_cast %mul3A_197 : i32 to index
        %get3A_1119 = tpu.vector_load %arg8[%get3A_1117, %get3A_1118] {strides = array<i32>} : memref<64x384xf32, #tpu.memory_space<vmem>>, vector<1x16xf32>,
        %get3A_1120 = vector.shape_cast %get3A_1119 : vector<1x16xf32> to vector<16xf32>
        %add3A_1121 = arith.addf %add3A_1107, %get3A_1120 : vector<16xf32>
        %add3A_1122 = arith.constant 16 : i32
        %add3A_1123 = arith.addi %mul3A_197, %add3A_1122 : i32
        %get3A_1124 = arith.constant 62 : i32
        %get3A_1125 = arith.index_cast %get3A_1124 : i32 to index
        %get3A_1126 = arith.index_cast %add3A_1123 : i32 to index
        %get3A_1127 = tpu.vector_load %arg8[%get3A_1125, %get3A_1126] {strides = array<i32>} : memref<64x384xf32, #tpu.memory_space<vmem>>, vector<1x16xf32>,
        %get3A_1128 = vector.shape_cast %get3A_1127 : vector<1x16xf32> to vector<16xf32>
        %add3A_1129 = arith.addf %add3A_1115, %get3A_1128 : vector<16xf32>
        %get3A_1130 = arith.constant 63 : i32
        %get3A_1131 = arith.index_cast %get3A_1130 : i32 to index
        %get3A_1132 = arith.index_cast %mul3A_197 : i32 to index
        %get3A_1133 = tpu.vector_load %arg8[%get3A_1131, %get3A_1132] {strides = array<i32>} : memref<64x384xf32, #tpu.memory_space<vmem>>, vector<1x16xf32>,
        %get3A_1134 = vector.shape_cast %get3A_1133 : vector<1x16xf32> to vector<16xf32>
        %add3A_1135 = arith.addf %add3A_1121, %get3A_1134 : vector<16xf32>
        %add3A_1136 = arith.constant 16 : i32
        %add3A_1137 = arith.addi %mul3A_197, %add3A_1136 : i32
        %get3A_1138 = arith.constant 63 : i32
        %get3A_1139 = arith.index_cast %get3A_1138 : i32 to index
        %get3A_1140 = arith.index_cast %add3A_1137 : i32 to index
        %get3A_1141 = tpu.vector_load %arg8[%get3A_1139, %get3A_1140] {strides = array<i32>} : memref<64x384xf32, #tpu.memory_space<vmem>>, vector<1x16xf32>,
        %get3A_1142 = vector.shape_cast %get3A_1141 : vector<1x16xf32> to vector<16xf32>
        %add3A_1143 = arith.addf %add3A_1129, %get3A_1142 : vector<16xf32>
        %mul3A_1144 = arith.constant 6.250000e-02 : f32
        %mul3A_1145 = vector.broadcast %mul3A_1144 : f32 to vector<16xf32>
        %mul3A_1146 = arith.mulf %add3A_1135, %mul3A_1145 : vector<16xf32>
        %add3A_1147 = arith.constant 1152 : i32
        %add3A_1148 = arith.addi %add3A_1147, %mul3A_197 : i32
        %swap3A_1149 = arith.index_cast %add3A_1148 : i32 to index
        %swap3A_1150 = tpu.vector_load %arg10[%swap3A_1149] {strides = array<i32>} : memref<1536xf32, #tpu.memory_space<vmem>>, vector<16xf32>,
        %swap3A_1151 = vector.shape_cast %swap3A_1150 : vector<16xf32> to vector<16xf32>
        %swap3A_1152 = vector.shape_cast %mul3A_1146 : vector<16xf32> to vector<16xf32>
        tpu.vector_store %arg10[%swap3A_1149], %swap3A_1152 {strides = array<i32>} : memref<1536xf32, #tpu.memory_space<vmem>>, vector<16xf32>,
        %mul3A_1153 = arith.constant 6.250000e-02 : f32
        %mul3A_1154 = vector.broadcast %mul3A_1153 : f32 to vector<16xf32>
        %mul3A_1155 = arith.mulf %add3A_1143, %mul3A_1154 : vector<16xf32>
        %add3A_1156 = arith.constant 1152 : i32
        %add3A_1157 = arith.addi %add3A_1156, %mul3A_197 : i32
        %add3A_1158 = arith.constant 16 : i32
        %add3A_1159 = arith.addi %add3A_1157, %add3A_1158 : i32
        %swap3A_1160 = arith.index_cast %add3A_1159 : i32 to index
        %swap3A_1161 = tpu.vector_load %arg10[%swap3A_1160] {strides = array<i32>} : memref<1536xf32, #tpu.memory_space<vmem>>, vector<16xf32>,
        %swap3A_1162 = vector.shape_cast %swap3A_1161 : vector<16xf32> to vector<16xf32>
        %swap3A_1163 = vector.shape_cast %mul3A_1155 : vector<16xf32> to vector<16xf32>
        tpu.vector_store %arg10[%swap3A_1160], %swap3A_1163 {strides = array<i32>} : memref<1536xf32, #tpu.memory_space<vmem>>, vector<16xf32>,
      }
      %scan3A_78 = arith.constant 12 : i32
      %mul3A_79 = arith.constant 4 : i32
      %mul3A_80 = arith.muli %add3A_64, %mul3A_79 : i32
      %add3A_81 = arith.addi %mul3A_2, %mul3A_80 : i32
      %mul3A_82 = arith.constant 384 : i32
      %mul3A_83 = arith.muli %add3A_81, %mul3A_82 : i32
      %dma_start3A_84 = tpu.memref_slice %arg5[%mul3A_83] : memref<3932160xf32, #tpu.memory_space<hbm>> -> memref<1536xf32, #tpu.memory_space<hbm>>
      %dma_start3A_85 = tpu.memref_slice %arg5[%mul3A_83] : memref<3932160xf32, #tpu.memory_space<hbm>> -> memref<1536xf32, #tpu.memory_space<hbm>>
      tpu.enqueue_dma source(%arg10 : memref<1536xf32, #tpu.memory_space<vmem>>) target(%dma_start3A_85 : memref<1536xf32, #tpu.memory_space<hbm>>) target_semaphore(%arg20 : memref<!tpu.dma_semaphore, #tpu.memory_space<semaphore_mem>>)
      %mul3A_86 = arith.constant 64 : i32
      %mul3A_87 = arith.muli %add3A_64, %mul3A_86 : i32
      %dma_wait3A_88 = tpu.memref_slice %arg7[%mul3A_87] : memref<5120xi32, #tpu.memory_space<vmem>> -> memref<64xi32, #tpu.memory_space<vmem>>
      %dma_wait3A_89 = arith.constant 0 : i32
      %dma_wait3A_90 = arith.constant 0 : i32
      %dma_wait3A_91 = tpu.memref_slice %arg4[%dma_wait3A_89, %dma_wait3A_90] : memref<50000x128xf32, #tpu.memory_space<hbm>> -> memref<50000x128xf32, #tpu.memory_space<hbm>>
      tpu.wait_indirect_dma semaphore(%arg18 : memref<!tpu.dma_semaphore, #tpu.memory_space<semaphore_mem>>) src(%dma_wait3A_91 : memref<50000x128xf32, #tpu.memory_space<hbm>>) dst(%arg12 : memref<64x128xf32, #tpu.memory_space<vmem>>)
      %ge3A_92 = arith.constant 1 : i32
      %ge3A_93 = arith.cmpi sge, %scan3A_60, %ge3A_92 : i32
      %convert_element_type3A_94 = arith.extui %ge3A_93 : i1 to i32
      %cond3A_95 = arith.constant 0 : i32
      %cond3A_96 = arith.cmpi ne, %convert_element_type3A_94, %cond3A_95 : i32
      scf.if %cond3A_96 {
        %mul3A_195 = arith.constant 64 : i32
        %mul3A_196 = arith.muli %add3A_64, %mul3A_195 : i32
        %add3A_197 = arith.addi %mul3A_4, %mul3A_196 : i32
        %mul3A_198 = arith.constant 8 : i32
        %mul3A_199 = arith.muli %add3A_197, %mul3A_198 : i32
        %dma_wait3A_200 = arith.constant 0 : i32
        %dma_wait3A_201 = tpu.memref_slice %arg14[%dma_wait3A_200] : memref<528xf32, #tpu.memory_space<vmem>> -> memref<512xf32, #tpu.memory_space<vmem>>
        %dma_wait3A_202 = tpu.memref_slice %arg6[%mul3A_199] : memref<1310720xf32, #tpu.memory_space<hbm>> -> memref<512xf32, #tpu.memory_space<hbm>>
        %dma_wait3A_203 = tpu.memref_slice %arg6[%mul3A_199] : memref<1310720xf32, #tpu.memory_space<hbm>> -> memref<512xf32, #tpu.memory_space<hbm>>
        %dma_wait3A_204 = arith.constant 0 : i32
        %dma_wait3A_205 = tpu.memref_slice %arg14[%dma_wait3A_204] : memref<528xf32, #tpu.memory_space<vmem>> -> memref<512xf32, #tpu.memory_space<vmem>>
        tpu.wait_dma2 semaphore(%arg22 : memref<!tpu.dma_semaphore, #tpu.memory_space<semaphore_mem>>) src(%dma_wait3A_205 : memref<512xf32, #tpu.memory_space<vmem>>) dst(%dma_wait3A_203 : memref<512xf32, #tpu.memory_space<hbm>>)
      } else {
      }
      %iota3A = tpu.iota {dimensions = array<i32: 0>} : vector<16xi32>
      %add3A_97 = arith.constant 8 : i32
      %add3A_98 = vector.broadcast %add3A_97 : i32 to vector<16xi32>
      %add3A_99 = arith.addi %iota3A, %add3A_98 : vector<16xi32>
      %and3A = arith.constant 15 : i32
      %and3A_100 = vector.broadcast %and3A : i32 to vector<16xi32>
      %and3A_101 = arith.andi %add3A_99, %and3A_100 : vector<16xi32>
      %scan3A_102 = arith.constant 0 : i32
      %scan3A_103 = arith.constant 0 : i32
      %scan3A_104 = arith.constant 32 : i32
      %scan3A_105 = arith.addi %scan3A_103, %scan3A_104 : i32
      %scan3A_106 = arith.constant 1 : i32
      scf.for %scan3A_195 = %scan3A_103 to %scan3A_105 step %scan3A_106  : i32 {
        %mul3A_196 = arith.constant 2 : i32
        %mul3A_197 = arith.muli %mul3A_196, %scan3A_195 : i32
        %get3A = arith.index_cast %mul3A_197 : i32 to index
        %get3A_198 = arith.constant 0 : index
        %get3A_199 = tpu.vector_load %arg12[%get3A, %get3A_198] {strides = array<i32>} : memref<64x128xf32, #tpu.memory_space<vmem>>, vector<1x16xf32>,
        %get3A_200 = vector.shape_cast %get3A_199 : vector<1x16xf32> to vector<16xf32>
        %mul3A_201 = arith.constant 2 : i32
        %mul3A_202 = arith.muli %mul3A_201, %scan3A_195 : i32
        %add3A_203 = arith.constant 1 : i32
        %add3A_204 = arith.addi %mul3A_202, %add3A_203 : i32
        %get3A_205 = arith.index_cast %add3A_204 : i32 to index
        %get3A_206 = arith.constant 0 : index
        %get3A_207 = tpu.vector_load %arg12[%get3A_205, %get3A_206] {strides = array<i32>} : memref<64x128xf32, #tpu.memory_space<vmem>>, vector<1x16xf32>,
        %get3A_208 = vector.shape_cast %get3A_207 : vector<1x16xf32> to vector<16xf32>
        %lt3A_209 = arith.constant 8 : i32
        %lt3A_210 = vector.broadcast %lt3A_209 : i32 to vector<16xi32>
        %lt3A_211 = arith.cmpi slt, %iota3A, %lt3A_210 : vector<16xi32>
        %lt3A_212 = arith.constant 0 : i32
        %lt3A_213 = vector.broadcast %lt3A_212 : i32 to vector<16xi32>
        %lt3A_214 = arith.cmpi slt, %and3A_101, %lt3A_213 : vector<16xi32>
        %add3A_215 = arith.constant 16 : i32
        %add3A_216 = vector.broadcast %add3A_215 : i32 to vector<16xi32>
        %add3A_217 = arith.addi %and3A_101, %add3A_216 : vector<16xi32>
        %select_n3A = arith.select %lt3A_214, %add3A_217, %and3A_101 : vector<16xi1>, vector<16xi32>
        %broadcast_in_dim3A = vector.shape_cast %select_n3A : vector<16xi32> to vector<16x1xi32>
        %gather3A = vector.shape_cast %broadcast_in_dim3A : vector<16x1xi32> to vector<16xi32>
        %gather3A_218 = tpu.dynamic_gather %get3A_208[%gather3A] in [0] : vector<16xf32>, vector<16xi32> -> vector<16xf32>
        %select_n3A_219 = arith.select %lt3A_211, %get3A_200, %gather3A_218 : vector<16xi1>, vector<16xf32>
        %mul3A_220 = arith.constant 16 : i32
        %mul3A_221 = arith.muli %scan3A_195, %mul3A_220 : i32
        %swap3A = arith.index_cast %mul3A_221 : i32 to index
        %swap3A_222 = tpu.vector_load %arg14[%swap3A] {strides = array<i32>} : memref<528xf32, #tpu.memory_space<vmem>>, vector<16xf32>,
        %swap3A_223 = vector.shape_cast %swap3A_222 : vector<16xf32> to vector<16xf32>
        %swap3A_224 = vector.shape_cast %select_n3A_219 : vector<16xf32> to vector<16xf32>
        tpu.vector_store %arg14[%swap3A], %swap3A_224 {strides = array<i32>} : memref<528xf32, #tpu.memory_space<vmem>>, vector<16xf32>,
      }
      %scan3A_107 = arith.constant 32 : i32
      %mul3A_108 = arith.constant 64 : i32
      %mul3A_109 = arith.muli %add3A_64, %mul3A_108 : i32
      %add3A_110 = arith.addi %mul3A_4, %mul3A_109 : i32
      %mul3A_111 = arith.constant 8 : i32
      %mul3A_112 = arith.muli %add3A_110, %mul3A_111 : i32
      %dma_start3A_113 = arith.constant 0 : i32
      %dma_start3A_114 = tpu.memref_slice %arg14[%dma_start3A_113] : memref<528xf32, #tpu.memory_space<vmem>> -> memref<512xf32, #tpu.memory_space<vmem>>
      %dma_start3A_115 = tpu.memref_slice %arg6[%mul3A_112] : memref<1310720xf32, #tpu.memory_space<hbm>> -> memref<512xf32, #tpu.memory_space<hbm>>
      %dma_start3A_116 = tpu.memref_slice %arg6[%mul3A_112] : memref<1310720xf32, #tpu.memory_space<hbm>> -> memref<512xf32, #tpu.memory_space<hbm>>
      %dma_start3A_117 = arith.constant 0 : i32
      %dma_start3A_118 = tpu.memref_slice %arg14[%dma_start3A_117] : memref<528xf32, #tpu.memory_space<vmem>> -> memref<512xf32, #tpu.memory_space<vmem>>
      tpu.enqueue_dma source(%dma_start3A_118 : memref<512xf32, #tpu.memory_space<vmem>>) target(%dma_start3A_116 : memref<512xf32, #tpu.memory_space<hbm>>) target_semaphore(%arg22 : memref<!tpu.dma_semaphore, #tpu.memory_space<semaphore_mem>>)
      %add3A_119 = arith.constant 2 : i32
      %add3A_120 = arith.addi %add3A_64, %add3A_119 : i32
      %lt3A = arith.constant 80 : i32
      %lt3A_121 = arith.cmpi slt, %add3A_120, %lt3A : i32
      %convert_element_type3A_122 = arith.extui %lt3A_121 : i1 to i32
      %cond3A_123 = arith.constant 0 : i32
      %cond3A_124 = arith.cmpi ne, %convert_element_type3A_122, %cond3A_123 : i32
      scf.if %cond3A_124 {
        %add3A_195 = arith.constant 2 : i32
        %add3A_196 = arith.addi %add3A_64, %add3A_195 : i32
        %mul3A_197 = arith.constant 64 : i32
        %mul3A_198 = arith.muli %add3A_196, %mul3A_197 : i32
        %dma_start3A_199 = tpu.memref_slice %arg7[%mul3A_198] : memref<5120xi32, #tpu.memory_space<vmem>> -> memref<64xi32, #tpu.memory_space<vmem>>
        %dma_start3A_200 = arith.constant 0 : i32
        %dma_start3A_201 = arith.constant 0 : i32
        %dma_start3A_202 = tpu.memref_slice %arg3[%dma_start3A_200, %dma_start3A_201] : memref<50000x384xf32, #tpu.memory_space<hbm>> -> memref<50000x384xf32, #tpu.memory_space<hbm>>
        tpu.enqueue_indirect_dma source(%dma_start3A_202 : memref<50000x384xf32, #tpu.memory_space<hbm>>) target(%arg8 : memref<64x384xf32, #tpu.memory_space<vmem>>) offsets(%dma_start3A_199 : memref<64xi32, #tpu.memory_space<vmem>>) semaphore(%arg16 : memref<!tpu.dma_semaphore, #tpu.memory_space<semaphore_mem>>)
        %add3A_203 = arith.constant 2 : i32
        %add3A_204 = arith.addi %add3A_64, %add3A_203 : i32
        %mul3A_205 = arith.constant 64 : i32
        %mul3A_206 = arith.muli %add3A_204, %mul3A_205 : i32
        %dma_start3A_207 = tpu.memref_slice %arg7[%mul3A_206] : memref<5120xi32, #tpu.memory_space<vmem>> -> memref<64xi32, #tpu.memory_space<vmem>>
        %dma_start3A_208 = arith.constant 0 : i32
        %dma_start3A_209 = arith.constant 0 : i32
        %dma_start3A_210 = tpu.memref_slice %arg4[%dma_start3A_208, %dma_start3A_209] : memref<50000x128xf32, #tpu.memory_space<hbm>> -> memref<50000x128xf32, #tpu.memory_space<hbm>>
        tpu.enqueue_indirect_dma source(%dma_start3A_210 : memref<50000x128xf32, #tpu.memory_space<hbm>>) target(%arg12 : memref<64x128xf32, #tpu.memory_space<vmem>>) offsets(%dma_start3A_207 : memref<64xi32, #tpu.memory_space<vmem>>) semaphore(%arg18 : memref<!tpu.dma_semaphore, #tpu.memory_space<semaphore_mem>>)
      } else {
      }
      %mul3A_125 = arith.constant 2 : i32
      %mul3A_126 = arith.muli %mul3A_125, %scan3A_60 : i32
      %add3A_127 = arith.constant 1 : i32
      %add3A_128 = arith.addi %mul3A_126, %add3A_127 : i32
      %mul3A_129 = arith.constant 64 : i32
      %mul3A_130 = arith.muli %add3A_128, %mul3A_129 : i32
      %dma_wait3A_131 = tpu.memref_slice %arg7[%mul3A_130] : memref<5120xi32, #tpu.memory_space<vmem>> -> memref<64xi32, #tpu.memory_space<vmem>>
      %dma_wait3A_132 = arith.constant 0 : i32
      %dma_wait3A_133 = arith.constant 0 : i32
      %dma_wait3A_134 = tpu.memref_slice %arg3[%dma_wait3A_132, %dma_wait3A_133] : memref<50000x384xf32, #tpu.memory_space<hbm>> -> memref<50000x384xf32, #tpu.memory_space<hbm>>
      tpu.wait_indirect_dma semaphore(%arg17 : memref<!tpu.dma_semaphore, #tpu.memory_space<semaphore_mem>>) src(%dma_wait3A_134 : memref<50000x384xf32, #tpu.memory_space<hbm>>) dst(%arg9 : memref<64x384xf32, #tpu.memory_space<vmem>>)
      %ge3A_135 = arith.constant 1 : i32
      %ge3A_136 = arith.cmpi sge, %scan3A_60, %ge3A_135 : i32
      %convert_element_type3A_137 = arith.extui %ge3A_136 : i1 to i32
      %cond3A_138 = arith.constant 0 : i32
      %cond3A_139 = arith.cmpi ne, %convert_element_type3A_137, %cond3A_138 : i32
      scf.if %cond3A_139 {
        %mul3A_195 = arith.constant 4 : i32
        %mul3A_196 = arith.muli %add3A_128, %mul3A_195 : i32
        %add3A_197 = arith.addi %mul3A_2, %mul3A_196 : i32
        %mul3A_198 = arith.constant 384 : i32
        %mul3A_199 = arith.muli %add3A_197, %mul3A_198 : i32
        %dma_wait3A_200 = tpu.memref_slice %arg5[%mul3A_199] : memref<3932160xf32, #tpu.memory_space<hbm>> -> memref<1536xf32, #tpu.memory_space<hbm>>
        %dma_wait3A_201 = tpu.memref_slice %arg5[%mul3A_199] : memref<3932160xf32, #tpu.memory_space<hbm>> -> memref<1536xf32, #tpu.memory_space<hbm>>
        tpu.wait_dma2 semaphore(%arg21 : memref<!tpu.dma_semaphore, #tpu.memory_space<semaphore_mem>>) src(%arg11 : memref<1536xf32, #tpu.memory_space<vmem>>) dst(%dma_wait3A_201 : memref<1536xf32, #tpu.memory_space<hbm>>)
      } else {
      }
      %scan3A_140 = arith.constant 0 : i32
      %scan3A_141 = arith.constant 0 : i32
      %scan3A_142 = arith.constant 12 : i32
      %scan3A_143 = arith.addi %scan3A_141, %scan3A_142 : i32
      %scan3A_144 = arith.constant 1 : i32
      scf.for %scan3A_195 = %scan3A_141 to %scan3A_143 step %scan3A_144  : i32 {
        %mul3A_196 = arith.constant 32 : i32
        %mul3A_197 = arith.muli %scan3A_195, %mul3A_196 : i32
        %get3A = arith.constant 0 : i32
        %get3A_198 = arith.index_cast %get3A : i32 to index
        %get3A_199 = arith.index_cast %mul3A_197 : i32 to index
        %get3A_200 = tpu.vector_load %arg9[%get3A_198, %get3A_199] {strides = array<i32>} : memref<64x384xf32, #tpu.memory_space<vmem>>, vector<1x16xf32>,
        %get3A_201 = vector.shape_cast %get3A_200 : vector<1x16xf32> to vector<16xf32>
        %add3A_202 = arith.constant 16 : i32
        %add3A_203 = arith.addi %mul3A_197, %add3A_202 : i32
        %get3A_204 = arith.constant 0 : i32
        %get3A_205 = arith.index_cast %get3A_204 : i32 to index
        %get3A_206 = arith.index_cast %add3A_203 : i32 to index
        %get3A_207 = tpu.vector_load %arg9[%get3A_205, %get3A_206] {strides = array<i32>} : memref<64x384xf32, #tpu.memory_space<vmem>>, vector<1x16xf32>,
        %get3A_208 = vector.shape_cast %get3A_207 : vector<1x16xf32> to vector<16xf32>
        %get3A_209 = arith.constant 1 : i32
        %get3A_210 = arith.index_cast %get3A_209 : i32 to index
        %get3A_211 = arith.index_cast %mul3A_197 : i32 to index
        %get3A_212 = tpu.vector_load %arg9[%get3A_210, %get3A_211] {strides = array<i32>} : memref<64x384xf32, #tpu.memory_space<vmem>>, vector<1x16xf32>,
        %get3A_213 = vector.shape_cast %get3A_212 : vector<1x16xf32> to vector<16xf32>
        %add3A_214 = arith.addf %get3A_201, %get3A_213 : vector<16xf32>
        %add3A_215 = arith.constant 16 : i32
        %add3A_216 = arith.addi %mul3A_197, %add3A_215 : i32
        %get3A_217 = arith.constant 1 : i32
        %get3A_218 = arith.index_cast %get3A_217 : i32 to index
        %get3A_219 = arith.index_cast %add3A_216 : i32 to index
        %get3A_220 = tpu.vector_load %arg9[%get3A_218, %get3A_219] {strides = array<i32>} : memref<64x384xf32, #tpu.memory_space<vmem>>, vector<1x16xf32>,
        %get3A_221 = vector.shape_cast %get3A_220 : vector<1x16xf32> to vector<16xf32>
        %add3A_222 = arith.addf %get3A_208, %get3A_221 : vector<16xf32>
        %get3A_223 = arith.constant 2 : i32
        %get3A_224 = arith.index_cast %get3A_223 : i32 to index
        %get3A_225 = arith.index_cast %mul3A_197 : i32 to index
        %get3A_226 = tpu.vector_load %arg9[%get3A_224, %get3A_225] {strides = array<i32>} : memref<64x384xf32, #tpu.memory_space<vmem>>, vector<1x16xf32>,
        %get3A_227 = vector.shape_cast %get3A_226 : vector<1x16xf32> to vector<16xf32>
        %add3A_228 = arith.addf %add3A_214, %get3A_227 : vector<16xf32>
        %add3A_229 = arith.constant 16 : i32
        %add3A_230 = arith.addi %mul3A_197, %add3A_229 : i32
        %get3A_231 = arith.constant 2 : i32
        %get3A_232 = arith.index_cast %get3A_231 : i32 to index
        %get3A_233 = arith.index_cast %add3A_230 : i32 to index
        %get3A_234 = tpu.vector_load %arg9[%get3A_232, %get3A_233] {strides = array<i32>} : memref<64x384xf32, #tpu.memory_space<vmem>>, vector<1x16xf32>,
        %get3A_235 = vector.shape_cast %get3A_234 : vector<1x16xf32> to vector<16xf32>
        %add3A_236 = arith.addf %add3A_222, %get3A_235 : vector<16xf32>
        %get3A_237 = arith.constant 3 : i32
        %get3A_238 = arith.index_cast %get3A_237 : i32 to index
        %get3A_239 = arith.index_cast %mul3A_197 : i32 to index
        %get3A_240 = tpu.vector_load %arg9[%get3A_238, %get3A_239] {strides = array<i32>} : memref<64x384xf32, #tpu.memory_space<vmem>>, vector<1x16xf32>,
        %get3A_241 = vector.shape_cast %get3A_240 : vector<1x16xf32> to vector<16xf32>
        %add3A_242 = arith.addf %add3A_228, %get3A_241 : vector<16xf32>
        %add3A_243 = arith.constant 16 : i32
        %add3A_244 = arith.addi %mul3A_197, %add3A_243 : i32
        %get3A_245 = arith.constant 3 : i32
        %get3A_246 = arith.index_cast %get3A_245 : i32 to index
        %get3A_247 = arith.index_cast %add3A_244 : i32 to index
        %get3A_248 = tpu.vector_load %arg9[%get3A_246, %get3A_247] {strides = array<i32>} : memref<64x384xf32, #tpu.memory_space<vmem>>, vector<1x16xf32>,
        %get3A_249 = vector.shape_cast %get3A_248 : vector<1x16xf32> to vector<16xf32>
        %add3A_250 = arith.addf %add3A_236, %get3A_249 : vector<16xf32>
        %get3A_251 = arith.constant 4 : i32
        %get3A_252 = arith.index_cast %get3A_251 : i32 to index
        %get3A_253 = arith.index_cast %mul3A_197 : i32 to index
        %get3A_254 = tpu.vector_load %arg9[%get3A_252, %get3A_253] {strides = array<i32>} : memref<64x384xf32, #tpu.memory_space<vmem>>, vector<1x16xf32>,
        %get3A_255 = vector.shape_cast %get3A_254 : vector<1x16xf32> to vector<16xf32>
        %add3A_256 = arith.addf %add3A_242, %get3A_255 : vector<16xf32>
        %add3A_257 = arith.constant 16 : i32
        %add3A_258 = arith.addi %mul3A_197, %add3A_257 : i32
        %get3A_259 = arith.constant 4 : i32
        %get3A_260 = arith.index_cast %get3A_259 : i32 to index
        %get3A_261 = arith.index_cast %add3A_258 : i32 to index
        %get3A_262 = tpu.vector_load %arg9[%get3A_260, %get3A_261] {strides = array<i32>} : memref<64x384xf32, #tpu.memory_space<vmem>>, vector<1x16xf32>,
        %get3A_263 = vector.shape_cast %get3A_262 : vector<1x16xf32> to vector<16xf32>
        %add3A_264 = arith.addf %add3A_250, %get3A_263 : vector<16xf32>
        %get3A_265 = arith.constant 5 : i32
        %get3A_266 = arith.index_cast %get3A_265 : i32 to index
        %get3A_267 = arith.index_cast %mul3A_197 : i32 to index
        %get3A_268 = tpu.vector_load %arg9[%get3A_266, %get3A_267] {strides = array<i32>} : memref<64x384xf32, #tpu.memory_space<vmem>>, vector<1x16xf32>,
        %get3A_269 = vector.shape_cast %get3A_268 : vector<1x16xf32> to vector<16xf32>
        %add3A_270 = arith.addf %add3A_256, %get3A_269 : vector<16xf32>
        %add3A_271 = arith.constant 16 : i32
        %add3A_272 = arith.addi %mul3A_197, %add3A_271 : i32
        %get3A_273 = arith.constant 5 : i32
        %get3A_274 = arith.index_cast %get3A_273 : i32 to index
        %get3A_275 = arith.index_cast %add3A_272 : i32 to index
        %get3A_276 = tpu.vector_load %arg9[%get3A_274, %get3A_275] {strides = array<i32>} : memref<64x384xf32, #tpu.memory_space<vmem>>, vector<1x16xf32>,
        %get3A_277 = vector.shape_cast %get3A_276 : vector<1x16xf32> to vector<16xf32>
        %add3A_278 = arith.addf %add3A_264, %get3A_277 : vector<16xf32>
        %get3A_279 = arith.constant 6 : i32
        %get3A_280 = arith.index_cast %get3A_279 : i32 to index
        %get3A_281 = arith.index_cast %mul3A_197 : i32 to index
        %get3A_282 = tpu.vector_load %arg9[%get3A_280, %get3A_281] {strides = array<i32>} : memref<64x384xf32, #tpu.memory_space<vmem>>, vector<1x16xf32>,
        %get3A_283 = vector.shape_cast %get3A_282 : vector<1x16xf32> to vector<16xf32>
        %add3A_284 = arith.addf %add3A_270, %get3A_283 : vector<16xf32>
        %add3A_285 = arith.constant 16 : i32
        %add3A_286 = arith.addi %mul3A_197, %add3A_285 : i32
        %get3A_287 = arith.constant 6 : i32
        %get3A_288 = arith.index_cast %get3A_287 : i32 to index
        %get3A_289 = arith.index_cast %add3A_286 : i32 to index
        %get3A_290 = tpu.vector_load %arg9[%get3A_288, %get3A_289] {strides = array<i32>} : memref<64x384xf32, #tpu.memory_space<vmem>>, vector<1x16xf32>,
        %get3A_291 = vector.shape_cast %get3A_290 : vector<1x16xf32> to vector<16xf32>
        %add3A_292 = arith.addf %add3A_278, %get3A_291 : vector<16xf32>
        %get3A_293 = arith.constant 7 : i32
        %get3A_294 = arith.index_cast %get3A_293 : i32 to index
        %get3A_295 = arith.index_cast %mul3A_197 : i32 to index
        %get3A_296 = tpu.vector_load %arg9[%get3A_294, %get3A_295] {strides = array<i32>} : memref<64x384xf32, #tpu.memory_space<vmem>>, vector<1x16xf32>,
        %get3A_297 = vector.shape_cast %get3A_296 : vector<1x16xf32> to vector<16xf32>
        %add3A_298 = arith.addf %add3A_284, %get3A_297 : vector<16xf32>
        %add3A_299 = arith.constant 16 : i32
        %add3A_300 = arith.addi %mul3A_197, %add3A_299 : i32
        %get3A_301 = arith.constant 7 : i32
        %get3A_302 = arith.index_cast %get3A_301 : i32 to index
        %get3A_303 = arith.index_cast %add3A_300 : i32 to index
        %get3A_304 = tpu.vector_load %arg9[%get3A_302, %get3A_303] {strides = array<i32>} : memref<64x384xf32, #tpu.memory_space<vmem>>, vector<1x16xf32>,
        %get3A_305 = vector.shape_cast %get3A_304 : vector<1x16xf32> to vector<16xf32>
        %add3A_306 = arith.addf %add3A_292, %get3A_305 : vector<16xf32>
        %get3A_307 = arith.constant 8 : i32
        %get3A_308 = arith.index_cast %get3A_307 : i32 to index
        %get3A_309 = arith.index_cast %mul3A_197 : i32 to index
        %get3A_310 = tpu.vector_load %arg9[%get3A_308, %get3A_309] {strides = array<i32>} : memref<64x384xf32, #tpu.memory_space<vmem>>, vector<1x16xf32>,
        %get3A_311 = vector.shape_cast %get3A_310 : vector<1x16xf32> to vector<16xf32>
        %add3A_312 = arith.addf %add3A_298, %get3A_311 : vector<16xf32>
        %add3A_313 = arith.constant 16 : i32
        %add3A_314 = arith.addi %mul3A_197, %add3A_313 : i32
        %get3A_315 = arith.constant 8 : i32
        %get3A_316 = arith.index_cast %get3A_315 : i32 to index
        %get3A_317 = arith.index_cast %add3A_314 : i32 to index
        %get3A_318 = tpu.vector_load %arg9[%get3A_316, %get3A_317] {strides = array<i32>} : memref<64x384xf32, #tpu.memory_space<vmem>>, vector<1x16xf32>,
        %get3A_319 = vector.shape_cast %get3A_318 : vector<1x16xf32> to vector<16xf32>
        %add3A_320 = arith.addf %add3A_306, %get3A_319 : vector<16xf32>
        %get3A_321 = arith.constant 9 : i32
        %get3A_322 = arith.index_cast %get3A_321 : i32 to index
        %get3A_323 = arith.index_cast %mul3A_197 : i32 to index
        %get3A_324 = tpu.vector_load %arg9[%get3A_322, %get3A_323] {strides = array<i32>} : memref<64x384xf32, #tpu.memory_space<vmem>>, vector<1x16xf32>,
        %get3A_325 = vector.shape_cast %get3A_324 : vector<1x16xf32> to vector<16xf32>
        %add3A_326 = arith.addf %add3A_312, %get3A_325 : vector<16xf32>
        %add3A_327 = arith.constant 16 : i32
        %add3A_328 = arith.addi %mul3A_197, %add3A_327 : i32
        %get3A_329 = arith.constant 9 : i32
        %get3A_330 = arith.index_cast %get3A_329 : i32 to index
        %get3A_331 = arith.index_cast %add3A_328 : i32 to index
        %get3A_332 = tpu.vector_load %arg9[%get3A_330, %get3A_331] {strides = array<i32>} : memref<64x384xf32, #tpu.memory_space<vmem>>, vector<1x16xf32>,
        %get3A_333 = vector.shape_cast %get3A_332 : vector<1x16xf32> to vector<16xf32>
        %add3A_334 = arith.addf %add3A_320, %get3A_333 : vector<16xf32>
        %get3A_335 = arith.constant 10 : i32
        %get3A_336 = arith.index_cast %get3A_335 : i32 to index
        %get3A_337 = arith.index_cast %mul3A_197 : i32 to index
        %get3A_338 = tpu.vector_load %arg9[%get3A_336, %get3A_337] {strides = array<i32>} : memref<64x384xf32, #tpu.memory_space<vmem>>, vector<1x16xf32>,
        %get3A_339 = vector.shape_cast %get3A_338 : vector<1x16xf32> to vector<16xf32>
        %add3A_340 = arith.addf %add3A_326, %get3A_339 : vector<16xf32>
        %add3A_341 = arith.constant 16 : i32
        %add3A_342 = arith.addi %mul3A_197, %add3A_341 : i32
        %get3A_343 = arith.constant 10 : i32
        %get3A_344 = arith.index_cast %get3A_343 : i32 to index
        %get3A_345 = arith.index_cast %add3A_342 : i32 to index
        %get3A_346 = tpu.vector_load %arg9[%get3A_344, %get3A_345] {strides = array<i32>} : memref<64x384xf32, #tpu.memory_space<vmem>>, vector<1x16xf32>,
        %get3A_347 = vector.shape_cast %get3A_346 : vector<1x16xf32> to vector<16xf32>
        %add3A_348 = arith.addf %add3A_334, %get3A_347 : vector<16xf32>
        %get3A_349 = arith.constant 11 : i32
        %get3A_350 = arith.index_cast %get3A_349 : i32 to index
        %get3A_351 = arith.index_cast %mul3A_197 : i32 to index
        %get3A_352 = tpu.vector_load %arg9[%get3A_350, %get3A_351] {strides = array<i32>} : memref<64x384xf32, #tpu.memory_space<vmem>>, vector<1x16xf32>,
        %get3A_353 = vector.shape_cast %get3A_352 : vector<1x16xf32> to vector<16xf32>
        %add3A_354 = arith.addf %add3A_340, %get3A_353 : vector<16xf32>
        %add3A_355 = arith.constant 16 : i32
        %add3A_356 = arith.addi %mul3A_197, %add3A_355 : i32
        %get3A_357 = arith.constant 11 : i32
        %get3A_358 = arith.index_cast %get3A_357 : i32 to index
        %get3A_359 = arith.index_cast %add3A_356 : i32 to index
        %get3A_360 = tpu.vector_load %arg9[%get3A_358, %get3A_359] {strides = array<i32>} : memref<64x384xf32, #tpu.memory_space<vmem>>, vector<1x16xf32>,
        %get3A_361 = vector.shape_cast %get3A_360 : vector<1x16xf32> to vector<16xf32>
        %add3A_362 = arith.addf %add3A_348, %get3A_361 : vector<16xf32>
        %get3A_363 = arith.constant 12 : i32
        %get3A_364 = arith.index_cast %get3A_363 : i32 to index
        %get3A_365 = arith.index_cast %mul3A_197 : i32 to index
        %get3A_366 = tpu.vector_load %arg9[%get3A_364, %get3A_365] {strides = array<i32>} : memref<64x384xf32, #tpu.memory_space<vmem>>, vector<1x16xf32>,
        %get3A_367 = vector.shape_cast %get3A_366 : vector<1x16xf32> to vector<16xf32>
        %add3A_368 = arith.addf %add3A_354, %get3A_367 : vector<16xf32>
        %add3A_369 = arith.constant 16 : i32
        %add3A_370 = arith.addi %mul3A_197, %add3A_369 : i32
        %get3A_371 = arith.constant 12 : i32
        %get3A_372 = arith.index_cast %get3A_371 : i32 to index
        %get3A_373 = arith.index_cast %add3A_370 : i32 to index
        %get3A_374 = tpu.vector_load %arg9[%get3A_372, %get3A_373] {strides = array<i32>} : memref<64x384xf32, #tpu.memory_space<vmem>>, vector<1x16xf32>,
        %get3A_375 = vector.shape_cast %get3A_374 : vector<1x16xf32> to vector<16xf32>
        %add3A_376 = arith.addf %add3A_362, %get3A_375 : vector<16xf32>
        %get3A_377 = arith.constant 13 : i32
        %get3A_378 = arith.index_cast %get3A_377 : i32 to index
        %get3A_379 = arith.index_cast %mul3A_197 : i32 to index
        %get3A_380 = tpu.vector_load %arg9[%get3A_378, %get3A_379] {strides = array<i32>} : memref<64x384xf32, #tpu.memory_space<vmem>>, vector<1x16xf32>,
        %get3A_381 = vector.shape_cast %get3A_380 : vector<1x16xf32> to vector<16xf32>
        %add3A_382 = arith.addf %add3A_368, %get3A_381 : vector<16xf32>
        %add3A_383 = arith.constant 16 : i32
        %add3A_384 = arith.addi %mul3A_197, %add3A_383 : i32
        %get3A_385 = arith.constant 13 : i32
        %get3A_386 = arith.index_cast %get3A_385 : i32 to index
        %get3A_387 = arith.index_cast %add3A_384 : i32 to index
        %get3A_388 = tpu.vector_load %arg9[%get3A_386, %get3A_387] {strides = array<i32>} : memref<64x384xf32, #tpu.memory_space<vmem>>, vector<1x16xf32>,
        %get3A_389 = vector.shape_cast %get3A_388 : vector<1x16xf32> to vector<16xf32>
        %add3A_390 = arith.addf %add3A_376, %get3A_389 : vector<16xf32>
        %get3A_391 = arith.constant 14 : i32
        %get3A_392 = arith.index_cast %get3A_391 : i32 to index
        %get3A_393 = arith.index_cast %mul3A_197 : i32 to index
        %get3A_394 = tpu.vector_load %arg9[%get3A_392, %get3A_393] {strides = array<i32>} : memref<64x384xf32, #tpu.memory_space<vmem>>, vector<1x16xf32>,
        %get3A_395 = vector.shape_cast %get3A_394 : vector<1x16xf32> to vector<16xf32>
        %add3A_396 = arith.addf %add3A_382, %get3A_395 : vector<16xf32>
        %add3A_397 = arith.constant 16 : i32
        %add3A_398 = arith.addi %mul3A_197, %add3A_397 : i32
        %get3A_399 = arith.constant 14 : i32
        %get3A_400 = arith.index_cast %get3A_399 : i32 to index
        %get3A_401 = arith.index_cast %add3A_398 : i32 to index
        %get3A_402 = tpu.vector_load %arg9[%get3A_400, %get3A_401] {strides = array<i32>} : memref<64x384xf32, #tpu.memory_space<vmem>>, vector<1x16xf32>,
        %get3A_403 = vector.shape_cast %get3A_402 : vector<1x16xf32> to vector<16xf32>
        %add3A_404 = arith.addf %add3A_390, %get3A_403 : vector<16xf32>
        %get3A_405 = arith.constant 15 : i32
        %get3A_406 = arith.index_cast %get3A_405 : i32 to index
        %get3A_407 = arith.index_cast %mul3A_197 : i32 to index
        %get3A_408 = tpu.vector_load %arg9[%get3A_406, %get3A_407] {strides = array<i32>} : memref<64x384xf32, #tpu.memory_space<vmem>>, vector<1x16xf32>,
        %get3A_409 = vector.shape_cast %get3A_408 : vector<1x16xf32> to vector<16xf32>
        %add3A_410 = arith.addf %add3A_396, %get3A_409 : vector<16xf32>
        %add3A_411 = arith.constant 16 : i32
        %add3A_412 = arith.addi %mul3A_197, %add3A_411 : i32
        %get3A_413 = arith.constant 15 : i32
        %get3A_414 = arith.index_cast %get3A_413 : i32 to index
        %get3A_415 = arith.index_cast %add3A_412 : i32 to index
        %get3A_416 = tpu.vector_load %arg9[%get3A_414, %get3A_415] {strides = array<i32>} : memref<64x384xf32, #tpu.memory_space<vmem>>, vector<1x16xf32>,
        %get3A_417 = vector.shape_cast %get3A_416 : vector<1x16xf32> to vector<16xf32>
        %add3A_418 = arith.addf %add3A_404, %get3A_417 : vector<16xf32>
        %mul3A_419 = arith.constant 6.250000e-02 : f32
        %mul3A_420 = vector.broadcast %mul3A_419 : f32 to vector<16xf32>
        %mul3A_421 = arith.mulf %add3A_410, %mul3A_420 : vector<16xf32>
        %add3A_422 = arith.constant 0 : i32
        %add3A_423 = arith.addi %add3A_422, %mul3A_197 : i32
        %swap3A = arith.index_cast %add3A_423 : i32 to index
        %swap3A_424 = tpu.vector_load %arg11[%swap3A] {strides = array<i32>} : memref<1536xf32, #tpu.memory_space<vmem>>, vector<16xf32>,
        %swap3A_425 = vector.shape_cast %swap3A_424 : vector<16xf32> to vector<16xf32>
        %swap3A_426 = vector.shape_cast %mul3A_421 : vector<16xf32> to vector<16xf32>
        tpu.vector_store %arg11[%swap3A], %swap3A_426 {strides = array<i32>} : memref<1536xf32, #tpu.memory_space<vmem>>, vector<16xf32>,
        %mul3A_427 = arith.constant 6.250000e-02 : f32
        %mul3A_428 = vector.broadcast %mul3A_427 : f32 to vector<16xf32>
        %mul3A_429 = arith.mulf %add3A_418, %mul3A_428 : vector<16xf32>
        %add3A_430 = arith.constant 0 : i32
        %add3A_431 = arith.addi %add3A_430, %mul3A_197 : i32
        %add3A_432 = arith.constant 16 : i32
        %add3A_433 = arith.addi %add3A_431, %add3A_432 : i32
        %swap3A_434 = arith.index_cast %add3A_433 : i32 to index
        %swap3A_435 = tpu.vector_load %arg11[%swap3A_434] {strides = array<i32>} : memref<1536xf32, #tpu.memory_space<vmem>>, vector<16xf32>,
        %swap3A_436 = vector.shape_cast %swap3A_435 : vector<16xf32> to vector<16xf32>
        %swap3A_437 = vector.shape_cast %mul3A_429 : vector<16xf32> to vector<16xf32>
        tpu.vector_store %arg11[%swap3A_434], %swap3A_437 {strides = array<i32>} : memref<1536xf32, #tpu.memory_space<vmem>>, vector<16xf32>,
        %get3A_438 = arith.constant 16 : i32
        %get3A_439 = arith.index_cast %get3A_438 : i32 to index
        %get3A_440 = arith.index_cast %mul3A_197 : i32 to index
        %get3A_441 = tpu.vector_load %arg9[%get3A_439, %get3A_440] {strides = array<i32>} : memref<64x384xf32, #tpu.memory_space<vmem>>, vector<1x16xf32>,
        %get3A_442 = vector.shape_cast %get3A_441 : vector<1x16xf32> to vector<16xf32>
        %add3A_443 = arith.constant 16 : i32
        %add3A_444 = arith.addi %mul3A_197, %add3A_443 : i32
        %get3A_445 = arith.constant 16 : i32
        %get3A_446 = arith.index_cast %get3A_445 : i32 to index
        %get3A_447 = arith.index_cast %add3A_444 : i32 to index
        %get3A_448 = tpu.vector_load %arg9[%get3A_446, %get3A_447] {strides = array<i32>} : memref<64x384xf32, #tpu.memory_space<vmem>>, vector<1x16xf32>,
        %get3A_449 = vector.shape_cast %get3A_448 : vector<1x16xf32> to vector<16xf32>
        %get3A_450 = arith.constant 17 : i32
        %get3A_451 = arith.index_cast %get3A_450 : i32 to index
        %get3A_452 = arith.index_cast %mul3A_197 : i32 to index
        %get3A_453 = tpu.vector_load %arg9[%get3A_451, %get3A_452] {strides = array<i32>} : memref<64x384xf32, #tpu.memory_space<vmem>>, vector<1x16xf32>,
        %get3A_454 = vector.shape_cast %get3A_453 : vector<1x16xf32> to vector<16xf32>
        %add3A_455 = arith.addf %get3A_442, %get3A_454 : vector<16xf32>
        %add3A_456 = arith.constant 16 : i32
        %add3A_457 = arith.addi %mul3A_197, %add3A_456 : i32
        %get3A_458 = arith.constant 17 : i32
        %get3A_459 = arith.index_cast %get3A_458 : i32 to index
        %get3A_460 = arith.index_cast %add3A_457 : i32 to index
        %get3A_461 = tpu.vector_load %arg9[%get3A_459, %get3A_460] {strides = array<i32>} : memref<64x384xf32, #tpu.memory_space<vmem>>, vector<1x16xf32>,
        %get3A_462 = vector.shape_cast %get3A_461 : vector<1x16xf32> to vector<16xf32>
        %add3A_463 = arith.addf %get3A_449, %get3A_462 : vector<16xf32>
        %get3A_464 = arith.constant 18 : i32
        %get3A_465 = arith.index_cast %get3A_464 : i32 to index
        %get3A_466 = arith.index_cast %mul3A_197 : i32 to index
        %get3A_467 = tpu.vector_load %arg9[%get3A_465, %get3A_466] {strides = array<i32>} : memref<64x384xf32, #tpu.memory_space<vmem>>, vector<1x16xf32>,
        %get3A_468 = vector.shape_cast %get3A_467 : vector<1x16xf32> to vector<16xf32>
        %add3A_469 = arith.addf %add3A_455, %get3A_468 : vector<16xf32>
        %add3A_470 = arith.constant 16 : i32
        %add3A_471 = arith.addi %mul3A_197, %add3A_470 : i32
        %get3A_472 = arith.constant 18 : i32
        %get3A_473 = arith.index_cast %get3A_472 : i32 to index
        %get3A_474 = arith.index_cast %add3A_471 : i32 to index
        %get3A_475 = tpu.vector_load %arg9[%get3A_473, %get3A_474] {strides = array<i32>} : memref<64x384xf32, #tpu.memory_space<vmem>>, vector<1x16xf32>,
        %get3A_476 = vector.shape_cast %get3A_475 : vector<1x16xf32> to vector<16xf32>
        %add3A_477 = arith.addf %add3A_463, %get3A_476 : vector<16xf32>
        %get3A_478 = arith.constant 19 : i32
        %get3A_479 = arith.index_cast %get3A_478 : i32 to index
        %get3A_480 = arith.index_cast %mul3A_197 : i32 to index
        %get3A_481 = tpu.vector_load %arg9[%get3A_479, %get3A_480] {strides = array<i32>} : memref<64x384xf32, #tpu.memory_space<vmem>>, vector<1x16xf32>,
        %get3A_482 = vector.shape_cast %get3A_481 : vector<1x16xf32> to vector<16xf32>
        %add3A_483 = arith.addf %add3A_469, %get3A_482 : vector<16xf32>
        %add3A_484 = arith.constant 16 : i32
        %add3A_485 = arith.addi %mul3A_197, %add3A_484 : i32
        %get3A_486 = arith.constant 19 : i32
        %get3A_487 = arith.index_cast %get3A_486 : i32 to index
        %get3A_488 = arith.index_cast %add3A_485 : i32 to index
        %get3A_489 = tpu.vector_load %arg9[%get3A_487, %get3A_488] {strides = array<i32>} : memref<64x384xf32, #tpu.memory_space<vmem>>, vector<1x16xf32>,
        %get3A_490 = vector.shape_cast %get3A_489 : vector<1x16xf32> to vector<16xf32>
        %add3A_491 = arith.addf %add3A_477, %get3A_490 : vector<16xf32>
        %get3A_492 = arith.constant 20 : i32
        %get3A_493 = arith.index_cast %get3A_492 : i32 to index
        %get3A_494 = arith.index_cast %mul3A_197 : i32 to index
        %get3A_495 = tpu.vector_load %arg9[%get3A_493, %get3A_494] {strides = array<i32>} : memref<64x384xf32, #tpu.memory_space<vmem>>, vector<1x16xf32>,
        %get3A_496 = vector.shape_cast %get3A_495 : vector<1x16xf32> to vector<16xf32>
        %add3A_497 = arith.addf %add3A_483, %get3A_496 : vector<16xf32>
        %add3A_498 = arith.constant 16 : i32
        %add3A_499 = arith.addi %mul3A_197, %add3A_498 : i32
        %get3A_500 = arith.constant 20 : i32
        %get3A_501 = arith.index_cast %get3A_500 : i32 to index
        %get3A_502 = arith.index_cast %add3A_499 : i32 to index
        %get3A_503 = tpu.vector_load %arg9[%get3A_501, %get3A_502] {strides = array<i32>} : memref<64x384xf32, #tpu.memory_space<vmem>>, vector<1x16xf32>,
        %get3A_504 = vector.shape_cast %get3A_503 : vector<1x16xf32> to vector<16xf32>
        %add3A_505 = arith.addf %add3A_491, %get3A_504 : vector<16xf32>
        %get3A_506 = arith.constant 21 : i32
        %get3A_507 = arith.index_cast %get3A_506 : i32 to index
        %get3A_508 = arith.index_cast %mul3A_197 : i32 to index
        %get3A_509 = tpu.vector_load %arg9[%get3A_507, %get3A_508] {strides = array<i32>} : memref<64x384xf32, #tpu.memory_space<vmem>>, vector<1x16xf32>,
        %get3A_510 = vector.shape_cast %get3A_509 : vector<1x16xf32> to vector<16xf32>
        %add3A_511 = arith.addf %add3A_497, %get3A_510 : vector<16xf32>
        %add3A_512 = arith.constant 16 : i32
        %add3A_513 = arith.addi %mul3A_197, %add3A_512 : i32
        %get3A_514 = arith.constant 21 : i32
        %get3A_515 = arith.index_cast %get3A_514 : i32 to index
        %get3A_516 = arith.index_cast %add3A_513 : i32 to index
        %get3A_517 = tpu.vector_load %arg9[%get3A_515, %get3A_516] {strides = array<i32>} : memref<64x384xf32, #tpu.memory_space<vmem>>, vector<1x16xf32>,
        %get3A_518 = vector.shape_cast %get3A_517 : vector<1x16xf32> to vector<16xf32>
        %add3A_519 = arith.addf %add3A_505, %get3A_518 : vector<16xf32>
        %get3A_520 = arith.constant 22 : i32
        %get3A_521 = arith.index_cast %get3A_520 : i32 to index
        %get3A_522 = arith.index_cast %mul3A_197 : i32 to index
        %get3A_523 = tpu.vector_load %arg9[%get3A_521, %get3A_522] {strides = array<i32>} : memref<64x384xf32, #tpu.memory_space<vmem>>, vector<1x16xf32>,
        %get3A_524 = vector.shape_cast %get3A_523 : vector<1x16xf32> to vector<16xf32>
        %add3A_525 = arith.addf %add3A_511, %get3A_524 : vector<16xf32>
        %add3A_526 = arith.constant 16 : i32
        %add3A_527 = arith.addi %mul3A_197, %add3A_526 : i32
        %get3A_528 = arith.constant 22 : i32
        %get3A_529 = arith.index_cast %get3A_528 : i32 to index
        %get3A_530 = arith.index_cast %add3A_527 : i32 to index
        %get3A_531 = tpu.vector_load %arg9[%get3A_529, %get3A_530] {strides = array<i32>} : memref<64x384xf32, #tpu.memory_space<vmem>>, vector<1x16xf32>,
        %get3A_532 = vector.shape_cast %get3A_531 : vector<1x16xf32> to vector<16xf32>
        %add3A_533 = arith.addf %add3A_519, %get3A_532 : vector<16xf32>
        %get3A_534 = arith.constant 23 : i32
        %get3A_535 = arith.index_cast %get3A_534 : i32 to index
        %get3A_536 = arith.index_cast %mul3A_197 : i32 to index
        %get3A_537 = tpu.vector_load %arg9[%get3A_535, %get3A_536] {strides = array<i32>} : memref<64x384xf32, #tpu.memory_space<vmem>>, vector<1x16xf32>,
        %get3A_538 = vector.shape_cast %get3A_537 : vector<1x16xf32> to vector<16xf32>
        %add3A_539 = arith.addf %add3A_525, %get3A_538 : vector<16xf32>
        %add3A_540 = arith.constant 16 : i32
        %add3A_541 = arith.addi %mul3A_197, %add3A_540 : i32
        %get3A_542 = arith.constant 23 : i32
        %get3A_543 = arith.index_cast %get3A_542 : i32 to index
        %get3A_544 = arith.index_cast %add3A_541 : i32 to index
        %get3A_545 = tpu.vector_load %arg9[%get3A_543, %get3A_544] {strides = array<i32>} : memref<64x384xf32, #tpu.memory_space<vmem>>, vector<1x16xf32>,
        %get3A_546 = vector.shape_cast %get3A_545 : vector<1x16xf32> to vector<16xf32>
        %add3A_547 = arith.addf %add3A_533, %get3A_546 : vector<16xf32>
        %get3A_548 = arith.constant 24 : i32
        %get3A_549 = arith.index_cast %get3A_548 : i32 to index
        %get3A_550 = arith.index_cast %mul3A_197 : i32 to index
        %get3A_551 = tpu.vector_load %arg9[%get3A_549, %get3A_550] {strides = array<i32>} : memref<64x384xf32, #tpu.memory_space<vmem>>, vector<1x16xf32>,
        %get3A_552 = vector.shape_cast %get3A_551 : vector<1x16xf32> to vector<16xf32>
        %add3A_553 = arith.addf %add3A_539, %get3A_552 : vector<16xf32>
        %add3A_554 = arith.constant 16 : i32
        %add3A_555 = arith.addi %mul3A_197, %add3A_554 : i32
        %get3A_556 = arith.constant 24 : i32
        %get3A_557 = arith.index_cast %get3A_556 : i32 to index
        %get3A_558 = arith.index_cast %add3A_555 : i32 to index
        %get3A_559 = tpu.vector_load %arg9[%get3A_557, %get3A_558] {strides = array<i32>} : memref<64x384xf32, #tpu.memory_space<vmem>>, vector<1x16xf32>,
        %get3A_560 = vector.shape_cast %get3A_559 : vector<1x16xf32> to vector<16xf32>
        %add3A_561 = arith.addf %add3A_547, %get3A_560 : vector<16xf32>
        %get3A_562 = arith.constant 25 : i32
        %get3A_563 = arith.index_cast %get3A_562 : i32 to index
        %get3A_564 = arith.index_cast %mul3A_197 : i32 to index
        %get3A_565 = tpu.vector_load %arg9[%get3A_563, %get3A_564] {strides = array<i32>} : memref<64x384xf32, #tpu.memory_space<vmem>>, vector<1x16xf32>,
        %get3A_566 = vector.shape_cast %get3A_565 : vector<1x16xf32> to vector<16xf32>
        %add3A_567 = arith.addf %add3A_553, %get3A_566 : vector<16xf32>
        %add3A_568 = arith.constant 16 : i32
        %add3A_569 = arith.addi %mul3A_197, %add3A_568 : i32
        %get3A_570 = arith.constant 25 : i32
        %get3A_571 = arith.index_cast %get3A_570 : i32 to index
        %get3A_572 = arith.index_cast %add3A_569 : i32 to index
        %get3A_573 = tpu.vector_load %arg9[%get3A_571, %get3A_572] {strides = array<i32>} : memref<64x384xf32, #tpu.memory_space<vmem>>, vector<1x16xf32>,
        %get3A_574 = vector.shape_cast %get3A_573 : vector<1x16xf32> to vector<16xf32>
        %add3A_575 = arith.addf %add3A_561, %get3A_574 : vector<16xf32>
        %get3A_576 = arith.constant 26 : i32
        %get3A_577 = arith.index_cast %get3A_576 : i32 to index
        %get3A_578 = arith.index_cast %mul3A_197 : i32 to index
        %get3A_579 = tpu.vector_load %arg9[%get3A_577, %get3A_578] {strides = array<i32>} : memref<64x384xf32, #tpu.memory_space<vmem>>, vector<1x16xf32>,
        %get3A_580 = vector.shape_cast %get3A_579 : vector<1x16xf32> to vector<16xf32>
        %add3A_581 = arith.addf %add3A_567, %get3A_580 : vector<16xf32>
        %add3A_582 = arith.constant 16 : i32
        %add3A_583 = arith.addi %mul3A_197, %add3A_582 : i32
        %get3A_584 = arith.constant 26 : i32
        %get3A_585 = arith.index_cast %get3A_584 : i32 to index
        %get3A_586 = arith.index_cast %add3A_583 : i32 to index
        %get3A_587 = tpu.vector_load %arg9[%get3A_585, %get3A_586] {strides = array<i32>} : memref<64x384xf32, #tpu.memory_space<vmem>>, vector<1x16xf32>,
        %get3A_588 = vector.shape_cast %get3A_587 : vector<1x16xf32> to vector<16xf32>
        %add3A_589 = arith.addf %add3A_575, %get3A_588 : vector<16xf32>
        %get3A_590 = arith.constant 27 : i32
        %get3A_591 = arith.index_cast %get3A_590 : i32 to index
        %get3A_592 = arith.index_cast %mul3A_197 : i32 to index
        %get3A_593 = tpu.vector_load %arg9[%get3A_591, %get3A_592] {strides = array<i32>} : memref<64x384xf32, #tpu.memory_space<vmem>>, vector<1x16xf32>,
        %get3A_594 = vector.shape_cast %get3A_593 : vector<1x16xf32> to vector<16xf32>
        %add3A_595 = arith.addf %add3A_581, %get3A_594 : vector<16xf32>
        %add3A_596 = arith.constant 16 : i32
        %add3A_597 = arith.addi %mul3A_197, %add3A_596 : i32
        %get3A_598 = arith.constant 27 : i32
        %get3A_599 = arith.index_cast %get3A_598 : i32 to index
        %get3A_600 = arith.index_cast %add3A_597 : i32 to index
        %get3A_601 = tpu.vector_load %arg9[%get3A_599, %get3A_600] {strides = array<i32>} : memref<64x384xf32, #tpu.memory_space<vmem>>, vector<1x16xf32>,
        %get3A_602 = vector.shape_cast %get3A_601 : vector<1x16xf32> to vector<16xf32>
        %add3A_603 = arith.addf %add3A_589, %get3A_602 : vector<16xf32>
        %get3A_604 = arith.constant 28 : i32
        %get3A_605 = arith.index_cast %get3A_604 : i32 to index
        %get3A_606 = arith.index_cast %mul3A_197 : i32 to index
        %get3A_607 = tpu.vector_load %arg9[%get3A_605, %get3A_606] {strides = array<i32>} : memref<64x384xf32, #tpu.memory_space<vmem>>, vector<1x16xf32>,
        %get3A_608 = vector.shape_cast %get3A_607 : vector<1x16xf32> to vector<16xf32>
        %add3A_609 = arith.addf %add3A_595, %get3A_608 : vector<16xf32>
        %add3A_610 = arith.constant 16 : i32
        %add3A_611 = arith.addi %mul3A_197, %add3A_610 : i32
        %get3A_612 = arith.constant 28 : i32
        %get3A_613 = arith.index_cast %get3A_612 : i32 to index
        %get3A_614 = arith.index_cast %add3A_611 : i32 to index
        %get3A_615 = tpu.vector_load %arg9[%get3A_613, %get3A_614] {strides = array<i32>} : memref<64x384xf32, #tpu.memory_space<vmem>>, vector<1x16xf32>,
        %get3A_616 = vector.shape_cast %get3A_615 : vector<1x16xf32> to vector<16xf32>
        %add3A_617 = arith.addf %add3A_603, %get3A_616 : vector<16xf32>
        %get3A_618 = arith.constant 29 : i32
        %get3A_619 = arith.index_cast %get3A_618 : i32 to index
        %get3A_620 = arith.index_cast %mul3A_197 : i32 to index
        %get3A_621 = tpu.vector_load %arg9[%get3A_619, %get3A_620] {strides = array<i32>} : memref<64x384xf32, #tpu.memory_space<vmem>>, vector<1x16xf32>,
        %get3A_622 = vector.shape_cast %get3A_621 : vector<1x16xf32> to vector<16xf32>
        %add3A_623 = arith.addf %add3A_609, %get3A_622 : vector<16xf32>
        %add3A_624 = arith.constant 16 : i32
        %add3A_625 = arith.addi %mul3A_197, %add3A_624 : i32
        %get3A_626 = arith.constant 29 : i32
        %get3A_627 = arith.index_cast %get3A_626 : i32 to index
        %get3A_628 = arith.index_cast %add3A_625 : i32 to index
        %get3A_629 = tpu.vector_load %arg9[%get3A_627, %get3A_628] {strides = array<i32>} : memref<64x384xf32, #tpu.memory_space<vmem>>, vector<1x16xf32>,
        %get3A_630 = vector.shape_cast %get3A_629 : vector<1x16xf32> to vector<16xf32>
        %add3A_631 = arith.addf %add3A_617, %get3A_630 : vector<16xf32>
        %get3A_632 = arith.constant 30 : i32
        %get3A_633 = arith.index_cast %get3A_632 : i32 to index
        %get3A_634 = arith.index_cast %mul3A_197 : i32 to index
        %get3A_635 = tpu.vector_load %arg9[%get3A_633, %get3A_634] {strides = array<i32>} : memref<64x384xf32, #tpu.memory_space<vmem>>, vector<1x16xf32>,
        %get3A_636 = vector.shape_cast %get3A_635 : vector<1x16xf32> to vector<16xf32>
        %add3A_637 = arith.addf %add3A_623, %get3A_636 : vector<16xf32>
        %add3A_638 = arith.constant 16 : i32
        %add3A_639 = arith.addi %mul3A_197, %add3A_638 : i32
        %get3A_640 = arith.constant 30 : i32
        %get3A_641 = arith.index_cast %get3A_640 : i32 to index
        %get3A_642 = arith.index_cast %add3A_639 : i32 to index
        %get3A_643 = tpu.vector_load %arg9[%get3A_641, %get3A_642] {strides = array<i32>} : memref<64x384xf32, #tpu.memory_space<vmem>>, vector<1x16xf32>,
        %get3A_644 = vector.shape_cast %get3A_643 : vector<1x16xf32> to vector<16xf32>
        %add3A_645 = arith.addf %add3A_631, %get3A_644 : vector<16xf32>
        %get3A_646 = arith.constant 31 : i32
        %get3A_647 = arith.index_cast %get3A_646 : i32 to index
        %get3A_648 = arith.index_cast %mul3A_197 : i32 to index
        %get3A_649 = tpu.vector_load %arg9[%get3A_647, %get3A_648] {strides = array<i32>} : memref<64x384xf32, #tpu.memory_space<vmem>>, vector<1x16xf32>,
        %get3A_650 = vector.shape_cast %get3A_649 : vector<1x16xf32> to vector<16xf32>
        %add3A_651 = arith.addf %add3A_637, %get3A_650 : vector<16xf32>
        %add3A_652 = arith.constant 16 : i32
        %add3A_653 = arith.addi %mul3A_197, %add3A_652 : i32
        %get3A_654 = arith.constant 31 : i32
        %get3A_655 = arith.index_cast %get3A_654 : i32 to index
        %get3A_656 = arith.index_cast %add3A_653 : i32 to index
        %get3A_657 = tpu.vector_load %arg9[%get3A_655, %get3A_656] {strides = array<i32>} : memref<64x384xf32, #tpu.memory_space<vmem>>, vector<1x16xf32>,
        %get3A_658 = vector.shape_cast %get3A_657 : vector<1x16xf32> to vector<16xf32>
        %add3A_659 = arith.addf %add3A_645, %get3A_658 : vector<16xf32>
        %mul3A_660 = arith.constant 6.250000e-02 : f32
        %mul3A_661 = vector.broadcast %mul3A_660 : f32 to vector<16xf32>
        %mul3A_662 = arith.mulf %add3A_651, %mul3A_661 : vector<16xf32>
        %add3A_663 = arith.constant 384 : i32
        %add3A_664 = arith.addi %add3A_663, %mul3A_197 : i32
        %swap3A_665 = arith.index_cast %add3A_664 : i32 to index
        %swap3A_666 = tpu.vector_load %arg11[%swap3A_665] {strides = array<i32>} : memref<1536xf32, #tpu.memory_space<vmem>>, vector<16xf32>,
        %swap3A_667 = vector.shape_cast %swap3A_666 : vector<16xf32> to vector<16xf32>
        %swap3A_668 = vector.shape_cast %mul3A_662 : vector<16xf32> to vector<16xf32>
        tpu.vector_store %arg11[%swap3A_665], %swap3A_668 {strides = array<i32>} : memref<1536xf32, #tpu.memory_space<vmem>>, vector<16xf32>,
        %mul3A_669 = arith.constant 6.250000e-02 : f32
        %mul3A_670 = vector.broadcast %mul3A_669 : f32 to vector<16xf32>
        %mul3A_671 = arith.mulf %add3A_659, %mul3A_670 : vector<16xf32>
        %add3A_672 = arith.constant 384 : i32
        %add3A_673 = arith.addi %add3A_672, %mul3A_197 : i32
        %add3A_674 = arith.constant 16 : i32
        %add3A_675 = arith.addi %add3A_673, %add3A_674 : i32
        %swap3A_676 = arith.index_cast %add3A_675 : i32 to index
        %swap3A_677 = tpu.vector_load %arg11[%swap3A_676] {strides = array<i32>} : memref<1536xf32, #tpu.memory_space<vmem>>, vector<16xf32>,
        %swap3A_678 = vector.shape_cast %swap3A_677 : vector<16xf32> to vector<16xf32>
        %swap3A_679 = vector.shape_cast %mul3A_671 : vector<16xf32> to vector<16xf32>
        tpu.vector_store %arg11[%swap3A_676], %swap3A_679 {strides = array<i32>} : memref<1536xf32, #tpu.memory_space<vmem>>, vector<16xf32>,
        %get3A_680 = arith.constant 32 : i32
        %get3A_681 = arith.index_cast %get3A_680 : i32 to index
        %get3A_682 = arith.index_cast %mul3A_197 : i32 to index
        %get3A_683 = tpu.vector_load %arg9[%get3A_681, %get3A_682] {strides = array<i32>} : memref<64x384xf32, #tpu.memory_space<vmem>>, vector<1x16xf32>,
        %get3A_684 = vector.shape_cast %get3A_683 : vector<1x16xf32> to vector<16xf32>
        %add3A_685 = arith.constant 16 : i32
        %add3A_686 = arith.addi %mul3A_197, %add3A_685 : i32
        %get3A_687 = arith.constant 32 : i32
        %get3A_688 = arith.index_cast %get3A_687 : i32 to index
        %get3A_689 = arith.index_cast %add3A_686 : i32 to index
        %get3A_690 = tpu.vector_load %arg9[%get3A_688, %get3A_689] {strides = array<i32>} : memref<64x384xf32, #tpu.memory_space<vmem>>, vector<1x16xf32>,
        %get3A_691 = vector.shape_cast %get3A_690 : vector<1x16xf32> to vector<16xf32>
        %get3A_692 = arith.constant 33 : i32
        %get3A_693 = arith.index_cast %get3A_692 : i32 to index
        %get3A_694 = arith.index_cast %mul3A_197 : i32 to index
        %get3A_695 = tpu.vector_load %arg9[%get3A_693, %get3A_694] {strides = array<i32>} : memref<64x384xf32, #tpu.memory_space<vmem>>, vector<1x16xf32>,
        %get3A_696 = vector.shape_cast %get3A_695 : vector<1x16xf32> to vector<16xf32>
        %add3A_697 = arith.addf %get3A_684, %get3A_696 : vector<16xf32>
        %add3A_698 = arith.constant 16 : i32
        %add3A_699 = arith.addi %mul3A_197, %add3A_698 : i32
        %get3A_700 = arith.constant 33 : i32
        %get3A_701 = arith.index_cast %get3A_700 : i32 to index
        %get3A_702 = arith.index_cast %add3A_699 : i32 to index
        %get3A_703 = tpu.vector_load %arg9[%get3A_701, %get3A_702] {strides = array<i32>} : memref<64x384xf32, #tpu.memory_space<vmem>>, vector<1x16xf32>,
        %get3A_704 = vector.shape_cast %get3A_703 : vector<1x16xf32> to vector<16xf32>
        %add3A_705 = arith.addf %get3A_691, %get3A_704 : vector<16xf32>
        %get3A_706 = arith.constant 34 : i32
        %get3A_707 = arith.index_cast %get3A_706 : i32 to index
        %get3A_708 = arith.index_cast %mul3A_197 : i32 to index
        %get3A_709 = tpu.vector_load %arg9[%get3A_707, %get3A_708] {strides = array<i32>} : memref<64x384xf32, #tpu.memory_space<vmem>>, vector<1x16xf32>,
        %get3A_710 = vector.shape_cast %get3A_709 : vector<1x16xf32> to vector<16xf32>
        %add3A_711 = arith.addf %add3A_697, %get3A_710 : vector<16xf32>
        %add3A_712 = arith.constant 16 : i32
        %add3A_713 = arith.addi %mul3A_197, %add3A_712 : i32
        %get3A_714 = arith.constant 34 : i32
        %get3A_715 = arith.index_cast %get3A_714 : i32 to index
        %get3A_716 = arith.index_cast %add3A_713 : i32 to index
        %get3A_717 = tpu.vector_load %arg9[%get3A_715, %get3A_716] {strides = array<i32>} : memref<64x384xf32, #tpu.memory_space<vmem>>, vector<1x16xf32>,
        %get3A_718 = vector.shape_cast %get3A_717 : vector<1x16xf32> to vector<16xf32>
        %add3A_719 = arith.addf %add3A_705, %get3A_718 : vector<16xf32>
        %get3A_720 = arith.constant 35 : i32
        %get3A_721 = arith.index_cast %get3A_720 : i32 to index
        %get3A_722 = arith.index_cast %mul3A_197 : i32 to index
        %get3A_723 = tpu.vector_load %arg9[%get3A_721, %get3A_722] {strides = array<i32>} : memref<64x384xf32, #tpu.memory_space<vmem>>, vector<1x16xf32>,
        %get3A_724 = vector.shape_cast %get3A_723 : vector<1x16xf32> to vector<16xf32>
        %add3A_725 = arith.addf %add3A_711, %get3A_724 : vector<16xf32>
        %add3A_726 = arith.constant 16 : i32
        %add3A_727 = arith.addi %mul3A_197, %add3A_726 : i32
        %get3A_728 = arith.constant 35 : i32
        %get3A_729 = arith.index_cast %get3A_728 : i32 to index
        %get3A_730 = arith.index_cast %add3A_727 : i32 to index
        %get3A_731 = tpu.vector_load %arg9[%get3A_729, %get3A_730] {strides = array<i32>} : memref<64x384xf32, #tpu.memory_space<vmem>>, vector<1x16xf32>,
        %get3A_732 = vector.shape_cast %get3A_731 : vector<1x16xf32> to vector<16xf32>
        %add3A_733 = arith.addf %add3A_719, %get3A_732 : vector<16xf32>
        %get3A_734 = arith.constant 36 : i32
        %get3A_735 = arith.index_cast %get3A_734 : i32 to index
        %get3A_736 = arith.index_cast %mul3A_197 : i32 to index
        %get3A_737 = tpu.vector_load %arg9[%get3A_735, %get3A_736] {strides = array<i32>} : memref<64x384xf32, #tpu.memory_space<vmem>>, vector<1x16xf32>,
        %get3A_738 = vector.shape_cast %get3A_737 : vector<1x16xf32> to vector<16xf32>
        %add3A_739 = arith.addf %add3A_725, %get3A_738 : vector<16xf32>
        %add3A_740 = arith.constant 16 : i32
        %add3A_741 = arith.addi %mul3A_197, %add3A_740 : i32
        %get3A_742 = arith.constant 36 : i32
        %get3A_743 = arith.index_cast %get3A_742 : i32 to index
        %get3A_744 = arith.index_cast %add3A_741 : i32 to index
        %get3A_745 = tpu.vector_load %arg9[%get3A_743, %get3A_744] {strides = array<i32>} : memref<64x384xf32, #tpu.memory_space<vmem>>, vector<1x16xf32>,
        %get3A_746 = vector.shape_cast %get3A_745 : vector<1x16xf32> to vector<16xf32>
        %add3A_747 = arith.addf %add3A_733, %get3A_746 : vector<16xf32>
        %get3A_748 = arith.constant 37 : i32
        %get3A_749 = arith.index_cast %get3A_748 : i32 to index
        %get3A_750 = arith.index_cast %mul3A_197 : i32 to index
        %get3A_751 = tpu.vector_load %arg9[%get3A_749, %get3A_750] {strides = array<i32>} : memref<64x384xf32, #tpu.memory_space<vmem>>, vector<1x16xf32>,
        %get3A_752 = vector.shape_cast %get3A_751 : vector<1x16xf32> to vector<16xf32>
        %add3A_753 = arith.addf %add3A_739, %get3A_752 : vector<16xf32>
        %add3A_754 = arith.constant 16 : i32
        %add3A_755 = arith.addi %mul3A_197, %add3A_754 : i32
        %get3A_756 = arith.constant 37 : i32
        %get3A_757 = arith.index_cast %get3A_756 : i32 to index
        %get3A_758 = arith.index_cast %add3A_755 : i32 to index
        %get3A_759 = tpu.vector_load %arg9[%get3A_757, %get3A_758] {strides = array<i32>} : memref<64x384xf32, #tpu.memory_space<vmem>>, vector<1x16xf32>,
        %get3A_760 = vector.shape_cast %get3A_759 : vector<1x16xf32> to vector<16xf32>
        %add3A_761 = arith.addf %add3A_747, %get3A_760 : vector<16xf32>
        %get3A_762 = arith.constant 38 : i32
        %get3A_763 = arith.index_cast %get3A_762 : i32 to index
        %get3A_764 = arith.index_cast %mul3A_197 : i32 to index
        %get3A_765 = tpu.vector_load %arg9[%get3A_763, %get3A_764] {strides = array<i32>} : memref<64x384xf32, #tpu.memory_space<vmem>>, vector<1x16xf32>,
        %get3A_766 = vector.shape_cast %get3A_765 : vector<1x16xf32> to vector<16xf32>
        %add3A_767 = arith.addf %add3A_753, %get3A_766 : vector<16xf32>
        %add3A_768 = arith.constant 16 : i32
        %add3A_769 = arith.addi %mul3A_197, %add3A_768 : i32
        %get3A_770 = arith.constant 38 : i32
        %get3A_771 = arith.index_cast %get3A_770 : i32 to index
        %get3A_772 = arith.index_cast %add3A_769 : i32 to index
        %get3A_773 = tpu.vector_load %arg9[%get3A_771, %get3A_772] {strides = array<i32>} : memref<64x384xf32, #tpu.memory_space<vmem>>, vector<1x16xf32>,
        %get3A_774 = vector.shape_cast %get3A_773 : vector<1x16xf32> to vector<16xf32>
        %add3A_775 = arith.addf %add3A_761, %get3A_774 : vector<16xf32>
        %get3A_776 = arith.constant 39 : i32
        %get3A_777 = arith.index_cast %get3A_776 : i32 to index
        %get3A_778 = arith.index_cast %mul3A_197 : i32 to index
        %get3A_779 = tpu.vector_load %arg9[%get3A_777, %get3A_778] {strides = array<i32>} : memref<64x384xf32, #tpu.memory_space<vmem>>, vector<1x16xf32>,
        %get3A_780 = vector.shape_cast %get3A_779 : vector<1x16xf32> to vector<16xf32>
        %add3A_781 = arith.addf %add3A_767, %get3A_780 : vector<16xf32>
        %add3A_782 = arith.constant 16 : i32
        %add3A_783 = arith.addi %mul3A_197, %add3A_782 : i32
        %get3A_784 = arith.constant 39 : i32
        %get3A_785 = arith.index_cast %get3A_784 : i32 to index
        %get3A_786 = arith.index_cast %add3A_783 : i32 to index
        %get3A_787 = tpu.vector_load %arg9[%get3A_785, %get3A_786] {strides = array<i32>} : memref<64x384xf32, #tpu.memory_space<vmem>>, vector<1x16xf32>,
        %get3A_788 = vector.shape_cast %get3A_787 : vector<1x16xf32> to vector<16xf32>
        %add3A_789 = arith.addf %add3A_775, %get3A_788 : vector<16xf32>
        %get3A_790 = arith.constant 40 : i32
        %get3A_791 = arith.index_cast %get3A_790 : i32 to index
        %get3A_792 = arith.index_cast %mul3A_197 : i32 to index
        %get3A_793 = tpu.vector_load %arg9[%get3A_791, %get3A_792] {strides = array<i32>} : memref<64x384xf32, #tpu.memory_space<vmem>>, vector<1x16xf32>,
        %get3A_794 = vector.shape_cast %get3A_793 : vector<1x16xf32> to vector<16xf32>
        %add3A_795 = arith.addf %add3A_781, %get3A_794 : vector<16xf32>
        %add3A_796 = arith.constant 16 : i32
        %add3A_797 = arith.addi %mul3A_197, %add3A_796 : i32
        %get3A_798 = arith.constant 40 : i32
        %get3A_799 = arith.index_cast %get3A_798 : i32 to index
        %get3A_800 = arith.index_cast %add3A_797 : i32 to index
        %get3A_801 = tpu.vector_load %arg9[%get3A_799, %get3A_800] {strides = array<i32>} : memref<64x384xf32, #tpu.memory_space<vmem>>, vector<1x16xf32>,
        %get3A_802 = vector.shape_cast %get3A_801 : vector<1x16xf32> to vector<16xf32>
        %add3A_803 = arith.addf %add3A_789, %get3A_802 : vector<16xf32>
        %get3A_804 = arith.constant 41 : i32
        %get3A_805 = arith.index_cast %get3A_804 : i32 to index
        %get3A_806 = arith.index_cast %mul3A_197 : i32 to index
        %get3A_807 = tpu.vector_load %arg9[%get3A_805, %get3A_806] {strides = array<i32>} : memref<64x384xf32, #tpu.memory_space<vmem>>, vector<1x16xf32>,
        %get3A_808 = vector.shape_cast %get3A_807 : vector<1x16xf32> to vector<16xf32>
        %add3A_809 = arith.addf %add3A_795, %get3A_808 : vector<16xf32>
        %add3A_810 = arith.constant 16 : i32
        %add3A_811 = arith.addi %mul3A_197, %add3A_810 : i32
        %get3A_812 = arith.constant 41 : i32
        %get3A_813 = arith.index_cast %get3A_812 : i32 to index
        %get3A_814 = arith.index_cast %add3A_811 : i32 to index
        %get3A_815 = tpu.vector_load %arg9[%get3A_813, %get3A_814] {strides = array<i32>} : memref<64x384xf32, #tpu.memory_space<vmem>>, vector<1x16xf32>,
        %get3A_816 = vector.shape_cast %get3A_815 : vector<1x16xf32> to vector<16xf32>
        %add3A_817 = arith.addf %add3A_803, %get3A_816 : vector<16xf32>
        %get3A_818 = arith.constant 42 : i32
        %get3A_819 = arith.index_cast %get3A_818 : i32 to index
        %get3A_820 = arith.index_cast %mul3A_197 : i32 to index
        %get3A_821 = tpu.vector_load %arg9[%get3A_819, %get3A_820] {strides = array<i32>} : memref<64x384xf32, #tpu.memory_space<vmem>>, vector<1x16xf32>,
        %get3A_822 = vector.shape_cast %get3A_821 : vector<1x16xf32> to vector<16xf32>
        %add3A_823 = arith.addf %add3A_809, %get3A_822 : vector<16xf32>
        %add3A_824 = arith.constant 16 : i32
        %add3A_825 = arith.addi %mul3A_197, %add3A_824 : i32
        %get3A_826 = arith.constant 42 : i32
        %get3A_827 = arith.index_cast %get3A_826 : i32 to index
        %get3A_828 = arith.index_cast %add3A_825 : i32 to index
        %get3A_829 = tpu.vector_load %arg9[%get3A_827, %get3A_828] {strides = array<i32>} : memref<64x384xf32, #tpu.memory_space<vmem>>, vector<1x16xf32>,
        %get3A_830 = vector.shape_cast %get3A_829 : vector<1x16xf32> to vector<16xf32>
        %add3A_831 = arith.addf %add3A_817, %get3A_830 : vector<16xf32>
        %get3A_832 = arith.constant 43 : i32
        %get3A_833 = arith.index_cast %get3A_832 : i32 to index
        %get3A_834 = arith.index_cast %mul3A_197 : i32 to index
        %get3A_835 = tpu.vector_load %arg9[%get3A_833, %get3A_834] {strides = array<i32>} : memref<64x384xf32, #tpu.memory_space<vmem>>, vector<1x16xf32>,
        %get3A_836 = vector.shape_cast %get3A_835 : vector<1x16xf32> to vector<16xf32>
        %add3A_837 = arith.addf %add3A_823, %get3A_836 : vector<16xf32>
        %add3A_838 = arith.constant 16 : i32
        %add3A_839 = arith.addi %mul3A_197, %add3A_838 : i32
        %get3A_840 = arith.constant 43 : i32
        %get3A_841 = arith.index_cast %get3A_840 : i32 to index
        %get3A_842 = arith.index_cast %add3A_839 : i32 to index
        %get3A_843 = tpu.vector_load %arg9[%get3A_841, %get3A_842] {strides = array<i32>} : memref<64x384xf32, #tpu.memory_space<vmem>>, vector<1x16xf32>,
        %get3A_844 = vector.shape_cast %get3A_843 : vector<1x16xf32> to vector<16xf32>
        %add3A_845 = arith.addf %add3A_831, %get3A_844 : vector<16xf32>
        %get3A_846 = arith.constant 44 : i32
        %get3A_847 = arith.index_cast %get3A_846 : i32 to index
        %get3A_848 = arith.index_cast %mul3A_197 : i32 to index
        %get3A_849 = tpu.vector_load %arg9[%get3A_847, %get3A_848] {strides = array<i32>} : memref<64x384xf32, #tpu.memory_space<vmem>>, vector<1x16xf32>,
        %get3A_850 = vector.shape_cast %get3A_849 : vector<1x16xf32> to vector<16xf32>
        %add3A_851 = arith.addf %add3A_837, %get3A_850 : vector<16xf32>
        %add3A_852 = arith.constant 16 : i32
        %add3A_853 = arith.addi %mul3A_197, %add3A_852 : i32
        %get3A_854 = arith.constant 44 : i32
        %get3A_855 = arith.index_cast %get3A_854 : i32 to index
        %get3A_856 = arith.index_cast %add3A_853 : i32 to index
        %get3A_857 = tpu.vector_load %arg9[%get3A_855, %get3A_856] {strides = array<i32>} : memref<64x384xf32, #tpu.memory_space<vmem>>, vector<1x16xf32>,
        %get3A_858 = vector.shape_cast %get3A_857 : vector<1x16xf32> to vector<16xf32>
        %add3A_859 = arith.addf %add3A_845, %get3A_858 : vector<16xf32>
        %get3A_860 = arith.constant 45 : i32
        %get3A_861 = arith.index_cast %get3A_860 : i32 to index
        %get3A_862 = arith.index_cast %mul3A_197 : i32 to index
        %get3A_863 = tpu.vector_load %arg9[%get3A_861, %get3A_862] {strides = array<i32>} : memref<64x384xf32, #tpu.memory_space<vmem>>, vector<1x16xf32>,
        %get3A_864 = vector.shape_cast %get3A_863 : vector<1x16xf32> to vector<16xf32>
        %add3A_865 = arith.addf %add3A_851, %get3A_864 : vector<16xf32>
        %add3A_866 = arith.constant 16 : i32
        %add3A_867 = arith.addi %mul3A_197, %add3A_866 : i32
        %get3A_868 = arith.constant 45 : i32
        %get3A_869 = arith.index_cast %get3A_868 : i32 to index
        %get3A_870 = arith.index_cast %add3A_867 : i32 to index
        %get3A_871 = tpu.vector_load %arg9[%get3A_869, %get3A_870] {strides = array<i32>} : memref<64x384xf32, #tpu.memory_space<vmem>>, vector<1x16xf32>,
        %get3A_872 = vector.shape_cast %get3A_871 : vector<1x16xf32> to vector<16xf32>
        %add3A_873 = arith.addf %add3A_859, %get3A_872 : vector<16xf32>
        %get3A_874 = arith.constant 46 : i32
        %get3A_875 = arith.index_cast %get3A_874 : i32 to index
        %get3A_876 = arith.index_cast %mul3A_197 : i32 to index
        %get3A_877 = tpu.vector_load %arg9[%get3A_875, %get3A_876] {strides = array<i32>} : memref<64x384xf32, #tpu.memory_space<vmem>>, vector<1x16xf32>,
        %get3A_878 = vector.shape_cast %get3A_877 : vector<1x16xf32> to vector<16xf32>
        %add3A_879 = arith.addf %add3A_865, %get3A_878 : vector<16xf32>
        %add3A_880 = arith.constant 16 : i32
        %add3A_881 = arith.addi %mul3A_197, %add3A_880 : i32
        %get3A_882 = arith.constant 46 : i32
        %get3A_883 = arith.index_cast %get3A_882 : i32 to index
        %get3A_884 = arith.index_cast %add3A_881 : i32 to index
        %get3A_885 = tpu.vector_load %arg9[%get3A_883, %get3A_884] {strides = array<i32>} : memref<64x384xf32, #tpu.memory_space<vmem>>, vector<1x16xf32>,
        %get3A_886 = vector.shape_cast %get3A_885 : vector<1x16xf32> to vector<16xf32>
        %add3A_887 = arith.addf %add3A_873, %get3A_886 : vector<16xf32>
        %get3A_888 = arith.constant 47 : i32
        %get3A_889 = arith.index_cast %get3A_888 : i32 to index
        %get3A_890 = arith.index_cast %mul3A_197 : i32 to index
        %get3A_891 = tpu.vector_load %arg9[%get3A_889, %get3A_890] {strides = array<i32>} : memref<64x384xf32, #tpu.memory_space<vmem>>, vector<1x16xf32>,
        %get3A_892 = vector.shape_cast %get3A_891 : vector<1x16xf32> to vector<16xf32>
        %add3A_893 = arith.addf %add3A_879, %get3A_892 : vector<16xf32>
        %add3A_894 = arith.constant 16 : i32
        %add3A_895 = arith.addi %mul3A_197, %add3A_894 : i32
        %get3A_896 = arith.constant 47 : i32
        %get3A_897 = arith.index_cast %get3A_896 : i32 to index
        %get3A_898 = arith.index_cast %add3A_895 : i32 to index
        %get3A_899 = tpu.vector_load %arg9[%get3A_897, %get3A_898] {strides = array<i32>} : memref<64x384xf32, #tpu.memory_space<vmem>>, vector<1x16xf32>,
        %get3A_900 = vector.shape_cast %get3A_899 : vector<1x16xf32> to vector<16xf32>
        %add3A_901 = arith.addf %add3A_887, %get3A_900 : vector<16xf32>
        %mul3A_902 = arith.constant 6.250000e-02 : f32
        %mul3A_903 = vector.broadcast %mul3A_902 : f32 to vector<16xf32>
        %mul3A_904 = arith.mulf %add3A_893, %mul3A_903 : vector<16xf32>
        %add3A_905 = arith.constant 768 : i32
        %add3A_906 = arith.addi %add3A_905, %mul3A_197 : i32
        %swap3A_907 = arith.index_cast %add3A_906 : i32 to index
        %swap3A_908 = tpu.vector_load %arg11[%swap3A_907] {strides = array<i32>} : memref<1536xf32, #tpu.memory_space<vmem>>, vector<16xf32>,
        %swap3A_909 = vector.shape_cast %swap3A_908 : vector<16xf32> to vector<16xf32>
        %swap3A_910 = vector.shape_cast %mul3A_904 : vector<16xf32> to vector<16xf32>
        tpu.vector_store %arg11[%swap3A_907], %swap3A_910 {strides = array<i32>} : memref<1536xf32, #tpu.memory_space<vmem>>, vector<16xf32>,
        %mul3A_911 = arith.constant 6.250000e-02 : f32
        %mul3A_912 = vector.broadcast %mul3A_911 : f32 to vector<16xf32>
        %mul3A_913 = arith.mulf %add3A_901, %mul3A_912 : vector<16xf32>
        %add3A_914 = arith.constant 768 : i32
        %add3A_915 = arith.addi %add3A_914, %mul3A_197 : i32
        %add3A_916 = arith.constant 16 : i32
        %add3A_917 = arith.addi %add3A_915, %add3A_916 : i32
        %swap3A_918 = arith.index_cast %add3A_917 : i32 to index
        %swap3A_919 = tpu.vector_load %arg11[%swap3A_918] {strides = array<i32>} : memref<1536xf32, #tpu.memory_space<vmem>>, vector<16xf32>,
        %swap3A_920 = vector.shape_cast %swap3A_919 : vector<16xf32> to vector<16xf32>
        %swap3A_921 = vector.shape_cast %mul3A_913 : vector<16xf32> to vector<16xf32>
        tpu.vector_store %arg11[%swap3A_918], %swap3A_921 {strides = array<i32>} : memref<1536xf32, #tpu.memory_space<vmem>>, vector<16xf32>,
        %get3A_922 = arith.constant 48 : i32
        %get3A_923 = arith.index_cast %get3A_922 : i32 to index
        %get3A_924 = arith.index_cast %mul3A_197 : i32 to index
        %get3A_925 = tpu.vector_load %arg9[%get3A_923, %get3A_924] {strides = array<i32>} : memref<64x384xf32, #tpu.memory_space<vmem>>, vector<1x16xf32>,
        %get3A_926 = vector.shape_cast %get3A_925 : vector<1x16xf32> to vector<16xf32>
        %add3A_927 = arith.constant 16 : i32
        %add3A_928 = arith.addi %mul3A_197, %add3A_927 : i32
        %get3A_929 = arith.constant 48 : i32
        %get3A_930 = arith.index_cast %get3A_929 : i32 to index
        %get3A_931 = arith.index_cast %add3A_928 : i32 to index
        %get3A_932 = tpu.vector_load %arg9[%get3A_930, %get3A_931] {strides = array<i32>} : memref<64x384xf32, #tpu.memory_space<vmem>>, vector<1x16xf32>,
        %get3A_933 = vector.shape_cast %get3A_932 : vector<1x16xf32> to vector<16xf32>
        %get3A_934 = arith.constant 49 : i32
        %get3A_935 = arith.index_cast %get3A_934 : i32 to index
        %get3A_936 = arith.index_cast %mul3A_197 : i32 to index
        %get3A_937 = tpu.vector_load %arg9[%get3A_935, %get3A_936] {strides = array<i32>} : memref<64x384xf32, #tpu.memory_space<vmem>>, vector<1x16xf32>,
        %get3A_938 = vector.shape_cast %get3A_937 : vector<1x16xf32> to vector<16xf32>
        %add3A_939 = arith.addf %get3A_926, %get3A_938 : vector<16xf32>
        %add3A_940 = arith.constant 16 : i32
        %add3A_941 = arith.addi %mul3A_197, %add3A_940 : i32
        %get3A_942 = arith.constant 49 : i32
        %get3A_943 = arith.index_cast %get3A_942 : i32 to index
        %get3A_944 = arith.index_cast %add3A_941 : i32 to index
        %get3A_945 = tpu.vector_load %arg9[%get3A_943, %get3A_944] {strides = array<i32>} : memref<64x384xf32, #tpu.memory_space<vmem>>, vector<1x16xf32>,
        %get3A_946 = vector.shape_cast %get3A_945 : vector<1x16xf32> to vector<16xf32>
        %add3A_947 = arith.addf %get3A_933, %get3A_946 : vector<16xf32>
        %get3A_948 = arith.constant 50 : i32
        %get3A_949 = arith.index_cast %get3A_948 : i32 to index
        %get3A_950 = arith.index_cast %mul3A_197 : i32 to index
        %get3A_951 = tpu.vector_load %arg9[%get3A_949, %get3A_950] {strides = array<i32>} : memref<64x384xf32, #tpu.memory_space<vmem>>, vector<1x16xf32>,
        %get3A_952 = vector.shape_cast %get3A_951 : vector<1x16xf32> to vector<16xf32>
        %add3A_953 = arith.addf %add3A_939, %get3A_952 : vector<16xf32>
        %add3A_954 = arith.constant 16 : i32
        %add3A_955 = arith.addi %mul3A_197, %add3A_954 : i32
        %get3A_956 = arith.constant 50 : i32
        %get3A_957 = arith.index_cast %get3A_956 : i32 to index
        %get3A_958 = arith.index_cast %add3A_955 : i32 to index
        %get3A_959 = tpu.vector_load %arg9[%get3A_957, %get3A_958] {strides = array<i32>} : memref<64x384xf32, #tpu.memory_space<vmem>>, vector<1x16xf32>,
        %get3A_960 = vector.shape_cast %get3A_959 : vector<1x16xf32> to vector<16xf32>
        %add3A_961 = arith.addf %add3A_947, %get3A_960 : vector<16xf32>
        %get3A_962 = arith.constant 51 : i32
        %get3A_963 = arith.index_cast %get3A_962 : i32 to index
        %get3A_964 = arith.index_cast %mul3A_197 : i32 to index
        %get3A_965 = tpu.vector_load %arg9[%get3A_963, %get3A_964] {strides = array<i32>} : memref<64x384xf32, #tpu.memory_space<vmem>>, vector<1x16xf32>,
        %get3A_966 = vector.shape_cast %get3A_965 : vector<1x16xf32> to vector<16xf32>
        %add3A_967 = arith.addf %add3A_953, %get3A_966 : vector<16xf32>
        %add3A_968 = arith.constant 16 : i32
        %add3A_969 = arith.addi %mul3A_197, %add3A_968 : i32
        %get3A_970 = arith.constant 51 : i32
        %get3A_971 = arith.index_cast %get3A_970 : i32 to index
        %get3A_972 = arith.index_cast %add3A_969 : i32 to index
        %get3A_973 = tpu.vector_load %arg9[%get3A_971, %get3A_972] {strides = array<i32>} : memref<64x384xf32, #tpu.memory_space<vmem>>, vector<1x16xf32>,
        %get3A_974 = vector.shape_cast %get3A_973 : vector<1x16xf32> to vector<16xf32>
        %add3A_975 = arith.addf %add3A_961, %get3A_974 : vector<16xf32>
        %get3A_976 = arith.constant 52 : i32
        %get3A_977 = arith.index_cast %get3A_976 : i32 to index
        %get3A_978 = arith.index_cast %mul3A_197 : i32 to index
        %get3A_979 = tpu.vector_load %arg9[%get3A_977, %get3A_978] {strides = array<i32>} : memref<64x384xf32, #tpu.memory_space<vmem>>, vector<1x16xf32>,
        %get3A_980 = vector.shape_cast %get3A_979 : vector<1x16xf32> to vector<16xf32>
        %add3A_981 = arith.addf %add3A_967, %get3A_980 : vector<16xf32>
        %add3A_982 = arith.constant 16 : i32
        %add3A_983 = arith.addi %mul3A_197, %add3A_982 : i32
        %get3A_984 = arith.constant 52 : i32
        %get3A_985 = arith.index_cast %get3A_984 : i32 to index
        %get3A_986 = arith.index_cast %add3A_983 : i32 to index
        %get3A_987 = tpu.vector_load %arg9[%get3A_985, %get3A_986] {strides = array<i32>} : memref<64x384xf32, #tpu.memory_space<vmem>>, vector<1x16xf32>,
        %get3A_988 = vector.shape_cast %get3A_987 : vector<1x16xf32> to vector<16xf32>
        %add3A_989 = arith.addf %add3A_975, %get3A_988 : vector<16xf32>
        %get3A_990 = arith.constant 53 : i32
        %get3A_991 = arith.index_cast %get3A_990 : i32 to index
        %get3A_992 = arith.index_cast %mul3A_197 : i32 to index
        %get3A_993 = tpu.vector_load %arg9[%get3A_991, %get3A_992] {strides = array<i32>} : memref<64x384xf32, #tpu.memory_space<vmem>>, vector<1x16xf32>,
        %get3A_994 = vector.shape_cast %get3A_993 : vector<1x16xf32> to vector<16xf32>
        %add3A_995 = arith.addf %add3A_981, %get3A_994 : vector<16xf32>
        %add3A_996 = arith.constant 16 : i32
        %add3A_997 = arith.addi %mul3A_197, %add3A_996 : i32
        %get3A_998 = arith.constant 53 : i32
        %get3A_999 = arith.index_cast %get3A_998 : i32 to index
        %get3A_1000 = arith.index_cast %add3A_997 : i32 to index
        %get3A_1001 = tpu.vector_load %arg9[%get3A_999, %get3A_1000] {strides = array<i32>} : memref<64x384xf32, #tpu.memory_space<vmem>>, vector<1x16xf32>,
        %get3A_1002 = vector.shape_cast %get3A_1001 : vector<1x16xf32> to vector<16xf32>
        %add3A_1003 = arith.addf %add3A_989, %get3A_1002 : vector<16xf32>
        %get3A_1004 = arith.constant 54 : i32
        %get3A_1005 = arith.index_cast %get3A_1004 : i32 to index
        %get3A_1006 = arith.index_cast %mul3A_197 : i32 to index
        %get3A_1007 = tpu.vector_load %arg9[%get3A_1005, %get3A_1006] {strides = array<i32>} : memref<64x384xf32, #tpu.memory_space<vmem>>, vector<1x16xf32>,
        %get3A_1008 = vector.shape_cast %get3A_1007 : vector<1x16xf32> to vector<16xf32>
        %add3A_1009 = arith.addf %add3A_995, %get3A_1008 : vector<16xf32>
        %add3A_1010 = arith.constant 16 : i32
        %add3A_1011 = arith.addi %mul3A_197, %add3A_1010 : i32
        %get3A_1012 = arith.constant 54 : i32
        %get3A_1013 = arith.index_cast %get3A_1012 : i32 to index
        %get3A_1014 = arith.index_cast %add3A_1011 : i32 to index
        %get3A_1015 = tpu.vector_load %arg9[%get3A_1013, %get3A_1014] {strides = array<i32>} : memref<64x384xf32, #tpu.memory_space<vmem>>, vector<1x16xf32>,
        %get3A_1016 = vector.shape_cast %get3A_1015 : vector<1x16xf32> to vector<16xf32>
        %add3A_1017 = arith.addf %add3A_1003, %get3A_1016 : vector<16xf32>
        %get3A_1018 = arith.constant 55 : i32
        %get3A_1019 = arith.index_cast %get3A_1018 : i32 to index
        %get3A_1020 = arith.index_cast %mul3A_197 : i32 to index
        %get3A_1021 = tpu.vector_load %arg9[%get3A_1019, %get3A_1020] {strides = array<i32>} : memref<64x384xf32, #tpu.memory_space<vmem>>, vector<1x16xf32>,
        %get3A_1022 = vector.shape_cast %get3A_1021 : vector<1x16xf32> to vector<16xf32>
        %add3A_1023 = arith.addf %add3A_1009, %get3A_1022 : vector<16xf32>
        %add3A_1024 = arith.constant 16 : i32
        %add3A_1025 = arith.addi %mul3A_197, %add3A_1024 : i32
        %get3A_1026 = arith.constant 55 : i32
        %get3A_1027 = arith.index_cast %get3A_1026 : i32 to index
        %get3A_1028 = arith.index_cast %add3A_1025 : i32 to index
        %get3A_1029 = tpu.vector_load %arg9[%get3A_1027, %get3A_1028] {strides = array<i32>} : memref<64x384xf32, #tpu.memory_space<vmem>>, vector<1x16xf32>,
        %get3A_1030 = vector.shape_cast %get3A_1029 : vector<1x16xf32> to vector<16xf32>
        %add3A_1031 = arith.addf %add3A_1017, %get3A_1030 : vector<16xf32>
        %get3A_1032 = arith.constant 56 : i32
        %get3A_1033 = arith.index_cast %get3A_1032 : i32 to index
        %get3A_1034 = arith.index_cast %mul3A_197 : i32 to index
        %get3A_1035 = tpu.vector_load %arg9[%get3A_1033, %get3A_1034] {strides = array<i32>} : memref<64x384xf32, #tpu.memory_space<vmem>>, vector<1x16xf32>,
        %get3A_1036 = vector.shape_cast %get3A_1035 : vector<1x16xf32> to vector<16xf32>
        %add3A_1037 = arith.addf %add3A_1023, %get3A_1036 : vector<16xf32>
        %add3A_1038 = arith.constant 16 : i32
        %add3A_1039 = arith.addi %mul3A_197, %add3A_1038 : i32
        %get3A_1040 = arith.constant 56 : i32
        %get3A_1041 = arith.index_cast %get3A_1040 : i32 to index
        %get3A_1042 = arith.index_cast %add3A_1039 : i32 to index
        %get3A_1043 = tpu.vector_load %arg9[%get3A_1041, %get3A_1042] {strides = array<i32>} : memref<64x384xf32, #tpu.memory_space<vmem>>, vector<1x16xf32>,
        %get3A_1044 = vector.shape_cast %get3A_1043 : vector<1x16xf32> to vector<16xf32>
        %add3A_1045 = arith.addf %add3A_1031, %get3A_1044 : vector<16xf32>
        %get3A_1046 = arith.constant 57 : i32
        %get3A_1047 = arith.index_cast %get3A_1046 : i32 to index
        %get3A_1048 = arith.index_cast %mul3A_197 : i32 to index
        %get3A_1049 = tpu.vector_load %arg9[%get3A_1047, %get3A_1048] {strides = array<i32>} : memref<64x384xf32, #tpu.memory_space<vmem>>, vector<1x16xf32>,
        %get3A_1050 = vector.shape_cast %get3A_1049 : vector<1x16xf32> to vector<16xf32>
        %add3A_1051 = arith.addf %add3A_1037, %get3A_1050 : vector<16xf32>
        %add3A_1052 = arith.constant 16 : i32
        %add3A_1053 = arith.addi %mul3A_197, %add3A_1052 : i32
        %get3A_1054 = arith.constant 57 : i32
        %get3A_1055 = arith.index_cast %get3A_1054 : i32 to index
        %get3A_1056 = arith.index_cast %add3A_1053 : i32 to index
        %get3A_1057 = tpu.vector_load %arg9[%get3A_1055, %get3A_1056] {strides = array<i32>} : memref<64x384xf32, #tpu.memory_space<vmem>>, vector<1x16xf32>,
        %get3A_1058 = vector.shape_cast %get3A_1057 : vector<1x16xf32> to vector<16xf32>
        %add3A_1059 = arith.addf %add3A_1045, %get3A_1058 : vector<16xf32>
        %get3A_1060 = arith.constant 58 : i32
        %get3A_1061 = arith.index_cast %get3A_1060 : i32 to index
        %get3A_1062 = arith.index_cast %mul3A_197 : i32 to index
        %get3A_1063 = tpu.vector_load %arg9[%get3A_1061, %get3A_1062] {strides = array<i32>} : memref<64x384xf32, #tpu.memory_space<vmem>>, vector<1x16xf32>,
        %get3A_1064 = vector.shape_cast %get3A_1063 : vector<1x16xf32> to vector<16xf32>
        %add3A_1065 = arith.addf %add3A_1051, %get3A_1064 : vector<16xf32>
        %add3A_1066 = arith.constant 16 : i32
        %add3A_1067 = arith.addi %mul3A_197, %add3A_1066 : i32
        %get3A_1068 = arith.constant 58 : i32
        %get3A_1069 = arith.index_cast %get3A_1068 : i32 to index
        %get3A_1070 = arith.index_cast %add3A_1067 : i32 to index
        %get3A_1071 = tpu.vector_load %arg9[%get3A_1069, %get3A_1070] {strides = array<i32>} : memref<64x384xf32, #tpu.memory_space<vmem>>, vector<1x16xf32>,
        %get3A_1072 = vector.shape_cast %get3A_1071 : vector<1x16xf32> to vector<16xf32>
        %add3A_1073 = arith.addf %add3A_1059, %get3A_1072 : vector<16xf32>
        %get3A_1074 = arith.constant 59 : i32
        %get3A_1075 = arith.index_cast %get3A_1074 : i32 to index
        %get3A_1076 = arith.index_cast %mul3A_197 : i32 to index
        %get3A_1077 = tpu.vector_load %arg9[%get3A_1075, %get3A_1076] {strides = array<i32>} : memref<64x384xf32, #tpu.memory_space<vmem>>, vector<1x16xf32>,
        %get3A_1078 = vector.shape_cast %get3A_1077 : vector<1x16xf32> to vector<16xf32>
        %add3A_1079 = arith.addf %add3A_1065, %get3A_1078 : vector<16xf32>
        %add3A_1080 = arith.constant 16 : i32
        %add3A_1081 = arith.addi %mul3A_197, %add3A_1080 : i32
        %get3A_1082 = arith.constant 59 : i32
        %get3A_1083 = arith.index_cast %get3A_1082 : i32 to index
        %get3A_1084 = arith.index_cast %add3A_1081 : i32 to index
        %get3A_1085 = tpu.vector_load %arg9[%get3A_1083, %get3A_1084] {strides = array<i32>} : memref<64x384xf32, #tpu.memory_space<vmem>>, vector<1x16xf32>,
        %get3A_1086 = vector.shape_cast %get3A_1085 : vector<1x16xf32> to vector<16xf32>
        %add3A_1087 = arith.addf %add3A_1073, %get3A_1086 : vector<16xf32>
        %get3A_1088 = arith.constant 60 : i32
        %get3A_1089 = arith.index_cast %get3A_1088 : i32 to index
        %get3A_1090 = arith.index_cast %mul3A_197 : i32 to index
        %get3A_1091 = tpu.vector_load %arg9[%get3A_1089, %get3A_1090] {strides = array<i32>} : memref<64x384xf32, #tpu.memory_space<vmem>>, vector<1x16xf32>,
        %get3A_1092 = vector.shape_cast %get3A_1091 : vector<1x16xf32> to vector<16xf32>
        %add3A_1093 = arith.addf %add3A_1079, %get3A_1092 : vector<16xf32>
        %add3A_1094 = arith.constant 16 : i32
        %add3A_1095 = arith.addi %mul3A_197, %add3A_1094 : i32
        %get3A_1096 = arith.constant 60 : i32
        %get3A_1097 = arith.index_cast %get3A_1096 : i32 to index
        %get3A_1098 = arith.index_cast %add3A_1095 : i32 to index
        %get3A_1099 = tpu.vector_load %arg9[%get3A_1097, %get3A_1098] {strides = array<i32>} : memref<64x384xf32, #tpu.memory_space<vmem>>, vector<1x16xf32>,
        %get3A_1100 = vector.shape_cast %get3A_1099 : vector<1x16xf32> to vector<16xf32>
        %add3A_1101 = arith.addf %add3A_1087, %get3A_1100 : vector<16xf32>
        %get3A_1102 = arith.constant 61 : i32
        %get3A_1103 = arith.index_cast %get3A_1102 : i32 to index
        %get3A_1104 = arith.index_cast %mul3A_197 : i32 to index
        %get3A_1105 = tpu.vector_load %arg9[%get3A_1103, %get3A_1104] {strides = array<i32>} : memref<64x384xf32, #tpu.memory_space<vmem>>, vector<1x16xf32>,
        %get3A_1106 = vector.shape_cast %get3A_1105 : vector<1x16xf32> to vector<16xf32>
        %add3A_1107 = arith.addf %add3A_1093, %get3A_1106 : vector<16xf32>
        %add3A_1108 = arith.constant 16 : i32
        %add3A_1109 = arith.addi %mul3A_197, %add3A_1108 : i32
        %get3A_1110 = arith.constant 61 : i32
        %get3A_1111 = arith.index_cast %get3A_1110 : i32 to index
        %get3A_1112 = arith.index_cast %add3A_1109 : i32 to index
        %get3A_1113 = tpu.vector_load %arg9[%get3A_1111, %get3A_1112] {strides = array<i32>} : memref<64x384xf32, #tpu.memory_space<vmem>>, vector<1x16xf32>,
        %get3A_1114 = vector.shape_cast %get3A_1113 : vector<1x16xf32> to vector<16xf32>
        %add3A_1115 = arith.addf %add3A_1101, %get3A_1114 : vector<16xf32>
        %get3A_1116 = arith.constant 62 : i32
        %get3A_1117 = arith.index_cast %get3A_1116 : i32 to index
        %get3A_1118 = arith.index_cast %mul3A_197 : i32 to index
        %get3A_1119 = tpu.vector_load %arg9[%get3A_1117, %get3A_1118] {strides = array<i32>} : memref<64x384xf32, #tpu.memory_space<vmem>>, vector<1x16xf32>,
        %get3A_1120 = vector.shape_cast %get3A_1119 : vector<1x16xf32> to vector<16xf32>
        %add3A_1121 = arith.addf %add3A_1107, %get3A_1120 : vector<16xf32>
        %add3A_1122 = arith.constant 16 : i32
        %add3A_1123 = arith.addi %mul3A_197, %add3A_1122 : i32
        %get3A_1124 = arith.constant 62 : i32
        %get3A_1125 = arith.index_cast %get3A_1124 : i32 to index
        %get3A_1126 = arith.index_cast %add3A_1123 : i32 to index
        %get3A_1127 = tpu.vector_load %arg9[%get3A_1125, %get3A_1126] {strides = array<i32>} : memref<64x384xf32, #tpu.memory_space<vmem>>, vector<1x16xf32>,
        %get3A_1128 = vector.shape_cast %get3A_1127 : vector<1x16xf32> to vector<16xf32>
        %add3A_1129 = arith.addf %add3A_1115, %get3A_1128 : vector<16xf32>
        %get3A_1130 = arith.constant 63 : i32
        %get3A_1131 = arith.index_cast %get3A_1130 : i32 to index
        %get3A_1132 = arith.index_cast %mul3A_197 : i32 to index
        %get3A_1133 = tpu.vector_load %arg9[%get3A_1131, %get3A_1132] {strides = array<i32>} : memref<64x384xf32, #tpu.memory_space<vmem>>, vector<1x16xf32>,
        %get3A_1134 = vector.shape_cast %get3A_1133 : vector<1x16xf32> to vector<16xf32>
        %add3A_1135 = arith.addf %add3A_1121, %get3A_1134 : vector<16xf32>
        %add3A_1136 = arith.constant 16 : i32
        %add3A_1137 = arith.addi %mul3A_197, %add3A_1136 : i32
        %get3A_1138 = arith.constant 63 : i32
        %get3A_1139 = arith.index_cast %get3A_1138 : i32 to index
        %get3A_1140 = arith.index_cast %add3A_1137 : i32 to index
        %get3A_1141 = tpu.vector_load %arg9[%get3A_1139, %get3A_1140] {strides = array<i32>} : memref<64x384xf32, #tpu.memory_space<vmem>>, vector<1x16xf32>,
        %get3A_1142 = vector.shape_cast %get3A_1141 : vector<1x16xf32> to vector<16xf32>
        %add3A_1143 = arith.addf %add3A_1129, %get3A_1142 : vector<16xf32>
        %mul3A_1144 = arith.constant 6.250000e-02 : f32
        %mul3A_1145 = vector.broadcast %mul3A_1144 : f32 to vector<16xf32>
        %mul3A_1146 = arith.mulf %add3A_1135, %mul3A_1145 : vector<16xf32>
        %add3A_1147 = arith.constant 1152 : i32
        %add3A_1148 = arith.addi %add3A_1147, %mul3A_197 : i32
        %swap3A_1149 = arith.index_cast %add3A_1148 : i32 to index
        %swap3A_1150 = tpu.vector_load %arg11[%swap3A_1149] {strides = array<i32>} : memref<1536xf32, #tpu.memory_space<vmem>>, vector<16xf32>,
        %swap3A_1151 = vector.shape_cast %swap3A_1150 : vector<16xf32> to vector<16xf32>
        %swap3A_1152 = vector.shape_cast %mul3A_1146 : vector<16xf32> to vector<16xf32>
        tpu.vector_store %arg11[%swap3A_1149], %swap3A_1152 {strides = array<i32>} : memref<1536xf32, #tpu.memory_space<vmem>>, vector<16xf32>,
        %mul3A_1153 = arith.constant 6.250000e-02 : f32
        %mul3A_1154 = vector.broadcast %mul3A_1153 : f32 to vector<16xf32>
        %mul3A_1155 = arith.mulf %add3A_1143, %mul3A_1154 : vector<16xf32>
        %add3A_1156 = arith.constant 1152 : i32
        %add3A_1157 = arith.addi %add3A_1156, %mul3A_197 : i32
        %add3A_1158 = arith.constant 16 : i32
        %add3A_1159 = arith.addi %add3A_1157, %add3A_1158 : i32
        %swap3A_1160 = arith.index_cast %add3A_1159 : i32 to index
        %swap3A_1161 = tpu.vector_load %arg11[%swap3A_1160] {strides = array<i32>} : memref<1536xf32, #tpu.memory_space<vmem>>, vector<16xf32>,
        %swap3A_1162 = vector.shape_cast %swap3A_1161 : vector<16xf32> to vector<16xf32>
        %swap3A_1163 = vector.shape_cast %mul3A_1155 : vector<16xf32> to vector<16xf32>
        tpu.vector_store %arg11[%swap3A_1160], %swap3A_1163 {strides = array<i32>} : memref<1536xf32, #tpu.memory_space<vmem>>, vector<16xf32>,
      }
      %scan3A_145 = arith.constant 12 : i32
      %mul3A_146 = arith.constant 4 : i32
      %mul3A_147 = arith.muli %add3A_128, %mul3A_146 : i32
      %add3A_148 = arith.addi %mul3A_2, %mul3A_147 : i32
      %mul3A_149 = arith.constant 384 : i32
      %mul3A_150 = arith.muli %add3A_148, %mul3A_149 : i32
      %dma_start3A_151 = tpu.memref_slice %arg5[%mul3A_150] : memref<3932160xf32, #tpu.memory_space<hbm>> -> memref<1536xf32, #tpu.memory_space<hbm>>
      %dma_start3A_152 = tpu.memref_slice %arg5[%mul3A_150] : memref<3932160xf32, #tpu.memory_space<hbm>> -> memref<1536xf32, #tpu.memory_space<hbm>>
      tpu.enqueue_dma source(%arg11 : memref<1536xf32, #tpu.memory_space<vmem>>) target(%dma_start3A_152 : memref<1536xf32, #tpu.memory_space<hbm>>) target_semaphore(%arg21 : memref<!tpu.dma_semaphore, #tpu.memory_space<semaphore_mem>>)
      %mul3A_153 = arith.constant 64 : i32
      %mul3A_154 = arith.muli %add3A_128, %mul3A_153 : i32
      %dma_wait3A_155 = tpu.memref_slice %arg7[%mul3A_154] : memref<5120xi32, #tpu.memory_space<vmem>> -> memref<64xi32, #tpu.memory_space<vmem>>
      %dma_wait3A_156 = arith.constant 0 : i32
      %dma_wait3A_157 = arith.constant 0 : i32
      %dma_wait3A_158 = tpu.memref_slice %arg4[%dma_wait3A_156, %dma_wait3A_157] : memref<50000x128xf32, #tpu.memory_space<hbm>> -> memref<50000x128xf32, #tpu.memory_space<hbm>>
      tpu.wait_indirect_dma semaphore(%arg19 : memref<!tpu.dma_semaphore, #tpu.memory_space<semaphore_mem>>) src(%dma_wait3A_158 : memref<50000x128xf32, #tpu.memory_space<hbm>>) dst(%arg13 : memref<64x128xf32, #tpu.memory_space<vmem>>)
      %ge3A_159 = arith.constant 1 : i32
      %ge3A_160 = arith.cmpi sge, %scan3A_60, %ge3A_159 : i32
      %convert_element_type3A_161 = arith.extui %ge3A_160 : i1 to i32
      %cond3A_162 = arith.constant 0 : i32
      %cond3A_163 = arith.cmpi ne, %convert_element_type3A_161, %cond3A_162 : i32
      scf.if %cond3A_163 {
        %mul3A_195 = arith.constant 64 : i32
        %mul3A_196 = arith.muli %add3A_128, %mul3A_195 : i32
        %add3A_197 = arith.addi %mul3A_4, %mul3A_196 : i32
        %mul3A_198 = arith.constant 8 : i32
        %mul3A_199 = arith.muli %add3A_197, %mul3A_198 : i32
        %dma_wait3A_200 = arith.constant 0 : i32
        %dma_wait3A_201 = tpu.memref_slice %arg15[%dma_wait3A_200] : memref<528xf32, #tpu.memory_space<vmem>> -> memref<512xf32, #tpu.memory_space<vmem>>
        %dma_wait3A_202 = tpu.memref_slice %arg6[%mul3A_199] : memref<1310720xf32, #tpu.memory_space<hbm>> -> memref<512xf32, #tpu.memory_space<hbm>>
        %dma_wait3A_203 = tpu.memref_slice %arg6[%mul3A_199] : memref<1310720xf32, #tpu.memory_space<hbm>> -> memref<512xf32, #tpu.memory_space<hbm>>
        %dma_wait3A_204 = arith.constant 0 : i32
        %dma_wait3A_205 = tpu.memref_slice %arg15[%dma_wait3A_204] : memref<528xf32, #tpu.memory_space<vmem>> -> memref<512xf32, #tpu.memory_space<vmem>>
        tpu.wait_dma2 semaphore(%arg23 : memref<!tpu.dma_semaphore, #tpu.memory_space<semaphore_mem>>) src(%dma_wait3A_205 : memref<512xf32, #tpu.memory_space<vmem>>) dst(%dma_wait3A_203 : memref<512xf32, #tpu.memory_space<hbm>>)
      } else {
      }
      %iota3A_164 = tpu.iota {dimensions = array<i32: 0>} : vector<16xi32>
      %add3A_165 = arith.constant 8 : i32
      %add3A_166 = vector.broadcast %add3A_165 : i32 to vector<16xi32>
      %add3A_167 = arith.addi %iota3A_164, %add3A_166 : vector<16xi32>
      %and3A_168 = arith.constant 15 : i32
      %and3A_169 = vector.broadcast %and3A_168 : i32 to vector<16xi32>
      %and3A_170 = arith.andi %add3A_167, %and3A_169 : vector<16xi32>
      %scan3A_171 = arith.constant 0 : i32
      %scan3A_172 = arith.constant 0 : i32
      %scan3A_173 = arith.constant 32 : i32
      %scan3A_174 = arith.addi %scan3A_172, %scan3A_173 : i32
      %scan3A_175 = arith.constant 1 : i32
      scf.for %scan3A_195 = %scan3A_172 to %scan3A_174 step %scan3A_175  : i32 {
        %mul3A_196 = arith.constant 2 : i32
        %mul3A_197 = arith.muli %mul3A_196, %scan3A_195 : i32
        %get3A = arith.index_cast %mul3A_197 : i32 to index
        %get3A_198 = arith.constant 0 : index
        %get3A_199 = tpu.vector_load %arg13[%get3A, %get3A_198] {strides = array<i32>} : memref<64x128xf32, #tpu.memory_space<vmem>>, vector<1x16xf32>,
        %get3A_200 = vector.shape_cast %get3A_199 : vector<1x16xf32> to vector<16xf32>
        %mul3A_201 = arith.constant 2 : i32
        %mul3A_202 = arith.muli %mul3A_201, %scan3A_195 : i32
        %add3A_203 = arith.constant 1 : i32
        %add3A_204 = arith.addi %mul3A_202, %add3A_203 : i32
        %get3A_205 = arith.index_cast %add3A_204 : i32 to index
        %get3A_206 = arith.constant 0 : index
        %get3A_207 = tpu.vector_load %arg13[%get3A_205, %get3A_206] {strides = array<i32>} : memref<64x128xf32, #tpu.memory_space<vmem>>, vector<1x16xf32>,
        %get3A_208 = vector.shape_cast %get3A_207 : vector<1x16xf32> to vector<16xf32>
        %lt3A_209 = arith.constant 8 : i32
        %lt3A_210 = vector.broadcast %lt3A_209 : i32 to vector<16xi32>
        %lt3A_211 = arith.cmpi slt, %iota3A_164, %lt3A_210 : vector<16xi32>
        %lt3A_212 = arith.constant 0 : i32
        %lt3A_213 = vector.broadcast %lt3A_212 : i32 to vector<16xi32>
        %lt3A_214 = arith.cmpi slt, %and3A_170, %lt3A_213 : vector<16xi32>
        %add3A_215 = arith.constant 16 : i32
        %add3A_216 = vector.broadcast %add3A_215 : i32 to vector<16xi32>
        %add3A_217 = arith.addi %and3A_170, %add3A_216 : vector<16xi32>
        %select_n3A = arith.select %lt3A_214, %add3A_217, %and3A_170 : vector<16xi1>, vector<16xi32>
        %broadcast_in_dim3A = vector.shape_cast %select_n3A : vector<16xi32> to vector<16x1xi32>
        %gather3A = vector.shape_cast %broadcast_in_dim3A : vector<16x1xi32> to vector<16xi32>
        %gather3A_218 = tpu.dynamic_gather %get3A_208[%gather3A] in [0] : vector<16xf32>, vector<16xi32> -> vector<16xf32>
        %select_n3A_219 = arith.select %lt3A_211, %get3A_200, %gather3A_218 : vector<16xi1>, vector<16xf32>
        %mul3A_220 = arith.constant 16 : i32
        %mul3A_221 = arith.muli %scan3A_195, %mul3A_220 : i32
        %swap3A = arith.index_cast %mul3A_221 : i32 to index
        %swap3A_222 = tpu.vector_load %arg15[%swap3A] {strides = array<i32>} : memref<528xf32, #tpu.memory_space<vmem>>, vector<16xf32>,
        %swap3A_223 = vector.shape_cast %swap3A_222 : vector<16xf32> to vector<16xf32>
        %swap3A_224 = vector.shape_cast %select_n3A_219 : vector<16xf32> to vector<16xf32>
        tpu.vector_store %arg15[%swap3A], %swap3A_224 {strides = array<i32>} : memref<528xf32, #tpu.memory_space<vmem>>, vector<16xf32>,
      }
      %scan3A_176 = arith.constant 32 : i32
      %mul3A_177 = arith.constant 64 : i32
      %mul3A_178 = arith.muli %add3A_128, %mul3A_177 : i32
      %add3A_179 = arith.addi %mul3A_4, %mul3A_178 : i32
      %mul3A_180 = arith.constant 8 : i32
      %mul3A_181 = arith.muli %add3A_179, %mul3A_180 : i32
      %dma_start3A_182 = arith.constant 0 : i32
      %dma_start3A_183 = tpu.memref_slice %arg15[%dma_start3A_182] : memref<528xf32, #tpu.memory_space<vmem>> -> memref<512xf32, #tpu.memory_space<vmem>>
      %dma_start3A_184 = tpu.memref_slice %arg6[%mul3A_181] : memref<1310720xf32, #tpu.memory_space<hbm>> -> memref<512xf32, #tpu.memory_space<hbm>>
      %dma_start3A_185 = tpu.memref_slice %arg6[%mul3A_181] : memref<1310720xf32, #tpu.memory_space<hbm>> -> memref<512xf32, #tpu.memory_space<hbm>>
      %dma_start3A_186 = arith.constant 0 : i32
      %dma_start3A_187 = tpu.memref_slice %arg15[%dma_start3A_186] : memref<528xf32, #tpu.memory_space<vmem>> -> memref<512xf32, #tpu.memory_space<vmem>>
      tpu.enqueue_dma source(%dma_start3A_187 : memref<512xf32, #tpu.memory_space<vmem>>) target(%dma_start3A_185 : memref<512xf32, #tpu.memory_space<hbm>>) target_semaphore(%arg23 : memref<!tpu.dma_semaphore, #tpu.memory_space<semaphore_mem>>)
      %add3A_188 = arith.constant 2 : i32
      %add3A_189 = arith.addi %add3A_128, %add3A_188 : i32
      %lt3A_190 = arith.constant 80 : i32
      %lt3A_191 = arith.cmpi slt, %add3A_189, %lt3A_190 : i32
      %convert_element_type3A_192 = arith.extui %lt3A_191 : i1 to i32
      %cond3A_193 = arith.constant 0 : i32
      %cond3A_194 = arith.cmpi ne, %convert_element_type3A_192, %cond3A_193 : i32
      scf.if %cond3A_194 {
        %add3A_195 = arith.constant 2 : i32
        %add3A_196 = arith.addi %add3A_128, %add3A_195 : i32
        %mul3A_197 = arith.constant 64 : i32
        %mul3A_198 = arith.muli %add3A_196, %mul3A_197 : i32
        %dma_start3A_199 = tpu.memref_slice %arg7[%mul3A_198] : memref<5120xi32, #tpu.memory_space<vmem>> -> memref<64xi32, #tpu.memory_space<vmem>>
        %dma_start3A_200 = arith.constant 0 : i32
        %dma_start3A_201 = arith.constant 0 : i32
        %dma_start3A_202 = tpu.memref_slice %arg3[%dma_start3A_200, %dma_start3A_201] : memref<50000x384xf32, #tpu.memory_space<hbm>> -> memref<50000x384xf32, #tpu.memory_space<hbm>>
        tpu.enqueue_indirect_dma source(%dma_start3A_202 : memref<50000x384xf32, #tpu.memory_space<hbm>>) target(%arg9 : memref<64x384xf32, #tpu.memory_space<vmem>>) offsets(%dma_start3A_199 : memref<64xi32, #tpu.memory_space<vmem>>) semaphore(%arg17 : memref<!tpu.dma_semaphore, #tpu.memory_space<semaphore_mem>>)
        %add3A_203 = arith.constant 2 : i32
        %add3A_204 = arith.addi %add3A_128, %add3A_203 : i32
        %mul3A_205 = arith.constant 64 : i32
        %mul3A_206 = arith.muli %add3A_204, %mul3A_205 : i32
        %dma_start3A_207 = tpu.memref_slice %arg7[%mul3A_206] : memref<5120xi32, #tpu.memory_space<vmem>> -> memref<64xi32, #tpu.memory_space<vmem>>
        %dma_start3A_208 = arith.constant 0 : i32
        %dma_start3A_209 = arith.constant 0 : i32
        %dma_start3A_210 = tpu.memref_slice %arg4[%dma_start3A_208, %dma_start3A_209] : memref<50000x128xf32, #tpu.memory_space<hbm>> -> memref<50000x128xf32, #tpu.memory_space<hbm>>
        tpu.enqueue_indirect_dma source(%dma_start3A_210 : memref<50000x128xf32, #tpu.memory_space<hbm>>) target(%arg13 : memref<64x128xf32, #tpu.memory_space<vmem>>) offsets(%dma_start3A_207 : memref<64xi32, #tpu.memory_space<vmem>>) semaphore(%arg19 : memref<!tpu.dma_semaphore, #tpu.memory_space<semaphore_mem>>)
      } else {
      }
    }
    %scan3A_28 = arith.constant 40 : i32
    %add3A_29 = arith.constant 312 : i32
    %add3A_30 = arith.addi %mul3A_2, %add3A_29 : i32
    %mul3A_31 = arith.constant 384 : i32
    %mul3A_32 = arith.muli %add3A_30, %mul3A_31 : i32
    %dma_wait3A = tpu.memref_slice %arg5[%mul3A_32] : memref<3932160xf32, #tpu.memory_space<hbm>> -> memref<1536xf32, #tpu.memory_space<hbm>>
    %dma_wait3A_33 = tpu.memref_slice %arg5[%mul3A_32] : memref<3932160xf32, #tpu.memory_space<hbm>> -> memref<1536xf32, #tpu.memory_space<hbm>>
    tpu.wait_dma2 semaphore(%arg20 : memref<!tpu.dma_semaphore, #tpu.memory_space<semaphore_mem>>) src(%arg10 : memref<1536xf32, #tpu.memory_space<vmem>>) dst(%dma_wait3A_33 : memref<1536xf32, #tpu.memory_space<hbm>>)
    %add3A_34 = arith.constant 4992 : i32
    %add3A_35 = arith.addi %mul3A_4, %add3A_34 : i32
    %mul3A_36 = arith.constant 8 : i32
    %mul3A_37 = arith.muli %add3A_35, %mul3A_36 : i32
    %dma_wait3A_38 = arith.constant 0 : i32
    %dma_wait3A_39 = tpu.memref_slice %arg14[%dma_wait3A_38] : memref<528xf32, #tpu.memory_space<vmem>> -> memref<512xf32, #tpu.memory_space<vmem>>
    %dma_wait3A_40 = tpu.memref_slice %arg6[%mul3A_37] : memref<1310720xf32, #tpu.memory_space<hbm>> -> memref<512xf32, #tpu.memory_space<hbm>>
    %dma_wait3A_41 = tpu.memref_slice %arg6[%mul3A_37] : memref<1310720xf32, #tpu.memory_space<hbm>> -> memref<512xf32, #tpu.memory_space<hbm>>
    %dma_wait3A_42 = arith.constant 0 : i32
    %dma_wait3A_43 = tpu.memref_slice %arg14[%dma_wait3A_42] : memref<528xf32, #tpu.memory_space<vmem>> -> memref<512xf32, #tpu.memory_space<vmem>>
    tpu.wait_dma2 semaphore(%arg22 : memref<!tpu.dma_semaphore, #tpu.memory_space<semaphore_mem>>) src(%dma_wait3A_43 : memref<512xf32, #tpu.memory_space<vmem>>) dst(%dma_wait3A_41 : memref<512xf32, #tpu.memory_space<hbm>>)
    %add3A_44 = arith.constant 316 : i32
    %add3A_45 = arith.addi %mul3A_2, %add3A_44 : i32
    %mul3A_46 = arith.constant 384 : i32
    %mul3A_47 = arith.muli %add3A_45, %mul3A_46 : i32
    %dma_wait3A_48 = tpu.memref_slice %arg5[%mul3A_47] : memref<3932160xf32, #tpu.memory_space<hbm>> -> memref<1536xf32, #tpu.memory_space<hbm>>
    %dma_wait3A_49 = tpu.memref_slice %arg5[%mul3A_47] : memref<3932160xf32, #tpu.memory_space<hbm>> -> memref<1536xf32, #tpu.memory_space<hbm>>
    tpu.wait_dma2 semaphore(%arg21 : memref<!tpu.dma_semaphore, #tpu.memory_space<semaphore_mem>>) src(%arg11 : memref<1536xf32, #tpu.memory_space<vmem>>) dst(%dma_wait3A_49 : memref<1536xf32, #tpu.memory_space<hbm>>)
    %add3A_50 = arith.constant 5056 : i32
    %add3A_51 = arith.addi %mul3A_4, %add3A_50 : i32
    %mul3A_52 = arith.constant 8 : i32
    %mul3A_53 = arith.muli %add3A_51, %mul3A_52 : i32
    %dma_wait3A_54 = arith.constant 0 : i32
    %dma_wait3A_55 = tpu.memref_slice %arg15[%dma_wait3A_54] : memref<528xf32, #tpu.memory_space<vmem>> -> memref<512xf32, #tpu.memory_space<vmem>>
    %dma_wait3A_56 = tpu.memref_slice %arg6[%mul3A_53] : memref<1310720xf32, #tpu.memory_space<hbm>> -> memref<512xf32, #tpu.memory_space<hbm>>
    %dma_wait3A_57 = tpu.memref_slice %arg6[%mul3A_53] : memref<1310720xf32, #tpu.memory_space<hbm>> -> memref<512xf32, #tpu.memory_space<hbm>>
    %dma_wait3A_58 = arith.constant 0 : i32
    %dma_wait3A_59 = tpu.memref_slice %arg15[%dma_wait3A_58] : memref<528xf32, #tpu.memory_space<vmem>> -> memref<512xf32, #tpu.memory_space<vmem>>
    tpu.wait_dma2 semaphore(%arg23 : memref<!tpu.dma_semaphore, #tpu.memory_space<semaphore_mem>>) src(%dma_wait3A_59 : memref<512xf32, #tpu.memory_space<vmem>>) dst(%dma_wait3A_57 : memref<512xf32, #tpu.memory_space<hbm>>)
    return
  }
}

module attributes {stable_mosaic.version = 14 : i64} {
  func.func @_tc_body(%arg0: i32, %arg1: memref<8x2048xf32, #tpu.memory_space<vmem>>, %arg2: memref<3x128xf32, #tpu.memory_space<vmem>>, %arg3: memref<128x384xf32, #tpu.memory_space<vmem>>, %arg4: memref<64x4xf32, #tpu.memory_space<vmem>>, %arg5: memref<64x1xf32, #tpu.memory_space<vmem>>, %arg6: memref<64x64xf32, #tpu.memory_space<vmem>>, %arg7: memref<64x1xf32, #tpu.memory_space<vmem>>, %arg8: memref<42x64xf32, #tpu.memory_space<vmem>>, %arg9: memref<42x1xf32, #tpu.memory_space<vmem>>, %arg10: memref<128x42xf32, #tpu.memory_space<vmem>>, %arg11: memref<128x1xf32, #tpu.memory_space<vmem>>, %arg12: memref<384x384xf32, #tpu.memory_space<vmem>>, %arg13: memref<128x2048xf32, #tpu.memory_space<vmem>>, %arg14: memref<2048x128xf32, #tpu.memory_space<vmem>>, %arg15: memref<2048x128xf32, #tpu.memory_space<vmem>>, %arg16: memref<128x384xf32, #tpu.memory_space<vmem>>, %arg17: memref<128x384xf32, #tpu.memory_space<vmem>>) attributes {dimension_semantics = [#tpu.dimension_semantics<arbitrary>], iteration_bounds = array<i64: 80>, scalar_prefetch = 0 : i64, scratch_operands = 0 : i64, tpu.core_type = #tpu.core_type<tc>, window_params = [{transform_indices = @transform_0, window_bounds = array<i64: 8, 2048>}, {transform_indices = @transform_1, window_bounds = array<i64: 3, 128>}, {transform_indices = @transform_2, window_bounds = array<i64: 128, 384>}, {pipeline_mode = #tpu.pipeline_mode<synchronous>, transform_indices = @transform_3, window_bounds = array<i64: 64, 4>}, {pipeline_mode = #tpu.pipeline_mode<synchronous>, transform_indices = @transform_4, window_bounds = array<i64: 64, 1>}, {pipeline_mode = #tpu.pipeline_mode<synchronous>, transform_indices = @transform_5, window_bounds = array<i64: 64, 64>}, {pipeline_mode = #tpu.pipeline_mode<synchronous>, transform_indices = @transform_6, window_bounds = array<i64: 64, 1>}, {pipeline_mode = #tpu.pipeline_mode<synchronous>, transform_indices = @transform_7, window_bounds = array<i64: 42, 64>}, {pipeline_mode = #tpu.pipeline_mode<synchronous>, transform_indices = @transform_8, window_bounds = array<i64: 42, 1>}, {pipeline_mode = #tpu.pipeline_mode<synchronous>, transform_indices = @transform_9, window_bounds = array<i64: 128, 42>}, {pipeline_mode = #tpu.pipeline_mode<synchronous>, transform_indices = @transform_10, window_bounds = array<i64: 128, 1>}, {pipeline_mode = #tpu.pipeline_mode<synchronous>, transform_indices = @transform_11, window_bounds = array<i64: 384, 384>}, {pipeline_mode = #tpu.pipeline_mode<synchronous>, transform_indices = @transform_12, window_bounds = array<i64: 128, 2048>}, {pipeline_mode = #tpu.pipeline_mode<synchronous>, transform_indices = @transform_13, window_bounds = array<i64: 2048, 128>}, {pipeline_mode = #tpu.pipeline_mode<synchronous>, transform_indices = @transform_14, window_bounds = array<i64: 2048, 128>}, {pipeline_mode = #tpu.pipeline_mode<synchronous>, transform_indices = @transform_15, window_bounds = array<i64: 128, 384>}, {transform_indices = @transform_16, window_bounds = array<i64: 128, 384>}]} {
    %get3A = arith.constant 0 : index
    %get3A_0 = arith.constant 0 : index
    %get3A_1 = vector.load %arg1[%get3A, %get3A_0] : memref<8x2048xf32, #tpu.memory_space<vmem>>, vector<8x2048xf32>
    %slice3A = vector.extract_strided_slice %get3A_1 {offsets = [0, 0], sizes = [3, 2048], strides = [1, 1]} : vector<8x2048xf32> to vector<3x2048xf32>
    %slice3A_2 = vector.extract_strided_slice %get3A_1 {offsets = [3, 0], sizes = [3, 2048], strides = [1, 1]} : vector<8x2048xf32> to vector<3x2048xf32>
    %get3A_3 = arith.constant 0 : index
    %get3A_4 = arith.constant 0 : index
    %get3A_5 = vector.load %arg13[%get3A_3, %get3A_4] : memref<128x2048xf32, #tpu.memory_space<vmem>>, vector<128x2048xf32>
    %get3A_6 = arith.constant 0 : index
    %get3A_7 = arith.constant 0 : index
    %get3A_8 = vector.load %arg2[%get3A_6, %get3A_7] : memref<3x128xf32, #tpu.memory_space<vmem>>, vector<3x128xf32>
    %dot_general3A = arith.constant dense<0.000000e+00> : vector<3x2048xf32>
    %dot_general3A_9 = tpu.matmul %get3A_8, %get3A_5, %dot_general3A {dimension_numbers = #tpu.dot_dimension_numbers<[1], [0], [0], [1], [0, 0, 1, 1], [], []>, transpose_lhs_hint = false} : vector<3x128xf32>, vector<128x2048xf32>, vector<3x2048xf32> -> vector<3x2048xf32>
    %get3A_10 = arith.constant 0 : index
    %get3A_11 = arith.constant 0 : index
    %get3A_12 = vector.load %arg14[%get3A_10, %get3A_11] : memref<2048x128xf32, #tpu.memory_space<vmem>>, vector<2048x128xf32>
    %dot_general3A_13 = arith.constant dense<0.000000e+00> : vector<3x128xf32>
    %dot_general3A_14 = tpu.matmul %slice3A_2, %get3A_12, %dot_general3A_13 {dimension_numbers = #tpu.dot_dimension_numbers<[1], [0], [0], [1], [0, 0, 1, 1], [], []>, transpose_lhs_hint = false} : vector<3x2048xf32>, vector<2048x128xf32>, vector<3x128xf32> -> vector<3x128xf32>
    %dot_general3A_15 = arith.constant dense<0.000000e+00> : vector<3x2048xf32>
    %dot_general3A_16 = tpu.matmul %dot_general3A_14, %get3A_5, %dot_general3A_15 {dimension_numbers = #tpu.dot_dimension_numbers<[1], [0], [0], [1], [0, 0, 1, 1], [], []>, transpose_lhs_hint = false} : vector<3x128xf32>, vector<128x2048xf32>, vector<3x2048xf32> -> vector<3x2048xf32>
    %sub3A = arith.subf %slice3A, %dot_general3A_9 : vector<3x2048xf32>
    %slice3A_17 = vector.extract_strided_slice %sub3A {offsets = [0, 0], sizes = [1, 2048], strides = [1, 1]} : vector<3x2048xf32> to vector<1x2048xf32>
    %slice3A_18 = vector.extract_strided_slice %sub3A {offsets = [0, 0], sizes = [1, 2048], strides = [1, 1]} : vector<3x2048xf32> to vector<1x2048xf32>
    %mul3A = arith.mulf %slice3A_17, %slice3A_18 : vector<1x2048xf32>
    %slice3A_19 = vector.extract_strided_slice %sub3A {offsets = [1, 0], sizes = [1, 2048], strides = [1, 1]} : vector<3x2048xf32> to vector<1x2048xf32>
    %slice3A_20 = vector.extract_strided_slice %sub3A {offsets = [1, 0], sizes = [1, 2048], strides = [1, 1]} : vector<3x2048xf32> to vector<1x2048xf32>
    %mul3A_21 = arith.mulf %slice3A_19, %slice3A_20 : vector<1x2048xf32>
    %add3A = arith.addf %mul3A, %mul3A_21 : vector<1x2048xf32>
    %slice3A_22 = vector.extract_strided_slice %sub3A {offsets = [2, 0], sizes = [1, 2048], strides = [1, 1]} : vector<3x2048xf32> to vector<1x2048xf32>
    %slice3A_23 = vector.extract_strided_slice %sub3A {offsets = [2, 0], sizes = [1, 2048], strides = [1, 1]} : vector<3x2048xf32> to vector<1x2048xf32>
    %mul3A_24 = arith.mulf %slice3A_22, %slice3A_23 : vector<1x2048xf32>
    %add3A_25 = arith.addf %add3A, %mul3A_24 : vector<1x2048xf32>
    %sqrt3A = math.sqrt %add3A_25 : vector<1x2048xf32>
    %slice3A_26 = vector.extract_strided_slice %dot_general3A_16 {offsets = [1, 0], sizes = [1, 2048], strides = [1, 1]} : vector<3x2048xf32> to vector<1x2048xf32>
    %slice3A_27 = vector.extract_strided_slice %sub3A {offsets = [2, 0], sizes = [1, 2048], strides = [1, 1]} : vector<3x2048xf32> to vector<1x2048xf32>
    %mul3A_28 = arith.mulf %slice3A_26, %slice3A_27 : vector<1x2048xf32>
    %slice3A_29 = vector.extract_strided_slice %dot_general3A_16 {offsets = [2, 0], sizes = [1, 2048], strides = [1, 1]} : vector<3x2048xf32> to vector<1x2048xf32>
    %slice3A_30 = vector.extract_strided_slice %sub3A {offsets = [1, 0], sizes = [1, 2048], strides = [1, 1]} : vector<3x2048xf32> to vector<1x2048xf32>
    %mul3A_31 = arith.mulf %slice3A_29, %slice3A_30 : vector<1x2048xf32>
    %sub3A_32 = arith.subf %mul3A_28, %mul3A_31 : vector<1x2048xf32>
    %slice3A_33 = vector.extract_strided_slice %dot_general3A_16 {offsets = [2, 0], sizes = [1, 2048], strides = [1, 1]} : vector<3x2048xf32> to vector<1x2048xf32>
    %slice3A_34 = vector.extract_strided_slice %sub3A {offsets = [0, 0], sizes = [1, 2048], strides = [1, 1]} : vector<3x2048xf32> to vector<1x2048xf32>
    %mul3A_35 = arith.mulf %slice3A_33, %slice3A_34 : vector<1x2048xf32>
    %slice3A_36 = vector.extract_strided_slice %dot_general3A_16 {offsets = [0, 0], sizes = [1, 2048], strides = [1, 1]} : vector<3x2048xf32> to vector<1x2048xf32>
    %slice3A_37 = vector.extract_strided_slice %sub3A {offsets = [2, 0], sizes = [1, 2048], strides = [1, 1]} : vector<3x2048xf32> to vector<1x2048xf32>
    %mul3A_38 = arith.mulf %slice3A_36, %slice3A_37 : vector<1x2048xf32>
    %sub3A_39 = arith.subf %mul3A_35, %mul3A_38 : vector<1x2048xf32>
    %slice3A_40 = vector.extract_strided_slice %dot_general3A_16 {offsets = [0, 0], sizes = [1, 2048], strides = [1, 1]} : vector<3x2048xf32> to vector<1x2048xf32>
    %slice3A_41 = vector.extract_strided_slice %sub3A {offsets = [1, 0], sizes = [1, 2048], strides = [1, 1]} : vector<3x2048xf32> to vector<1x2048xf32>
    %mul3A_42 = arith.mulf %slice3A_40, %slice3A_41 : vector<1x2048xf32>
    %slice3A_43 = vector.extract_strided_slice %dot_general3A_16 {offsets = [1, 0], sizes = [1, 2048], strides = [1, 1]} : vector<3x2048xf32> to vector<1x2048xf32>
    %slice3A_44 = vector.extract_strided_slice %sub3A {offsets = [0, 0], sizes = [1, 2048], strides = [1, 1]} : vector<3x2048xf32> to vector<1x2048xf32>
    %mul3A_45 = arith.mulf %slice3A_43, %slice3A_44 : vector<1x2048xf32>
    %sub3A_46 = arith.subf %mul3A_42, %mul3A_45 : vector<1x2048xf32>
    %mul3A_47 = arith.mulf %sub3A_32, %sub3A_32 : vector<1x2048xf32>
    %mul3A_48 = arith.mulf %sub3A_39, %sub3A_39 : vector<1x2048xf32>
    %add3A_49 = arith.addf %mul3A_47, %mul3A_48 : vector<1x2048xf32>
    %mul3A_50 = arith.mulf %sub3A_46, %sub3A_46 : vector<1x2048xf32>
    %add3A_51 = arith.addf %add3A_49, %mul3A_50 : vector<1x2048xf32>
    %sqrt3A_52 = math.sqrt %add3A_51 : vector<1x2048xf32>
    %slice3A_53 = vector.extract_strided_slice %dot_general3A_16 {offsets = [0, 0], sizes = [1, 2048], strides = [1, 1]} : vector<3x2048xf32> to vector<1x2048xf32>
    %slice3A_54 = vector.extract_strided_slice %sub3A {offsets = [0, 0], sizes = [1, 2048], strides = [1, 1]} : vector<3x2048xf32> to vector<1x2048xf32>
    %mul3A_55 = arith.mulf %slice3A_53, %slice3A_54 : vector<1x2048xf32>
    %slice3A_56 = vector.extract_strided_slice %dot_general3A_16 {offsets = [1, 0], sizes = [1, 2048], strides = [1, 1]} : vector<3x2048xf32> to vector<1x2048xf32>
    %slice3A_57 = vector.extract_strided_slice %sub3A {offsets = [1, 0], sizes = [1, 2048], strides = [1, 1]} : vector<3x2048xf32> to vector<1x2048xf32>
    %mul3A_58 = arith.mulf %slice3A_56, %slice3A_57 : vector<1x2048xf32>
    %add3A_59 = arith.addf %mul3A_55, %mul3A_58 : vector<1x2048xf32>
    %slice3A_60 = vector.extract_strided_slice %dot_general3A_16 {offsets = [2, 0], sizes = [1, 2048], strides = [1, 1]} : vector<3x2048xf32> to vector<1x2048xf32>
    %slice3A_61 = vector.extract_strided_slice %sub3A {offsets = [2, 0], sizes = [1, 2048], strides = [1, 1]} : vector<3x2048xf32> to vector<1x2048xf32>
    %mul3A_62 = arith.mulf %slice3A_60, %slice3A_61 : vector<1x2048xf32>
    %add3A_63 = arith.addf %add3A_59, %mul3A_62 : vector<1x2048xf32>
    %abs3A = math.absf %add3A_63 : vector<1x2048xf32>
    %lt3A = arith.constant 9.99999993E-9 : f32
    %lt3A_64 = vector.broadcast %lt3A : f32 to vector<1x2048xf32>
    %lt3A_65 = arith.cmpf olt, %abs3A, %lt3A_64 : vector<1x2048xf32>
    %sign3A = tpu.bitcast %add3A_63 : vector<1x2048xf32> -> vector<1x2048xi32>
    %sign3A_66 = arith.constant -2147483648 : i32
    %sign3A_67 = vector.broadcast %sign3A_66 : i32 to vector<1x2048xi32>
    %sign3A_68 = arith.andi %sign3A, %sign3A_67 : vector<1x2048xi32>
    %sign3A_69 = arith.constant 1065353216 : i32
    %sign3A_70 = vector.broadcast %sign3A_69 : i32 to vector<1x2048xi32>
    %sign3A_71 = arith.ori %sign3A_70, %sign3A_68 : vector<1x2048xi32>
    %sign3A_72 = tpu.bitcast %sign3A_71 : vector<1x2048xi32> -> vector<1x2048xf32>
    %sign3A_73 = math.absf %add3A_63 : vector<1x2048xf32>
    %sign3A_74 = arith.constant 0.000000e+00 : f32
    %sign3A_75 = vector.broadcast %sign3A_74 : f32 to vector<1x2048xf32>
    %sign3A_76 = arith.cmpf ogt, %sign3A_73, %sign3A_75 : vector<1x2048xf32>
    %sign3A_77 = arith.select %sign3A_76, %sign3A_72, %add3A_63 : vector<1x2048xi1>, vector<1x2048xf32>
    %mul3A_78 = arith.constant 9.99999993E-9 : f32
    %mul3A_79 = vector.broadcast %mul3A_78 : f32 to vector<1x2048xf32>
    %mul3A_80 = arith.mulf %sign3A_77, %mul3A_79 : vector<1x2048xf32>
    %select_n3A = arith.select %lt3A_65, %mul3A_80, %add3A_63 : vector<1x2048xi1>, vector<1x2048xf32>
    %atan23A = math.atan2 %sqrt3A_52, %select_n3A : vector<1x2048xf32>
    %mul3A_81 = arith.constant 0.318309873 : f32
    %mul3A_82 = vector.broadcast %mul3A_81 : f32 to vector<1x2048xf32>
    %mul3A_83 = arith.mulf %atan23A, %mul3A_82 : vector<1x2048xf32>
    %slice3A_84 = vector.extract_strided_slice %slice3A_2 {offsets = [1, 0], sizes = [1, 2048], strides = [1, 1]} : vector<3x2048xf32> to vector<1x2048xf32>
    %slice3A_85 = vector.extract_strided_slice %sub3A {offsets = [2, 0], sizes = [1, 2048], strides = [1, 1]} : vector<3x2048xf32> to vector<1x2048xf32>
    %mul3A_86 = arith.mulf %slice3A_84, %slice3A_85 : vector<1x2048xf32>
    %slice3A_87 = vector.extract_strided_slice %slice3A_2 {offsets = [2, 0], sizes = [1, 2048], strides = [1, 1]} : vector<3x2048xf32> to vector<1x2048xf32>
    %slice3A_88 = vector.extract_strided_slice %sub3A {offsets = [1, 0], sizes = [1, 2048], strides = [1, 1]} : vector<3x2048xf32> to vector<1x2048xf32>
    %mul3A_89 = arith.mulf %slice3A_87, %slice3A_88 : vector<1x2048xf32>
    %sub3A_90 = arith.subf %mul3A_86, %mul3A_89 : vector<1x2048xf32>
    %slice3A_91 = vector.extract_strided_slice %slice3A_2 {offsets = [2, 0], sizes = [1, 2048], strides = [1, 1]} : vector<3x2048xf32> to vector<1x2048xf32>
    %slice3A_92 = vector.extract_strided_slice %sub3A {offsets = [0, 0], sizes = [1, 2048], strides = [1, 1]} : vector<3x2048xf32> to vector<1x2048xf32>
    %mul3A_93 = arith.mulf %slice3A_91, %slice3A_92 : vector<1x2048xf32>
    %slice3A_94 = vector.extract_strided_slice %slice3A_2 {offsets = [0, 0], sizes = [1, 2048], strides = [1, 1]} : vector<3x2048xf32> to vector<1x2048xf32>
    %slice3A_95 = vector.extract_strided_slice %sub3A {offsets = [2, 0], sizes = [1, 2048], strides = [1, 1]} : vector<3x2048xf32> to vector<1x2048xf32>
    %mul3A_96 = arith.mulf %slice3A_94, %slice3A_95 : vector<1x2048xf32>
    %sub3A_97 = arith.subf %mul3A_93, %mul3A_96 : vector<1x2048xf32>
    %slice3A_98 = vector.extract_strided_slice %slice3A_2 {offsets = [0, 0], sizes = [1, 2048], strides = [1, 1]} : vector<3x2048xf32> to vector<1x2048xf32>
    %slice3A_99 = vector.extract_strided_slice %sub3A {offsets = [1, 0], sizes = [1, 2048], strides = [1, 1]} : vector<3x2048xf32> to vector<1x2048xf32>
    %mul3A_100 = arith.mulf %slice3A_98, %slice3A_99 : vector<1x2048xf32>
    %slice3A_101 = vector.extract_strided_slice %slice3A_2 {offsets = [1, 0], sizes = [1, 2048], strides = [1, 1]} : vector<3x2048xf32> to vector<1x2048xf32>
    %slice3A_102 = vector.extract_strided_slice %sub3A {offsets = [0, 0], sizes = [1, 2048], strides = [1, 1]} : vector<3x2048xf32> to vector<1x2048xf32>
    %mul3A_103 = arith.mulf %slice3A_101, %slice3A_102 : vector<1x2048xf32>
    %sub3A_104 = arith.subf %mul3A_100, %mul3A_103 : vector<1x2048xf32>
    %mul3A_105 = arith.mulf %sub3A_90, %sub3A_90 : vector<1x2048xf32>
    %mul3A_106 = arith.mulf %sub3A_97, %sub3A_97 : vector<1x2048xf32>
    %add3A_107 = arith.addf %mul3A_105, %mul3A_106 : vector<1x2048xf32>
    %mul3A_108 = arith.mulf %sub3A_104, %sub3A_104 : vector<1x2048xf32>
    %add3A_109 = arith.addf %add3A_107, %mul3A_108 : vector<1x2048xf32>
    %sqrt3A_110 = math.sqrt %add3A_109 : vector<1x2048xf32>
    %slice3A_111 = vector.extract_strided_slice %slice3A_2 {offsets = [0, 0], sizes = [1, 2048], strides = [1, 1]} : vector<3x2048xf32> to vector<1x2048xf32>
    %slice3A_112 = vector.extract_strided_slice %sub3A {offsets = [0, 0], sizes = [1, 2048], strides = [1, 1]} : vector<3x2048xf32> to vector<1x2048xf32>
    %mul3A_113 = arith.mulf %slice3A_111, %slice3A_112 : vector<1x2048xf32>
    %slice3A_114 = vector.extract_strided_slice %slice3A_2 {offsets = [1, 0], sizes = [1, 2048], strides = [1, 1]} : vector<3x2048xf32> to vector<1x2048xf32>
    %slice3A_115 = vector.extract_strided_slice %sub3A {offsets = [1, 0], sizes = [1, 2048], strides = [1, 1]} : vector<3x2048xf32> to vector<1x2048xf32>
    %mul3A_116 = arith.mulf %slice3A_114, %slice3A_115 : vector<1x2048xf32>
    %add3A_117 = arith.addf %mul3A_113, %mul3A_116 : vector<1x2048xf32>
    %slice3A_118 = vector.extract_strided_slice %slice3A_2 {offsets = [2, 0], sizes = [1, 2048], strides = [1, 1]} : vector<3x2048xf32> to vector<1x2048xf32>
    %slice3A_119 = vector.extract_strided_slice %sub3A {offsets = [2, 0], sizes = [1, 2048], strides = [1, 1]} : vector<3x2048xf32> to vector<1x2048xf32>
    %mul3A_120 = arith.mulf %slice3A_118, %slice3A_119 : vector<1x2048xf32>
    %add3A_121 = arith.addf %add3A_117, %mul3A_120 : vector<1x2048xf32>
    %abs3A_122 = math.absf %add3A_121 : vector<1x2048xf32>
    %lt3A_123 = arith.constant 9.99999993E-9 : f32
    %lt3A_124 = vector.broadcast %lt3A_123 : f32 to vector<1x2048xf32>
    %lt3A_125 = arith.cmpf olt, %abs3A_122, %lt3A_124 : vector<1x2048xf32>
    %sign3A_126 = tpu.bitcast %add3A_121 : vector<1x2048xf32> -> vector<1x2048xi32>
    %sign3A_127 = arith.constant -2147483648 : i32
    %sign3A_128 = vector.broadcast %sign3A_127 : i32 to vector<1x2048xi32>
    %sign3A_129 = arith.andi %sign3A_126, %sign3A_128 : vector<1x2048xi32>
    %sign3A_130 = arith.constant 1065353216 : i32
    %sign3A_131 = vector.broadcast %sign3A_130 : i32 to vector<1x2048xi32>
    %sign3A_132 = arith.ori %sign3A_131, %sign3A_129 : vector<1x2048xi32>
    %sign3A_133 = tpu.bitcast %sign3A_132 : vector<1x2048xi32> -> vector<1x2048xf32>
    %sign3A_134 = math.absf %add3A_121 : vector<1x2048xf32>
    %sign3A_135 = arith.constant 0.000000e+00 : f32
    %sign3A_136 = vector.broadcast %sign3A_135 : f32 to vector<1x2048xf32>
    %sign3A_137 = arith.cmpf ogt, %sign3A_134, %sign3A_136 : vector<1x2048xf32>
    %sign3A_138 = arith.select %sign3A_137, %sign3A_133, %add3A_121 : vector<1x2048xi1>, vector<1x2048xf32>
    %mul3A_139 = arith.constant 9.99999993E-9 : f32
    %mul3A_140 = vector.broadcast %mul3A_139 : f32 to vector<1x2048xf32>
    %mul3A_141 = arith.mulf %sign3A_138, %mul3A_140 : vector<1x2048xf32>
    %select_n3A_142 = arith.select %lt3A_125, %mul3A_141, %add3A_121 : vector<1x2048xi1>, vector<1x2048xf32>
    %atan23A_143 = math.atan2 %sqrt3A_110, %select_n3A_142 : vector<1x2048xf32>
    %mul3A_144 = arith.constant 0.318309873 : f32
    %mul3A_145 = vector.broadcast %mul3A_144 : f32 to vector<1x2048xf32>
    %mul3A_146 = arith.mulf %atan23A_143, %mul3A_145 : vector<1x2048xf32>
    %slice3A_147 = vector.extract_strided_slice %dot_general3A_16 {offsets = [1, 0], sizes = [1, 2048], strides = [1, 1]} : vector<3x2048xf32> to vector<1x2048xf32>
    %slice3A_148 = vector.extract_strided_slice %slice3A_2 {offsets = [2, 0], sizes = [1, 2048], strides = [1, 1]} : vector<3x2048xf32> to vector<1x2048xf32>
    %mul3A_149 = arith.mulf %slice3A_147, %slice3A_148 : vector<1x2048xf32>
    %slice3A_150 = vector.extract_strided_slice %dot_general3A_16 {offsets = [2, 0], sizes = [1, 2048], strides = [1, 1]} : vector<3x2048xf32> to vector<1x2048xf32>
    %slice3A_151 = vector.extract_strided_slice %slice3A_2 {offsets = [1, 0], sizes = [1, 2048], strides = [1, 1]} : vector<3x2048xf32> to vector<1x2048xf32>
    %mul3A_152 = arith.mulf %slice3A_150, %slice3A_151 : vector<1x2048xf32>
    %sub3A_153 = arith.subf %mul3A_149, %mul3A_152 : vector<1x2048xf32>
    %slice3A_154 = vector.extract_strided_slice %dot_general3A_16 {offsets = [2, 0], sizes = [1, 2048], strides = [1, 1]} : vector<3x2048xf32> to vector<1x2048xf32>
    %slice3A_155 = vector.extract_strided_slice %slice3A_2 {offsets = [0, 0], sizes = [1, 2048], strides = [1, 1]} : vector<3x2048xf32> to vector<1x2048xf32>
    %mul3A_156 = arith.mulf %slice3A_154, %slice3A_155 : vector<1x2048xf32>
    %slice3A_157 = vector.extract_strided_slice %dot_general3A_16 {offsets = [0, 0], sizes = [1, 2048], strides = [1, 1]} : vector<3x2048xf32> to vector<1x2048xf32>
    %slice3A_158 = vector.extract_strided_slice %slice3A_2 {offsets = [2, 0], sizes = [1, 2048], strides = [1, 1]} : vector<3x2048xf32> to vector<1x2048xf32>
    %mul3A_159 = arith.mulf %slice3A_157, %slice3A_158 : vector<1x2048xf32>
    %sub3A_160 = arith.subf %mul3A_156, %mul3A_159 : vector<1x2048xf32>
    %slice3A_161 = vector.extract_strided_slice %dot_general3A_16 {offsets = [0, 0], sizes = [1, 2048], strides = [1, 1]} : vector<3x2048xf32> to vector<1x2048xf32>
    %slice3A_162 = vector.extract_strided_slice %slice3A_2 {offsets = [1, 0], sizes = [1, 2048], strides = [1, 1]} : vector<3x2048xf32> to vector<1x2048xf32>
    %mul3A_163 = arith.mulf %slice3A_161, %slice3A_162 : vector<1x2048xf32>
    %slice3A_164 = vector.extract_strided_slice %dot_general3A_16 {offsets = [1, 0], sizes = [1, 2048], strides = [1, 1]} : vector<3x2048xf32> to vector<1x2048xf32>
    %slice3A_165 = vector.extract_strided_slice %slice3A_2 {offsets = [0, 0], sizes = [1, 2048], strides = [1, 1]} : vector<3x2048xf32> to vector<1x2048xf32>
    %mul3A_166 = arith.mulf %slice3A_164, %slice3A_165 : vector<1x2048xf32>
    %sub3A_167 = arith.subf %mul3A_163, %mul3A_166 : vector<1x2048xf32>
    %mul3A_168 = arith.mulf %sub3A_153, %sub3A_153 : vector<1x2048xf32>
    %mul3A_169 = arith.mulf %sub3A_160, %sub3A_160 : vector<1x2048xf32>
    %add3A_170 = arith.addf %mul3A_168, %mul3A_169 : vector<1x2048xf32>
    %mul3A_171 = arith.mulf %sub3A_167, %sub3A_167 : vector<1x2048xf32>
    %add3A_172 = arith.addf %add3A_170, %mul3A_171 : vector<1x2048xf32>
    %sqrt3A_173 = math.sqrt %add3A_172 : vector<1x2048xf32>
    %slice3A_174 = vector.extract_strided_slice %dot_general3A_16 {offsets = [0, 0], sizes = [1, 2048], strides = [1, 1]} : vector<3x2048xf32> to vector<1x2048xf32>
    %slice3A_175 = vector.extract_strided_slice %slice3A_2 {offsets = [0, 0], sizes = [1, 2048], strides = [1, 1]} : vector<3x2048xf32> to vector<1x2048xf32>
    %mul3A_176 = arith.mulf %slice3A_174, %slice3A_175 : vector<1x2048xf32>
    %slice3A_177 = vector.extract_strided_slice %dot_general3A_16 {offsets = [1, 0], sizes = [1, 2048], strides = [1, 1]} : vector<3x2048xf32> to vector<1x2048xf32>
    %slice3A_178 = vector.extract_strided_slice %slice3A_2 {offsets = [1, 0], sizes = [1, 2048], strides = [1, 1]} : vector<3x2048xf32> to vector<1x2048xf32>
    %mul3A_179 = arith.mulf %slice3A_177, %slice3A_178 : vector<1x2048xf32>
    %add3A_180 = arith.addf %mul3A_176, %mul3A_179 : vector<1x2048xf32>
    %slice3A_181 = vector.extract_strided_slice %dot_general3A_16 {offsets = [2, 0], sizes = [1, 2048], strides = [1, 1]} : vector<3x2048xf32> to vector<1x2048xf32>
    %slice3A_182 = vector.extract_strided_slice %slice3A_2 {offsets = [2, 0], sizes = [1, 2048], strides = [1, 1]} : vector<3x2048xf32> to vector<1x2048xf32>
    %mul3A_183 = arith.mulf %slice3A_181, %slice3A_182 : vector<1x2048xf32>
    %add3A_184 = arith.addf %add3A_180, %mul3A_183 : vector<1x2048xf32>
    %abs3A_185 = math.absf %add3A_184 : vector<1x2048xf32>
    %lt3A_186 = arith.constant 9.99999993E-9 : f32
    %lt3A_187 = vector.broadcast %lt3A_186 : f32 to vector<1x2048xf32>
    %lt3A_188 = arith.cmpf olt, %abs3A_185, %lt3A_187 : vector<1x2048xf32>
    %sign3A_189 = tpu.bitcast %add3A_184 : vector<1x2048xf32> -> vector<1x2048xi32>
    %sign3A_190 = arith.constant -2147483648 : i32
    %sign3A_191 = vector.broadcast %sign3A_190 : i32 to vector<1x2048xi32>
    %sign3A_192 = arith.andi %sign3A_189, %sign3A_191 : vector<1x2048xi32>
    %sign3A_193 = arith.constant 1065353216 : i32
    %sign3A_194 = vector.broadcast %sign3A_193 : i32 to vector<1x2048xi32>
    %sign3A_195 = arith.ori %sign3A_194, %sign3A_192 : vector<1x2048xi32>
    %sign3A_196 = tpu.bitcast %sign3A_195 : vector<1x2048xi32> -> vector<1x2048xf32>
    %sign3A_197 = math.absf %add3A_184 : vector<1x2048xf32>
    %sign3A_198 = arith.constant 0.000000e+00 : f32
    %sign3A_199 = vector.broadcast %sign3A_198 : f32 to vector<1x2048xf32>
    %sign3A_200 = arith.cmpf ogt, %sign3A_197, %sign3A_199 : vector<1x2048xf32>
    %sign3A_201 = arith.select %sign3A_200, %sign3A_196, %add3A_184 : vector<1x2048xi1>, vector<1x2048xf32>
    %mul3A_202 = arith.constant 9.99999993E-9 : f32
    %mul3A_203 = vector.broadcast %mul3A_202 : f32 to vector<1x2048xf32>
    %mul3A_204 = arith.mulf %sign3A_201, %mul3A_203 : vector<1x2048xf32>
    %select_n3A_205 = arith.select %lt3A_188, %mul3A_204, %add3A_184 : vector<1x2048xi1>, vector<1x2048xf32>
    %atan23A_206 = math.atan2 %sqrt3A_173, %select_n3A_205 : vector<1x2048xf32>
    %mul3A_207 = arith.constant 0.318309873 : f32
    %mul3A_208 = vector.broadcast %mul3A_207 : f32 to vector<1x2048xf32>
    %mul3A_209 = arith.mulf %atan23A_206, %mul3A_208 : vector<1x2048xf32>
    %concatenate3A = tpu.concatenate %sqrt3A, %mul3A_83, %mul3A_146, %mul3A_209 in 0 : vector<1x2048xf32>, vector<1x2048xf32>, vector<1x2048xf32>, vector<1x2048xf32> -> vector<4x2048xf32>
    %get3A_210 = arith.constant 0 : index
    %get3A_211 = arith.constant 0 : index
    %get3A_212 = vector.load %arg4[%get3A_210, %get3A_211] : memref<64x4xf32, #tpu.memory_space<vmem>>, vector<64x4xf32>
    %dot_general3A_213 = arith.constant dense<0.000000e+00> : vector<64x2048xf32>
    %dot_general3A_214 = tpu.matmul %get3A_212, %concatenate3A, %dot_general3A_213 {dimension_numbers = #tpu.dot_dimension_numbers<[1], [0], [0], [1], [0, 0, 1, 1], [], []>, transpose_lhs_hint = false} : vector<64x4xf32>, vector<4x2048xf32>, vector<64x2048xf32> -> vector<64x2048xf32>
    %get3A_215 = arith.constant 0 : index
    %get3A_216 = arith.constant 0 : index
    %get3A_217 = vector.load %arg5[%get3A_215, %get3A_216] : memref<64x1xf32, #tpu.memory_space<vmem>>, vector<64x1xf32>
    %add3A_218 = vector.broadcast %get3A_217 : vector<64x1xf32> to vector<64x2048xf32>
    %add3A_219 = arith.addf %dot_general3A_214, %add3A_218 : vector<64x2048xf32>
    %max3A = arith.constant 0.000000e+00 : f32
    %max3A_220 = vector.broadcast %max3A : f32 to vector<64x2048xf32>
    %max3A_221 = arith.maximumf %add3A_219, %max3A_220 : vector<64x2048xf32>
    %get3A_222 = arith.constant 0 : index
    %get3A_223 = arith.constant 0 : index
    %get3A_224 = vector.load %arg6[%get3A_222, %get3A_223] : memref<64x64xf32, #tpu.memory_space<vmem>>, vector<64x64xf32>
    %dot_general3A_225 = arith.constant dense<0.000000e+00> : vector<64x2048xf32>
    %dot_general3A_226 = tpu.matmul %get3A_224, %max3A_221, %dot_general3A_225 {dimension_numbers = #tpu.dot_dimension_numbers<[1], [0], [0], [1], [0, 0, 1, 1], [], []>, transpose_lhs_hint = false} : vector<64x64xf32>, vector<64x2048xf32>, vector<64x2048xf32> -> vector<64x2048xf32>
    %get3A_227 = arith.constant 0 : index
    %get3A_228 = arith.constant 0 : index
    %get3A_229 = vector.load %arg7[%get3A_227, %get3A_228] : memref<64x1xf32, #tpu.memory_space<vmem>>, vector<64x1xf32>
    %add3A_230 = vector.broadcast %get3A_229 : vector<64x1xf32> to vector<64x2048xf32>
    %add3A_231 = arith.addf %dot_general3A_226, %add3A_230 : vector<64x2048xf32>
    %max3A_232 = arith.constant 0.000000e+00 : f32
    %max3A_233 = vector.broadcast %max3A_232 : f32 to vector<64x2048xf32>
    %max3A_234 = arith.maximumf %add3A_231, %max3A_233 : vector<64x2048xf32>
    %get3A_235 = arith.constant 0 : index
    %get3A_236 = arith.constant 0 : index
    %get3A_237 = vector.load %arg15[%get3A_235, %get3A_236] : memref<2048x128xf32, #tpu.memory_space<vmem>>, vector<2048x128xf32>
    %dot_general3A_238 = arith.constant dense<0.000000e+00> : vector<64x128xf32>
    %dot_general3A_239 = tpu.matmul %max3A_234, %get3A_237, %dot_general3A_238 {dimension_numbers = #tpu.dot_dimension_numbers<[1], [0], [0], [1], [0, 0, 1, 1], [], []>, transpose_lhs_hint = false} : vector<64x2048xf32>, vector<2048x128xf32>, vector<64x128xf32> -> vector<64x128xf32>
    %get3A_240 = arith.constant 0 : index
    %get3A_241 = arith.constant 0 : index
    %get3A_242 = vector.load %arg8[%get3A_240, %get3A_241] : memref<42x64xf32, #tpu.memory_space<vmem>>, vector<42x64xf32>
    %dot_general3A_243 = arith.constant dense<0.000000e+00> : vector<42x128xf32>
    %dot_general3A_244 = tpu.matmul %get3A_242, %dot_general3A_239, %dot_general3A_243 {dimension_numbers = #tpu.dot_dimension_numbers<[1], [0], [0], [1], [0, 0, 1, 1], [], []>, transpose_lhs_hint = false} : vector<42x64xf32>, vector<64x128xf32>, vector<42x128xf32> -> vector<42x128xf32>
    %get3A_245 = arith.constant 0 : index
    %get3A_246 = arith.constant 0 : index
    %get3A_247 = vector.load %arg9[%get3A_245, %get3A_246] : memref<42x1xf32, #tpu.memory_space<vmem>>, vector<42x1xf32>
    %add3A_248 = vector.broadcast %get3A_247 : vector<42x1xf32> to vector<42x128xf32>
    %add3A_249 = arith.addf %dot_general3A_244, %add3A_248 : vector<42x128xf32>
    %get3A_250 = arith.constant 0 : index
    %get3A_251 = arith.constant 0 : index
    %get3A_252 = vector.load %arg10[%get3A_250, %get3A_251] : memref<128x42xf32, #tpu.memory_space<vmem>>, vector<128x42xf32>
    %dot_general3A_253 = arith.constant dense<0.000000e+00> : vector<128x128xf32>
    %dot_general3A_254 = tpu.matmul %get3A_252, %add3A_249, %dot_general3A_253 {dimension_numbers = #tpu.dot_dimension_numbers<[1], [0], [0], [1], [0, 0, 1, 1], [], []>, transpose_lhs_hint = false} : vector<128x42xf32>, vector<42x128xf32>, vector<128x128xf32> -> vector<128x128xf32>
    %get3A_255 = arith.constant 0 : index
    %get3A_256 = arith.constant 0 : index
    %get3A_257 = vector.load %arg11[%get3A_255, %get3A_256] : memref<128x1xf32, #tpu.memory_space<vmem>>, vector<128x1xf32>
    %add3A_258 = vector.broadcast %get3A_257 : vector<128x1xf32> to vector<128x128xf32>
    %add3A_259 = arith.addf %dot_general3A_254, %add3A_258 : vector<128x128xf32>
    %logistic3A = arith.negf %add3A_259 : vector<128x128xf32>
    %logistic3A_260 = math.exp %logistic3A : vector<128x128xf32>
    %logistic3A_261 = arith.constant 1.000000e+00 : f32
    %logistic3A_262 = vector.broadcast %logistic3A_261 : f32 to vector<128x128xf32>
    %logistic3A_263 = arith.addf %logistic3A_262, %logistic3A_260 : vector<128x128xf32>
    %logistic3A_264 = arith.divf %logistic3A_262, %logistic3A_263 : vector<128x128xf32>
    %get3A_265 = arith.constant 0 : index
    %get3A_266 = arith.constant 0 : index
    %get3A_267 = vector.load %arg16[%get3A_265, %get3A_266] : memref<128x384xf32, #tpu.memory_space<vmem>>, vector<128x384xf32>
    %dot_general3A_268 = arith.constant dense<0.000000e+00> : vector<128x384xf32>
    %dot_general3A_269 = tpu.matmul %logistic3A_264, %get3A_267, %dot_general3A_268 {dimension_numbers = #tpu.dot_dimension_numbers<[0], [0], [1], [1], [0, 1, 1, 1], [], []>, transpose_lhs_hint = false} : vector<128x128xf32>, vector<128x384xf32>, vector<128x384xf32> -> vector<128x384xf32>
    %get3A_270 = arith.constant 0 : index
    %get3A_271 = arith.constant 0 : index
    %get3A_272 = vector.load %arg3[%get3A_270, %get3A_271] : memref<128x384xf32, #tpu.memory_space<vmem>>, vector<128x384xf32>
    %get3A_273 = arith.constant 0 : index
    %get3A_274 = arith.constant 0 : index
    %get3A_275 = vector.load %arg12[%get3A_273, %get3A_274] : memref<384x384xf32, #tpu.memory_space<vmem>>, vector<384x384xf32>
    %dot_general3A_276 = arith.constant dense<0.000000e+00> : vector<128x384xf32>
    %dot_general3A_277 = tpu.matmul %get3A_272, %get3A_275, %dot_general3A_276 {dimension_numbers = #tpu.dot_dimension_numbers<[1], [0], [0], [1], [0, 0, 1, 1], [], []>, transpose_lhs_hint = false} : vector<128x384xf32>, vector<384x384xf32>, vector<128x384xf32> -> vector<128x384xf32>
    %mul3A_278 = arith.mulf %dot_general3A_277, %dot_general3A_269 : vector<128x384xf32>
    %swap3A = arith.constant 0 : index
    %swap3A_279 = arith.constant 0 : index
    %swap3A_280 = vector.load %arg17[%swap3A, %swap3A_279] : memref<128x384xf32, #tpu.memory_space<vmem>>, vector<128x384xf32>
    tpu.vector_store %arg17[%swap3A, %swap3A_279], %mul3A_278 {strides = array<i32>} : memref<128x384xf32, #tpu.memory_space<vmem>>, vector<128x384xf32>,
    return
  }
  func.func @transform_0(%arg0: i32) -> (i32, i32) {
    %c0_i32 = arith.constant 0 : i32
    %c0_i32_0 = arith.constant 0 : i32
    return %c0_i32, %arg0 : i32, i32
  }
  func.func @transform_1(%arg0: i32) -> (i32, i32) {
    %c0_i32 = arith.constant 0 : i32
    %c0_i32_0 = arith.constant 0 : i32
    return %c0_i32, %arg0 : i32, i32
  }
  func.func @transform_2(%arg0: i32) -> (i32, i32) {
    %c0_i32 = arith.constant 0 : i32
    %c0_i32_0 = arith.constant 0 : i32
    return %arg0, %c0_i32 : i32, i32
  }
  func.func @transform_3(%arg0: i32) -> (i32, i32) {
    %c0_i32 = arith.constant 0 : i32
    %c0_i32_0 = arith.constant 0 : i32
    %c0_i32_1 = arith.constant 0 : i32
    return %c0_i32, %c0_i32_0 : i32, i32
  }
  func.func @transform_4(%arg0: i32) -> (i32, i32) {
    %c0_i32 = arith.constant 0 : i32
    %c0_i32_0 = arith.constant 0 : i32
    %c0_i32_1 = arith.constant 0 : i32
    return %c0_i32, %c0_i32_0 : i32, i32
  }
  func.func @transform_5(%arg0: i32) -> (i32, i32) {
    %c0_i32 = arith.constant 0 : i32
    %c0_i32_0 = arith.constant 0 : i32
    %c0_i32_1 = arith.constant 0 : i32
    return %c0_i32, %c0_i32_0 : i32, i32
  }
  func.func @transform_6(%arg0: i32) -> (i32, i32) {
    %c0_i32 = arith.constant 0 : i32
    %c0_i32_0 = arith.constant 0 : i32
    %c0_i32_1 = arith.constant 0 : i32
    return %c0_i32, %c0_i32_0 : i32, i32
  }
  func.func @transform_7(%arg0: i32) -> (i32, i32) {
    %c0_i32 = arith.constant 0 : i32
    %c0_i32_0 = arith.constant 0 : i32
    %c0_i32_1 = arith.constant 0 : i32
    return %c0_i32, %c0_i32_0 : i32, i32
  }
  func.func @transform_8(%arg0: i32) -> (i32, i32) {
    %c0_i32 = arith.constant 0 : i32
    %c0_i32_0 = arith.constant 0 : i32
    %c0_i32_1 = arith.constant 0 : i32
    return %c0_i32, %c0_i32_0 : i32, i32
  }
  func.func @transform_9(%arg0: i32) -> (i32, i32) {
    %c0_i32 = arith.constant 0 : i32
    %c0_i32_0 = arith.constant 0 : i32
    %c0_i32_1 = arith.constant 0 : i32
    return %c0_i32, %c0_i32_0 : i32, i32
  }
  func.func @transform_10(%arg0: i32) -> (i32, i32) {
    %c0_i32 = arith.constant 0 : i32
    %c0_i32_0 = arith.constant 0 : i32
    %c0_i32_1 = arith.constant 0 : i32
    return %c0_i32, %c0_i32_0 : i32, i32
  }
  func.func @transform_11(%arg0: i32) -> (i32, i32) {
    %c0_i32 = arith.constant 0 : i32
    %c0_i32_0 = arith.constant 0 : i32
    %c0_i32_1 = arith.constant 0 : i32
    return %c0_i32, %c0_i32_0 : i32, i32
  }
  func.func @transform_12(%arg0: i32) -> (i32, i32) {
    %c0_i32 = arith.constant 0 : i32
    %c0_i32_0 = arith.constant 0 : i32
    %c0_i32_1 = arith.constant 0 : i32
    return %c0_i32, %c0_i32_0 : i32, i32
  }
  func.func @transform_13(%arg0: i32) -> (i32, i32) {
    %c0_i32 = arith.constant 0 : i32
    %c0_i32_0 = arith.constant 0 : i32
    %c0_i32_1 = arith.constant 0 : i32
    return %c0_i32, %c0_i32_0 : i32, i32
  }
  func.func @transform_14(%arg0: i32) -> (i32, i32) {
    %c0_i32 = arith.constant 0 : i32
    %c0_i32_0 = arith.constant 0 : i32
    %c0_i32_1 = arith.constant 0 : i32
    return %c0_i32, %c0_i32_0 : i32, i32
  }
  func.func @transform_15(%arg0: i32) -> (i32, i32) {
    %c0_i32 = arith.constant 0 : i32
    %c0_i32_0 = arith.constant 0 : i32
    %c0_i32_1 = arith.constant 0 : i32
    return %c0_i32, %c0_i32_0 : i32, i32
  }
  func.func @transform_16(%arg0: i32) -> (i32, i32) {
    %c0_i32 = arith.constant 0 : i32
    %c0_i32_0 = arith.constant 0 : i32
    return %arg0, %c0_i32 : i32, i32
  }
}

</mosaic_0001>

<sc_bundles>
// kernel: kernel.4.cloned.1.call-start
scs
__scs_entry_jumppad:
0x0: {  	(pc) =	sbr.rel $0x88, $3  }
0x1: {  	(tag) =	ssettag $0x0;
	lr =	simm.s32 $0x1  }
0x2: {  	[smem:$0x3F93] =	sst lr;
	_ =	strace $0xD0000000  }
0x3: {  	_ = 	snop  }
0x4: {  	_ = 	snop  }
0x5: {  	_ = 	snop  }
0x6: {  	_ = 	snop  }
0x7: {  	_ = 	snop  }
__scs_overlays_trampoline_lowered:
0x8: {  	[smem:$0x3FA2] =	sst s0  }
0x9: {  	[smem:$0x3FA3] =	sst s1  }
0xa: {  	[smem:$0x3FA4] =	sst s2  }
0xb: {  	[smem:$0x3FA5] =	sst s3  }
0xc: {  	[smem:$0x3FA6] =	sst s4  }
0xd: {  	[smem:$0x3FA7] =	sst s5  }
0xe: {  	[smem:$0x3FA8] =	sst s6  }
0xf: {  	[smem:$0x3FA9] =	sst s7  }
0x10: {  	[smem:$0x3FAA] =	sst s8  }
0x11: {  	[smem:$0x3FAB] =	sst s9;
	s0 =	simm.s32 @!p0 $0x0  }
0x12: {  	s1 =	sld [smem:$0x3F91];
	s0 =	simm.s32 @p0 $0x1  }
0x13: {  	[smem:$0x3FAC] =	sst s0;
	s0 =	simm.s32 @!p1 $0x0  }
0x14: {  	s2 =	sld [smem:$0x3F90];
	s0 =	simm.s32 @p1 $0x1  }
0x15: {  	[smem:$0x3FAD] =	sst s0;
	s0 =	simm.s32 @!p2 $0x0  }
0x16: {  	s3 =	sld [smem:$0x3FDB];
	s0 =	simm.s32 @p2 $0x1  }
0x17: {  	s4 =	simm.s32 $0x1BF5;
	[smem:$0x3FAF] =	sst s0  }
0x18: {  	s0 =	sld [smem:$0x3F92];
	_ =	swait.ge [sflag:s4], $0x0  }
0x19: {  	s7 =	sld [smem:$0x3F93]  }
0x1a: {  	s8 =	sadd.s32 $0xFFFFE003, lr  }
0x1b: {  	s9 =	sadd.s32 $0xFFFFFEF7, lr;
	s5 =	simm.s32 $0xFFFFFFFF;
	p2 =	slt.u32 s8, $0xFFFFF086  }
0x1c: {  	p1 =	slt.u32 s9, $0xF7A;
	s5 =	simm.s32 @!p2 $0x0  }
0x1d: {  	s5 =	simm.s32 @p1 $0x1;
	p0 =	seq.s32 s7, s2  }
0x1e: {  	s7 =	smul.u32 @!p0 $0xF7A, s2;
	p2 =	seq.s32 @!p0 s5, $0x0  }
0x1f: {  	s9 =	smul.u32 $0xF7A, s1;
	s8 =	simm.s32 @!p0 $0x1BF5;
	p2 =	por !p2, p0  }
0x20: {  	[sflag:s8] =	ssyncset.s32 @!p0 $0xFFFFF086;
	s6 =	sadd.s32 @!p0 s3, s7;
	s7 =	simm.s32 @!p0 $0x108  }
0x21: {  	s3 =	sadd.s32 s3, s9;
	s6 =	sadd.s32 @!p0 $0x88, s6;
	s7 =	simm.s32 @p2 $0x1082  }
0x22: {  	[simem:s7], [sflag:s8] =	dma.local @!p0 [hbm:s6], $0xF7A  }
0x23: {  	s9 =	sor.u32 $0xD0000000, s2;
	s6 =	simm.s32 $0x108;
	_ =	swait.ge @!p0 [sflag:s8], $0x0  }
0x24: {  	s3 =	sadd.s32 $0x88, s3;
	s6 =	simm.s32 @!p1 $0x1082;
	[sflag:s4] =	ssyncset.s32 $0xFFFFF086  }
0x25: {  	[simem:s6], [sflag:s4] =	dma.local [hbm:s3], $0xF7A  }
0x26: {  	[smem:$0x3F93] =	sst s1;
	(tag) =	ssettag s2;
	_ =	strace s9  }
0x27: {  	s1 =	sld [smem:$0x3FA3]  }
0x28: {  	s2 =	sld [smem:$0x3FA4]  }
0x29: {  	s4 =	sld [smem:$0x3FA6]  }
0x2a: {  	p0 =	seq.s32 s5, $0x0;
	s5 =	sld [smem:$0x3FA7]  }
0x2b: {  	s6 =	sld [smem:$0x3FA8]  }
0x2c: {  	s7 =	sld [smem:$0x3FA9]  }
0x2d: {  	s3 =	simm.s32 $0x108;
	s8 =	sld [smem:$0x3FAA]  }
0x2e: {  	s3 =	simm.s32 @!p0 $0x1082;
	s9 =	sld [smem:$0x3FAB]  }
0x2f: {  	lr =	sadd.s32 s0, s3;
	s0 =	sld [smem:$0x3FA2]  }
0x30: {  	s3 =	sld [smem:$0x3FA5]  }
0x31: {  	[smem:$0x3FAE] =	sst s10  }
0x32: {  	s10 =	sld [smem:$0x3FAC];
	_ =	sdelay $0x3  }
0x33: {  	p0 =	seq.s32 s10, $0x1;
	s10 =	sld [smem:$0x3FAE];
	_ =	sdelay $0x3  }
0x34: {  	[smem:$0x3FAE] =	sst s10  }
0x35: {  	s10 =	sld [smem:$0x3FAD];
	_ =	sdelay $0x3  }
0x36: {  	p1 =	seq.s32 s10, $0x1;
	s10 =	sld [smem:$0x3FAE];
	_ =	sdelay $0x3  }
0x37: {  	[smem:$0x3FAE] =	sst s10  }
0x38: {  	s10 =	sld [smem:$0x3FAF]  }
0x39: {  	_ = 	snop;
	(pc) =	sbr.ind lr, $3  }
0x3a: {  	_ = 	snop  }
0x3b: {  	_ = 	snop  }
0x3c: {  	p2 =	seq.s32 s10, $0x1;
	s10 =	sld [smem:$0x3FAE]  }
0x3d: {  	_ =	shalt  }
0x3e: {  	_ =	shalt  }
0x3f: {  	_ =	shalt  }
0x40: {  	_ =	shalt  }
0x41: {  	_ =	shalt  }
0x42: {  	_ =	shalt  }
0x43: {  	_ =	shalt  }
0x44: {  	_ =	shalt  }
0x45: {  	_ =	shalt  }
0x46: {  	_ =	shalt  }
0x47: {  	_ =	shalt  }
0x48: {  	_ =	shalt  }
0x49: {  	_ =	shalt  }
0x4a: {  	_ =	shalt  }
0x4b: {  	_ =	shalt  }
0x4c: {  	_ =	shalt  }
0x4d: {  	_ =	shalt  }
0x4e: {  	_ =	shalt  }
0x4f: {  	_ =	shalt  }
0x50: {  	_ =	shalt  }
0x51: {  	_ =	shalt  }
0x52: {  	_ =	shalt  }
0x53: {  	_ =	shalt  }
0x54: {  	_ =	shalt  }
0x55: {  	_ =	shalt  }
0x56: {  	_ =	shalt  }
0x57: {  	_ =	shalt  }
0x58: {  	_ =	shalt  }
0x59: {  	_ =	shalt  }
0x5a: {  	_ =	shalt  }
0x5b: {  	_ =	shalt  }
0x5c: {  	_ =	shalt  }
0x5d: {  	_ =	shalt  }
0x5e: {  	_ =	shalt  }
0x5f: {  	_ =	shalt  }
0x60: {  	_ =	shalt  }
0x61: {  	_ =	shalt  }
0x62: {  	_ =	shalt  }
0x63: {  	_ =	shalt  }
0x64: {  	_ =	shalt  }
0x65: {  	_ =	shalt  }
0x66: {  	_ =	shalt  }
0x67: {  	_ =	shalt  }
0x68: {  	_ =	shalt  }
0x69: {  	_ =	shalt  }
0x6a: {  	_ =	shalt  }
0x6b: {  	_ =	shalt  }
0x6c: {  	_ =	shalt  }
0x6d: {  	_ =	shalt  }
0x6e: {  	_ =	shalt  }
0x6f: {  	_ =	shalt  }
0x70: {  	_ =	shalt  }
0x71: {  	_ =	shalt  }
0x72: {  	_ =	shalt  }
0x73: {  	_ =	shalt  }
0x74: {  	_ =	shalt  }
0x75: {  	_ =	shalt  }
0x76: {  	_ =	shalt  }
0x77: {  	_ =	shalt  }
0x78: {  	_ =	shalt  }
0x79: {  	_ =	shalt  }
0x7a: {  	_ =	shalt  }
0x7b: {  	_ =	shalt  }
0x7c: {  	_ =	shalt  }
0x7d: {  	_ =	shalt  }
0x7e: {  	_ =	shalt  }
0x7f: {  	_ =	shalt  }
0x80: {  	_ =	shalt  }
0x81: {  	_ =	shalt  }
0x82: {  	_ =	shalt  }
0x83: {  	_ =	shalt  }
0x84: {  	_ =	shalt  }
0x85: {  	_ =	shalt  }
0x86: {  	_ =	shalt  }
0x87: {  	_ =	shalt  }
.Lfunc_end0:
.L_simem_size_0:
called_computation.1_lowered:
.L_overlay_start_0:
0x88: {  	s2 =	sld [smem:$0x3FD9]  }
0x89: {  	s3 =	sld [smem:$0x3FFE];
	_ =	sdelay $0x1  }
0x8a: {  	s1 =	srdreg.scid  }
0x8b: {  	s0 =	sand.u32 $0x1, s1  }
0x8c: {  	s17 =	sshll.u32 s0, $0xA;
	s2 =	sadd.s32 s3, s2  }
0x8d: {  	s2 =	sadd.s32 s2, s17  }
0x8e: {  	[smem:$0x3FBA] =	sst s2  }
0x8f: {  	_ = 	snop  }
0x90: {  	s2 =	sld [smem:$0x3FD0];
	(tm) =	ssettm $0x1  }
0x91: {  	s18 =	sld [smem:$0x3FFB];
	_ =	sdelay $0x3  }
0x92: {  	_ =	strace s18  }
0x93: {  	s3 =	sld [smem:$0x3FFC];
	_ =	sdelay $0x3  }
0x94: {  	_ =	strace s3  }
0x95: {  	s3 =	sld [smem:$0x3FFD];
	_ =	sdelay $0x3  }
0x96: {  	_ =	strace s3  }
0x97: {  	_ =	strace $0x8FFFFFFF  }
0x98: {  	s19 =	sld [smem:$0x3FDB];
	_ =	sdelay $0x1  }
0x99: {  	s4 =	simm.s32 $_scs_section_size  }
0x9a: {  	s5 =	simm.s32 $_size__tile_overlayer_lowered;
	s6 =	simm.s32 $_tile_overlayer_lowered  }
0x9b: {  	s22 =	simm.s32 $0x1BFF;
	s21 =	sshll.u32 s6, $0x1;
	s3 =	sadd.s32 s4, s19  }
0x9c: {  	s7 =	simm.s32 $0x0;
	s20 =	sshll.u32 s5, $0x1;
	s5 =	sadd.s32 s21, s3  }
0x9d: {  	[timem:s7], [sflag:s22] =	dma.local [hbm:s5], s20  }
0x9e: {  	_ =	swait.ge [sflag:s22], s20  }
0x9f: {  	s4 =	ssub.s32 $0x0, s20;
	[sflag:s22] =	ssyncset.done $0x0  }
0xa0: {  	[sflag:s22] =	ssyncadd.s32 s4;
	_ =	sdelay $0x1  }
0xa1: {  	s23 =	simm.s32 $0x1B8B  }
0xa2: {  	_ =	swait.ge [sflag:s23], $0x1  }
0xa3: {  	[sflag:s23] =	ssyncset.done $0x0  }
0xa4: {  	s25 =	simm.s32 $0x1B8E;
	s24 =	sld [smem:$0x3FFE];
	[sflag:s23] =	ssyncadd.s32 $0xFFFFFFFF  }
0xa5: {  	s26 =	simm.s32 $execute0_lowered;
	[smem:$0x3FD2] =	sst s25  }
0xa6: {  	s5 =	sshll.u32 s26, $0x1;
	_ =	strace $0x80000049;
	[dreg:$0x1] =	wrdreg $0xFFFFFFFF  }
0xa7: {  	s28 =	simm.s32 $_size_execute0_lowered;
	s3 =	sadd.s32 s3, s5;
	[dreg:$0x0] =	wrdreg $0x0  }
0xa8: {  	s5 =	sshll.u32 s28, $0x1;
	[dreg:$0x2] =	wrdreg s3  }
0xa9: {  	[dreg:$0x3] =	wrdreg s5  }
0xaa: {  	[dreg:$0x4] =	wrdreg $0xC0  }
0xab: {  	_ =	task [dreg:s7], $0x5FFFF  }
0xac: {  	[dreg:$0x1] =	wrdreg $0xFFFFFFFF  }
0xad: {  	[dreg:$0x0] =	wrdreg $0x60  }
0xae: {  	[dreg:$0x2] =	wrdreg s24  }
0xaf: {  	[dreg:$0x3] =	wrdreg s2  }
0xb0: {  	[dreg:$0x4] =	wrdreg $0x9  }
0xb1: {  	_ =	task.clear_ibuf [dreg:s7], $0x5FFFF;
	_ =	strace $0x90000049  }
0xb2: {  	s29 =	simm.s32 $0x9;
	_ =	strace $0x8000004B  }
0xb3: {  	_ =	swait.ge [sflag:s29], $0x1  }
0xb4: {  	[sflag:s29] =	ssyncadd.s32 $0xFFFFFFFF  }
0xb5: {  	_ =	strace $0x9000004B  }
0xb6: {  	_ =	sfence  }
0xb7: {  	s30 =	sld [smem:$0x0];
	_ =	sdelay $0x2  }
0xb8: {  	s31 =	sshll.u32 s1, $0xD;
	s1 =	sshrl.u32 s1, $0x2  }
0xb9: {  	s3 =	sand.u32 $0x4000, s31;
	s1 =	sadd.s32 s1, s30  }
0xba: {  	s0 =	sor.u32 s3, s0;
	s1 =	sshll.u32 s1, $0x11  }
0xbb: {  	s0 =	sor.u32 s1, s0  }
0xbc: {  	s0 =	sadd.s32 $0x8F2B, s0  }
0xbd: {  	[sflag:s0] =	ssyncadd.remote.s32 $0x1  }
0xbe: {  	_ =	sfence.sel $0xFFFF  }
0xbf: {  	[dreg:$0x0] =	wrdreg $0xFFFFFFFF;
	(pc) =	sbr.abs _section_cstart, $3  }
0xc0: {  	[dreg:$0x1] =	wrdreg $0xFFFFFFFF  }
0xc1: {  	_ =	task.clear_ibuf [dreg:s7], $0x2FFFF;
	_ =	strace $0x9FFFFFFF  }
0xc2: {  	(tm) =	ssettm $0x7FFFFFFF  }
0xc3: {  	_ =	shalt  }
tec
execute0_lowered:
.L_overlay_start_1:
0x0: {  	(tag) =	ssettag $0x1  }
0x1: {  	s0 =	srdreg.scid;
	s2 =	stileid.u32  }
0x2: {  	s1 =	rddreg [dreg:$0x0];
	s5 =	simm.s32 $0x0;
	s0 =	sand.u32 $0x1, s0  }
0x3: {  	s2 =	sshll.u32 s2, $0x1;
	[smem:$0x7FF] =	sst s5;
	s4 =	sadd.s32 $0x3D5800, s1  }
0x4: {  	s28 =	sadd.s32 $0x312200, s1;
	s29 =	sadd.s32 $0x253C00, s1;
	s2 =	sor.u32 s0, s2  }
0x5: {  	_ =	strace $0x8000004A;
	[smem:$0x7F6] =	sst s4;
	s3 =	smul.u32 $0x280, s2  }
0x6: {  	v0 =	vimm.s32 $0xFEDCBA98;
	[smem:$0x7F7] =	sst s28;
	s0 =	ssub.s32 $0x2, s0;
	s6 =	smul.u32 $0x140, s2  }
0x7: {  	v1 =	vimm.s32 $0x76543210;
	v0 =	vunpack.c.l.s4.s8 v0;
	[smem:$0x7F8] =	sst s29;
	s30 =	sshrl.u32 s0, $0x1;
	s31 =	smul.u32 $0xA000, s2  }
.Ltmp0:
0x8: {  	v1 =	vunpack.c.l.s4.s8 v1;
	s0 =	ssub.s32 s0, s30;
	[smem:$0x7F9] =	sst s6;
	(pc) =	sbr.rel .LBB2_1-.Ltmp0, $4  }
0x9: {  	v2 =	vlaneseq.u32;
	v3 =	vunpack.c.0.s8.s32 v0;
	s3 =	sadd.s32 s3, s1;
	s1 =	sadd.s32 $0x3D5900, s1;
	[smem:$0x7FC] =	sst s31  }
0xa: {  	vm0 =	vmmov $0xffff;
	vm1 =	vmmov $0xff;
	v5 =	vunpack.c.0.s8.s32 v1;
	s0 =	smax.u32 s0, $0x1;
	[smem:$0x7FB] =	sst s1  }
0xb: {  	v4 =	vshrl.u32 v2, $0x3;
	v0 =	vand.u32 $0x7, v2;
	v3 =	vand.u32 $0xF, v3;
	s3 =	sadd.s32 $0x24EC00, s3;
	[smem:$0x7FD] =	sst s0  }
0xc: {  	v1 =	vmul.u32 $0x8, v4;
	v2 =	vor.u32 $0x8, v2;
	s2 =	simm.s32 $0x0;
	v3 =	vcombine.low v3, v5;
	[smem:$0x7FA] =	sst s3  }
.LBB2_14:
0xd: {  	s0 =	simm.s32 $0x5  }
0xe: {  	_ =	swait.ge [sflag:s0], $0x600  }
0xf: {  	[sflag:s0] =	ssyncset.done $0x0  }
0x10: {  	s29 =	simm.s32 $0x7;
	[sflag:s0] =	ssyncadd.s32 $0xFFFFFA00  }
0x11: {  	_ =	swait.ge [sflag:s29], $0x200  }
0x12: {  	[sflag:s29] =	ssyncset.done $0x0  }
0x13: {  	s30 =	simm.s32 $0x6;
	[sflag:s29] =	ssyncadd.s32 $0xFFFFFE00  }
0x14: {  	_ =	swait.ge [sflag:s30], $0x600  }
0x15: {  	[sflag:s30] =	ssyncset.done $0x0  }
0x16: {  	s1 =	simm.s32 $0x8;
	[sflag:s30] =	ssyncadd.s32 $0xFFFFFA00  }
0x17: {  	_ =	swait.ge [sflag:s1], $0x200  }
0x18: {  	s2 =	sld [smem:$0x7F5]  }
0x19: {  	s31 =	sld [smem:$0x7FD];
	_ =	sdelay $0x1  }
0x1a: {  	s2 =	sadd.s32 $0x1, s2  }
0x1b: {  	p0 =	sne.s32 s2, s31  }
.Ltmp1:
0x1c: {  	_ = 	snop;
	(pc) =	sbr.rel @!p0 .LBB2_15-.Ltmp1, $3  }
0x1d: {  	_ =	sdelay $0x1  }
0x1e: {  	[sflag:s1] =	ssyncset.done $0x0  }
0x1f: {  	[sflag:s1] =	ssyncadd.s32 $0xFFFFFE00  }
.LBB2_1:
0x20: {  	s0 =	sld [smem:$0x7FA];
	_ =	sdelay $0x1  }
0x21: {  	[smem:$0x7F5] =	sst s2;
	s24 =	simm.s32 $0x9  }
0x22: {  	[tilespmem:s5], [sflag:$0x9] =	stream.linear.gather [hbm4b:s0+s5], $0x1400, $0x38;
	[tilespmem:$0x12500] =	vst v63  }
0x23: {  	_ =	swait.ge [sflag:s24], $0x1400  }
0x24: {  	[sflag:s24] =	ssyncset.done $0x0  }
0x25: {  	[sflag:s24] =	ssyncadd.s32 $0xFFFFEC00  }
0x26: {  	v4 =	vld [tilespmem:$0x0];
	_ =	sdelay $0x4  }
0x27: {  	v5 =	vshrl.u32 v4, $0x3  }
0x28: {  	v5 =	vmul.u32 $0x18, v5  }
0x29: {  	v4 =	vand.u32 $0x7, v4  }
0x2a: {  	v4 =	vor.u32 v4, v5  }
0x2b: {  	v5 =	vperm.xlane v4, v0;
	_ =	sdelay $0x1  }
0x2c: {  	v5 =	vadd.s32 v1, v5;
	_ =	sdelay $0x1  }
0x2d: {  	s0 =	sld [smem:$0x7F6];
	v4 =	vperm.xlane v4, v2;
	_ =	sdelay $0x1  }
0x2e: {  	s1 =	simm.s32 $0x1400;
	s2 =	sld [smem:$0x7FB];
	v4 =	vadd.s32 v1, v4  }
0x2f: {  	[tilespmem:s1], [sflag:$0x1] =	stream.indirect_vreg.gather [hbm4b:s0+s5], $0x80, v5, vm0, $0xb8;
	[tilespmem:$0x12500] =	vst v63  }
0x30: {  	s25 =	simm.s32 $0x1C00  }
0x31: {  	[tilespmem:s25], [sflag:$0x1] =	stream.indirect_vreg.gather [hbm4b:s2+s5], $0x80, v5, vm1, $0xb8;
	[tilespmem:$0x12500] =	vst v63  }
0x32: {  	s26 =	simm.s32 $0x2000  }
0x33: {  	[tilespmem:s26], [sflag:$0x1] =	stream.indirect_vreg.gather [hbm4b:s0+s5], $0x80, v4, vm0, $0xb8;
	[tilespmem:$0x12500] =	vst v63  }
0x34: {  	s28 =	simm.s32 $0x2800  }
0x35: {  	[tilespmem:s28], [sflag:$0x1] =	stream.indirect_vreg.gather [hbm4b:s2+s5], $0x80, v4, vm1, $0xb8;
	[tilespmem:$0x12500] =	vst v63  }
0x36: {  	v4 =	vld [tilespmem:$0x10];
	_ =	sdelay $0x4  }
0x37: {  	v5 =	vshrl.u32 v4, $0x3  }
0x38: {  	v5 =	vmul.u32 $0x18, v5  }
0x39: {  	v4 =	vand.u32 $0x7, v4  }
0x3a: {  	v4 =	vor.u32 v4, v5  }
0x3b: {  	v5 =	vperm.xlane v4, v0;
	_ =	sdelay $0x1  }
0x3c: {  	v5 =	vadd.s32 v1, v5;
	_ =	sdelay $0x1  }
0x3d: {  	v4 =	vperm.xlane v4, v2;
	_ =	sdelay $0x1  }
0x3e: {  	s29 =	simm.s32 $0x2C00;
	v4 =	vadd.s32 v1, v4  }
0x3f: {  	[tilespmem:s29], [sflag:$0x1] =	stream.indirect_vreg.gather [hbm4b:s0+s5], $0x80, v5, vm0, $0xb8;
	[tilespmem:$0x12500] =	vst v63  }
0x40: {  	s30 =	simm.s32 $0x3400  }
0x41: {  	[tilespmem:s30], [sflag:$0x1] =	stream.indirect_vreg.gather [hbm4b:s2+s5], $0x80, v5, vm1, $0xb8;
	[tilespmem:$0x12500] =	vst v63  }
0x42: {  	s31 =	simm.s32 $0x3800  }
0x43: {  	[tilespmem:s31], [sflag:$0x1] =	stream.indirect_vreg.gather [hbm4b:s0+s5], $0x80, v4, vm0, $0xb8;
	[tilespmem:$0x12500] =	vst v63  }
0x44: {  	s3 =	simm.s32 $0x4000  }
0x45: {  	[tilespmem:s3], [sflag:$0x1] =	stream.indirect_vreg.gather [hbm4b:s2+s5], $0x80, v4, vm1, $0xb8;
	[tilespmem:$0x12500] =	vst v63  }
0x46: {  	v4 =	vld [tilespmem:$0x20];
	_ =	sdelay $0x4  }
0x47: {  	v5 =	vshrl.u32 v4, $0x3  }
0x48: {  	v5 =	vmul.u32 $0x18, v5  }
0x49: {  	v4 =	vand.u32 $0x7, v4  }
0x4a: {  	v4 =	vor.u32 v4, v5  }
0x4b: {  	v5 =	vperm.xlane v4, v0;
	_ =	sdelay $0x1  }
0x4c: {  	v5 =	vadd.s32 v1, v5;
	_ =	sdelay $0x1  }
0x4d: {  	v4 =	vperm.xlane v4, v2;
	_ =	sdelay $0x1  }
0x4e: {  	s4 =	simm.s32 $0x4400;
	v4 =	vadd.s32 v1, v4  }
0x4f: {  	[tilespmem:s4], [sflag:$0x1] =	stream.indirect_vreg.gather [hbm4b:s0+s5], $0x80, v5, vm0, $0xb8;
	[tilespmem:$0x12500] =	vst v63  }
0x50: {  	s6 =	simm.s32 $0x4C00  }
0x51: {  	[tilespmem:s6], [sflag:$0x1] =	stream.indirect_vreg.gather [hbm4b:s2+s5], $0x80, v5, vm1, $0xb8;
	[tilespmem:$0x12500] =	vst v63  }
0x52: {  	s7 =	simm.s32 $0x5000  }
0x53: {  	[tilespmem:s7], [sflag:$0x1] =	stream.indirect_vreg.gather [hbm4b:s0+s5], $0x80, v4, vm0, $0xb8;
	[tilespmem:$0x12500] =	vst v63  }
0x54: {  	s8 =	simm.s32 $0x5800  }
0x55: {  	[tilespmem:s8], [sflag:$0x1] =	stream.indirect_vreg.gather [hbm4b:s2+s5], $0x80, v4, vm1, $0xb8;
	[tilespmem:$0x12500] =	vst v63  }
0x56: {  	v4 =	vld [tilespmem:$0x30];
	_ =	sdelay $0x4  }
0x57: {  	v5 =	vshrl.u32 v4, $0x3  }
0x58: {  	v5 =	vmul.u32 $0x18, v5  }
0x59: {  	v4 =	vand.u32 $0x7, v4  }
0x5a: {  	v4 =	vor.u32 v4, v5  }
0x5b: {  	v5 =	vperm.xlane v4, v0;
	_ =	sdelay $0x1  }
0x5c: {  	v5 =	vadd.s32 v1, v5;
	_ =	sdelay $0x1  }
0x5d: {  	v4 =	vperm.xlane v4, v2;
	_ =	sdelay $0x1  }
0x5e: {  	s9 =	simm.s32 $0x5C00;
	v4 =	vadd.s32 v1, v4  }
0x5f: {  	[tilespmem:s9], [sflag:$0x1] =	stream.indirect_vreg.gather [hbm4b:s0+s5], $0x80, v5, vm0, $0xb8;
	[tilespmem:$0x12500] =	vst v63  }
0x60: {  	s10 =	simm.s32 $0x6400  }
0x61: {  	[tilespmem:s10], [sflag:$0x1] =	stream.indirect_vreg.gather [hbm4b:s2+s5], $0x80, v5, vm1, $0xb8;
	[tilespmem:$0x12500] =	vst v63  }
0x62: {  	s11 =	simm.s32 $0x6800  }
0x63: {  	[tilespmem:s11], [sflag:$0x1] =	stream.indirect_vreg.gather [hbm4b:s0+s5], $0x80, v4, vm0, $0xb8;
	[tilespmem:$0x12500] =	vst v63  }
0x64: {  	s12 =	simm.s32 $0x7000;
	s13 =	sld [smem:$0x7F7]  }
0x65: {  	[tilespmem:s12], [sflag:$0x1] =	stream.indirect_vreg.gather [hbm4b:s2+s5], $0x80, v4, vm1, $0xb8;
	[tilespmem:$0x12500] =	vst v63  }
0x66: {  	s3 =	simm.s32 $0x40;
	s4 =	simm.s32 $0xE000  }
0x67: {  	[tilespmem:s4], [sflag:$0x3] =	stream.indirect.gather [hbm4b:s13+s3], $0x80, s5, s3, $0xb8;
	[tilespmem:$0x12500] =	vst v63  }
0x68: {  	v4 =	vld [tilespmem:$0x40];
	_ =	sdelay $0x4  }
0x69: {  	v5 =	vshrl.u32 v4, $0x3  }
0x6a: {  	v5 =	vmul.u32 $0x18, v5  }
0x6b: {  	v4 =	vand.u32 $0x7, v4  }
0x6c: {  	v4 =	vor.u32 v4, v5  }
0x6d: {  	v5 =	vperm.xlane v4, v0;
	_ =	sdelay $0x1  }
0x6e: {  	v5 =	vadd.s32 v1, v5;
	_ =	sdelay $0x1  }
0x6f: {  	v4 =	vperm.xlane v4, v2;
	_ =	sdelay $0x1  }
0x70: {  	s14 =	simm.s32 $0x7400;
	v4 =	vadd.s32 v1, v4  }
0x71: {  	[tilespmem:s14], [sflag:$0x2] =	stream.indirect_vreg.gather [hbm4b:s0+s5], $0x80, v5, vm0, $0xb8;
	[tilespmem:$0x12500] =	vst v63  }
0x72: {  	s15 =	simm.s32 $0x7C00  }
0x73: {  	[tilespmem:s15], [sflag:$0x2] =	stream.indirect_vreg.gather [hbm4b:s2+s5], $0x80, v5, vm1, $0xb8;
	[tilespmem:$0x12500] =	vst v63  }
0x74: {  	s16 =	simm.s32 $0x8000  }
0x75: {  	[tilespmem:s16], [sflag:$0x2] =	stream.indirect_vreg.gather [hbm4b:s0+s5], $0x80, v4, vm0, $0xb8;
	[tilespmem:$0x12500] =	vst v63  }
0x76: {  	s17 =	simm.s32 $0x8800  }
0x77: {  	[tilespmem:s17], [sflag:$0x2] =	stream.indirect_vreg.gather [hbm4b:s2+s5], $0x80, v4, vm1, $0xb8;
	[tilespmem:$0x12500] =	vst v63  }
0x78: {  	v4 =	vld [tilespmem:$0x50];
	_ =	sdelay $0x4  }
0x79: {  	v5 =	vshrl.u32 v4, $0x3  }
0x7a: {  	v5 =	vmul.u32 $0x18, v5  }
0x7b: {  	v4 =	vand.u32 $0x7, v4  }
0x7c: {  	v4 =	vor.u32 v4, v5  }
0x7d: {  	v5 =	vperm.xlane v4, v0;
	_ =	sdelay $0x1  }
0x7e: {  	v5 =	vadd.s32 v1, v5;
	_ =	sdelay $0x1  }
0x7f: {  	v4 =	vperm.xlane v4, v2;
	_ =	sdelay $0x1  }
0x80: {  	s18 =	simm.s32 $0x8C00;
	v4 =	vadd.s32 v1, v4  }
0x81: {  	[tilespmem:s18], [sflag:$0x2] =	stream.indirect_vreg.gather [hbm4b:s0+s5], $0x80, v5, vm0, $0xb8;
	[tilespmem:$0x12500] =	vst v63  }
0x82: {  	s19 =	simm.s32 $0x9400  }
0x83: {  	[tilespmem:s19], [sflag:$0x2] =	stream.indirect_vreg.gather [hbm4b:s2+s5], $0x80, v5, vm1, $0xb8;
	[tilespmem:$0x12500] =	vst v63  }
0x84: {  	s20 =	simm.s32 $0x9800  }
0x85: {  	[tilespmem:s20], [sflag:$0x2] =	stream.indirect_vreg.gather [hbm4b:s0+s5], $0x80, v4, vm0, $0xb8;
	[tilespmem:$0x12500] =	vst v63  }
0x86: {  	s21 =	simm.s32 $0xA000  }
0x87: {  	[tilespmem:s21], [sflag:$0x2] =	stream.indirect_vreg.gather [hbm4b:s2+s5], $0x80, v4, vm1, $0xb8;
	[tilespmem:$0x12500] =	vst v63  }
0x88: {  	v4 =	vld [tilespmem:$0x60];
	_ =	sdelay $0x4  }
0x89: {  	v5 =	vshrl.u32 v4, $0x3  }
0x8a: {  	v5 =	vmul.u32 $0x18, v5  }
0x8b: {  	v4 =	vand.u32 $0x7, v4  }
0x8c: {  	v4 =	vor.u32 v4, v5  }
0x8d: {  	v5 =	vperm.xlane v4, v0;
	_ =	sdelay $0x1  }
0x8e: {  	v5 =	vadd.s32 v1, v5;
	_ =	sdelay $0x1  }
0x8f: {  	v4 =	vperm.xlane v4, v2;
	_ =	sdelay $0x1  }
0x90: {  	s22 =	simm.s32 $0xA400;
	v4 =	vadd.s32 v1, v4  }
0x91: {  	[tilespmem:s22], [sflag:$0x2] =	stream.indirect_vreg.gather [hbm4b:s0+s5], $0x80, v5, vm0, $0xb8;
	[tilespmem:$0x12500] =	vst v63  }
0x92: {  	s23 =	simm.s32 $0xAC00  }
0x93: {  	[tilespmem:s23], [sflag:$0x2] =	stream.indirect_vreg.gather [hbm4b:s2+s5], $0x80, v5, vm1, $0xb8;
	[tilespmem:$0x12500] =	vst v63  }
0x94: {  	s24 =	simm.s32 $0xB000  }
0x95: {  	[tilespmem:s24], [sflag:$0x2] =	stream.indirect_vreg.gather [hbm4b:s0+s5], $0x80, v4, vm0, $0xb8;
	[tilespmem:$0x12500] =	vst v63  }
0x96: {  	s25 =	simm.s32 $0xB800  }
0x97: {  	[tilespmem:s25], [sflag:$0x2] =	stream.indirect_vreg.gather [hbm4b:s2+s5], $0x80, v4, vm1, $0xb8;
	[tilespmem:$0x12500] =	vst v63  }
0x98: {  	v4 =	vld [tilespmem:$0x70];
	_ =	sdelay $0x4  }
0x99: {  	v5 =	vshrl.u32 v4, $0x3  }
0x9a: {  	v5 =	vmul.u32 $0x18, v5  }
0x9b: {  	v4 =	vand.u32 $0x7, v4  }
0x9c: {  	v4 =	vor.u32 v4, v5  }
0x9d: {  	v5 =	vperm.xlane v4, v0;
	_ =	sdelay $0x1  }
0x9e: {  	v5 =	vadd.s32 v1, v5;
	_ =	sdelay $0x1  }
0x9f: {  	v4 =	vperm.xlane v4, v2;
	_ =	sdelay $0x1  }
0xa0: {  	s26 =	simm.s32 $0xBC00;
	v4 =	vadd.s32 v1, v4  }
0xa1: {  	[tilespmem:s26], [sflag:$0x2] =	stream.indirect_vreg.gather [hbm4b:s0+s5], $0x80, v5, vm0, $0xb8;
	[tilespmem:$0x12500] =	vst v63  }
0xa2: {  	s28 =	simm.s32 $0xC400  }
0xa3: {  	[tilespmem:s28], [sflag:$0x2] =	stream.indirect_vreg.gather [hbm4b:s2+s5], $0x80, v5, vm1, $0xb8;
	[tilespmem:$0x12500] =	vst v63  }
0xa4: {  	s29 =	simm.s32 $0xC800  }
0xa5: {  	[tilespmem:s29], [sflag:$0x2] =	stream.indirect_vreg.gather [hbm4b:s0+s5], $0x80, v4, vm0, $0xb8;
	[tilespmem:$0x12500] =	vst v63  }
0xa6: {  	s30 =	simm.s32 $0xD000  }
0xa7: {  	[tilespmem:s30], [sflag:$0x2] =	stream.indirect_vreg.gather [hbm4b:s2+s5], $0x80, v4, vm1, $0xb8;
	[tilespmem:$0x12500] =	vst v63  }
0xa8: {  	s31 =	simm.s32 $0x10000;
	s6 =	simm.s32 $0x0  }
0xa9: {  	[tilespmem:s31], [sflag:$0x4] =	stream.indirect.gather [hbm4b:s13+s3], $0x80, s3, s3, $0xb8;
	[tilespmem:$0x12500] =	vst v63  }
.LBB2_2:
0xaa: {  	s0 =	simm.s32 $0x1  }
0xab: {  	_ =	swait.ge [sflag:s0], $0x6000  }
0xac: {  	p0 =	seq.s32 s6, $0x0;
	[sflag:s0] =	ssyncset.done $0x0  }
0xad: {  	s5 =	simm.s32 $0x0;
	[sflag:s0] =	ssyncadd.s32 $0xFFFFA000;
	s0 =	simm.s32 @!p0 $0x5  }
0xae: {  	s15 =	sand.u32 $0x60, s5;
	s1 =	sand.u32 $0xC00, s5;
	_ =	swait.ge @!p0 [sflag:s0], $0x600  }
0xaf: {  	s2 =	sadd.s32 $0x1400, s1;
	s17 =	sor.u32 $0x10, s15;
	[sflag:s0] =	ssyncset.done @!p0 $0x0  }
0xb0: {  	s20 =	sor.u32 s17, s2;
	[sflag:s0] =	ssyncadd.s32 @!p0 $0xFFFFFA00  }
0xb1: {  	s2 =	sor.u32 s15, s2;
	v4 =	vld [tilespmem:s20+$0x80]  }
0xb2: {  	v5 =	vld [tilespmem:s2+$0x0]  }
0xb3: {  	v6 =	vld [tilespmem:s2+$0x80]  }
0xb4: {  	v7 =	vld [tilespmem:s20+$0x0]  }
0xb5: {  	v8 =	vld [tilespmem:s2+$0x100]  }
0xb6: {  	v9 =	vld [tilespmem:s20+$0x100]  }
0xb7: {  	v10 =	vld [tilespmem:s2+$0x180]  }
0xb8: {  	v5 =	vadd.f32 v6, v5;
	v6 =	vld [tilespmem:s20+$0x180]  }
0xb9: {  	v4 =	vadd.f32 v4, v7;
	v7 =	vld [tilespmem:s2+$0x200]  }
0xba: {  	v5 =	vadd.f32 v8, v5;
	v8 =	vld [tilespmem:s20+$0x200]  }
0xbb: {  	v4 =	vadd.f32 v9, v4;
	v9 =	vld [tilespmem:s2+$0x280]  }
0xbc: {  	v5 =	vadd.f32 v10, v5;
	v10 =	vld [tilespmem:s20+$0x280]  }
0xbd: {  	v4 =	vadd.f32 v6, v4;
	v6 =	vld [tilespmem:s2+$0x300]  }
0xbe: {  	v5 =	vadd.f32 v7, v5;
	v7 =	vld [tilespmem:s20+$0x300]  }
0xbf: {  	s3 =	sor.u32 $0x2000, s1;
	v4 =	vadd.f32 v8, v4;
	v8 =	vld [tilespmem:s2+$0x380]  }
0xc0: {  	s21 =	sor.u32 s15, s3;
	v5 =	vadd.f32 v9, v5;
	v9 =	vld [tilespmem:s20+$0x380]  }
0xc1: {  	s23 =	sor.u32 $0x2080, s1;
	s22 =	sor.u32 s17, s3;
	v4 =	vadd.f32 v10, v4;
	v10 =	vld [tilespmem:s21+$0x0]  }
0xc2: {  	s24 =	sor.u32 s15, s23;
	v5 =	vadd.f32 v6, v5;
	v6 =	vld [tilespmem:s22+$0x0]  }
0xc3: {  	s25 =	sor.u32 $0x2100, s1;
	s3 =	sor.u32 s17, s23;
	v4 =	vadd.f32 v7, v4;
	v7 =	vld [tilespmem:s24+$0x0]  }
0xc4: {  	s26 =	sor.u32 s15, s25;
	v5 =	vadd.f32 v8, v5;
	v8 =	vld [tilespmem:s3+$0x0]  }
0xc5: {  	s28 =	sor.u32 $0x2180, s1;
	s0 =	sor.u32 s17, s25;
	v4 =	vadd.f32 v9, v4;
	v9 =	vld [tilespmem:s26+$0x0]  }
0xc6: {  	s29 =	sor.u32 s15, s28;
	v5 =	vadd.f32 v10, v5;
	v10 =	vld [tilespmem:s0+$0x0]  }
0xc7: {  	s30 =	sor.u32 $0x2200, s1;
	s3 =	sor.u32 s17, s28;
	v4 =	vadd.f32 v6, v4;
	v6 =	vld [tilespmem:s29+$0x0]  }
0xc8: {  	s31 =	sor.u32 s15, s30;
	v5 =	vadd.f32 v7, v5;
	v7 =	vld [tilespmem:s3+$0x0]  }
0xc9: {  	s4 =	sor.u32 $0x2280, s1;
	s0 =	sor.u32 s17, s30;
	v4 =	vadd.f32 v8, v4;
	v8 =	vld [tilespmem:s31+$0x0]  }
0xca: {  	s7 =	sor.u32 s15, s4;
	v5 =	vadd.f32 v9, v5;
	v9 =	vld [tilespmem:s0+$0x0]  }
0xcb: {  	s8 =	sor.u32 $0x2300, s1;
	s3 =	sor.u32 s17, s4;
	v4 =	vadd.f32 v10, v4;
	v10 =	vld [tilespmem:s7+$0x0]  }
0xcc: {  	s9 =	sor.u32 s15, s8;
	v5 =	vadd.f32 v6, v5;
	v6 =	vld [tilespmem:s3+$0x0]  }
0xcd: {  	s10 =	sor.u32 $0x2380, s1;
	s0 =	sor.u32 s17, s8;
	v4 =	vadd.f32 v7, v4;
	v7 =	vld [tilespmem:s9+$0x0]  }
0xce: {  	s11 =	sor.u32 s15, s10;
	v5 =	vadd.f32 v8, v5;
	v8 =	vld [tilespmem:s0+$0x0]  }
0xcf: {  	s12 =	sor.u32 s17, s10;
	v4 =	vadd.f32 v9, v4;
	v9 =	vld [tilespmem:s11+$0x0]  }
0xd0: {  	v5 =	vadd.f32 v10, v5;
	v10 =	vld [tilespmem:s12+$0x0]  }
0xd1: {  	v4 =	vadd.f32 v6, v4  }
0xd2: {  	v5 =	vadd.f32 v7, v5  }
0xd3: {  	v4 =	vadd.f32 v8, v4  }
0xd4: {  	v5 =	vadd.f32 v9, v5  }
0xd5: {  	v4 =	vadd.f32 v10, v4  }
0xd6: {  	v5 =	vmul.f32 $6.250000000e-02, v5  }
0xd7: {  	s7 =	simm.s32 $0xD710;
	s0 =	sand.u32 $0x180, s5;
	v4 =	vmul.f32 $6.250000000e-02, v4  }
0xd8: {  	s13 =	sadd.s32 $0x2C80, s1;
	s14 =	sor.u32 s17, s0;
	[tilespmem:s7+$0xFFFFFCF0] =	vst v5  }
0xd9: {  	s16 =	sadd.s32 $0x2C00, s1;
	s4 =	sor.u32 s15, s13;
	[tilespmem:s14+$0xD400] =	vst v4  }
0xda: {  	s18 =	sor.u32 s17, s16;
	v4 =	vld [tilespmem:s4+$0x0]  }
0xdb: {  	s3 =	sor.u32 s15, s16;
	v5 =	vld [tilespmem:s18+$0x0]  }
0xdc: {  	s19 =	sadd.s32 $0x2D00, s1;
	s2 =	sor.u32 s17, s13;
	v6 =	vld [tilespmem:s3+$0x0]  }
0xdd: {  	s20 =	sor.u32 s15, s19;
	v7 =	vld [tilespmem:s2+$0x0]  }
0xde: {  	s21 =	sor.u32 s17, s19;
	s22 =	sadd.s32 $0x2D80, s1;
	v8 =	vld [tilespmem:s20+$0x0]  }
0xdf: {  	s23 =	sor.u32 s15, s22;
	v9 =	vld [tilespmem:s21+$0x0]  }
0xe0: {  	s24 =	sadd.s32 $0x2E00, s1;
	s4 =	sor.u32 s17, s22;
	v10 =	vld [tilespmem:s23+$0x0]  }
0xe1: {  	s25 =	sor.u32 s15, s24;
	v11 =	vld [tilespmem:s4+$0x0];
	v4 =	vadd.f32 v4, v6  }
0xe2: {  	s26 =	sadd.s32 $0x2E80, s1;
	s2 =	sor.u32 s17, s24;
	v5 =	vadd.f32 v7, v5;
	v6 =	vld [tilespmem:s25+$0x0]  }
0xe3: {  	s28 =	sor.u32 s15, s26;
	v7 =	vld [tilespmem:s2+$0x0];
	v4 =	vadd.f32 v8, v4  }
0xe4: {  	s29 =	sadd.s32 $0x2F00, s1;
	s4 =	sor.u32 s17, s26;
	v5 =	vadd.f32 v9, v5;
	v8 =	vld [tilespmem:s28+$0x0]  }
0xe5: {  	s30 =	sor.u32 s15, s29;
	v9 =	vld [tilespmem:s4+$0x0];
	v4 =	vadd.f32 v10, v4  }
0xe6: {  	s31 =	sadd.s32 $0x2F80, s1;
	s2 =	sor.u32 s17, s29;
	v5 =	vadd.f32 v11, v5;
	v10 =	vld [tilespmem:s30+$0x0]  }
0xe7: {  	s8 =	sor.u32 s15, s31;
	v11 =	vld [tilespmem:s2+$0x0];
	v4 =	vadd.f32 v6, v4  }
0xe8: {  	s9 =	sadd.s32 $0x3800, s1;
	s4 =	sor.u32 s17, s31;
	v5 =	vadd.f32 v7, v5;
	v6 =	vld [tilespmem:s8+$0x0]  }
0xe9: {  	s10 =	sor.u32 s15, s9;
	v7 =	vld [tilespmem:s4+$0x0];
	v4 =	vadd.f32 v8, v4  }
0xea: {  	s11 =	sadd.s32 $0x3880, s1;
	s2 =	sor.u32 s17, s9;
	v5 =	vadd.f32 v9, v5;
	v8 =	vld [tilespmem:s10+$0x0]  }
0xeb: {  	s12 =	sor.u32 s15, s11;
	v9 =	vld [tilespmem:s2+$0x0];
	v4 =	vadd.f32 v10, v4  }
0xec: {  	s13 =	sadd.s32 $0x3900, s1;
	s4 =	sor.u32 s17, s11;
	v5 =	vadd.f32 v11, v5;
	v10 =	vld [tilespmem:s12+$0x0]  }
0xed: {  	s14 =	sor.u32 s15, s13;
	v11 =	vld [tilespmem:s4+$0x0];
	v4 =	vadd.f32 v6, v4  }
0xee: {  	s16 =	sadd.s32 $0x3980, s1;
	s2 =	sor.u32 s17, s13;
	v5 =	vadd.f32 v7, v5;
	v6 =	vld [tilespmem:s14+$0x0]  }
0xef: {  	s18 =	sor.u32 s15, s16;
	v7 =	vld [tilespmem:s2+$0x0];
	v4 =	vadd.f32 v8, v4  }
0xf0: {  	s19 =	sadd.s32 $0x3A00, s1;
	s4 =	sor.u32 s17, s16;
	v5 =	vadd.f32 v9, v5;
	v8 =	vld [tilespmem:s18+$0x0]  }
0xf1: {  	s20 =	sor.u32 s15, s19;
	v9 =	vld [tilespmem:s4+$0x0];
	v4 =	vadd.f32 v10, v4  }
0xf2: {  	s21 =	sadd.s32 $0x3A80, s1;
	s2 =	sor.u32 s17, s19;
	v5 =	vadd.f32 v11, v5;
	v10 =	vld [tilespmem:s20+$0x0]  }
0xf3: {  	s22 =	sor.u32 s15, s21;
	v11 =	vld [tilespmem:s2+$0x0];
	v4 =	vadd.f32 v6, v4  }
0xf4: {  	s23 =	sadd.s32 $0x3B00, s1;
	s4 =	sor.u32 s17, s21;
	v5 =	vadd.f32 v7, v5;
	v6 =	vld [tilespmem:s22+$0x0]  }
0xf5: {  	s24 =	sor.u32 s15, s23;
	v7 =	vld [tilespmem:s4+$0x0];
	v4 =	vadd.f32 v8, v4  }
0xf6: {  	s25 =	sadd.s32 $0x3B80, s1;
	s2 =	sor.u32 s17, s23;
	v5 =	vadd.f32 v9, v5;
	v8 =	vld [tilespmem:s24+$0x0]  }
0xf7: {  	s26 =	sor.u32 s15, s25;
	v9 =	vld [tilespmem:s2+$0x0];
	v4 =	vadd.f32 v10, v4  }
0xf8: {  	s28 =	sor.u32 s17, s25;
	v5 =	vadd.f32 v11, v5;
	v10 =	vld [tilespmem:s26+$0x0]  }
0xf9: {  	v11 =	vld [tilespmem:s28+$0x0];
	v4 =	vadd.f32 v6, v4  }
0xfa: {  	v5 =	vadd.f32 v7, v5  }
0xfb: {  	v4 =	vadd.f32 v8, v4  }
0xfc: {  	v5 =	vadd.f32 v9, v5  }
0xfd: {  	v4 =	vadd.f32 v10, v4  }
0xfe: {  	v5 =	vadd.f32 v11, v5  }
0xff: {  	v4 =	vmul.f32 $6.250000000e-02, v4  }
0x100: {  	s16 =	sor.u32 s15, s0;
	v5 =	vmul.f32 $6.250000000e-02, v5  }
0x101: {  	s29 =	sadd.s32 $0x4400, s1;
	[tilespmem:s16+$0xD580] =	vst v4  }
0x102: {  	s31 =	sadd.s32 $0x4480, s1;
	s30 =	sor.u32 s17, s29;
	[tilespmem:s7+$0xFFFFFE80] =	vst v5  }
0x103: {  	s4 =	sor.u32 s15, s31;
	v4 =	vld [tilespmem:s30+$0x0]  }
0x104: {  	s0 =	sor.u32 s15, s29;
	v5 =	vld [tilespmem:s4+$0x0]  }
0x105: {  	s3 =	sor.u32 s17, s31;
	s8 =	sadd.s32 $0x4500, s1;
	v6 =	vld [tilespmem:s0+$0x0]  }
0x106: {  	s9 =	sor.u32 s15, s8;
	v7 =	vld [tilespmem:s3+$0x0]  }
0x107: {  	s10 =	sadd.s32 $0x4580, s1;
	s2 =	sor.u32 s17, s8;
	v8 =	vld [tilespmem:s9+$0x0]  }
0x108: {  	s11 =	sor.u32 s15, s10;
	v9 =	vld [tilespmem:s2+$0x0]  }
0x109: {  	s12 =	sadd.s32 $0x4600, s1;
	s3 =	sor.u32 s17, s10;
	v10 =	vld [tilespmem:s11+$0x0]  }
0x10a: {  	s13 =	sor.u32 s15, s12;
	v5 =	vadd.f32 v5, v6;
	v6 =	vld [tilespmem:s3+$0x0]  }
0x10b: {  	s14 =	sadd.s32 $0x4680, s1;
	s2 =	sor.u32 s17, s12;
	v4 =	vadd.f32 v7, v4;
	v7 =	vld [tilespmem:s13+$0x0]  }
0x10c: {  	s18 =	sor.u32 s15, s14;
	v5 =	vadd.f32 v8, v5;
	v8 =	vld [tilespmem:s2+$0x0]  }
0x10d: {  	s19 =	sadd.s32 $0x4700, s1;
	s3 =	sor.u32 s17, s14;
	v4 =	vadd.f32 v9, v4;
	v9 =	vld [tilespmem:s18+$0x0]  }
0x10e: {  	s20 =	sor.u32 s15, s19;
	v5 =	vadd.f32 v10, v5;
	v10 =	vld [tilespmem:s3+$0x0]  }
0x10f: {  	s21 =	sadd.s32 $0x4780, s1;
	s2 =	sor.u32 s17, s19;
	v4 =	vadd.f32 v6, v4;
	v6 =	vld [tilespmem:s20+$0x0]  }
0x110: {  	s22 =	sor.u32 s15, s21;
	v5 =	vadd.f32 v7, v5;
	v7 =	vld [tilespmem:s2+$0x0]  }
0x111: {  	s23 =	sor.u32 $0x5000, s1;
	s3 =	sor.u32 s17, s21;
	v4 =	vadd.f32 v8, v4;
	v8 =	vld [tilespmem:s22+$0x0]  }
0x112: {  	s24 =	sor.u32 s15, s23;
	v5 =	vadd.f32 v9, v5;
	v9 =	vld [tilespmem:s3+$0x0]  }
0x113: {  	s25 =	sor.u32 $0x5080, s1;
	s2 =	sor.u32 s17, s23;
	v4 =	vadd.f32 v10, v4;
	v10 =	vld [tilespmem:s24+$0x0]  }
0x114: {  	s26 =	sor.u32 s15, s25;
	v5 =	vadd.f32 v6, v5;
	v6 =	vld [tilespmem:s2+$0x0]  }
0x115: {  	s28 =	sor.u32 $0x5100, s1;
	s3 =	sor.u32 s17, s25;
	v4 =	vadd.f32 v7, v4;
	v7 =	vld [tilespmem:s26+$0x0]  }
0x116: {  	s29 =	sor.u32 s15, s28;
	v5 =	vadd.f32 v8, v5;
	v8 =	vld [tilespmem:s3+$0x0]  }
0x117: {  	s30 =	sor.u32 $0x5180, s1;
	s2 =	sor.u32 s17, s28;
	v4 =	vadd.f32 v9, v4;
	v9 =	vld [tilespmem:s29+$0x0]  }
0x118: {  	s31 =	sor.u32 s15, s30;
	v5 =	vadd.f32 v10, v5;
	v10 =	vld [tilespmem:s2+$0x0]  }
0x119: {  	s4 =	sor.u32 $0x5200, s1;
	s3 =	sor.u32 s17, s30;
	v4 =	vadd.f32 v6, v4;
	v6 =	vld [tilespmem:s31+$0x0]  }
0x11a: {  	s8 =	sor.u32 s15, s4;
	v5 =	vadd.f32 v7, v5;
	v7 =	vld [tilespmem:s3+$0x0]  }
0x11b: {  	s9 =	sor.u32 $0x5280, s1;
	s2 =	sor.u32 s17, s4;
	v4 =	vadd.f32 v8, v4;
	v8 =	vld [tilespmem:s8+$0x0]  }
0x11c: {  	s10 =	sor.u32 s15, s9;
	v5 =	vadd.f32 v9, v5;
	v9 =	vld [tilespmem:s2+$0x0]  }
0x11d: {  	s11 =	sor.u32 $0x5300, s1;
	s3 =	sor.u32 s17, s9;
	v4 =	vadd.f32 v10, v4;
	v10 =	vld [tilespmem:s10+$0x0]  }
0x11e: {  	s12 =	sor.u32 s15, s11;
	v5 =	vadd.f32 v6, v5;
	v6 =	vld [tilespmem:s3+$0x0]  }
0x11f: {  	s13 =	sor.u32 $0x5380, s1;
	s2 =	sor.u32 s17, s11;
	v4 =	vadd.f32 v7, v4;
	v7 =	vld [tilespmem:s12+$0x0]  }
0x120: {  	s14 =	sor.u32 s15, s13;
	v5 =	vadd.f32 v8, v5;
	v8 =	vld [tilespmem:s2+$0x0]  }
0x121: {  	s18 =	sor.u32 s17, s13;
	v4 =	vadd.f32 v9, v4;
	v9 =	vld [tilespmem:s14+$0x0]  }
0x122: {  	v5 =	vadd.f32 v10, v5;
	v10 =	vld [tilespmem:s18+$0x0]  }
0x123: {  	v4 =	vadd.f32 v6, v4  }
0x124: {  	v5 =	vadd.f32 v7, v5  }
0x125: {  	v4 =	vadd.f32 v8, v4  }
0x126: {  	v5 =	vadd.f32 v9, v5  }
0x127: {  	v4 =	vadd.f32 v10, v4  }
0x128: {  	v5 =	vmul.f32 $6.250000000e-02, v5  }
0x129: {  	v4 =	vmul.f32 $6.250000000e-02, v4  }
0x12a: {  	s19 =	sadd.s32 $0x5D00, s1;
	[tilespmem:s16+$0xD700] =	vst v5  }
0x12b: {  	s20 =	sor.u32 s15, s19;
	[tilespmem:s7+$0x0] =	vst v4  }
0x12c: {  	s0 =	sor.u32 s17, s19;
	s21 =	sadd.s32 $0x5C00, s1;
	v4 =	vld [tilespmem:s20+$0x0]  }
0x12d: {  	s23 =	sor.u32 s17, s21;
	s22 =	sadd.s32 $0x5C80, s1;
	v5 =	vld [tilespmem:s0+$0x0]  }
0x12e: {  	s24 =	sor.u32 s17, s22;
	v6 =	vld [tilespmem:s23+$0x0]  }
0x12f: {  	s25 =	sor.u32 s15, s21;
	v7 =	vld [tilespmem:s24+$0x0]  }
0x130: {  	s26 =	sadd.s32 $0x5D80, s1;
	s2 =	sor.u32 s15, s22;
	v8 =	vld [tilespmem:s25+$0x0]  }
0x131: {  	s28 =	sor.u32 s17, s26;
	s29 =	sadd.s32 $0x5E00, s1;
	v9 =	vld [tilespmem:s2+$0x0]  }
0x132: {  	s30 =	sor.u32 s17, s29;
	s31 =	sadd.s32 $0x5E80, s1;
	v10 =	vld [tilespmem:s28+$0x0]  }
0x133: {  	s3 =	sor.u32 s15, s31;
	v12 =	vld [tilespmem:s30+$0x0]  }
0x134: {  	s0 =	sor.u32 s15, s26;
	v13 =	vld [tilespmem:s3+$0x0];
	v6 =	vadd.f32 v7, v6  }
0x135: {  	s2 =	sor.u32 s15, s29;
	v11 =	vld [tilespmem:s0+$0x0]  }
0x136: {  	s11 =	sadd.s32 $0x6800, s1;
	s0 =	sor.u32 s17, s31;
	v7 =	vld [tilespmem:s2+$0x0];
	v8 =	vadd.f32 v9, v8;
	v5 =	vadd.f32 v5, v6  }
0x137: {  	s4 =	sadd.s32 $0x5F00, s1;
	s12 =	sor.u32 s17, s11;
	v6 =	vld [tilespmem:s0+$0x0]  }
0x138: {  	s8 =	sor.u32 s17, s4;
	v61 =	vld [tilespmem:s12+$0x0];
	v4 =	vadd.f32 v4, v8;
	v5 =	vadd.f32 v10, v5  }
0x139: {  	s9 =	sadd.s32 $0x5F80, s1;
	v9 =	vld [tilespmem:s8+$0x0];
	s2 =	sor.u32 s15, s4  }
0x13a: {  	s10 =	sor.u32 s17, s9;
	s18 =	sadd.s32 $0x6900, s1;
	v8 =	vld [tilespmem:s2+$0x0];
	v4 =	vadd.f32 v11, v4;
	v5 =	vadd.f32 v12, v5  }
0x13b: {  	s19 =	sor.u32 s17, s18;
	v10 =	vld [tilespmem:s10+$0x0]  }
0x13c: {  	s13 =	sadd.s32 $0x6880, s1;
	v62 =	vld [tilespmem:s19+$0x0];
	s0 =	sor.u32 s15, s9;
	v4 =	vadd.f32 v7, v4;
	v5 =	vadd.f32 v6, v5  }
0x13d: {  	s14 =	sor.u32 s17, s13;
	v11 =	vld [tilespmem:s0+$0x0]  }
0x13e: {  	s22 =	sadd.s32 $0x6A00, s1;
	s2 =	sor.u32 s15, s11;
	v7 =	vld [tilespmem:s14+$0x0];
	v4 =	vadd.f32 v13, v4;
	v5 =	vadd.f32 v9, v5  }
0x13f: {  	s23 =	sor.u32 s17, s22;
	v6 =	vld [tilespmem:s2+$0x0]  }
0x140: {  	v63 =	vld [tilespmem:s23+$0x0];
	s0 =	sor.u32 s15, s13;
	v4 =	vadd.f32 v8, v4;
	v5 =	vadd.f32 v10, v5  }
0x141: {  	s20 =	sadd.s32 $0x6980, s1;
	s2 =	sor.u32 s15, s18;
	v9 =	vld [tilespmem:s0+$0x0]  }
0x142: {  	s21 =	sor.u32 s17, s20;
	v8 =	vld [tilespmem:s2+$0x0];
	v4 =	vadd.f32 v11, v4;
	v5 =	vadd.f32 v61, v5  }
0x143: {  	s0 =	sor.u32 s15, s20;
	v10 =	vld [tilespmem:s21+$0x0]  }
0x144: {  	s24 =	sadd.s32 $0x6A80, s1;
	s2 =	sor.u32 s15, s22;
	v11 =	vld [tilespmem:s0+$0x0];
	v6 =	vadd.f32 v6, v4;
	v7 =	vadd.f32 v7, v5  }
0x145: {  	s25 =	sor.u32 s17, s24;
	v4 =	vld [tilespmem:s2+$0x0]  }
0x146: {  	s26 =	sadd.s32 $0x6B00, s1;
	s0 =	sor.u32 s15, s24;
	v5 =	vld [tilespmem:s25+$0x0];
	v9 =	vadd.f32 v9, v6;
	v13 =	vadd.f32 v62, v7  }
0x147: {  	s28 =	sor.u32 s17, s26;
	v6 =	vld [tilespmem:s0+$0x0]  }
0x148: {  	[smem:$0x7F3] =	sst s6;
	s1 =	sadd.s32 $0x6B80, s1;
	s29 =	sor.u32 s15, s26;
	v7 =	vld [tilespmem:s28+$0x0];
	v9 =	vadd.f32 v8, v9;
	v10 =	vadd.f32 v10, v13  }
0x149: {  	s30 =	sshll.u32 s6, $0x1;
	s19 =	simm.s32 $0xD710;
	s31 =	sor.u32 s17, s1;
	v8 =	vld [tilespmem:s29+$0x0]  }
0x14a: {  	[smem:$0x7F4] =	sst s30;
	s20 =	sor.u32 s15, s1;
	s15 =	simm.s32 $0x20;
	v11 =	vadd.f32 v11, v9;
	v9 =	vld [tilespmem:s31+$0x0];
	v10 =	vadd.f32 v63, v10  }
.LBB2_3:
0x14b: {  	_ = 	snop  }
0x14c: {  	v4 =	vadd.f32 v4, v11  }
0x14d: {  	v12 =	vld [tilespmem:s20+$0x0]  }
0x14e: {  	v4 =	vadd.f32 v6, v4  }
0x14f: {  	s5 =	sadd.s32 $0x100, s5;
	s3 =	smov.u32 s15;
	v5 =	vadd.f32 v5, v10  }
0x150: {  	s7 =	sadd.s32 $0x20, s7;
	s17 =	sand.u32 $0x60, s3;
	s20 =	sand.u32 $0xC00, s5;
	v4 =	vadd.f32 v8, v4  }
0x151: {  	s0 =	sadd.s32 $0x1400, s20;
	s18 =	sor.u32 $0x10, s17;
	s1 =	sor.u32 $0x2000, s20;
	v5 =	vadd.f32 v7, v5  }
0x152: {  	s4 =	sor.u32 $0x2080, s20;
	s6 =	sor.u32 $0x2100, s20;
	s14 =	sor.u32 $0x2180, s20;
	v4 =	vadd.f32 v12, v4  }
0x153: {  	s28 =	sor.u32 $0x2300, s20;
	s2 =	sadd.s32 $0x2C80, s20;
	s8 =	sor.u32 s17, s0;
	v5 =	vadd.f32 v9, v5  }
0x154: {  	s9 =	sor.u32 s18, s0;
	s10 =	sor.u32 s17, s1;
	s11 =	sor.u32 s18, s1;
	v4 =	vmul.f32 $6.250000000e-02, v4  }
0x155: {  	s12 =	sor.u32 s17, s4;
	s21 =	sor.u32 s17, s6;
	s25 =	sor.u32 s18, s6;
	v5 =	vmul.f32 $6.250000000e-02, v5  }
0x156: {  	s24 =	sor.u32 s17, s14;
	s23 =	sor.u32 s18, s14;
	s29 =	sor.u32 s17, s28;
	[tilespmem:s16+$0xD880] =	vst v4  }
0x157: {  	s14 =	sor.u32 s18, s28;
	s1 =	sor.u32 $0x2380, s20;
	s6 =	sadd.s32 $0x2C00, s20;
	[tilespmem:s19+$0x180] =	vst v5  }
0x158: {  	s28 =	sor.u32 s17, s1;
	s0 =	sor.u32 s18, s1;
	s1 =	sor.u32 s18, s2;
	v4 =	vld [tilespmem:s9+$0x80]  }
0x159: {  	s13 =	sor.u32 s18, s4;
	s4 =	sor.u32 s17, s6;
	[smem:$0x7BD] =	sst s1;
	v5 =	vld [tilespmem:s8+$0x0]  }
0x15a: {  	[smem:$0x7BE] =	sst s4;
	s4 =	sor.u32 s18, s6;
	s16 =	sor.u32 $0x2200, s20;
	v6 =	vld [tilespmem:s8+$0x80]  }
0x15b: {  	s1 =	smov.u32 s7;
	s22 =	sor.u32 s17, s16;
	s19 =	sor.u32 $0x2280, s20;
	v7 =	vld [tilespmem:s9+$0x0]  }
0x15c: {  	v8 =	vld [tilespmem:s8+$0x100];
	s31 =	sor.u32 s17, s19;
	s30 =	sor.u32 s18, s19;
	s19 =	sadd.s32 $0x2D00, s20  }
0x15d: {  	s26 =	sor.u32 s18, s16;
	s16 =	sor.u32 s17, s2;
	v9 =	vld [tilespmem:s9+$0x100];
	s2 =	sor.u32 s18, s19  }
0x15e: {  	v10 =	vld [tilespmem:s8+$0x180];
	s6 =	sor.u32 s17, s19;
	s19 =	sadd.s32 $0x2D80, s20;
	[smem:$0x7BF] =	sst s2  }
0x15f: {  	s7 =	sadd.s32 $0x2E00, s20;
	[smem:$0x7C0] =	sst s6;
	s2 =	sor.u32 s17, s19;
	v5 =	vadd.f32 v6, v5;
	v6 =	vld [tilespmem:s9+$0x180]  }
0x160: {  	s6 =	sor.u32 s18, s19;
	s19 =	sor.u32 s18, s7;
	[smem:$0x7C1] =	sst s2;
	v4 =	vadd.f32 v4, v7;
	v7 =	vld [tilespmem:s8+$0x200]  }
0x161: {  	s7 =	sor.u32 s17, s7;
	[smem:$0x7C2] =	sst s19;
	v5 =	vadd.f32 v8, v5;
	v8 =	vld [tilespmem:s9+$0x200]  }
0x162: {  	[smem:$0x7C3] =	sst s7;
	s7 =	sadd.s32 $0x2E80, s20;
	v4 =	vadd.f32 v9, v4;
	v9 =	vld [tilespmem:s8+$0x280]  }
0x163: {  	s2 =	smov.u32 s5;
	s5 =	sadd.s32 $0x2F00, s20;
	s19 =	sor.u32 s17, s7;
	v5 =	vadd.f32 v10, v5;
	v10 =	vld [tilespmem:s9+$0x280]  }
0x164: {  	[smem:$0x7C4] =	sst s19;
	s19 =	sor.u32 s18, s7;
	s7 =	sor.u32 s18, s5;
	v4 =	vadd.f32 v6, v4;
	v6 =	vld [tilespmem:s8+$0x300]  }
0x165: {  	s5 =	sor.u32 s17, s5;
	[smem:$0x7C5] =	sst s7;
	s7 =	sadd.s32 $0x3800, s20;
	v5 =	vadd.f32 v7, v5;
	v7 =	vld [tilespmem:s9+$0x300]  }
0x166: {  	[smem:$0x7C6] =	sst s5;
	s5 =	sadd.s32 $0x2F80, s20;
	v4 =	vadd.f32 v8, v4;
	v8 =	vld [tilespmem:s8+$0x380];
	s8 =	sor.u32 s17, s7  }
0x167: {  	v5 =	vadd.f32 v9, v5;
	v9 =	vld [tilespmem:s9+$0x380];
	s9 =	sor.u32 s17, s5;
	[smem:$0x7CA] =	sst s8  }
0x168: {  	[smem:$0x7C8] =	sst s9;
	s9 =	sor.u32 s18, s7  }
0x169: {  	s5 =	sor.u32 s18, s5;
	[smem:$0x7C9] =	sst s9;
	s9 =	sadd.s32 $0x3880, s20  }
0x16a: {  	[smem:$0x7C7] =	sst s5;
	v5 =	vadd.f32 v6, v5;
	v6 =	vld [tilespmem:s11+$0x0];
	s11 =	sor.u32 s17, s9  }
0x16b: {  	v4 =	vadd.f32 v10, v4;
	v10 =	vld [tilespmem:s10+$0x0];
	s10 =	sadd.s32 $0x3900, s20;
	s5 =	sor.u32 s18, s9;
	[smem:$0x7CC] =	sst s11  }
0x16c: {  	s9 =	sor.u32 s18, s10;
	[smem:$0x7CB] =	sst s5  }
0x16d: {  	v4 =	vadd.f32 v7, v4;
	v7 =	vld [tilespmem:s12+$0x0];
	s10 =	sor.u32 s17, s10;
	s12 =	sadd.s32 $0x3A00, s20;
	[smem:$0x7CD] =	sst s9  }
0x16e: {  	[smem:$0x7CE] =	sst s10;
	s11 =	sadd.s32 $0x3980, s20;
	s10 =	sor.u32 s18, s12  }
0x16f: {  	s9 =	sor.u32 s17, s11;
	[smem:$0x7D1] =	sst s10  }
0x170: {  	s5 =	sor.u32 s18, s11;
	[smem:$0x7D0] =	sst s9  }
0x171: {  	v5 =	vadd.f32 v8, v5;
	v8 =	vld [tilespmem:s13+$0x0];
	s13 =	sadd.s32 $0x3B00, s20;
	s11 =	sor.u32 s17, s12;
	[smem:$0x7CF] =	sst s5  }
0x172: {  	s12 =	sadd.s32 $0x3A80, s20;
	s8 =	sor.u32 s17, s13;
	[smem:$0x7D2] =	sst s11  }
0x173: {  	v4 =	vadd.f32 v9, v4;
	v9 =	vld [tilespmem:s21+$0x0];
	s21 =	sor.u32 s17, s12;
	[smem:$0x7D6] =	sst s8  }
0x174: {  	s5 =	sor.u32 s18, s12;
	[smem:$0x7D4] =	sst s21  }
0x175: {  	s10 =	sadd.s32 $0x4400, s20;
	v5 =	vadd.f32 v10, v5;
	v10 =	vld [tilespmem:s25+$0x0];
	s25 =	sor.u32 s18, s13;
	[smem:$0x7D3] =	sst s5  }
0x176: {  	s12 =	sor.u32 s18, s10;
	[smem:$0x7D5] =	sst s25  }
0x177: {  	s9 =	sadd.s32 $0x3B80, s20;
	s13 =	sor.u32 s17, s10;
	[dreg:$0x19] =	wrdreg s12  }
0x178: {  	s11 =	sor.u32 s17, s9;
	[dreg:$0x18] =	wrdreg s13  }
0x179: {  	s5 =	sor.u32 s18, s9;
	s21 =	sadd.s32 $0x4480, s20;
	[smem:$0x7D8] =	sst s11  }
0x17a: {  	v4 =	vadd.f32 v6, v4;
	v5 =	vadd.f32 v7, v5;
	v7 =	vld [tilespmem:s23+$0x0];
	[smem:$0x7D7] =	sst s5;
	s23 =	sor.u32 s17, s21  }
0x17b: {  	s13 =	sadd.s32 $0x4700, s20;
	s5 =	sor.u32 s18, s21;
	[smem:$0x7D9] =	sst s23  }
0x17c: {  	s21 =	sor.u32 s17, s13;
	v4 =	vadd.f32 v8, v4;
	v8 =	vld [tilespmem:s22+$0x0];
	s22 =	sadd.s32 $0x4500, s20;
	[smem:$0x7DA] =	sst s5  }
0x17d: {  	v6 =	vld [tilespmem:s24+$0x0];
	[smem:$0x7E3] =	sst s21;
	s24 =	sor.u32 s17, s22  }
0x17e: {  	s25 =	sor.u32 s18, s22;
	[smem:$0x7DB] =	sst s24  }
0x17f: {  	v5 =	vadd.f32 v9, v5;
	v9 =	vld [tilespmem:s26+$0x0];
	s26 =	sadd.s32 $0x4580, s20;
	s22 =	sor.u32 s18, s13;
	[smem:$0x7DC] =	sst s25  }
0x180: {  	s9 =	sor.u32 s17, s26;
	[smem:$0x7E4] =	sst s22  }
0x181: {  	s23 =	sadd.s32 $0x4780, s20;
	s5 =	sor.u32 s18, s26;
	[smem:$0x7DD] =	sst s9  }
0x182: {  	s25 =	sor.u32 s17, s23;
	[smem:$0x7DE] =	sst s5  }
0x183: {  	v4 =	vadd.f32 v10, v4;
	v10 =	vld [tilespmem:s31+$0x0];
	s31 =	sadd.s32 $0x4600, s20;
	s26 =	sor.u32 s18, s23;
	[smem:$0x7E5] =	sst s25  }
0x184: {  	s10 =	sor.u32 s17, s31;
	[smem:$0x7E6] =	sst s26  }
0x185: {  	s12 =	sadd.s32 $0x4680, s20;
	s11 =	sor.u32 s18, s31;
	[smem:$0x7DF] =	sst s10  }
0x186: {  	s23 =	sor.u32 $0x5300, s20;
	s5 =	sor.u32 s18, s12;
	[smem:$0x7E0] =	sst s11  }
0x187: {  	s25 =	sor.u32 s17, s23;
	[smem:$0x7E2] =	sst s5  }
0x188: {  	s26 =	sor.u32 s18, s23;
	[dreg:$0x1a] =	wrdreg s25  }
0x189: {  	s24 =	sor.u32 $0x5000, s20;
	v5 =	vadd.f32 v6, v5;
	v6 =	vld [tilespmem:s30+$0x0];
	[dreg:$0x1e] =	wrdreg s26  }
0x18a: {  	s30 =	sor.u32 $0x5080, s20;
	v4 =	vadd.f32 v7, v4;
	v7 =	vld [tilespmem:s29+$0x0];
	s29 =	sor.u32 s18, s24;
	s25 =	sld [smem:$0x7BE]  }
0x18b: {  	s31 =	sor.u32 $0x5100, s20;
	s8 =	sor.u32 s17, s30;
	[smem:$0x7E8] =	sst s29  }
0x18c: {  	s9 =	sor.u32 s17, s31;
	[smem:$0x7E9] =	sst s8  }
0x18d: {  	s10 =	sor.u32 s18, s31;
	[smem:$0x7EB] =	sst s9  }
0x18e: {  	s11 =	sor.u32 $0x5180, s20;
	v5 =	vadd.f32 v8, v5;
	v8 =	vld [tilespmem:s14+$0x0];
	s14 =	sor.u32 s17, s12;
	[smem:$0x7EC] =	sst s10  }
0x18f: {  	s13 =	sor.u32 s17, s11;
	[smem:$0x7E1] =	sst s14  }
0x190: {  	s12 =	sor.u32 $0x5200, s20;
	v4 =	vadd.f32 v9, v4;
	v9 =	vld [tilespmem:s28+$0x0];
	s28 =	sor.u32 s17, s24;
	[smem:$0x7ED] =	sst s13  }
0x191: {  	s14 =	sor.u32 s17, s12;
	[smem:$0x7E7] =	sst s28  }
0x192: {  	s22 =	sor.u32 $0x5280, s20;
	s21 =	sor.u32 s18, s12;
	[smem:$0x7EF] =	sst s14  }
0x193: {  	s31 =	sadd.s32 $0x5C80, s20;
	s24 =	sor.u32 s17, s22;
	v5 =	vadd.f32 v10, v5;
	v10 =	vld [tilespmem:s0+$0x0];
	[smem:$0x7F0] =	sst s21  }
0x194: {  	s10 =	sor.u32 s17, s31;
	s12 =	sadd.s32 $0x5D00, s20;
	[smem:$0x7F1] =	sst s24;
	v4 =	vadd.f32 v6, v4  }
0x195: {  	s0 =	sor.u32 s18, s30;
	s14 =	sor.u32 s18, s31;
	s31 =	sld [smem:$0x7C0];
	v5 =	vadd.f32 v7, v5  }
0x196: {  	s13 =	sor.u32 s17, s12;
	[smem:$0x7EA] =	sst s0;
	v4 =	vadd.f32 v8, v4  }
0x197: {  	s8 =	sor.u32 s18, s12;
	[dreg:$0x9] =	wrdreg s13;
	v5 =	vadd.f32 v9, v5  }
0x198: {  	s0 =	sor.u32 s18, s11;
	[dreg:$0x4] =	wrdreg s8;
	v4 =	vadd.f32 v10, v4  }
0x199: {  	[smem:$0x7EE] =	sst s0;
	s0 =	sor.u32 s18, s22;
	v5 =	vmul.f32 $6.250000000e-02, v5  }
0x19a: {  	s7 =	smov.u32 s1;
	[smem:$0x7F2] =	sst s0;
	s0 =	sand.u32 $0x180, s3;
	v4 =	vmul.f32 $6.250000000e-02, v4  }
0x19b: {  	s23 =	sadd.s32 $0x5E80, s20;
	[dreg:$0x8] =	wrdreg s14;
	s29 =	sor.u32 s18, s0;
	[tilespmem:s1+$0xFFFFFCF0] =	vst v5  }
0x19c: {  	s28 =	sor.u32 $0x5380, s20;
	s30 =	sadd.s32 $0x5C00, s20;
	s14 =	sld [smem:$0x7C1];
	[tilespmem:s29+$0xD400] =	vst v4  }
0x19d: {  	s21 =	sadd.s32 $0x5D80, s20;
	s5 =	sor.u32 s18, s28;
	v4 =	vld [tilespmem:s16+$0x0];
	s16 =	sld [smem:$0x7BD]  }
0x19e: {  	s24 =	sor.u32 s17, s23;
	s9 =	sor.u32 s18, s30;
	[dreg:$0x1f] =	wrdreg s5  }
0x19f: {  	s26 =	sor.u32 s17, s21;
	s22 =	sadd.s32 $0x5E00, s20;
	s29 =	sld [smem:$0x7BF];
	v5 =	vld [tilespmem:s4+$0x0]  }
0x1a0: {  	[dreg:$0xa] =	wrdreg s26;
	s3 =	sor.u32 s17, s28;
	s28 =	sor.u32 s18, s22;
	v6 =	vld [tilespmem:s16+$0x0]  }
0x1a1: {  	s11 =	sor.u32 s17, s30;
	s30 =	sor.u32 s17, s22;
	[dreg:$0x5] =	wrdreg s28;
	v7 =	vld [tilespmem:s25+$0x0]  }
0x1a2: {  	s12 =	sor.u32 s18, s23;
	s23 =	sadd.s32 $0x6980, s20;
	[dreg:$0xb] =	wrdreg s30;
	v8 =	vld [tilespmem:s29+$0x0]  }
0x1a3: {  	s8 =	sadd.s32 $0x6800, s20;
	s5 =	smov.u32 s2;
	v9 =	vld [tilespmem:s31+$0x0];
	s16 =	sld [smem:$0x7C2]  }
0x1a4: {  	s2 =	sadd.s32 $0x5F00, s20;
	s30 =	sld [smem:$0x7C3];
	s1 =	sor.u32 s18, s21;
	v10 =	vld [tilespmem:s6+$0x0]  }
0x1a5: {  	s22 =	sadd.s32 $0x6900, s20;
	s21 =	sadd.s32 $0x6880, s20;
	[dreg:$0x16] =	wrdreg s1;
	v5 =	vadd.f32 v6, v5;
	v6 =	vld [tilespmem:s14+$0x0]  }
0x1a6: {  	s1 =	sor.u32 s18, s2;
	s28 =	sor.u32 s17, s21;
	s31 =	sld [smem:$0x7C4];
	v4 =	vadd.f32 v4, v7;
	v7 =	vld [tilespmem:s16+$0x0]  }
0x1a7: {  	s4 =	sadd.s32 $0x5F80, s20;
	s25 =	sor.u32 s17, s2;
	[dreg:$0x10] =	wrdreg s1;
	v5 =	vadd.f32 v8, v5;
	v8 =	vld [tilespmem:s30+$0x0]  }
0x1a8: {  	s6 =	sor.u32 s17, s8;
	s1 =	sor.u32 s18, s21;
	s16 =	sld [smem:$0x7C6];
	v4 =	vadd.f32 v9, v4  }
0x1a9: {  	s21 =	sor.u32 s18, s22;
	s2 =	sadd.s32 $0x6A00, s20;
	v5 =	vadd.f32 v10, v5;
	v10 =	vld [tilespmem:s31+$0x0];
	s31 =	sld [smem:$0x7C5]  }
0x1aa: {  	s13 =	sor.u32 s18, s4;
	s26 =	sor.u32 s17, s4;
	[dreg:$0x11] =	wrdreg s1;
	v9 =	vld [tilespmem:s19+$0x0];
	v4 =	vadd.f32 v6, v4  }
0x1ab: {  	s4 =	sadd.s32 $0x6A80, s20;
	s1 =	sor.u32 s18, s2;
	v5 =	vadd.f32 v7, v5;
	v7 =	vld [tilespmem:s16+$0x0];
	s16 =	sld [smem:$0x7C9]  }
0x1ac: {  	s29 =	sor.u32 s17, s22;
	s22 =	sor.u32 s18, s23;
	s19 =	sadd.s32 $0x6B00, s20;
	v6 =	vld [tilespmem:s31+$0x0];
	v4 =	vadd.f32 v8, v4  }
0x1ad: {  	s14 =	sor.u32 s18, s8;
	s8 =	sor.u32 s17, s23;
	s23 =	sor.u32 s18, s4  }
0x1ae: {  	s30 =	sor.u32 s17, s2;
	s2 =	sor.u32 s17, s19;
	v4 =	vadd.f32 v10, v4;
	v10 =	vld [tilespmem:s16+$0x0];
	s16 =	sld [smem:$0x7CA]  }
0x1af: {  	s31 =	sor.u32 s17, s4;
	s4 =	sor.u32 s18, s19;
	s19 =	sld [smem:$0x7C7];
	v5 =	vadd.f32 v9, v5  }
0x1b0: {  	[dreg:$0x12] =	wrdreg s1  }
0x1b1: {  	v5 =	vadd.f32 v6, v5;
	v6 =	vld [tilespmem:s16+$0x0];
	s16 =	sld [smem:$0x7CB]  }
0x1b2: {  	s1 =	sadd.s32 $0x6B80, s20;
	s20 =	sld [smem:$0x7C8];
	v8 =	vld [tilespmem:s19+$0x0];
	_ =	sdelay $0x1  }
0x1b3: {  	v4 =	vadd.f32 v7, v4;
	v7 =	vld [tilespmem:s16+$0x0];
	s16 =	sld [smem:$0x7CC]  }
0x1b4: {  	v9 =	vld [tilespmem:s20+$0x0];
	_ =	sdelay $0x1  }
0x1b5: {  	v5 =	vadd.f32 v8, v5;
	v8 =	vld [tilespmem:s16+$0x0];
	s16 =	sld [smem:$0x7CD];
	_ =	sdelay $0x2  }
0x1b6: {  	v4 =	vadd.f32 v9, v4;
	v9 =	vld [tilespmem:s16+$0x0];
	s16 =	sld [smem:$0x7CE];
	_ =	sdelay $0x2  }
0x1b7: {  	v5 =	vadd.f32 v10, v5;
	v10 =	vld [tilespmem:s16+$0x0];
	s16 =	sld [smem:$0x7CF];
	_ =	sdelay $0x2  }
0x1b8: {  	v4 =	vadd.f32 v6, v4;
	v6 =	vld [tilespmem:s16+$0x0];
	s16 =	sld [smem:$0x7D0];
	_ =	sdelay $0x2  }
0x1b9: {  	v5 =	vadd.f32 v7, v5;
	v7 =	vld [tilespmem:s16+$0x0];
	s16 =	sld [smem:$0x7D1];
	_ =	sdelay $0x2  }
0x1ba: {  	v4 =	vadd.f32 v8, v4;
	v8 =	vld [tilespmem:s16+$0x0];
	s16 =	sld [smem:$0x7D2];
	_ =	sdelay $0x2  }
0x1bb: {  	v5 =	vadd.f32 v9, v5;
	v9 =	vld [tilespmem:s16+$0x0];
	s16 =	sld [smem:$0x7D3];
	_ =	sdelay $0x2  }
0x1bc: {  	v4 =	vadd.f32 v10, v4;
	v10 =	vld [tilespmem:s16+$0x0];
	s16 =	sld [smem:$0x7D4];
	_ =	sdelay $0x2  }
0x1bd: {  	v5 =	vadd.f32 v6, v5;
	v6 =	vld [tilespmem:s16+$0x0];
	s16 =	sld [smem:$0x7D5];
	_ =	sdelay $0x2  }
0x1be: {  	v4 =	vadd.f32 v7, v4;
	v7 =	vld [tilespmem:s16+$0x0];
	s16 =	sld [smem:$0x7D6];
	_ =	sdelay $0x2  }
0x1bf: {  	v5 =	vadd.f32 v8, v5;
	v8 =	vld [tilespmem:s16+$0x0];
	s16 =	sld [smem:$0x7D7];
	_ =	sdelay $0x2  }
0x1c0: {  	v4 =	vadd.f32 v9, v4;
	v9 =	vld [tilespmem:s16+$0x0];
	s16 =	sld [smem:$0x7D8];
	_ =	sdelay $0x2  }
0x1c1: {  	v5 =	vadd.f32 v10, v5;
	v10 =	vld [tilespmem:s16+$0x0]  }
0x1c2: {  	v4 =	vadd.f32 v6, v4;
	_ =	sdelay $0x1  }
0x1c3: {  	v4 =	vadd.f32 v8, v4  }
0x1c4: {  	v5 =	vadd.f32 v7, v5  }
0x1c5: {  	v4 =	vadd.f32 v10, v4  }
0x1c6: {  	v5 =	vadd.f32 v9, v5  }
0x1c7: {  	s18 =	sor.u32 s18, s1;
	v4 =	vmul.f32 $6.250000000e-02, v4  }
0x1c8: {  	s20 =	sor.u32 s17, s1;
	s1 =	sld [smem:$0x7D9];
	s16 =	sor.u32 s17, s0;
	v5 =	vmul.f32 $6.250000000e-02, v5  }
0x1c9: {  	[tilespmem:s16+$0xD580] =	vst v4  }
0x1ca: {  	s17 =	rddreg [dreg:$0x19];
	[tilespmem:s7+$0xFFFFFE80] =	vst v5  }
0x1cb: {  	v5 =	vld [tilespmem:s1+$0x0];
	s1 =	sld [smem:$0x7DA]  }
0x1cc: {  	v4 =	vld [tilespmem:s17+$0x0];
	s17 =	rddreg [dreg:$0x18]  }
0x1cd: {  	v6 =	vld [tilespmem:s17+$0x0];
	s17 =	sld [smem:$0x7DB]  }
0x1ce: {  	v7 =	vld [tilespmem:s1+$0x0];
	s1 =	sld [smem:$0x7DC];
	_ =	sdelay $0x1  }
0x1cf: {  	v8 =	vld [tilespmem:s17+$0x0];
	s17 =	sld [smem:$0x7DD]  }
0x1d0: {  	v9 =	vld [tilespmem:s1+$0x0];
	s1 =	sld [smem:$0x7DE];
	_ =	sdelay $0x1  }
0x1d1: {  	v10 =	vld [tilespmem:s17+$0x0];
	s17 =	sld [smem:$0x7DF]  }
0x1d2: {  	v5 =	vadd.f32 v5, v6;
	v6 =	vld [tilespmem:s1+$0x0];
	s1 =	sld [smem:$0x7E0];
	_ =	sdelay $0x1  }
0x1d3: {  	v4 =	vadd.f32 v7, v4;
	v7 =	vld [tilespmem:s17+$0x0];
	s17 =	sld [smem:$0x7E1]  }
0x1d4: {  	v5 =	vadd.f32 v8, v5;
	v8 =	vld [tilespmem:s1+$0x0];
	s1 =	sld [smem:$0x7E2];
	_ =	sdelay $0x1  }
0x1d5: {  	v4 =	vadd.f32 v9, v4;
	v9 =	vld [tilespmem:s17+$0x0];
	s17 =	sld [smem:$0x7E3]  }
0x1d6: {  	v5 =	vadd.f32 v10, v5;
	v10 =	vld [tilespmem:s1+$0x0];
	s1 =	sld [smem:$0x7E4];
	_ =	sdelay $0x1  }
0x1d7: {  	v4 =	vadd.f32 v6, v4;
	v6 =	vld [tilespmem:s17+$0x0];
	s17 =	sld [smem:$0x7E5]  }
0x1d8: {  	v5 =	vadd.f32 v7, v5;
	v7 =	vld [tilespmem:s1+$0x0];
	s1 =	sld [smem:$0x7E6];
	_ =	sdelay $0x1  }
0x1d9: {  	v4 =	vadd.f32 v8, v4;
	v8 =	vld [tilespmem:s17+$0x0];
	s17 =	sld [smem:$0x7E7]  }
0x1da: {  	v5 =	vadd.f32 v9, v5;
	v9 =	vld [tilespmem:s1+$0x0];
	s1 =	sld [smem:$0x7E8];
	_ =	sdelay $0x1  }
0x1db: {  	v4 =	vadd.f32 v10, v4;
	v10 =	vld [tilespmem:s17+$0x0];
	s17 =	sld [smem:$0x7E9]  }
0x1dc: {  	v5 =	vadd.f32 v6, v5;
	v6 =	vld [tilespmem:s1+$0x0];
	s1 =	sld [smem:$0x7EA];
	_ =	sdelay $0x1  }
0x1dd: {  	v4 =	vadd.f32 v7, v4;
	v7 =	vld [tilespmem:s17+$0x0];
	s17 =	sld [smem:$0x7EB]  }
0x1de: {  	v5 =	vadd.f32 v8, v5;
	v8 =	vld [tilespmem:s1+$0x0];
	s1 =	sld [smem:$0x7EC];
	_ =	sdelay $0x1  }
0x1df: {  	v4 =	vadd.f32 v9, v4;
	v9 =	vld [tilespmem:s17+$0x0];
	s17 =	sld [smem:$0x7ED]  }
0x1e0: {  	v5 =	vadd.f32 v10, v5;
	v10 =	vld [tilespmem:s1+$0x0];
	s1 =	sld [smem:$0x7EE];
	_ =	sdelay $0x1  }
0x1e1: {  	v4 =	vadd.f32 v6, v4;
	v6 =	vld [tilespmem:s17+$0x0];
	s17 =	sld [smem:$0x7EF]  }
0x1e2: {  	v5 =	vadd.f32 v7, v5;
	v7 =	vld [tilespmem:s1+$0x0];
	s1 =	sld [smem:$0x7F0];
	_ =	sdelay $0x1  }
0x1e3: {  	v4 =	vadd.f32 v8, v4;
	v8 =	vld [tilespmem:s17+$0x0];
	s17 =	sld [smem:$0x7F1]  }
0x1e4: {  	v5 =	vadd.f32 v9, v5;
	v9 =	vld [tilespmem:s1+$0x0];
	s1 =	sld [smem:$0x7F2];
	_ =	sdelay $0x1  }
0x1e5: {  	v4 =	vadd.f32 v10, v4;
	v10 =	vld [tilespmem:s17+$0x0]  }
0x1e6: {  	v5 =	vadd.f32 v6, v5;
	s17 =	rddreg [dreg:$0x1a];
	v6 =	vld [tilespmem:s1+$0x0]  }
0x1e7: {  	v4 =	vadd.f32 v7, v4;
	v7 =	vld [tilespmem:s17+$0x0];
	s1 =	rddreg [dreg:$0x1e]  }
0x1e8: {  	v5 =	vadd.f32 v8, v5;
	v8 =	vld [tilespmem:s1+$0x0]  }
0x1e9: {  	v4 =	vadd.f32 v9, v4;
	v9 =	vld [tilespmem:s3+$0x0];
	s3 =	rddreg [dreg:$0x1f]  }
0x1ea: {  	v5 =	vadd.f32 v10, v5;
	v10 =	vld [tilespmem:s3+$0x0]  }
0x1eb: {  	v4 =	vadd.f32 v6, v4  }
0x1ec: {  	v5 =	vadd.f32 v7, v5  }
0x1ed: {  	v4 =	vadd.f32 v8, v4  }
0x1ee: {  	v5 =	vadd.f32 v9, v5  }
0x1ef: {  	v4 =	vadd.f32 v10, v4  }
0x1f0: {  	v5 =	vmul.f32 $6.250000000e-02, v5  }
0x1f1: {  	v4 =	vmul.f32 $6.250000000e-02, v4  }
0x1f2: {  	[tilespmem:s16+$0xD700] =	vst v5  }
0x1f3: {  	s17 =	rddreg [dreg:$0x9];
	[tilespmem:s7+$0x0] =	vst v4  }
0x1f4: {  	s1 =	rddreg [dreg:$0x4];
	v4 =	vld [tilespmem:s17+$0x0]  }
0x1f5: {  	v5 =	vld [tilespmem:s1+$0x0]  }
0x1f6: {  	s3 =	rddreg [dreg:$0x8];
	v6 =	vld [tilespmem:s9+$0x0]  }
0x1f7: {  	v7 =	vld [tilespmem:s3+$0x0]  }
0x1f8: {  	v8 =	vld [tilespmem:s11+$0x0]  }
0x1f9: {  	v9 =	vld [tilespmem:s10+$0x0]  }
0x1fa: {  	s9 =	rddreg [dreg:$0x16];
	v63 =	vld [tilespmem:s6+$0x0]  }
0x1fb: {  	s10 =	rddreg [dreg:$0xa];
	v10 =	vld [tilespmem:s9+$0x0]  }
0x1fc: {  	s11 =	rddreg [dreg:$0x5];
	v11 =	vld [tilespmem:s10+$0x0];
	v6 =	vadd.f32 v7, v6  }
0x1fd: {  	s17 =	rddreg [dreg:$0xb];
	v7 =	vld [tilespmem:s11+$0x0]  }
0x1fe: {  	v62 =	vld [tilespmem:s17+$0x0];
	v8 =	vadd.f32 v9, v8;
	v5 =	vadd.f32 v5, v6  }
0x1ff: {  	v9 =	vld [tilespmem:s12+$0x0]  }
0x200: {  	v6 =	vld [tilespmem:s24+$0x0];
	v4 =	vadd.f32 v4, v8;
	s24 =	rddreg [dreg:$0x10];
	v5 =	vadd.f32 v10, v5  }
0x201: {  	v8 =	vld [tilespmem:s24+$0x0]  }
0x202: {  	v10 =	vld [tilespmem:s25+$0x0];
	v4 =	vadd.f32 v11, v4;
	v5 =	vadd.f32 v7, v5  }
0x203: {  	v7 =	vld [tilespmem:s13+$0x0]  }
0x204: {  	v11 =	vld [tilespmem:s26+$0x0];
	v4 =	vadd.f32 v62, v4;
	v5 =	vadd.f32 v9, v5  }
0x205: {  	s26 =	rddreg [dreg:$0x11];
	v9 =	vld [tilespmem:s14+$0x0]  }
0x206: {  	v4 =	vadd.f32 v6, v4;
	v6 =	vld [tilespmem:s26+$0x0];
	v5 =	vadd.f32 v8, v5  }
0x207: {  	v8 =	vld [tilespmem:s28+$0x0]  }
0x208: {  	v4 =	vadd.f32 v10, v4;
	v10 =	vld [tilespmem:s29+$0x0];
	v5 =	vadd.f32 v7, v5  }
0x209: {  	s29 =	rddreg [dreg:$0x12];
	v7 =	vld [tilespmem:s21+$0x0]  }
0x20a: {  	v13 =	vld [tilespmem:s29+$0x0];
	v4 =	vadd.f32 v11, v4;
	v5 =	vadd.f32 v9, v5  }
0x20b: {  	v9 =	vld [tilespmem:s22+$0x0]  }
0x20c: {  	v11 =	vld [tilespmem:s8+$0x0];
	v12 =	vadd.f32 v63, v4;
	v5 =	vadd.f32 v6, v5  }
0x20d: {  	p1 =	sne.s32 s15, $0x160;
	v4 =	vld [tilespmem:s30+$0x0]  }
.Ltmp2:
0x20e: {  	v8 =	vadd.f32 v8, v12;
	v6 =	vld [tilespmem:s31+$0x0];
	v7 =	vadd.f32 v7, v5;
	(pc) =	sbr.rel @p1 .LBB2_3-.Ltmp2, $4  }
0x20f: {  	v5 =	vld [tilespmem:s23+$0x0]  }
0x210: {  	v10 =	vadd.f32 v10, v8;
	v8 =	vld [tilespmem:s2+$0x0];
	v9 =	vadd.f32 v9, v7  }
0x211: {  	v7 =	vld [tilespmem:s4+$0x0]  }
0x212: {  	s15 =	sadd.s32 $0x20, s15;
	s19 =	smov.u32 s7;
	v11 =	vadd.f32 v11, v10;
	v10 =	vadd.f32 v13, v9;
	v9 =	vld [tilespmem:s18+$0x0]  }
0x213: {  	_ = 	snop  }
0x214: {  	v4 =	vadd.f32 v4, v11  }
0x215: {  	v63 =	vld [tilespmem:s20+$0x0]  }
0x216: {  	v4 =	vadd.f32 v6, v4  }
0x217: {  	v5 =	vadd.f32 v5, v10  }
0x218: {  	s5 =	sld [smem:$0x7F3];
	v4 =	vadd.f32 v8, v4  }
0x219: {  	s1 =	sld [smem:$0x7F9];
	v5 =	vadd.f32 v7, v5  }
0x21a: {  	v4 =	vadd.f32 v63, v4  }
0x21b: {  	s0 =	sshll.u32 s5, $0x3;
	v5 =	vadd.f32 v9, v5  }
0x21c: {  	s29 =	sld [smem:$0x7F8];
	s0 =	sadd.s32 s1, s0;
	v4 =	vmul.f32 $6.250000000e-02, v4  }
0x21d: {  	s0 =	smul.u32 $0x30, s0;
	v5 =	vmul.f32 $6.250000000e-02, v5  }
0x21e: {  	s4 =	simm.s32 $0x0;
	[tilespmem:s16+$0xD880] =	vst v4  }
0x21f: {  	s30 =	simm.s32 $0xD400;
	s31 =	simm.s32 $0x3;
	s0 =	sadd.s32 s29, s0;
	[tilespmem:s19+$0x180] =	vst v5  }
0x220: {  	[hbm4b:s0+s4] =	stream.linear.scatter [tilespmem:s30], [sflag:$0x5], $0x600, $0x38;
	[tilespmem:$0x12500] =	vst v63  }
0x221: {  	_ =	swait.ge [sflag:s31], $0x2000  }
0x222: {  	[sflag:s31] =	ssyncset.done $0x0  }
0x223: {  	s0 =	simm.s32 @!p0 $0x7;
	[sflag:s31] =	ssyncadd.s32 $0xFFFFE000  }
0x224: {  	_ =	swait.ge @!p0 [sflag:s0], $0x200  }
0x225: {  	[sflag:s0] =	ssyncset.done @!p0 $0x0  }
0x226: {  	s1 =	simm.s32 $0xE080;
	[sflag:s0] =	ssyncadd.s32 @!p0 $0xFFFFFE00  }
0x227: {  	s2 =	simm.s32 $0x40;
	s0 =	simm.s32 $0x0;
	v4 =	vld [tilespmem:s1+$0x0]  }
.LBB2_5:
0x228: {  	p1 =	sne.s32 s2, $0x7C0  }
0x229: {  	v5 =	vld [tilespmem:s1+$0xFFFFFF80];
	_ =	sdelay $0x2  }
.Ltmp3:
0x22a: {  	v4 =	vperm.xlane v4, v3;
	(pc) =	sbr.rel @p1 .LBB2_5-.Ltmp3, $4  }
0x22b: {  	_ = 	snop  }
0x22c: {  	s3 =	sshra.s32 s0, $0x2;
	s0 =	smov.u32 s2;
	v4 =	vsel vm1, v5, v4  }
0x22d: {  	s1 =	sadd.s32 $0x100, s1;
	[tilespmem:s3+$0x12000] =	vst v4  }
0x22e: {  	s2 =	sadd.s32 $0x40, s2;
	v4 =	vld [tilespmem:s1+$0x0]  }
0x22f: {  	_ = 	snop  }
0x230: {  	v5 =	vld [tilespmem:s1+$0xFFFFFF80]  }
0x231: {  	s2 =	sld [smem:$0x7FC]  }
0x232: {  	p1 =	seq.s32 s5, $0x27  }
.Ltmp4:
0x233: {  	s29 =	sshll.u32 s5, $0xA;
	v4 =	vperm.xlane v4, v3;
	(pc) =	sbr.rel @p1 .LBB2_8-.Ltmp4, $4  }
0x234: {  	s1 =	sadd.s32 s2, s29  }
0x235: {  	s0 =	sshra.s32 s0, $0x2;
	s30 =	rddreg [dreg:$0x1];
	s1 =	sshrl.u32 s1, $0x3;
	v4 =	vsel vm1, v5, v4  }
0x236: {  	s31 =	simm.s32 $0x12000;
	[tilespmem:s0+$0x12000] =	vst v4;
	s0 =	sadd.s32 s30, s1  }
0x237: {  	[hbm4b:s0+s4] =	stream.linear.scatter [tilespmem:s31], [sflag:$0x7], $0x200, $0x38;
	[tilespmem:$0x12500] =	vst v63  }
0x238: {  	s0 =	sshll.u32 s5, $0x7  }
0x239: {  	s0 =	sand.u32 $0x3FFFFF80, s0  }
0x23a: {  	v4 =	vld [tilespmem:s0+$0x80];
	_ =	sdelay $0x4  }
0x23b: {  	v5 =	vshrl.u32 v4, $0x3  }
0x23c: {  	v5 =	vmul.u32 $0x18, v5  }
0x23d: {  	v4 =	vand.u32 $0x7, v4  }
0x23e: {  	v4 =	vor.u32 v4, v5  }
0x23f: {  	v5 =	vperm.xlane v4, v0;
	_ =	sdelay $0x1  }
0x240: {  	v5 =	vadd.s32 v1, v5;
	_ =	sdelay $0x1  }
0x241: {  	s1 =	sld [smem:$0x7F6];
	v4 =	vperm.xlane v4, v2;
	_ =	sdelay $0x1  }
0x242: {  	s2 =	simm.s32 $0x1400;
	s13 =	sld [smem:$0x7FB];
	v4 =	vadd.s32 v1, v4  }
0x243: {  	[tilespmem:s2], [sflag:$0x1] =	stream.indirect_vreg.gather [hbm4b:s1+s4], $0x80, v5, vm0, $0xb8;
	[tilespmem:$0x12500] =	vst v63  }
0x244: {  	s3 =	simm.s32 $0x1C00  }
0x245: {  	[tilespmem:s3], [sflag:$0x1] =	stream.indirect_vreg.gather [hbm4b:s13+s4], $0x80, v5, vm1, $0xb8;
	[tilespmem:$0x12500] =	vst v63  }
0x246: {  	s14 =	simm.s32 $0x2000  }
0x247: {  	[tilespmem:s14], [sflag:$0x1] =	stream.indirect_vreg.gather [hbm4b:s1+s4], $0x80, v4, vm0, $0xb8;
	[tilespmem:$0x12500] =	vst v63  }
0x248: {  	s15 =	simm.s32 $0x2800  }
0x249: {  	[tilespmem:s15], [sflag:$0x1] =	stream.indirect_vreg.gather [hbm4b:s13+s4], $0x80, v4, vm1, $0xb8;
	[tilespmem:$0x12500] =	vst v63  }
0x24a: {  	v4 =	vld [tilespmem:s0+$0x90];
	_ =	sdelay $0x4  }
0x24b: {  	v5 =	vshrl.u32 v4, $0x3  }
0x24c: {  	v5 =	vmul.u32 $0x18, v5  }
0x24d: {  	v4 =	vand.u32 $0x7, v4  }
0x24e: {  	v4 =	vor.u32 v4, v5  }
0x24f: {  	v5 =	vperm.xlane v4, v0;
	_ =	sdelay $0x1  }
0x250: {  	v5 =	vadd.s32 v1, v5;
	_ =	sdelay $0x1  }
0x251: {  	v4 =	vperm.xlane v4, v2;
	_ =	sdelay $0x1  }
0x252: {  	s16 =	simm.s32 $0x2C00;
	v4 =	vadd.s32 v1, v4  }
0x253: {  	[tilespmem:s16], [sflag:$0x1] =	stream.indirect_vreg.gather [hbm4b:s1+s4], $0x80, v5, vm0, $0xb8;
	[tilespmem:$0x12500] =	vst v63  }
0x254: {  	s17 =	simm.s32 $0x3400  }
0x255: {  	[tilespmem:s17], [sflag:$0x1] =	stream.indirect_vreg.gather [hbm4b:s13+s4], $0x80, v5, vm1, $0xb8;
	[tilespmem:$0x12500] =	vst v63  }
0x256: {  	s18 =	simm.s32 $0x3800  }
0x257: {  	[tilespmem:s18], [sflag:$0x1] =	stream.indirect_vreg.gather [hbm4b:s1+s4], $0x80, v4, vm0, $0xb8;
	[tilespmem:$0x12500] =	vst v63  }
0x258: {  	s19 =	simm.s32 $0x4000  }
0x259: {  	[tilespmem:s19], [sflag:$0x1] =	stream.indirect_vreg.gather [hbm4b:s13+s4], $0x80, v4, vm1, $0xb8;
	[tilespmem:$0x12500] =	vst v63  }
0x25a: {  	v4 =	vld [tilespmem:s0+$0xA0];
	_ =	sdelay $0x4  }
0x25b: {  	v5 =	vshrl.u32 v4, $0x3  }
0x25c: {  	v5 =	vmul.u32 $0x18, v5  }
0x25d: {  	v4 =	vand.u32 $0x7, v4  }
0x25e: {  	v4 =	vor.u32 v4, v5  }
0x25f: {  	v5 =	vperm.xlane v4, v0;
	_ =	sdelay $0x1  }
0x260: {  	v5 =	vadd.s32 v1, v5;
	_ =	sdelay $0x1  }
0x261: {  	v4 =	vperm.xlane v4, v2;
	_ =	sdelay $0x1  }
0x262: {  	s20 =	simm.s32 $0x4400;
	v4 =	vadd.s32 v1, v4  }
0x263: {  	[tilespmem:s20], [sflag:$0x1] =	stream.indirect_vreg.gather [hbm4b:s1+s4], $0x80, v5, vm0, $0xb8;
	[tilespmem:$0x12500] =	vst v63  }
0x264: {  	s21 =	simm.s32 $0x4C00  }
0x265: {  	[tilespmem:s21], [sflag:$0x1] =	stream.indirect_vreg.gather [hbm4b:s13+s4], $0x80, v5, vm1, $0xb8;
	[tilespmem:$0x12500] =	vst v63  }
0x266: {  	s22 =	simm.s32 $0x5000  }
0x267: {  	[tilespmem:s22], [sflag:$0x1] =	stream.indirect_vreg.gather [hbm4b:s1+s4], $0x80, v4, vm0, $0xb8;
	[tilespmem:$0x12500] =	vst v63  }
0x268: {  	s23 =	simm.s32 $0x5800  }
0x269: {  	[tilespmem:s23], [sflag:$0x1] =	stream.indirect_vreg.gather [hbm4b:s13+s4], $0x80, v4, vm1, $0xb8;
	[tilespmem:$0x12500] =	vst v63  }
0x26a: {  	v4 =	vld [tilespmem:s0+$0xB0];
	_ =	sdelay $0x4  }
0x26b: {  	v5 =	vshrl.u32 v4, $0x3  }
0x26c: {  	v5 =	vmul.u32 $0x18, v5  }
0x26d: {  	v4 =	vand.u32 $0x7, v4  }
0x26e: {  	v4 =	vor.u32 v4, v5  }
0x26f: {  	v5 =	vperm.xlane v4, v0;
	_ =	sdelay $0x1  }
0x270: {  	v5 =	vadd.s32 v1, v5;
	_ =	sdelay $0x1  }
0x271: {  	v4 =	vperm.xlane v4, v2;
	_ =	sdelay $0x1  }
0x272: {  	s24 =	simm.s32 $0x5C00;
	v4 =	vadd.s32 v1, v4  }
0x273: {  	[tilespmem:s24], [sflag:$0x1] =	stream.indirect_vreg.gather [hbm4b:s1+s4], $0x80, v5, vm0, $0xb8;
	[tilespmem:$0x12500] =	vst v63  }
0x274: {  	s25 =	simm.s32 $0x6400  }
0x275: {  	[tilespmem:s25], [sflag:$0x1] =	stream.indirect_vreg.gather [hbm4b:s13+s4], $0x80, v5, vm1, $0xb8;
	[tilespmem:$0x12500] =	vst v63  }
0x276: {  	s26 =	simm.s32 $0x6800  }
0x277: {  	[tilespmem:s26], [sflag:$0x1] =	stream.indirect_vreg.gather [hbm4b:s1+s4], $0x80, v4, vm0, $0xb8;
	[tilespmem:$0x12500] =	vst v63  }
0x278: {  	s28 =	simm.s32 $0x7000;
	s29 =	sld [smem:$0x7F7]  }
0x279: {  	[tilespmem:s28], [sflag:$0x1] =	stream.indirect_vreg.gather [hbm4b:s13+s4], $0x80, v4, vm1, $0xb8;
	[tilespmem:$0x12500] =	vst v63  }
0x27a: {  	s30 =	simm.s32 $0x40;
	s31 =	simm.s32 $0xE000;
	s0 =	sadd.s32 $0x80, s0  }
0x27b: {  	[tilespmem:s31], [sflag:$0x3] =	stream.indirect.gather [hbm4b:s29+s30], $0x80, s0, s30, $0xb8;
	[tilespmem:$0x12500] =	vst v63  }
.LBB2_8:
0x27c: {  	s0 =	simm.s32 $0x2  }
0x27d: {  	_ =	swait.ge [sflag:s0], $0x6000  }
0x27e: {  	[sflag:s0] =	ssyncset.done $0x0  }
0x27f: {  	s4 =	simm.s32 $0x0;
	[sflag:s0] =	ssyncadd.s32 $0xFFFFA000;
	s0 =	simm.s32 @!p0 $0x6  }
0x280: {  	s15 =	sand.u32 $0x60, s4;
	s18 =	sand.u32 $0xC00, s4;
	_ =	swait.ge @!p0 [sflag:s0], $0x600  }
0x281: {  	s1 =	sadd.s32 $0x7400, s18;
	s17 =	sor.u32 $0x10, s15;
	[sflag:s0] =	ssyncset.done @!p0 $0x0  }
0x282: {  	s25 =	sor.u32 s17, s1;
	[sflag:s0] =	ssyncadd.s32 @!p0 $0xFFFFFA00  }
0x283: {  	s1 =	sor.u32 s15, s1;
	v4 =	vld [tilespmem:s25+$0x80]  }
0x284: {  	v5 =	vld [tilespmem:s1+$0x0]  }
0x285: {  	v6 =	vld [tilespmem:s1+$0x80]  }
0x286: {  	v7 =	vld [tilespmem:s25+$0x0]  }
0x287: {  	v8 =	vld [tilespmem:s1+$0x100]  }
0x288: {  	v9 =	vld [tilespmem:s25+$0x100]  }
0x289: {  	v10 =	vld [tilespmem:s1+$0x180]  }
0x28a: {  	v5 =	vadd.f32 v6, v5;
	v6 =	vld [tilespmem:s25+$0x180]  }
0x28b: {  	v4 =	vadd.f32 v4, v7;
	v7 =	vld [tilespmem:s1+$0x200]  }
0x28c: {  	v5 =	vadd.f32 v8, v5;
	v8 =	vld [tilespmem:s25+$0x200]  }
0x28d: {  	v4 =	vadd.f32 v9, v4;
	v9 =	vld [tilespmem:s1+$0x280]  }
0x28e: {  	v5 =	vadd.f32 v10, v5;
	v10 =	vld [tilespmem:s25+$0x280]  }
0x28f: {  	v4 =	vadd.f32 v6, v4;
	v6 =	vld [tilespmem:s1+$0x300]  }
0x290: {  	v5 =	vadd.f32 v7, v5;
	v7 =	vld [tilespmem:s25+$0x300]  }
0x291: {  	s2 =	sor.u32 $0x8000, s18;
	v4 =	vadd.f32 v8, v4;
	v8 =	vld [tilespmem:s1+$0x380]  }
0x292: {  	s26 =	sor.u32 s15, s2;
	v5 =	vadd.f32 v9, v5;
	v9 =	vld [tilespmem:s25+$0x380]  }
0x293: {  	s29 =	sor.u32 $0x8080, s18;
	s28 =	sor.u32 s17, s2;
	v4 =	vadd.f32 v10, v4;
	v10 =	vld [tilespmem:s26+$0x0]  }
0x294: {  	s30 =	sor.u32 s15, s29;
	v5 =	vadd.f32 v6, v5;
	v6 =	vld [tilespmem:s28+$0x0]  }
0x295: {  	s31 =	sor.u32 $0x8100, s18;
	s2 =	sor.u32 s17, s29;
	v4 =	vadd.f32 v7, v4;
	v7 =	vld [tilespmem:s30+$0x0]  }
0x296: {  	s3 =	sor.u32 s15, s31;
	v5 =	vadd.f32 v8, v5;
	v8 =	vld [tilespmem:s2+$0x0]  }
0x297: {  	s5 =	sor.u32 $0x8180, s18;
	s0 =	sor.u32 s17, s31;
	v4 =	vadd.f32 v9, v4;
	v9 =	vld [tilespmem:s3+$0x0]  }
0x298: {  	s6 =	sor.u32 s15, s5;
	v5 =	vadd.f32 v10, v5;
	v10 =	vld [tilespmem:s0+$0x0]  }
0x299: {  	s7 =	sor.u32 $0x8200, s18;
	s2 =	sor.u32 s17, s5;
	v4 =	vadd.f32 v6, v4;
	v6 =	vld [tilespmem:s6+$0x0]  }
0x29a: {  	s8 =	sor.u32 s15, s7;
	v5 =	vadd.f32 v7, v5;
	v7 =	vld [tilespmem:s2+$0x0]  }
0x29b: {  	s9 =	sor.u32 $0x8280, s18;
	s0 =	sor.u32 s17, s7;
	v4 =	vadd.f32 v8, v4;
	v8 =	vld [tilespmem:s8+$0x0]  }
0x29c: {  	s10 =	sor.u32 s15, s9;
	v5 =	vadd.f32 v9, v5;
	v9 =	vld [tilespmem:s0+$0x0]  }
0x29d: {  	s11 =	sor.u32 $0x8300, s18;
	s2 =	sor.u32 s17, s9;
	v4 =	vadd.f32 v10, v4;
	v10 =	vld [tilespmem:s10+$0x0]  }
0x29e: {  	s12 =	sor.u32 s15, s11;
	v5 =	vadd.f32 v6, v5;
	v6 =	vld [tilespmem:s2+$0x0]  }
0x29f: {  	s13 =	sor.u32 $0x8380, s18;
	s0 =	sor.u32 s17, s11;
	v4 =	vadd.f32 v7, v4;
	v7 =	vld [tilespmem:s12+$0x0]  }
0x2a0: {  	s14 =	sor.u32 s15, s13;
	v5 =	vadd.f32 v8, v5;
	v8 =	vld [tilespmem:s0+$0x0]  }
0x2a1: {  	s16 =	sor.u32 s17, s13;
	v4 =	vadd.f32 v9, v4;
	v9 =	vld [tilespmem:s14+$0x0]  }
0x2a2: {  	v5 =	vadd.f32 v10, v5;
	v10 =	vld [tilespmem:s16+$0x0]  }
0x2a3: {  	v4 =	vadd.f32 v6, v4  }
0x2a4: {  	v5 =	vadd.f32 v7, v5  }
0x2a5: {  	v4 =	vadd.f32 v8, v4  }
0x2a6: {  	v5 =	vadd.f32 v9, v5  }
0x2a7: {  	v4 =	vadd.f32 v10, v4  }
0x2a8: {  	v5 =	vmul.f32 $6.250000000e-02, v5  }
0x2a9: {  	s5 =	simm.s32 $0xDD10;
	s0 =	sand.u32 $0x180, s4;
	v4 =	vmul.f32 $6.250000000e-02, v4  }
0x2aa: {  	s19 =	sadd.s32 $0x8C80, s18;
	s20 =	sor.u32 s17, s0;
	[tilespmem:s5+$0xFFFFFCF0] =	vst v5  }
0x2ab: {  	s21 =	sadd.s32 $0x8C00, s18;
	s3 =	sor.u32 s15, s19;
	[tilespmem:s20+$0xDA00] =	vst v4  }
0x2ac: {  	s22 =	sor.u32 s17, s21;
	v4 =	vld [tilespmem:s3+$0x0]  }
0x2ad: {  	s2 =	sor.u32 s15, s21;
	v5 =	vld [tilespmem:s22+$0x0]  }
0x2ae: {  	s23 =	sadd.s32 $0x8D00, s18;
	s1 =	sor.u32 s17, s19;
	v6 =	vld [tilespmem:s2+$0x0]  }
0x2af: {  	s24 =	sor.u32 s15, s23;
	v7 =	vld [tilespmem:s1+$0x0]  }
0x2b0: {  	s25 =	sor.u32 s17, s23;
	s26 =	sadd.s32 $0x8D80, s18;
	v8 =	vld [tilespmem:s24+$0x0]  }
0x2b1: {  	s28 =	sor.u32 s15, s26;
	v9 =	vld [tilespmem:s25+$0x0]  }
0x2b2: {  	s29 =	sadd.s32 $0x8E00, s18;
	s3 =	sor.u32 s17, s26;
	v10 =	vld [tilespmem:s28+$0x0]  }
0x2b3: {  	s30 =	sor.u32 s15, s29;
	v11 =	vld [tilespmem:s3+$0x0];
	v4 =	vadd.f32 v4, v6  }
0x2b4: {  	s31 =	sadd.s32 $0x8E80, s18;
	s1 =	sor.u32 s17, s29;
	v5 =	vadd.f32 v7, v5;
	v6 =	vld [tilespmem:s30+$0x0]  }
0x2b5: {  	s6 =	sor.u32 s15, s31;
	v7 =	vld [tilespmem:s1+$0x0];
	v4 =	vadd.f32 v8, v4  }
0x2b6: {  	s7 =	sadd.s32 $0x8F00, s18;
	s3 =	sor.u32 s17, s31;
	v5 =	vadd.f32 v9, v5;
	v8 =	vld [tilespmem:s6+$0x0]  }
0x2b7: {  	s8 =	sor.u32 s15, s7;
	v9 =	vld [tilespmem:s3+$0x0];
	v4 =	vadd.f32 v10, v4  }
0x2b8: {  	s9 =	sadd.s32 $0x8F80, s18;
	s1 =	sor.u32 s17, s7;
	v5 =	vadd.f32 v11, v5;
	v10 =	vld [tilespmem:s8+$0x0]  }
0x2b9: {  	s10 =	sor.u32 s15, s9;
	v11 =	vld [tilespmem:s1+$0x0];
	v4 =	vadd.f32 v6, v4  }
0x2ba: {  	s11 =	sadd.s32 $0x9800, s18;
	s3 =	sor.u32 s17, s9;
	v5 =	vadd.f32 v7, v5;
	v6 =	vld [tilespmem:s10+$0x0]  }
0x2bb: {  	s12 =	sor.u32 s15, s11;
	v7 =	vld [tilespmem:s3+$0x0];
	v4 =	vadd.f32 v8, v4  }
0x2bc: {  	s13 =	sadd.s32 $0x9880, s18;
	s1 =	sor.u32 s17, s11;
	v5 =	vadd.f32 v9, v5;
	v8 =	vld [tilespmem:s12+$0x0]  }
0x2bd: {  	s14 =	sor.u32 s15, s13;
	v9 =	vld [tilespmem:s1+$0x0];
	v4 =	vadd.f32 v10, v4  }
0x2be: {  	s16 =	sadd.s32 $0x9900, s18;
	s3 =	sor.u32 s17, s13;
	v5 =	vadd.f32 v11, v5;
	v10 =	vld [tilespmem:s14+$0x0]  }
0x2bf: {  	s19 =	sor.u32 s15, s16;
	v11 =	vld [tilespmem:s3+$0x0];
	v4 =	vadd.f32 v6, v4  }
0x2c0: {  	s20 =	sadd.s32 $0x9980, s18;
	s1 =	sor.u32 s17, s16;
	v5 =	vadd.f32 v7, v5;
	v6 =	vld [tilespmem:s19+$0x0]  }
0x2c1: {  	s21 =	sor.u32 s15, s20;
	v7 =	vld [tilespmem:s1+$0x0];
	v4 =	vadd.f32 v8, v4  }
0x2c2: {  	s22 =	sadd.s32 $0x9A00, s18;
	s3 =	sor.u32 s17, s20;
	v5 =	vadd.f32 v9, v5;
	v8 =	vld [tilespmem:s21+$0x0]  }
0x2c3: {  	s23 =	sor.u32 s15, s22;
	v9 =	vld [tilespmem:s3+$0x0];
	v4 =	vadd.f32 v10, v4  }
0x2c4: {  	s24 =	sadd.s32 $0x9A80, s18;
	s1 =	sor.u32 s17, s22;
	v5 =	vadd.f32 v11, v5;
	v10 =	vld [tilespmem:s23+$0x0]  }
0x2c5: {  	s25 =	sor.u32 s15, s24;
	v11 =	vld [tilespmem:s1+$0x0];
	v4 =	vadd.f32 v6, v4  }
0x2c6: {  	s26 =	sadd.s32 $0x9B00, s18;
	s3 =	sor.u32 s17, s24;
	v5 =	vadd.f32 v7, v5;
	v6 =	vld [tilespmem:s25+$0x0]  }
0x2c7: {  	s28 =	sor.u32 s15, s26;
	v7 =	vld [tilespmem:s3+$0x0];
	v4 =	vadd.f32 v8, v4  }
0x2c8: {  	s29 =	sadd.s32 $0x9B80, s18;
	s1 =	sor.u32 s17, s26;
	v5 =	vadd.f32 v9, v5;
	v8 =	vld [tilespmem:s28+$0x0]  }
0x2c9: {  	s30 =	sor.u32 s15, s29;
	v9 =	vld [tilespmem:s1+$0x0];
	v4 =	vadd.f32 v10, v4  }
0x2ca: {  	s31 =	sor.u32 s17, s29;
	v5 =	vadd.f32 v11, v5;
	v10 =	vld [tilespmem:s30+$0x0]  }
0x2cb: {  	v11 =	vld [tilespmem:s31+$0x0];
	v4 =	vadd.f32 v6, v4  }
0x2cc: {  	v5 =	vadd.f32 v7, v5  }
0x2cd: {  	v4 =	vadd.f32 v8, v4  }
0x2ce: {  	v5 =	vadd.f32 v9, v5  }
0x2cf: {  	v4 =	vadd.f32 v10, v4  }
0x2d0: {  	v5 =	vadd.f32 v11, v5  }
0x2d1: {  	v4 =	vmul.f32 $6.250000000e-02, v4  }
0x2d2: {  	s16 =	sor.u32 s15, s0;
	v5 =	vmul.f32 $6.250000000e-02, v5  }
0x2d3: {  	s2 =	sadd.s32 $0xA400, s18;
	[tilespmem:s16+$0xDB80] =	vst v4  }
0x2d4: {  	s6 =	sadd.s32 $0xA480, s18;
	s3 =	sor.u32 s17, s2;
	[tilespmem:s5+$0xFFFFFE80] =	vst v5  }
0x2d5: {  	s7 =	sor.u32 s15, s6;
	v4 =	vld [tilespmem:s3+$0x0]  }
0x2d6: {  	s0 =	sor.u32 s15, s2;
	v5 =	vld [tilespmem:s7+$0x0]  }
0x2d7: {  	s8 =	sadd.s32 $0xA500, s18;
	s2 =	sor.u32 s17, s6;
	v6 =	vld [tilespmem:s0+$0x0]  }
0x2d8: {  	s9 =	sor.u32 s15, s8;
	v7 =	vld [tilespmem:s2+$0x0]  }
0x2d9: {  	s10 =	sadd.s32 $0xA580, s18;
	s1 =	sor.u32 s17, s8;
	v8 =	vld [tilespmem:s9+$0x0]  }
0x2da: {  	s11 =	sor.u32 s15, s10;
	v9 =	vld [tilespmem:s1+$0x0]  }
0x2db: {  	s12 =	sadd.s32 $0xA600, s18;
	s2 =	sor.u32 s17, s10;
	v10 =	vld [tilespmem:s11+$0x0]  }
0x2dc: {  	s13 =	sor.u32 s15, s12;
	v5 =	vadd.f32 v5, v6;
	v6 =	vld [tilespmem:s2+$0x0]  }
0x2dd: {  	s14 =	sadd.s32 $0xA680, s18;
	s1 =	sor.u32 s17, s12;
	v4 =	vadd.f32 v7, v4;
	v7 =	vld [tilespmem:s13+$0x0]  }
0x2de: {  	s19 =	sor.u32 s15, s14;
	v5 =	vadd.f32 v8, v5;
	v8 =	vld [tilespmem:s1+$0x0]  }
0x2df: {  	s20 =	sadd.s32 $0xA700, s18;
	s2 =	sor.u32 s17, s14;
	v4 =	vadd.f32 v9, v4;
	v9 =	vld [tilespmem:s19+$0x0]  }
0x2e0: {  	s21 =	sor.u32 s15, s20;
	v5 =	vadd.f32 v10, v5;
	v10 =	vld [tilespmem:s2+$0x0]  }
0x2e1: {  	s22 =	sadd.s32 $0xA780, s18;
	s1 =	sor.u32 s17, s20;
	v4 =	vadd.f32 v6, v4;
	v6 =	vld [tilespmem:s21+$0x0]  }
0x2e2: {  	s23 =	sor.u32 s15, s22;
	v5 =	vadd.f32 v7, v5;
	v7 =	vld [tilespmem:s1+$0x0]  }
0x2e3: {  	s24 =	sor.u32 $0xB000, s18;
	s2 =	sor.u32 s17, s22;
	v4 =	vadd.f32 v8, v4;
	v8 =	vld [tilespmem:s23+$0x0]  }
0x2e4: {  	s25 =	sor.u32 s15, s24;
	v5 =	vadd.f32 v9, v5;
	v9 =	vld [tilespmem:s2+$0x0]  }
0x2e5: {  	s26 =	sor.u32 $0xB080, s18;
	s1 =	sor.u32 s17, s24;
	v4 =	vadd.f32 v10, v4;
	v10 =	vld [tilespmem:s25+$0x0]  }
0x2e6: {  	s28 =	sor.u32 s15, s26;
	v5 =	vadd.f32 v6, v5;
	v6 =	vld [tilespmem:s1+$0x0]  }
0x2e7: {  	s29 =	sor.u32 $0xB100, s18;
	s2 =	sor.u32 s17, s26;
	v4 =	vadd.f32 v7, v4;
	v7 =	vld [tilespmem:s28+$0x0]  }
0x2e8: {  	s30 =	sor.u32 s15, s29;
	v5 =	vadd.f32 v8, v5;
	v8 =	vld [tilespmem:s2+$0x0]  }
0x2e9: {  	s31 =	sor.u32 $0xB180, s18;
	s1 =	sor.u32 s17, s29;
	v4 =	vadd.f32 v9, v4;
	v9 =	vld [tilespmem:s30+$0x0]  }
0x2ea: {  	s3 =	sor.u32 s15, s31;
	v5 =	vadd.f32 v10, v5;
	v10 =	vld [tilespmem:s1+$0x0]  }
0x2eb: {  	s6 =	sor.u32 $0xB200, s18;
	s2 =	sor.u32 s17, s31;
	v4 =	vadd.f32 v6, v4;
	v6 =	vld [tilespmem:s3+$0x0]  }
0x2ec: {  	s7 =	sor.u32 s15, s6;
	v5 =	vadd.f32 v7, v5;
	v7 =	vld [tilespmem:s2+$0x0]  }
0x2ed: {  	s8 =	sor.u32 $0xB280, s18;
	s1 =	sor.u32 s17, s6;
	v4 =	vadd.f32 v8, v4;
	v8 =	vld [tilespmem:s7+$0x0]  }
0x2ee: {  	s9 =	sor.u32 s15, s8;
	v5 =	vadd.f32 v9, v5;
	v9 =	vld [tilespmem:s1+$0x0]  }
0x2ef: {  	s10 =	sor.u32 $0xB300, s18;
	s2 =	sor.u32 s17, s8;
	v4 =	vadd.f32 v10, v4;
	v10 =	vld [tilespmem:s9+$0x0]  }
0x2f0: {  	s11 =	sor.u32 s15, s10;
	v5 =	vadd.f32 v6, v5;
	v6 =	vld [tilespmem:s2+$0x0]  }
0x2f1: {  	s12 =	sor.u32 $0xB380, s18;
	s1 =	sor.u32 s17, s10;
	v4 =	vadd.f32 v7, v4;
	v7 =	vld [tilespmem:s11+$0x0]  }
0x2f2: {  	s13 =	sor.u32 s15, s12;
	v5 =	vadd.f32 v8, v5;
	v8 =	vld [tilespmem:s1+$0x0]  }
0x2f3: {  	s14 =	sor.u32 s17, s12;
	v4 =	vadd.f32 v9, v4;
	v9 =	vld [tilespmem:s13+$0x0]  }
0x2f4: {  	v5 =	vadd.f32 v10, v5;
	v10 =	vld [tilespmem:s14+$0x0]  }
0x2f5: {  	v4 =	vadd.f32 v6, v4  }
0x2f6: {  	v5 =	vadd.f32 v7, v5  }
0x2f7: {  	v4 =	vadd.f32 v8, v4  }
0x2f8: {  	v5 =	vadd.f32 v9, v5  }
0x2f9: {  	v4 =	vadd.f32 v10, v4  }
0x2fa: {  	v5 =	vmul.f32 $6.250000000e-02, v5  }
0x2fb: {  	v4 =	vmul.f32 $6.250000000e-02, v4  }
0x2fc: {  	s19 =	sadd.s32 $0xBD00, s18;
	[tilespmem:s16+$0xDD00] =	vst v5  }
0x2fd: {  	s20 =	sor.u32 s15, s19;
	[tilespmem:s5+$0x0] =	vst v4  }
0x2fe: {  	s0 =	sor.u32 s17, s19;
	s21 =	sadd.s32 $0xBC00, s18;
	v4 =	vld [tilespmem:s20+$0x0]  }
0x2ff: {  	s22 =	sadd.s32 $0xBC80, s18;
	s23 =	sor.u32 s17, s21;
	v5 =	vld [tilespmem:s0+$0x0]  }
0x300: {  	s24 =	sor.u32 s17, s22;
	v6 =	vld [tilespmem:s23+$0x0]  }
0x301: {  	s25 =	sor.u32 s15, s21;
	v7 =	vld [tilespmem:s24+$0x0]  }
0x302: {  	s26 =	sadd.s32 $0xBD80, s18;
	s1 =	sor.u32 s15, s22;
	v8 =	vld [tilespmem:s25+$0x0]  }
0x303: {  	s29 =	sadd.s32 $0xBE00, s18;
	s28 =	sor.u32 s17, s26;
	v9 =	vld [tilespmem:s1+$0x0]  }
0x304: {  	s31 =	sadd.s32 $0xBE80, s18;
	s30 =	sor.u32 s17, s29;
	v10 =	vld [tilespmem:s28+$0x0]  }
0x305: {  	s2 =	sor.u32 s15, s31;
	v12 =	vld [tilespmem:s30+$0x0]  }
0x306: {  	s0 =	sor.u32 s15, s26;
	v13 =	vld [tilespmem:s2+$0x0];
	v6 =	vadd.f32 v7, v6  }
0x307: {  	s1 =	sor.u32 s15, s29;
	v11 =	vld [tilespmem:s0+$0x0]  }
0x308: {  	s9 =	sadd.s32 $0xC800, s18;
	s0 =	sor.u32 s17, s31;
	v7 =	vld [tilespmem:s1+$0x0];
	v8 =	vadd.f32 v9, v8;
	v5 =	vadd.f32 v5, v6  }
0x309: {  	s3 =	sadd.s32 $0xBF00, s18;
	s10 =	sor.u32 s17, s9;
	v6 =	vld [tilespmem:s0+$0x0]  }
0x30a: {  	s6 =	sor.u32 s17, s3;
	v61 =	vld [tilespmem:s10+$0x0];
	v4 =	vadd.f32 v4, v8;
	v5 =	vadd.f32 v10, v5  }
0x30b: {  	s7 =	sadd.s32 $0xBF80, s18;
	v9 =	vld [tilespmem:s6+$0x0];
	s1 =	sor.u32 s15, s3  }
0x30c: {  	s8 =	sor.u32 s17, s7;
	s13 =	sadd.s32 $0xC900, s18;
	v8 =	vld [tilespmem:s1+$0x0];
	v4 =	vadd.f32 v11, v4;
	v5 =	vadd.f32 v12, v5  }
0x30d: {  	s14 =	sor.u32 s17, s13;
	v10 =	vld [tilespmem:s8+$0x0]  }
0x30e: {  	s11 =	sadd.s32 $0xC880, s18;
	v62 =	vld [tilespmem:s14+$0x0];
	s0 =	sor.u32 s15, s7;
	v4 =	vadd.f32 v7, v4;
	v5 =	vadd.f32 v6, v5  }
0x30f: {  	s12 =	sor.u32 s17, s11;
	v11 =	vld [tilespmem:s0+$0x0]  }
0x310: {  	s21 =	sadd.s32 $0xCA00, s18;
	s1 =	sor.u32 s15, s9;
	v7 =	vld [tilespmem:s12+$0x0];
	v4 =	vadd.f32 v13, v4;
	v5 =	vadd.f32 v9, v5  }
0x311: {  	s22 =	sor.u32 s17, s21;
	v6 =	vld [tilespmem:s1+$0x0]  }
0x312: {  	v63 =	vld [tilespmem:s22+$0x0];
	s0 =	sor.u32 s15, s11;
	v4 =	vadd.f32 v8, v4;
	v5 =	vadd.f32 v10, v5  }
0x313: {  	s19 =	sadd.s32 $0xC980, s18;
	s1 =	sor.u32 s15, s13;
	v9 =	vld [tilespmem:s0+$0x0]  }
0x314: {  	s20 =	sor.u32 s17, s19;
	v8 =	vld [tilespmem:s1+$0x0];
	v4 =	vadd.f32 v11, v4;
	v5 =	vadd.f32 v61, v5  }
0x315: {  	s0 =	sor.u32 s15, s19;
	v10 =	vld [tilespmem:s20+$0x0]  }
0x316: {  	s23 =	sadd.s32 $0xCA80, s18;
	s1 =	sor.u32 s15, s21;
	v11 =	vld [tilespmem:s0+$0x0];
	v6 =	vadd.f32 v6, v4;
	v7 =	vadd.f32 v7, v5  }
0x317: {  	s24 =	sor.u32 s17, s23;
	v4 =	vld [tilespmem:s1+$0x0]  }
0x318: {  	s25 =	sadd.s32 $0xCB00, s18;
	s30 =	sld [smem:$0x7F4];
	s0 =	sor.u32 s15, s23;
	v5 =	vld [tilespmem:s24+$0x0];
	v9 =	vadd.f32 v9, v6;
	v13 =	vadd.f32 v62, v7  }
0x319: {  	s26 =	sor.u32 s17, s25;
	v6 =	vld [tilespmem:s0+$0x0]  }
0x31a: {  	s29 =	sadd.s32 $0xCB80, s18;
	s28 =	sor.u32 s15, s25;
	v7 =	vld [tilespmem:s26+$0x0];
	v9 =	vadd.f32 v8, v9;
	v10 =	vadd.f32 v10, v13  }
0x31b: {  	s31 =	sor.u32 s17, s29;
	s19 =	simm.s32 $0xDD10;
	s0 =	sor.u32 $0x1, s30;
	v8 =	vld [tilespmem:s28+$0x0]  }
0x31c: {  	s20 =	sor.u32 s15, s29;
	s15 =	simm.s32 $0x20;
	[smem:$0x7BC] =	sst s0;
	v11 =	vadd.f32 v11, v9;
	v9 =	vld [tilespmem:s31+$0x0];
	v10 =	vadd.f32 v63, v10  }
.LBB2_9:
0x31d: {  	_ = 	snop  }
0x31e: {  	v4 =	vadd.f32 v4, v11  }
0x31f: {  	v12 =	vld [tilespmem:s20+$0x0]  }
0x320: {  	v4 =	vadd.f32 v6, v4  }
0x321: {  	v5 =	vadd.f32 v5, v10  }
0x322: {  	s4 =	sadd.s32 $0x100, s4;
	v4 =	vadd.f32 v8, v4  }
0x323: {  	s3 =	smov.u32 s15;
	s20 =	sand.u32 $0xC00, s4;
	v5 =	vadd.f32 v7, v5  }
0x324: {  	[dreg:$0x3] =	wrdreg s4;
	s17 =	sand.u32 $0x60, s3;
	s0 =	sadd.s32 $0x7400, s20;
	v4 =	vadd.f32 v12, v4  }
0x325: {  	s18 =	sor.u32 $0x10, s17;
	s1 =	sor.u32 $0x8000, s20;
	s6 =	sor.u32 $0x8080, s20;
	v5 =	vadd.f32 v9, v5  }
0x326: {  	s7 =	sor.u32 $0x8100, s20;
	s14 =	sor.u32 $0x8180, s20;
	s28 =	sor.u32 $0x8300, s20;
	v4 =	vmul.f32 $6.250000000e-02, v4  }
0x327: {  	s2 =	sor.u32 $0x8380, s20;
	s4 =	sadd.s32 $0x8C80, s20;
	s8 =	sor.u32 s17, s0;
	v5 =	vmul.f32 $6.250000000e-02, v5  }
0x328: {  	s9 =	sor.u32 s18, s0;
	s10 =	sor.u32 s17, s1;
	s11 =	sor.u32 s18, s1;
	[tilespmem:s16+$0xDE80] =	vst v4  }
0x329: {  	s12 =	sor.u32 s17, s6;
	s13 =	sor.u32 s18, s6;
	s21 =	sor.u32 s17, s7;
	[tilespmem:s19+$0x180] =	vst v5  }
0x32a: {  	s25 =	sor.u32 s18, s7;
	s24 =	sor.u32 s17, s14;
	s23 =	sor.u32 s18, s14;
	v4 =	vld [tilespmem:s9+$0x80]  }
0x32b: {  	s29 =	sor.u32 s17, s28;
	s14 =	sor.u32 s18, s28;
	s28 =	sor.u32 s17, s2;
	v5 =	vld [tilespmem:s8+$0x0]  }
0x32c: {  	s0 =	sor.u32 s18, s2;
	s2 =	sor.u32 s17, s4;
	s6 =	sadd.s32 $0x8C00, s20;
	v6 =	vld [tilespmem:s8+$0x80]  }
0x32d: {  	s7 =	sadd.s32 $0x8D00, s20;
	s1 =	sor.u32 s18, s6;
	s16 =	sor.u32 $0x8200, s20;
	v7 =	vld [tilespmem:s9+$0x0]  }
0x32e: {  	s22 =	sor.u32 s17, s16;
	s26 =	sor.u32 s18, s16;
	s19 =	sor.u32 $0x8280, s20;
	v8 =	vld [tilespmem:s8+$0x100]  }
0x32f: {  	s16 =	sor.u32 s18, s4;
	s4 =	sor.u32 s17, s6;
	s6 =	sor.u32 s18, s7;
	v9 =	vld [tilespmem:s9+$0x100]  }
0x330: {  	s7 =	sor.u32 s17, s7;
	s31 =	sor.u32 s17, s19;
	v10 =	vld [tilespmem:s8+$0x180];
	[smem:$0x785] =	sst s4  }
0x331: {  	s30 =	sor.u32 s18, s19;
	[smem:$0x786] =	sst s6;
	s6 =	sadd.s32 $0x8D80, s20;
	v5 =	vadd.f32 v6, v5;
	v6 =	vld [tilespmem:s9+$0x180]  }
0x332: {  	[smem:$0x787] =	sst s7;
	s7 =	sadd.s32 $0x8E00, s20;
	s19 =	sor.u32 s17, s6;
	v4 =	vadd.f32 v4, v7;
	v7 =	vld [tilespmem:s8+$0x200]  }
0x333: {  	[smem:$0x788] =	sst s19;
	s19 =	sor.u32 s18, s7;
	s7 =	sor.u32 s17, s7;
	v5 =	vadd.f32 v8, v5;
	v8 =	vld [tilespmem:s9+$0x200]  }
0x334: {  	[smem:$0x78A] =	sst s7;
	s7 =	sadd.s32 $0x8E80, s20;
	v4 =	vadd.f32 v9, v4;
	v9 =	vld [tilespmem:s8+$0x280]  }
0x335: {  	s4 =	sadd.s32 $0x8F00, s20;
	[smem:$0x789] =	sst s19;
	s19 =	sor.u32 s17, s7;
	v5 =	vadd.f32 v10, v5;
	v10 =	vld [tilespmem:s9+$0x280]  }
0x336: {  	[smem:$0x78B] =	sst s19;
	s19 =	sor.u32 s18, s7;
	s7 =	sor.u32 s18, s4;
	v4 =	vadd.f32 v6, v4;
	v6 =	vld [tilespmem:s8+$0x300]  }
0x337: {  	s4 =	sor.u32 s17, s4;
	[smem:$0x78C] =	sst s7;
	s7 =	sadd.s32 $0x9800, s20;
	v5 =	vadd.f32 v7, v5;
	v7 =	vld [tilespmem:s9+$0x300]  }
0x338: {  	[smem:$0x78D] =	sst s4;
	s4 =	sadd.s32 $0x8F80, s20;
	v4 =	vadd.f32 v8, v4;
	v8 =	vld [tilespmem:s8+$0x380];
	s8 =	sor.u32 s17, s7  }
0x339: {  	v5 =	vadd.f32 v9, v5;
	v9 =	vld [tilespmem:s9+$0x380];
	s9 =	sor.u32 s17, s4;
	[smem:$0x791] =	sst s8  }
0x33a: {  	s4 =	sor.u32 s18, s4;
	[smem:$0x78F] =	sst s9  }
0x33b: {  	[smem:$0x78E] =	sst s4;
	s9 =	sor.u32 s18, s7;
	v4 =	vadd.f32 v10, v4;
	v10 =	vld [tilespmem:s10+$0x0];
	s10 =	sadd.s32 $0x9900, s20  }
0x33c: {  	[smem:$0x790] =	sst s9;
	s9 =	sadd.s32 $0x9880, s20;
	s8 =	sor.u32 s18, s10  }
0x33d: {  	v5 =	vadd.f32 v6, v5;
	v6 =	vld [tilespmem:s11+$0x0];
	s11 =	sor.u32 s17, s9;
	[smem:$0x794] =	sst s8  }
0x33e: {  	s4 =	sor.u32 s18, s9;
	[smem:$0x793] =	sst s11  }
0x33f: {  	s9 =	sor.u32 s17, s10;
	s10 =	sadd.s32 $0x9980, s20;
	[smem:$0x792] =	sst s4  }
0x340: {  	v4 =	vadd.f32 v7, v4;
	v7 =	vld [tilespmem:s12+$0x0];
	[smem:$0x795] =	sst s9;
	s12 =	sor.u32 s17, s10  }
0x341: {  	s7 =	sadd.s32 $0x9A80, s20;
	s4 =	sor.u32 s18, s10;
	[smem:$0x797] =	sst s12  }
0x342: {  	s11 =	sadd.s32 $0x9A00, s20;
	s10 =	sor.u32 s17, s7;
	[smem:$0x796] =	sst s4  }
0x343: {  	v5 =	vadd.f32 v8, v5;
	v8 =	vld [tilespmem:s13+$0x0];
	s13 =	sor.u32 s18, s11;
	[smem:$0x79B] =	sst s10  }
0x344: {  	v4 =	vadd.f32 v9, v4;
	v9 =	vld [tilespmem:s21+$0x0];
	s21 =	sor.u32 s17, s11;
	[smem:$0x798] =	sst s13  }
0x345: {  	s9 =	sadd.s32 $0x9B00, s20;
	s4 =	sor.u32 s18, s7;
	[smem:$0x799] =	sst s21  }
0x346: {  	s11 =	sor.u32 s18, s9;
	[smem:$0x79A] =	sst s4  }
0x347: {  	s12 =	sor.u32 s17, s9;
	s7 =	sadd.s32 $0xA480, s20;
	[smem:$0x79C] =	sst s11  }
0x348: {  	s9 =	sadd.s32 $0xA500, s20;
	[smem:$0x79D] =	sst s12;
	s10 =	sor.u32 s17, s7  }
0x349: {  	s11 =	sor.u32 s17, s9;
	[smem:$0x7A0] =	sst s10  }
0x34a: {  	s13 =	sadd.s32 $0x9B80, s20;
	s12 =	sor.u32 s18, s9;
	[smem:$0x7A2] =	sst s11  }
0x34b: {  	s21 =	sadd.s32 $0xA400, s20;
	s4 =	sor.u32 s18, s13;
	[smem:$0x7A3] =	sst s12  }
0x34c: {  	v4 =	vadd.f32 v6, v4;
	v6 =	vld [tilespmem:s24+$0x0];
	s24 =	sor.u32 s18, s21;
	[smem:$0x79E] =	sst s4  }
0x34d: {  	s8 =	sor.u32 $0xB000, s20;
	v5 =	vadd.f32 v10, v5;
	v10 =	vld [tilespmem:s25+$0x0];
	s25 =	sor.u32 s17, s21;
	[dreg:$0x1c] =	wrdreg s24  }
0x34e: {  	s11 =	sor.u32 s17, s8;
	[dreg:$0x1b] =	wrdreg s25  }
0x34f: {  	s12 =	sor.u32 s18, s8;
	[smem:$0x7AE] =	sst s11  }
0x350: {  	v5 =	vadd.f32 v7, v5;
	v7 =	vld [tilespmem:s23+$0x0];
	s23 =	sor.u32 s17, s13;
	[smem:$0x7AF] =	sst s12  }
0x351: {  	s21 =	sadd.s32 $0xA600, s20;
	s4 =	sor.u32 s18, s7;
	[smem:$0x79F] =	sst s23  }
0x352: {  	s13 =	sadd.s32 $0xA580, s20;
	s24 =	sor.u32 s18, s21;
	[smem:$0x7A1] =	sst s4  }
0x353: {  	s7 =	sadd.s32 $0xA780, s20;
	v4 =	vadd.f32 v8, v4;
	v8 =	vld [tilespmem:s22+$0x0];
	s22 =	sor.u32 s17, s13;
	[smem:$0x7A7] =	sst s24  }
0x354: {  	s9 =	sor.u32 s17, s7;
	s10 =	sor.u32 s18, s7;
	s7 =	sld [smem:$0x786]  }
0x355: {  	s4 =	sor.u32 s18, s13;
	[smem:$0x7A4] =	sst s22  }
0x356: {  	s23 =	sor.u32 s17, s21;
	[smem:$0x7A5] =	sst s4  }
0x357: {  	[smem:$0x7A6] =	sst s23  }
0x358: {  	s25 =	sadd.s32 $0xA680, s20;
	[smem:$0x7AC] =	sst s9  }
0x359: {  	s13 =	sor.u32 $0xB080, s20;
	s4 =	sor.u32 s18, s25;
	[smem:$0x7AD] =	sst s10  }
0x35a: {  	v5 =	vadd.f32 v9, v5;
	v9 =	vld [tilespmem:s26+$0x0];
	s26 =	sadd.s32 $0xA700, s20;
	s21 =	sor.u32 s17, s13;
	[smem:$0x7A9] =	sst s4  }
0x35b: {  	s11 =	sor.u32 $0xB380, s20;
	v4 =	vadd.f32 v10, v4;
	v10 =	vld [tilespmem:s31+$0x0];
	s31 =	sor.u32 s18, s26;
	[smem:$0x7B0] =	sst s21  }
0x35c: {  	s4 =	sor.u32 s18, s11;
	[smem:$0x7AB] =	sst s31  }
0x35d: {  	s24 =	sor.u32 $0xB180, s20;
	v5 =	vadd.f32 v6, v5;
	v6 =	vld [tilespmem:s30+$0x0];
	s30 =	sor.u32 s17, s26;
	[smem:$0x7BB] =	sst s4  }
0x35e: {  	s26 =	sor.u32 s17, s24;
	[smem:$0x7AA] =	sst s30  }
0x35f: {  	s31 =	sor.u32 $0xB300, s20;
	v4 =	vadd.f32 v7, v4;
	v7 =	vld [tilespmem:s29+$0x0];
	s29 =	sor.u32 s17, s25;
	[smem:$0x7B4] =	sst s26  }
0x360: {  	s9 =	sor.u32 s17, s31;
	[smem:$0x7A8] =	sst s29  }
0x361: {  	s25 =	sor.u32 $0xB200, s20;
	s10 =	sor.u32 s18, s31;
	v5 =	vadd.f32 v8, v5;
	v8 =	vld [tilespmem:s14+$0x0];
	[dreg:$0x1d] =	wrdreg s9  }
0x362: {  	s30 =	sor.u32 $0xB280, s20;
	s29 =	sor.u32 s18, s25;
	[smem:$0x7BA] =	sst s10;
	v4 =	vadd.f32 v9, v4;
	v9 =	vld [tilespmem:s28+$0x0]  }
0x363: {  	s8 =	sor.u32 s17, s30;
	[smem:$0x7B7] =	sst s29;
	v5 =	vadd.f32 v10, v5;
	v10 =	vld [tilespmem:s0+$0x0]  }
0x364: {  	s26 =	sadd.s32 $0xBE00, s20;
	[smem:$0x7B8] =	sst s8;
	v4 =	vadd.f32 v6, v4  }
0x365: {  	s31 =	sor.u32 s18, s26;
	s29 =	sld [smem:$0x785];
	v5 =	vadd.f32 v7, v5  }
0x366: {  	[dreg:$0x7] =	wrdreg s31;
	v4 =	vadd.f32 v8, v4  }
0x367: {  	s31 =	sld [smem:$0x78A];
	s0 =	sor.u32 s18, s13;
	v5 =	vadd.f32 v9, v5  }
0x368: {  	s5 =	sadd.s32 $0x20, s5;
	[smem:$0x7B1] =	sst s0;
	s0 =	sor.u32 s18, s24;
	v4 =	vadd.f32 v10, v4  }
0x369: {  	s14 =	sor.u32 $0xB100, s20;
	[smem:$0x7B5] =	sst s0;
	s0 =	sor.u32 s18, s30;
	v5 =	vmul.f32 $6.250000000e-02, v5  }
0x36a: {  	s22 =	sor.u32 s17, s14;
	[smem:$0x7B9] =	sst s0;
	s0 =	sand.u32 $0x180, s3;
	v4 =	vmul.f32 $6.250000000e-02, v4  }
0x36b: {  	s23 =	sor.u32 s18, s14;
	[smem:$0x7B2] =	sst s22;
	s12 =	sor.u32 s18, s0;
	[tilespmem:s5+$0xFFFFFCF0] =	vst v5  }
0x36c: {  	s28 =	sor.u32 s17, s25;
	[smem:$0x7B3] =	sst s23;
	[tilespmem:s12+$0xDA00] =	vst v4  }
0x36d: {  	s21 =	sadd.s32 $0xBD00, s20;
	[smem:$0x7B6] =	sst s28;
	v4 =	vld [tilespmem:s2+$0x0]  }
0x36e: {  	s22 =	sor.u32 s17, s21;
	s23 =	sor.u32 s18, s21;
	s21 =	sld [smem:$0x788];
	v5 =	vld [tilespmem:s1+$0x0]  }
0x36f: {  	s12 =	sld [smem:$0x787];
	v6 =	vld [tilespmem:s16+$0x0]  }
0x370: {  	s6 =	sor.u32 s18, s6;
	[dreg:$0xd] =	wrdreg s22;
	v7 =	vld [tilespmem:s29+$0x0]  }
0x371: {  	s14 =	sadd.s32 $0xBC80, s20;
	s25 =	sadd.s32 $0xBD80, s20;
	[dreg:$0x6] =	wrdreg s23;
	v8 =	vld [tilespmem:s7+$0x0]  }
0x372: {  	s13 =	sadd.s32 $0xBC00, s20;
	s24 =	sor.u32 s18, s14;
	s22 =	sld [smem:$0x789];
	v9 =	vld [tilespmem:s12+$0x0]  }
0x373: {  	s9 =	sor.u32 s18, s13;
	[dreg:$0xc] =	wrdreg s24;
	s30 =	sor.u32 s17, s25;
	v10 =	vld [tilespmem:s6+$0x0]  }
0x374: {  	s10 =	sor.u32 s17, s13;
	s13 =	sadd.s32 $0xBF00, s20;
	[dreg:$0xe] =	wrdreg s30;
	v5 =	vadd.f32 v6, v5;
	v6 =	vld [tilespmem:s21+$0x0]  }
0x375: {  	s1 =	sor.u32 s18, s25;
	s16 =	sadd.s32 $0xC800, s20;
	s2 =	sld [smem:$0x78B];
	v4 =	vadd.f32 v4, v7;
	v7 =	vld [tilespmem:s22+$0x0]  }
0x376: {  	s25 =	sor.u32 s17, s13;
	[dreg:$0x17] =	wrdreg s1;
	s1 =	sor.u32 s18, s13;
	v5 =	vadd.f32 v8, v5;
	v8 =	vld [tilespmem:s31+$0x0]  }
0x377: {  	s6 =	sor.u32 s17, s16;
	s13 =	sor.u32 s18, s16;
	s16 =	sld [smem:$0x78D];
	v4 =	vadd.f32 v9, v4  }
0x378: {  	s3 =	sor.u32 s17, s11;
	s11 =	sor.u32 s17, s26;
	s31 =	sld [smem:$0x78C];
	v5 =	vadd.f32 v10, v5;
	v10 =	vld [tilespmem:s2+$0x0]  }
0x379: {  	s4 =	sadd.s32 $0xCA00, s20;
	[dreg:$0xf] =	wrdreg s11;
	v9 =	vld [tilespmem:s19+$0x0];
	v4 =	vadd.f32 v6, v4  }
0x37a: {  	s8 =	sor.u32 s17, s14;
	s23 =	sadd.s32 $0xC880, s20;
	v5 =	vadd.f32 v7, v5;
	v7 =	vld [tilespmem:s16+$0x0];
	s16 =	sld [smem:$0x790]  }
0x37b: {  	s28 =	sadd.s32 $0xBE80, s20;
	[dreg:$0x13] =	wrdreg s1;
	s1 =	sor.u32 s18, s23;
	v6 =	vld [tilespmem:s31+$0x0];
	v4 =	vadd.f32 v8, v4  }
0x37c: {  	s14 =	sadd.s32 $0xBF80, s20;
	s24 =	sor.u32 s17, s28;
	[dreg:$0x14] =	wrdreg s1  }
0x37d: {  	s1 =	sor.u32 s18, s4;
	s19 =	sadd.s32 $0xCA80, s20;
	v4 =	vadd.f32 v10, v4;
	v10 =	vld [tilespmem:s16+$0x0];
	s16 =	sld [smem:$0x791]  }
0x37e: {  	s22 =	sor.u32 s18, s19;
	s31 =	sor.u32 s17, s19;
	s19 =	sld [smem:$0x78E];
	v5 =	vadd.f32 v9, v5  }
0x37f: {  	s30 =	sadd.s32 $0xC980, s20;
	s11 =	sor.u32 s18, s28;
	[dreg:$0x15] =	wrdreg s1  }
0x380: {  	s28 =	sor.u32 s17, s23;
	s29 =	sadd.s32 $0xC900, s20;
	v5 =	vadd.f32 v6, v5;
	v6 =	vld [tilespmem:s16+$0x0];
	s16 =	sld [smem:$0x792]  }
0x381: {  	s23 =	sadd.s32 $0xCB00, s20;
	s1 =	sadd.s32 $0xCB80, s20;
	s20 =	sld [smem:$0x78F];
	v8 =	vld [tilespmem:s19+$0x0]  }
0x382: {  	_ = 	snop  }
0x383: {  	v4 =	vadd.f32 v7, v4;
	v7 =	vld [tilespmem:s16+$0x0];
	s16 =	sld [smem:$0x793]  }
0x384: {  	v9 =	vld [tilespmem:s20+$0x0];
	_ =	sdelay $0x1  }
0x385: {  	v5 =	vadd.f32 v8, v5;
	v8 =	vld [tilespmem:s16+$0x0];
	s16 =	sld [smem:$0x794];
	_ =	sdelay $0x2  }
0x386: {  	v4 =	vadd.f32 v9, v4;
	v9 =	vld [tilespmem:s16+$0x0];
	s16 =	sld [smem:$0x795];
	_ =	sdelay $0x2  }
0x387: {  	v5 =	vadd.f32 v10, v5;
	v10 =	vld [tilespmem:s16+$0x0];
	s16 =	sld [smem:$0x796];
	_ =	sdelay $0x2  }
0x388: {  	v4 =	vadd.f32 v6, v4;
	v6 =	vld [tilespmem:s16+$0x0];
	s16 =	sld [smem:$0x797];
	_ =	sdelay $0x2  }
0x389: {  	v5 =	vadd.f32 v7, v5;
	v7 =	vld [tilespmem:s16+$0x0];
	s16 =	sld [smem:$0x798];
	_ =	sdelay $0x2  }
0x38a: {  	v4 =	vadd.f32 v8, v4;
	v8 =	vld [tilespmem:s16+$0x0];
	s16 =	sld [smem:$0x799];
	_ =	sdelay $0x2  }
0x38b: {  	v5 =	vadd.f32 v9, v5;
	v9 =	vld [tilespmem:s16+$0x0];
	s16 =	sld [smem:$0x79A];
	_ =	sdelay $0x2  }
0x38c: {  	v4 =	vadd.f32 v10, v4;
	v10 =	vld [tilespmem:s16+$0x0];
	s16 =	sld [smem:$0x79B];
	_ =	sdelay $0x2  }
0x38d: {  	v5 =	vadd.f32 v6, v5;
	v6 =	vld [tilespmem:s16+$0x0];
	s16 =	sld [smem:$0x79C];
	_ =	sdelay $0x2  }
0x38e: {  	v4 =	vadd.f32 v7, v4;
	v7 =	vld [tilespmem:s16+$0x0];
	s16 =	sld [smem:$0x79D];
	_ =	sdelay $0x2  }
0x38f: {  	v5 =	vadd.f32 v8, v5;
	v8 =	vld [tilespmem:s16+$0x0];
	s16 =	sld [smem:$0x79E];
	_ =	sdelay $0x2  }
0x390: {  	v4 =	vadd.f32 v9, v4;
	v9 =	vld [tilespmem:s16+$0x0];
	s16 =	sld [smem:$0x79F];
	_ =	sdelay $0x2  }
0x391: {  	v5 =	vadd.f32 v10, v5;
	v10 =	vld [tilespmem:s16+$0x0]  }
0x392: {  	v4 =	vadd.f32 v6, v4;
	_ =	sdelay $0x1  }
0x393: {  	v4 =	vadd.f32 v8, v4  }
0x394: {  	v5 =	vadd.f32 v7, v5  }
0x395: {  	s26 =	sor.u32 s17, s14;
	v4 =	vadd.f32 v10, v4  }
0x396: {  	s12 =	sor.u32 s18, s14;
	s14 =	sor.u32 s18, s29;
	s21 =	sor.u32 s18, s30;
	v5 =	vadd.f32 v9, v5  }
0x397: {  	s2 =	sor.u32 s17, s23;
	s23 =	sor.u32 s18, s23;
	s18 =	sor.u32 s18, s1;
	v4 =	vmul.f32 $6.250000000e-02, v4  }
0x398: {  	s20 =	sor.u32 s17, s1;
	s1 =	sld [smem:$0x7A0];
	s16 =	sor.u32 s17, s0;
	v5 =	vmul.f32 $6.250000000e-02, v5  }
0x399: {  	s7 =	sor.u32 s17, s30;
	[tilespmem:s16+$0xDB80] =	vst v4  }
0x39a: {  	s29 =	sor.u32 s17, s29;
	s30 =	sor.u32 s17, s4;
	s17 =	rddreg [dreg:$0x1c];
	[tilespmem:s5+$0xFFFFFE80] =	vst v5  }
0x39b: {  	v5 =	vld [tilespmem:s1+$0x0];
	s1 =	sld [smem:$0x7A1]  }
0x39c: {  	v4 =	vld [tilespmem:s17+$0x0];
	s17 =	rddreg [dreg:$0x1b]  }
0x39d: {  	v6 =	vld [tilespmem:s17+$0x0];
	s17 =	sld [smem:$0x7A2]  }
0x39e: {  	v7 =	vld [tilespmem:s1+$0x0];
	s1 =	sld [smem:$0x7A3];
	_ =	sdelay $0x1  }
0x39f: {  	v8 =	vld [tilespmem:s17+$0x0];
	s17 =	sld [smem:$0x7A4]  }
0x3a0: {  	v9 =	vld [tilespmem:s1+$0x0];
	s1 =	sld [smem:$0x7A5];
	_ =	sdelay $0x1  }
0x3a1: {  	v10 =	vld [tilespmem:s17+$0x0];
	s17 =	sld [smem:$0x7A6]  }
0x3a2: {  	v5 =	vadd.f32 v5, v6;
	v6 =	vld [tilespmem:s1+$0x0];
	s1 =	sld [smem:$0x7A7];
	_ =	sdelay $0x1  }
0x3a3: {  	v4 =	vadd.f32 v7, v4;
	v7 =	vld [tilespmem:s17+$0x0];
	s17 =	sld [smem:$0x7A8]  }
0x3a4: {  	v5 =	vadd.f32 v8, v5;
	v8 =	vld [tilespmem:s1+$0x0];
	s1 =	sld [smem:$0x7A9];
	_ =	sdelay $0x1  }
0x3a5: {  	v4 =	vadd.f32 v9, v4;
	v9 =	vld [tilespmem:s17+$0x0];
	s17 =	sld [smem:$0x7AA]  }
0x3a6: {  	v5 =	vadd.f32 v10, v5;
	v10 =	vld [tilespmem:s1+$0x0];
	s1 =	sld [smem:$0x7AB];
	_ =	sdelay $0x1  }
0x3a7: {  	v4 =	vadd.f32 v6, v4;
	v6 =	vld [tilespmem:s17+$0x0];
	s17 =	sld [smem:$0x7AC]  }
0x3a8: {  	v5 =	vadd.f32 v7, v5;
	v7 =	vld [tilespmem:s1+$0x0];
	s1 =	sld [smem:$0x7AD];
	_ =	sdelay $0x1  }
0x3a9: {  	v4 =	vadd.f32 v8, v4;
	v8 =	vld [tilespmem:s17+$0x0];
	s17 =	sld [smem:$0x7AE]  }
0x3aa: {  	v5 =	vadd.f32 v9, v5;
	v9 =	vld [tilespmem:s1+$0x0];
	s1 =	sld [smem:$0x7AF];
	_ =	sdelay $0x1  }
0x3ab: {  	v4 =	vadd.f32 v10, v4;
	v10 =	vld [tilespmem:s17+$0x0];
	s17 =	sld [smem:$0x7B0]  }
0x3ac: {  	v5 =	vadd.f32 v6, v5;
	v6 =	vld [tilespmem:s1+$0x0];
	s1 =	sld [smem:$0x7B1];
	_ =	sdelay $0x1  }
0x3ad: {  	v4 =	vadd.f32 v7, v4;
	v7 =	vld [tilespmem:s17+$0x0];
	s17 =	sld [smem:$0x7B2]  }
0x3ae: {  	v5 =	vadd.f32 v8, v5;
	v8 =	vld [tilespmem:s1+$0x0];
	s1 =	sld [smem:$0x7B3];
	_ =	sdelay $0x1  }
0x3af: {  	v4 =	vadd.f32 v9, v4;
	v9 =	vld [tilespmem:s17+$0x0];
	s17 =	sld [smem:$0x7B4]  }
0x3b0: {  	v5 =	vadd.f32 v10, v5;
	v10 =	vld [tilespmem:s1+$0x0];
	s1 =	sld [smem:$0x7B5];
	_ =	sdelay $0x1  }
0x3b1: {  	v4 =	vadd.f32 v6, v4;
	v6 =	vld [tilespmem:s17+$0x0];
	s17 =	sld [smem:$0x7B6]  }
0x3b2: {  	v5 =	vadd.f32 v7, v5;
	v7 =	vld [tilespmem:s1+$0x0];
	s1 =	sld [smem:$0x7B7];
	_ =	sdelay $0x1  }
0x3b3: {  	v4 =	vadd.f32 v8, v4;
	v8 =	vld [tilespmem:s17+$0x0];
	s17 =	sld [smem:$0x7B8]  }
0x3b4: {  	v5 =	vadd.f32 v9, v5;
	v9 =	vld [tilespmem:s1+$0x0];
	s1 =	sld [smem:$0x7B9]  }
0x3b5: {  	v4 =	vadd.f32 v10, v4  }
0x3b6: {  	v10 =	vld [tilespmem:s17+$0x0];
	s17 =	rddreg [dreg:$0x1d]  }
0x3b7: {  	v5 =	vadd.f32 v6, v5;
	v4 =	vadd.f32 v7, v4;
	v6 =	vld [tilespmem:s1+$0x0];
	s1 =	sld [smem:$0x7BA]  }
0x3b8: {  	v7 =	vld [tilespmem:s17+$0x0]  }
0x3b9: {  	v4 =	vadd.f32 v9, v4;
	v9 =	vld [tilespmem:s3+$0x0];
	s3 =	sld [smem:$0x7BB]  }
0x3ba: {  	v5 =	vadd.f32 v8, v5;
	v8 =	vld [tilespmem:s1+$0x0];
	_ =	sdelay $0x1  }
0x3bb: {  	v5 =	vadd.f32 v10, v5;
	v10 =	vld [tilespmem:s3+$0x0]  }
0x3bc: {  	v4 =	vadd.f32 v6, v4  }
0x3bd: {  	v5 =	vadd.f32 v7, v5  }
0x3be: {  	v4 =	vadd.f32 v8, v4  }
0x3bf: {  	v5 =	vadd.f32 v9, v5  }
0x3c0: {  	v4 =	vadd.f32 v10, v4  }
0x3c1: {  	v5 =	vmul.f32 $6.250000000e-02, v5  }
0x3c2: {  	v4 =	vmul.f32 $6.250000000e-02, v4  }
0x3c3: {  	[tilespmem:s16+$0xDD00] =	vst v5  }
0x3c4: {  	s17 =	rddreg [dreg:$0xd];
	[tilespmem:s5+$0x0] =	vst v4  }
0x3c5: {  	s1 =	rddreg [dreg:$0x6];
	v4 =	vld [tilespmem:s17+$0x0]  }
0x3c6: {  	v5 =	vld [tilespmem:s1+$0x0]  }
0x3c7: {  	s3 =	rddreg [dreg:$0xc];
	v6 =	vld [tilespmem:s9+$0x0]  }
0x3c8: {  	v7 =	vld [tilespmem:s3+$0x0]  }
0x3c9: {  	v8 =	vld [tilespmem:s10+$0x0]  }
0x3ca: {  	v9 =	vld [tilespmem:s8+$0x0]  }
0x3cb: {  	s8 =	rddreg [dreg:$0x17];
	v63 =	vld [tilespmem:s6+$0x0]  }
0x3cc: {  	s9 =	rddreg [dreg:$0xe];
	v10 =	vld [tilespmem:s8+$0x0]  }
0x3cd: {  	s10 =	rddreg [dreg:$0x7];
	v11 =	vld [tilespmem:s9+$0x0];
	v6 =	vadd.f32 v7, v6  }
0x3ce: {  	s17 =	rddreg [dreg:$0xf];
	v7 =	vld [tilespmem:s10+$0x0]  }
0x3cf: {  	v62 =	vld [tilespmem:s17+$0x0];
	v8 =	vadd.f32 v9, v8;
	v5 =	vadd.f32 v5, v6  }
0x3d0: {  	v9 =	vld [tilespmem:s11+$0x0]  }
0x3d1: {  	v6 =	vld [tilespmem:s24+$0x0];
	v4 =	vadd.f32 v4, v8;
	s24 =	rddreg [dreg:$0x13];
	v5 =	vadd.f32 v10, v5  }
0x3d2: {  	v8 =	vld [tilespmem:s24+$0x0]  }
0x3d3: {  	v10 =	vld [tilespmem:s25+$0x0];
	v4 =	vadd.f32 v11, v4;
	v5 =	vadd.f32 v7, v5  }
0x3d4: {  	v7 =	vld [tilespmem:s12+$0x0]  }
0x3d5: {  	v11 =	vld [tilespmem:s26+$0x0];
	v4 =	vadd.f32 v62, v4;
	v5 =	vadd.f32 v9, v5  }
0x3d6: {  	s26 =	rddreg [dreg:$0x14];
	v9 =	vld [tilespmem:s13+$0x0]  }
0x3d7: {  	v4 =	vadd.f32 v6, v4;
	v6 =	vld [tilespmem:s26+$0x0];
	v5 =	vadd.f32 v8, v5  }
0x3d8: {  	v8 =	vld [tilespmem:s28+$0x0]  }
0x3d9: {  	v4 =	vadd.f32 v10, v4;
	v10 =	vld [tilespmem:s29+$0x0];
	v5 =	vadd.f32 v7, v5  }
0x3da: {  	s29 =	rddreg [dreg:$0x15];
	v7 =	vld [tilespmem:s14+$0x0]  }
0x3db: {  	v13 =	vld [tilespmem:s29+$0x0];
	v4 =	vadd.f32 v11, v4;
	v5 =	vadd.f32 v9, v5  }
0x3dc: {  	v9 =	vld [tilespmem:s21+$0x0]  }
0x3dd: {  	v11 =	vld [tilespmem:s7+$0x0];
	v12 =	vadd.f32 v63, v4;
	v5 =	vadd.f32 v6, v5  }
0x3de: {  	p2 =	sne.s32 s15, $0x160;
	v4 =	vld [tilespmem:s30+$0x0]  }
.Ltmp5:
0x3df: {  	v8 =	vadd.f32 v8, v12;
	v6 =	vld [tilespmem:s31+$0x0];
	v7 =	vadd.f32 v7, v5;
	(pc) =	sbr.rel @p2 .LBB2_9-.Ltmp5, $4  }
0x3e0: {  	v5 =	vld [tilespmem:s22+$0x0]  }
0x3e1: {  	v10 =	vadd.f32 v10, v8;
	v8 =	vld [tilespmem:s2+$0x0];
	v9 =	vadd.f32 v9, v7  }
0x3e2: {  	v7 =	vld [tilespmem:s23+$0x0]  }
0x3e3: {  	s15 =	sadd.s32 $0x20, s15;
	s4 =	rddreg [dreg:$0x3];
	s19 =	smov.u32 s5;
	v11 =	vadd.f32 v11, v10;
	v10 =	vadd.f32 v13, v9;
	v9 =	vld [tilespmem:s18+$0x0]  }
0x3e4: {  	_ = 	snop  }
0x3e5: {  	v4 =	vadd.f32 v4, v11  }
0x3e6: {  	v63 =	vld [tilespmem:s20+$0x0]  }
0x3e7: {  	v4 =	vadd.f32 v6, v4  }
0x3e8: {  	v5 =	vadd.f32 v5, v10  }
0x3e9: {  	s4 =	sld [smem:$0x7BC];
	v4 =	vadd.f32 v8, v4  }
0x3ea: {  	s1 =	sld [smem:$0x7F9];
	v5 =	vadd.f32 v7, v5  }
0x3eb: {  	v4 =	vadd.f32 v63, v4  }
0x3ec: {  	s0 =	sshll.u32 s4, $0x2;
	v5 =	vadd.f32 v9, v5  }
0x3ed: {  	s29 =	sld [smem:$0x7F8];
	s0 =	sadd.s32 s1, s0;
	v4 =	vmul.f32 $6.250000000e-02, v4  }
0x3ee: {  	s0 =	smul.u32 $0x30, s0;
	v5 =	vmul.f32 $6.250000000e-02, v5  }
0x3ef: {  	s5 =	simm.s32 $0x0;
	[tilespmem:s16+$0xDE80] =	vst v4  }
0x3f0: {  	s30 =	simm.s32 $0xDA00;
	s31 =	simm.s32 $0x4;
	s0 =	sadd.s32 s29, s0;
	[tilespmem:s19+$0x180] =	vst v5  }
0x3f1: {  	[hbm4b:s0+s5] =	stream.linear.scatter [tilespmem:s30], [sflag:$0x6], $0x600, $0x38;
	[tilespmem:$0x12500] =	vst v63  }
0x3f2: {  	_ =	swait.ge [sflag:s31], $0x2000  }
0x3f3: {  	[sflag:s31] =	ssyncset.done $0x0  }
0x3f4: {  	s0 =	simm.s32 @!p0 $0x8;
	[sflag:s31] =	ssyncadd.s32 $0xFFFFE000  }
0x3f5: {  	_ =	swait.ge @!p0 [sflag:s0], $0x200  }
0x3f6: {  	[sflag:s0] =	ssyncset.done @!p0 $0x0  }
0x3f7: {  	s1 =	simm.s32 $0x10080;
	[sflag:s0] =	ssyncadd.s32 @!p0 $0xFFFFFE00  }
0x3f8: {  	s2 =	simm.s32 $0x40;
	s0 =	simm.s32 $0x0;
	v4 =	vld [tilespmem:s1+$0x0]  }
.LBB2_11:
0x3f9: {  	p0 =	sne.s32 s2, $0x7C0  }
0x3fa: {  	v5 =	vld [tilespmem:s1+$0xFFFFFF80];
	_ =	sdelay $0x2  }
.Ltmp6:
0x3fb: {  	v4 =	vperm.xlane v4, v3;
	(pc) =	sbr.rel @p0 .LBB2_11-.Ltmp6, $4  }
0x3fc: {  	_ = 	snop  }
0x3fd: {  	s3 =	sshra.s32 s0, $0x2;
	s0 =	smov.u32 s2;
	v4 =	vsel vm1, v5, v4  }
0x3fe: {  	s1 =	sadd.s32 $0x100, s1;
	[tilespmem:s3+$0x12280] =	vst v4  }
0x3ff: {  	s2 =	sadd.s32 $0x40, s2;
	v4 =	vld [tilespmem:s1+$0x0]  }
0x400: {  	_ = 	snop  }
0x401: {  	v5 =	vld [tilespmem:s1+$0xFFFFFF80]  }
0x402: {  	s2 =	sld [smem:$0x7FC];
	_ =	sdelay $0x1  }
.Ltmp7:
0x403: {  	s29 =	sshll.u32 s4, $0x9;
	v4 =	vperm.xlane v4, v3;
	(pc) =	sbr.rel @p1 .LBB2_14-.Ltmp7, $4  }
0x404: {  	s1 =	sadd.s32 s2, s29  }
0x405: {  	s0 =	sshra.s32 s0, $0x2;
	s30 =	rddreg [dreg:$0x1];
	s1 =	sshrl.u32 s1, $0x3;
	v4 =	vsel vm1, v5, v4  }
0x406: {  	s31 =	simm.s32 $0x12280;
	s6 =	sld [smem:$0x7F3];
	[tilespmem:s0+$0x12280] =	vst v4;
	s0 =	sadd.s32 s30, s1  }
0x407: {  	[hbm4b:s0+s5] =	stream.linear.scatter [tilespmem:s31], [sflag:$0x8], $0x200, $0x38;
	[tilespmem:$0x12500] =	vst v63  }
0x408: {  	_ = 	snop  }
0x409: {  	s0 =	sshll.u32 s6, $0x7  }
0x40a: {  	s0 =	sand.u32 $0x3FFFFF80, s0  }
0x40b: {  	v4 =	vld [tilespmem:s0+$0xC0];
	_ =	sdelay $0x4  }
0x40c: {  	v5 =	vshrl.u32 v4, $0x3  }
0x40d: {  	v5 =	vmul.u32 $0x18, v5  }
0x40e: {  	v4 =	vand.u32 $0x7, v4  }
0x40f: {  	v4 =	vor.u32 v4, v5  }
0x410: {  	v5 =	vperm.xlane v4, v0;
	_ =	sdelay $0x1  }
0x411: {  	v5 =	vadd.s32 v1, v5;
	_ =	sdelay $0x1  }
0x412: {  	s1 =	sld [smem:$0x7F6];
	v4 =	vperm.xlane v4, v2;
	_ =	sdelay $0x1  }
0x413: {  	s2 =	simm.s32 $0x7400;
	s13 =	sld [smem:$0x7FB];
	v4 =	vadd.s32 v1, v4  }
0x414: {  	[tilespmem:s2], [sflag:$0x2] =	stream.indirect_vreg.gather [hbm4b:s1+s5], $0x80, v5, vm0, $0xb8;
	[tilespmem:$0x12500] =	vst v63  }
0x415: {  	s3 =	simm.s32 $0x7C00  }
0x416: {  	[tilespmem:s3], [sflag:$0x2] =	stream.indirect_vreg.gather [hbm4b:s13+s5], $0x80, v5, vm1, $0xb8;
	[tilespmem:$0x12500] =	vst v63  }
0x417: {  	s14 =	simm.s32 $0x8000  }
0x418: {  	[tilespmem:s14], [sflag:$0x2] =	stream.indirect_vreg.gather [hbm4b:s1+s5], $0x80, v4, vm0, $0xb8;
	[tilespmem:$0x12500] =	vst v63  }
0x419: {  	s15 =	simm.s32 $0x8800  }
0x41a: {  	[tilespmem:s15], [sflag:$0x2] =	stream.indirect_vreg.gather [hbm4b:s13+s5], $0x80, v4, vm1, $0xb8;
	[tilespmem:$0x12500] =	vst v63  }
0x41b: {  	v4 =	vld [tilespmem:s0+$0xD0];
	_ =	sdelay $0x4  }
0x41c: {  	v5 =	vshrl.u32 v4, $0x3  }
0x41d: {  	v5 =	vmul.u32 $0x18, v5  }
0x41e: {  	v4 =	vand.u32 $0x7, v4  }
0x41f: {  	v4 =	vor.u32 v4, v5  }
0x420: {  	v5 =	vperm.xlane v4, v0;
	_ =	sdelay $0x1  }
0x421: {  	v5 =	vadd.s32 v1, v5;
	_ =	sdelay $0x1  }
0x422: {  	v4 =	vperm.xlane v4, v2;
	_ =	sdelay $0x1  }
0x423: {  	s16 =	simm.s32 $0x8C00;
	v4 =	vadd.s32 v1, v4  }
0x424: {  	[tilespmem:s16], [sflag:$0x2] =	stream.indirect_vreg.gather [hbm4b:s1+s5], $0x80, v5, vm0, $0xb8;
	[tilespmem:$0x12500] =	vst v63  }
0x425: {  	s17 =	simm.s32 $0x9400  }
0x426: {  	[tilespmem:s17], [sflag:$0x2] =	stream.indirect_vreg.gather [hbm4b:s13+s5], $0x80, v5, vm1, $0xb8;
	[tilespmem:$0x12500] =	vst v63  }
0x427: {  	s18 =	simm.s32 $0x9800  }
0x428: {  	[tilespmem:s18], [sflag:$0x2] =	stream.indirect_vreg.gather [hbm4b:s1+s5], $0x80, v4, vm0, $0xb8;
	[tilespmem:$0x12500] =	vst v63  }
0x429: {  	s19 =	simm.s32 $0xA000  }
0x42a: {  	[tilespmem:s19], [sflag:$0x2] =	stream.indirect_vreg.gather [hbm4b:s13+s5], $0x80, v4, vm1, $0xb8;
	[tilespmem:$0x12500] =	vst v63  }
0x42b: {  	v4 =	vld [tilespmem:s0+$0xE0];
	_ =	sdelay $0x4  }
0x42c: {  	v5 =	vshrl.u32 v4, $0x3  }
0x42d: {  	v5 =	vmul.u32 $0x18, v5  }
0x42e: {  	v4 =	vand.u32 $0x7, v4  }
0x42f: {  	v4 =	vor.u32 v4, v5  }
0x430: {  	v5 =	vperm.xlane v4, v0;
	_ =	sdelay $0x1  }
0x431: {  	v5 =	vadd.s32 v1, v5;
	_ =	sdelay $0x1  }
0x432: {  	v4 =	vperm.xlane v4, v2;
	_ =	sdelay $0x1  }
0x433: {  	s20 =	simm.s32 $0xA400;
	v4 =	vadd.s32 v1, v4  }
0x434: {  	[tilespmem:s20], [sflag:$0x2] =	stream.indirect_vreg.gather [hbm4b:s1+s5], $0x80, v5, vm0, $0xb8;
	[tilespmem:$0x12500] =	vst v63  }
0x435: {  	s21 =	simm.s32 $0xAC00  }
0x436: {  	[tilespmem:s21], [sflag:$0x2] =	stream.indirect_vreg.gather [hbm4b:s13+s5], $0x80, v5, vm1, $0xb8;
	[tilespmem:$0x12500] =	vst v63  }
0x437: {  	s22 =	simm.s32 $0xB000  }
0x438: {  	[tilespmem:s22], [sflag:$0x2] =	stream.indirect_vreg.gather [hbm4b:s1+s5], $0x80, v4, vm0, $0xb8;
	[tilespmem:$0x12500] =	vst v63  }
0x439: {  	s23 =	simm.s32 $0xB800  }
0x43a: {  	[tilespmem:s23], [sflag:$0x2] =	stream.indirect_vreg.gather [hbm4b:s13+s5], $0x80, v4, vm1, $0xb8;
	[tilespmem:$0x12500] =	vst v63  }
0x43b: {  	v4 =	vld [tilespmem:s0+$0xF0];
	_ =	sdelay $0x4  }
0x43c: {  	v5 =	vshrl.u32 v4, $0x3  }
0x43d: {  	v5 =	vmul.u32 $0x18, v5  }
0x43e: {  	v4 =	vand.u32 $0x7, v4  }
0x43f: {  	v4 =	vor.u32 v4, v5  }
0x440: {  	v5 =	vperm.xlane v4, v0;
	_ =	sdelay $0x1  }
0x441: {  	v5 =	vadd.s32 v1, v5;
	_ =	sdelay $0x1  }
0x442: {  	v4 =	vperm.xlane v4, v2;
	_ =	sdelay $0x1  }
0x443: {  	s24 =	simm.s32 $0xBC00;
	v4 =	vadd.s32 v1, v4  }
0x444: {  	[tilespmem:s24], [sflag:$0x2] =	stream.indirect_vreg.gather [hbm4b:s1+s5], $0x80, v5, vm0, $0xb8;
	[tilespmem:$0x12500] =	vst v63  }
0x445: {  	s25 =	simm.s32 $0xC400  }
0x446: {  	[tilespmem:s25], [sflag:$0x2] =	stream.indirect_vreg.gather [hbm4b:s13+s5], $0x80, v5, vm1, $0xb8;
	[tilespmem:$0x12500] =	vst v63  }
0x447: {  	s26 =	simm.s32 $0xC800  }
0x448: {  	[tilespmem:s26], [sflag:$0x2] =	stream.indirect_vreg.gather [hbm4b:s1+s5], $0x80, v4, vm0, $0xb8;
	[tilespmem:$0x12500] =	vst v63  }
.Ltmp8:
0x449: {  	_ = 	snop;
	(pc) =	sbr.rel .LBB2_2-.Ltmp8, $4  }
0x44a: {  	s28 =	simm.s32 $0xD000;
	s29 =	sld [smem:$0x7F7];
	s30 =	simm.s32 $0x40  }
0x44b: {  	[tilespmem:s28], [sflag:$0x2] =	stream.indirect_vreg.gather [hbm4b:s13+s5], $0x80, v4, vm1, $0xb8;
	[tilespmem:$0x12500] =	vst v63  }
0x44c: {  	s31 =	simm.s32 $0x10000;
	s6 =	sadd.s32 $0x1, s6;
	s0 =	sadd.s32 $0xC0, s0  }
0x44d: {  	[tilespmem:s31], [sflag:$0x4] =	stream.indirect.gather [hbm4b:s29+s30], $0x80, s0, s30, $0xb8;
	[tilespmem:$0x12500] =	vst v63  }
.LBB2_15:
0x44e: {  	_ =	sfence.sel $0x180000  }
0x44f: {  	[bflag:$0x0] =	sbarrier.arrive $0xFFFF  }
0x450: {  	_ =	strace $0x9000004A  }
0x451: {  	s0 =	stileid.u32;
	[bflag:$0x2] =	sbarrier.arrive $0xFFFF  }
0x452: {  	p0 =	sne.s32 s0, $0x0;
	s0 =	rddreg [dreg:$0x2]  }
0x453: {  	s0 =	sadd.s32 @!p0 $0x100000, s0  }
0x454: {  	[sflag:s0] =	ssyncadd.tile.s32 @!p0 $0x1;
	_ =	shalt  }
.Lfunc_end2:
_tile_overlayer_lowered:
.L_overlay_start_2:
0x455: {  	(tag) =	ssettag $0x2  }
0x456: {  	s0 =	rddreg [dreg:$0x0];
	s2 =	stileid.u32  }
0x457: {  	s1 =	rddreg [dreg:$0x1];
	p0 =	sne.s32 s2, $0x0  }
0x458: {  	s3 =	rddreg [dreg:$0x2];
	[bflag:$0x3] =	sbarrier.arrive $0xFFFF;
	s2 =	simm.s32 @!p0 $0x1C09  }
0x459: {  	[timem:s3], [sflag:s2] =	dma.local @!p0 [hbm:s0], s1  }
0x45a: {  	s0 =	simm.s32 @!p0 $0x9  }
0x45b: {  	_ =	swait.ge @!p0 [sflag:s0], s1  }
0x45c: {  	s1 =	ssub.s32 @!p0 $0x0, s1;
	[sflag:s0] =	ssyncset.done @!p0 $0x0  }
0x45d: {  	[sflag:s0] =	ssyncadd.s32 @!p0 s1  }
0x45e: {  	[bflag:$0x3] =	sbarrier.arrive $0xFFFF  }
0x45f: {  	_ =	shalt  }

// kernel: sparse-core-data-format-call.cloned.1.call-start
scs
called_computation_lowered:
.L_overlay_start_0:
0x0: {  	s2 =	sld [smem:$0x3FD9]  }
0x1: {  	s3 =	sld [smem:$0x3FFE];
	_ =	sdelay $0x1  }
0x2: {  	s1 =	srdreg.scid  }
0x3: {  	s0 =	sand.u32 $0x1, s1  }
0x4: {  	s18 =	sshll.u32 s0, $0xA;
	s2 =	sadd.s32 s3, s2  }
0x5: {  	s2 =	sadd.s32 s2, s18  }
0x6: {  	[smem:$0x3FBA] =	sst s2  }
0x7: {  	_ = 	snop  }
0x8: {  	s2 =	sld [smem:$0x3FC7];
	(tm) =	ssettm $0x1  }
0x9: {  	s19 =	sld [smem:$0x3FFB];
	_ =	sdelay $0x3  }
0xa: {  	_ =	strace s19  }
0xb: {  	s3 =	sld [smem:$0x3FFC];
	_ =	sdelay $0x3  }
0xc: {  	_ =	strace s3  }
0xd: {  	s3 =	sld [smem:$0x3FFD];
	_ =	sdelay $0x3  }
0xe: {  	_ =	strace s3  }
0xf: {  	_ =	strace $0x8FFFFFFF  }
0x10: {  	s20 =	sld [smem:$0x3FDB];
	_ =	sdelay $0x1  }
0x11: {  	s4 =	simm.s32 $_scs_section_size  }
0x12: {  	s5 =	simm.s32 $_size__tile_overlayer_lowered;
	s6 =	simm.s32 $_tile_overlayer_lowered  }
0x13: {  	s23 =	simm.s32 $0x1BFF;
	s22 =	sshll.u32 s6, $0x1;
	s3 =	sadd.s32 s4, s20  }
0x14: {  	s7 =	simm.s32 $0x0;
	s21 =	sshll.u32 s5, $0x1;
	s5 =	sadd.s32 s22, s3  }
0x15: {  	[timem:s7], [sflag:s23] =	dma.local [hbm:s5], s21  }
0x16: {  	_ =	swait.ge [sflag:s23], s21  }
0x17: {  	s4 =	ssub.s32 $0x0, s21;
	[sflag:s23] =	ssyncset.done $0x0  }
0x18: {  	[sflag:s23] =	ssyncadd.s32 s4;
	_ =	sdelay $0x1  }
0x19: {  	s24 =	simm.s32 $0x1B8B  }
0x1a: {  	_ =	swait.ge [sflag:s24], $0x1  }
0x1b: {  	[sflag:s24] =	ssyncset.done $0x0  }
0x1c: {  	s26 =	simm.s32 $0x1B8E;
	s25 =	sld [smem:$0x3FFE];
	[sflag:s24] =	ssyncadd.s32 $0xFFFFFFFF  }
0x1d: {  	s27 =	simm.s32 $execute0_lowered;
	[smem:$0x3FD2] =	sst s26  }
0x1e: {  	s5 =	sshll.u32 s27, $0x1;
	_ =	strace $0x80000046;
	[dreg:$0x1] =	wrdreg $0xFFFFFFFF  }
0x1f: {  	s28 =	simm.s32 $_size_execute0_lowered;
	s3 =	sadd.s32 s3, s5;
	[dreg:$0x0] =	wrdreg $0x0  }
0x20: {  	s5 =	sshll.u32 s28, $0x1;
	[dreg:$0x2] =	wrdreg s3  }
0x21: {  	[dreg:$0x3] =	wrdreg s5  }
0x22: {  	[dreg:$0x4] =	wrdreg $0xC0  }
0x23: {  	_ =	task [dreg:s7], $0x5FFFF  }
0x24: {  	[dreg:$0x1] =	wrdreg $0xFFFFFFFF  }
0x25: {  	[dreg:$0x0] =	wrdreg $0x60  }
0x26: {  	[dreg:$0x2] =	wrdreg s2  }
0x27: {  	[dreg:$0x3] =	wrdreg s25  }
0x28: {  	[dreg:$0x4] =	wrdreg $0x9  }
0x29: {  	_ =	task.clear_ibuf [dreg:s7], $0x5FFFF;
	_ =	strace $0x90000046  }
0x2a: {  	s29 =	simm.s32 $0x9;
	_ =	strace $0x80000048  }
0x2b: {  	_ =	swait.ge [sflag:s29], $0x1  }
0x2c: {  	[sflag:s29] =	ssyncadd.s32 $0xFFFFFFFF  }
0x2d: {  	_ =	strace $0x90000048  }
0x2e: {  	_ =	sfence  }
0x2f: {  	s30 =	sld [smem:$0x0];
	_ =	sdelay $0x2  }
0x30: {  	s31 =	sshll.u32 s1, $0xD;
	s1 =	sshrl.u32 s1, $0x2  }
0x31: {  	s3 =	sand.u32 $0x4000, s31;
	s1 =	sadd.s32 s1, s30  }
0x32: {  	s0 =	sor.u32 s3, s0;
	s1 =	sshll.u32 s1, $0x11  }
0x33: {  	s0 =	sor.u32 s1, s0  }
0x34: {  	s0 =	sadd.s32 $0x8F2B, s0  }
0x35: {  	[sflag:s0] =	ssyncadd.remote.s32 $0x1  }
0x36: {  	_ =	sfence.sel $0xFFFF  }
0x37: {  	[dreg:$0x0] =	wrdreg $0xFFFFFFFF;
	(pc) =	sbr.abs _section_cstart, $3  }
0x38: {  	[dreg:$0x1] =	wrdreg $0xFFFFFFFF  }
0x39: {  	_ =	task.clear_ibuf [dreg:s7], $0x2FFFF;
	_ =	strace $0x9FFFFFFF  }
0x3a: {  	(tm) =	ssettm $0x7FFFFFFF  }
0x3b: {  	_ =	shalt  }
tec
execute0_lowered:
.L_overlay_start_1:
0x0: {  	(tag) =	ssettag $0x1  }
0x1: {  	s0 =	srdreg.scid;
	s2 =	rddreg [dreg:$0x0]  }
0x2: {  	s5 =	rddreg [dreg:$0x1];
	s1 =	sshll.u32 s0, $0x4  }
0x3: {  	s31 =	simm.s32 $0x2;
	s0 =	stileid.u32;
	s1 =	sand.u32 $0x10, s1  }
0x4: {  	s13 =	simm.s32 $0x0;
	p0 =	por $0x0, $0x0;
	s1 =	sor.u32 s0, s1  }
0x5: {  	s8 =	simm.s32 $0x61C00;
	s12 =	simm.s32 $0x0;
	s3 =	sshll.u32 s1, $0x7  }
.Ltmp0:
0x6: {  	s10 =	simm.s32 $0x0;
	s4 =	ssub.s32 $0xC300, s3;
	(pc) =	sbr.rel .LBB1_1-.Ltmp0, $4  }
0x7: {  	s11 =	simm.s32 $0x0;
	s1 =	rddreg [dreg:$0x2];
	s6 =	sshrl.u32 s4, $0xC  }
0x8: {  	_ =	strace $0x80000047;
	s4 =	simm.s32 $0x1;
	s7 =	smul.u32 $0x3, s6  }
0x9: {  	s5 =	sadd.s32 $0x4400, s5;
	s9 =	smov.u32 s3;
	[sflag:s4] =	ssyncpa.u1 $0x0  }
0xa: {  	[sflag:s31] =	ssyncpa.u1 $0x0;
	s6 =	sadd.s32 $0x3, s7;
	s7 =	sadd.s32 $0x4, s7  }
.LBB1_5:
0xb: {  	s14 =	sadd.s32 $0x1000, s9  }
0xc: {  	s12 =	simm.s32 $0x1;
	p2 =	sgt.s32 s14, $0xC34F  }
0xd: {  	s12 =	simm.s32 @!p2 $0x0  }
0xe: {  	s16 =	sadd.s32 s12, s10  }
0xf: {  	s14 =	smov.u32 @p2 s3;
	p2 =	sgt.s32 s16, $0x2  }
0x10: {  	s16 =	simm.s32 @p2 $0x0;
	p2 =	sne.s32 s11, s7  }
.Ltmp1:
0x11: {  	p1 =	slt.u32 s11, $0x2;
	(pc) =	sbr.rel @!p2 .LBB1_6-.Ltmp1, $4  }
0x12: {  	s15 =	simm.s32 @!p1 $0x2  }
0x13: {  	s13 =	smov.u32 s9;
	p0 =	por !p0, !p0;
	_ =	swait.ge @!p1 [sflag:s15], $0x4000  }
0x14: {  	[sflag:s15] =	ssyncset.done @!p1 $0x0;
	s12 =	smov.u32 s10;
	s9 =	smov.u32 s14  }
0x15: {  	[sflag:s15] =	ssyncadd.s32 @!p1 $0xFFFFC000;
	s11 =	sadd.s32 $0x1, s11;
	s10 =	smov.u32 s16  }
.LBB1_1:
0x16: {  	p1 =	sge.u32 s11, s6;
	s15 =	smov.u32 s10  }
0x17: {  	s18 =	smov.u32 s9;
	p2 =	sgt.s32 @!p1 s10, $0x2;
	s14 =	sand.u32 @!p1 $0x1FFFFFF, s9  }
0x18: {  	s17 =	sshra.s32 @!p1 s10, $0x1F;
	s19 =	sshra.s32 @!p1 s9, $0x1F;
	p2 =	por !p2, p1  }
0x19: {  	s16 =	smulhi.u32 @!p1 $0x14F8B59, s14;
	s15 =	simm.s32 @p2 $0x2;
	p2 =	sgt.s32 @!p1 s9, $0xC2D0  }
0x1a: {  	s17 =	sand.u32 @!p1 s17, s10;
	s19 =	sand.u32 @!p1 s19, s9;
	p2 =	por !p2, p1  }
0x1b: {  	s15 =	ssub.s32 @!p1 s15, s17;
	s16 =	sshrl.u32 @!p1 s16, $0x8;
	s18 =	simm.s32 @p2 $0xC2D0  }
0x1c: {  	s15 =	sadd.s32 @!p1 $0xFFFFFFFE, s15;
	s16 =	smul.u32 @!p1 $0xC350, s16;
	s17 =	ssub.s32 @!p1 s18, s19  }
0x1d: {  	p2 =	sgt.s32 @!p1 s15, $0x0;
	s15 =	sshll.u32 @!p1 s15, $0x7;
	s18 =	sadd.s32 @!p1 $0xFFFF3D30, s17  }
0x1e: {  	s19 =	smul.u32 @!p1 $0xC3500, s10;
	s17 =	ssub.s32 @!p1 $0xC350, s17;
	p3 =	sgt.s32 @!p1 s18, $0x7F  }
0x1f: {  	s15 =	ssub.s32 @!p1 $0x80, s15;
	p2 =	por !p2, p1;
	p3 =	por !p3, p1  }
0x20: {  	s18 =	sxor.u32 @!p1 $0xFFFFFFFF, s11;
	s15 =	simm.s32 @!p2 $0x0;
	s17 =	simm.s32 @!p3 $0x0  }
0x21: {  	s14 =	ssub.s32 @!p1 s14, s16;
	s16 =	sshll.u32 @!p1 s18, $0xE;
	s15 =	smul.u32 @!p1 s17, s15  }
0x22: {  	s14 =	sshll.u32 @!p1 s14, $0x4;
	s16 =	sand.u32 @!p1 $0x4000, s16;
	s17 =	sadd.s32 @!p1 s2, s19  }
0x23: {  	s14 =	sadd.s32 @!p1 s14, s17;
	s17 =	simm.s32 @!p1 $0x0;
	s15 =	sand.u32 @!p1 $0x3FFFFF80, s15  }
0x24: {  	[tilespmem:s16], [sflag:$0x1] =	stream.linear.gather @!p1 [hbm4b:s14+s17], s15, $0x38;
	[tilespmem:$0x10100] =	vst v63  }
0x25: {  	p1 =	seq.s32 s11, $0x0  }
0x26: {  	p2 =	sge.u32 @!p1 s11, s7  }
0x27: {  	p1 =	por p1, p2  }
.Ltmp2:
0x28: {  	_ = 	snop;
	(pc) =	sbr.rel @p1 .LBB1_5-.Ltmp2, $1  }
0x29: {  	_ =	sdelay $0x3  }
0x2a: {  	p1 =	sgt.s32 s12, $0x2;
	s14 =	smov.u32 s12  }
0x2b: {  	s15 =	sshra.s32 s12, $0x1F;
	s16 =	smov.u32 s13;
	s17 =	sshra.s32 s13, $0x1F  }
0x2c: {  	s14 =	simm.s32 @!p1 $0x2;
	s15 =	sand.u32 s15, s12;
	p1 =	sgt.s32 s13, $0xC2D0  }
0x2d: {  	s27 =	sand.u32 s17, s13;
	s14 =	ssub.s32 s14, s15;
	s16 =	simm.s32 @!p1 $0xC2D0  }
0x2e: {  	s14 =	sadd.s32 $0xFFFFFFFE, s14;
	s15 =	ssub.s32 s16, s27  }
0x2f: {  	p1 =	sgt.s32 s14, $0x0;
	s16 =	sadd.s32 $0xFFFF3D30, s15;
	s14 =	sshll.u32 s14, $0x7  }
0x30: {  	s15 =	ssub.s32 $0xC350, s15;
	p2 =	sgt.s32 s16, $0x7F;
	s14 =	ssub.s32 $0x80, s14  }
0x31: {  	s15 =	simm.s32 @p2 $0x0;
	s14 =	simm.s32 @p1 $0x0  }
0x32: {  	s14 =	smul.u32 s15, s14;
	_ =	sdelay $0x1  }
0x33: {  	s15 =	simm.s32 $0x1;
	s14 =	sand.u32 $0x3FFFFF80, s14  }
0x34: {  	s15 =	simm.s32 @!p0 $0x0;
	_ =	swait.ge [sflag:s4], s14  }
0x35: {  	s28 =	sshll.u32 s15, $0xE;
	s14 =	ssub.s32 $0x0, s14;
	[sflag:s4] =	ssyncset.done $0x0  }
0x36: {  	s29 =	sor.u32 $0x40, s28;
	[sflag:s4] =	ssyncadd.s32 s14  }
0x37: {  	s30 =	smul.u32 $0x10200, s15;
	v0 =	vld [tilespmem:s29+$0x30]  }
0x38: {  	v1 =	vld [tilespmem:s29+$0xFFFFFFD0]  }
0x39: {  	s14 =	sshrl.u32 s30, $0x2;
	v5 =	vld [tilespmem:s29+$0xFFFFFFE0]  }
0x3a: {  	s15 =	sor.u32 $0x8000, s14;
	v6 =	vld [tilespmem:s29+$0xFFFFFFF0]  }
0x3b: {  	s31 =	sand.u32 $0x1, s11;
	v3 =	vld [tilespmem:s29+$0x0];
	s16 =	sadd.s32 $0x0, s15  }
0x3c: {  	s14 =	smul.u32 $0x10200, s31;
	v4 =	vld [tilespmem:s29+$0x10];
	[tilespmem:s16+$0x3870 ss:$0x81] =	vst.msk $0xffff, v0  }
0x3d: {  	v2 =	vld [tilespmem:s29+$0x20];
	[tilespmem:s16+$0x810 ss:$0x81] =	vst.msk $0xffff, v1  }
0x3e: {  	s17 =	sadd.s32 $0x80, s29;
	s14 =	sshrl.u32 s14, $0x2;
	v0 =	vld [tilespmem:s29+$0xFFFFFFC0];
	[tilespmem:s16+$0x1020 ss:$0x81] =	vst.msk $0xffff, v5  }
0x3f: {  	s18 =	simm.s32 $0x4;
	s19 =	simm.s32 $0x8;
	s14 =	sor.u32 $0x8000, s14;
	v1 =	vld [tilespmem:s17+$0x30];
	[tilespmem:s16+$0x1830 ss:$0x81] =	vst.msk $0xffff, v6  }
.LBB1_3:
0x40: {  	p1 =	sne.s32 s19, $0x1FC;
	v5 =	vld [tilespmem:s17+$0xFFFFFFD0];
	[tilespmem:s16+$0x2040 ss:$0x81] =	vst.msk $0xffff, v3  }
0x41: {  	v6 =	vld [tilespmem:s17+$0xFFFFFFE0];
	[tilespmem:s16+$0x2850 ss:$0x81] =	vst.msk $0xffff, v4  }
0x42: {  	s20 =	sshra.s32 s18, $0x2;
	s18 =	smov.u32 s19;
	v7 =	vld [tilespmem:s17+$0xFFFFFFF0];
	[tilespmem:s16+$0x3060 ss:$0x81] =	vst.msk $0xffff, v2  }
.Ltmp3:
0x43: {  	v3 =	vld [tilespmem:s17+$0x0];
	[tilespmem:s16+$0x0 ss:$0x81] =	vst.msk $0xffff, v0;
	s16 =	sadd.s32 s20, s15;
	(pc) =	sbr.rel @p1 .LBB1_3-.Ltmp3, $4  }
0x44: {  	v4 =	vld [tilespmem:s17+$0x10];
	[tilespmem:s16+$0x3870 ss:$0x81] =	vst.msk $0xffff, v1  }
0x45: {  	[tilespmem:s16+$0x810 ss:$0x81] =	vst.msk $0xffff, v5;
	v2 =	vld [tilespmem:s17+$0x20]  }
0x46: {  	v0 =	vld [tilespmem:s17+$0xFFFFFFC0];
	[tilespmem:s16+$0x1020 ss:$0x81] =	vst.msk $0xffff, v6;
	s17 =	sadd.s32 $0x80, s17  }
0x47: {  	s19 =	sadd.s32 $0x4, s19;
	v1 =	vld [tilespmem:s17+$0x30];
	[tilespmem:s16+$0x1830 ss:$0x81] =	vst.msk $0xffff, v7  }
0x48: {  	v5 =	vld [tilespmem:s17+$0xFFFFFFD0];
	[tilespmem:s16+$0x2040 ss:$0x81] =	vst.msk $0xffff, v3;
	s19 =	sshll.u32 s13, $0x3  }
0x49: {  	v58 =	vld [tilespmem:s17+$0xFFFFFFE0];
	s24 =	sand.u32 $0x7F, s13;
	[tilespmem:s16+$0x2850 ss:$0x81] =	vst.msk $0xffff, v4;
	s19 =	sand.u32 $0xFFFFFC00, s19  }
0x4a: {  	s18 =	sshra.s32 s18, $0x2;
	v59 =	vld [tilespmem:s17+$0xFFFFFFF0];
	[tilespmem:s16+$0x3060 ss:$0x81] =	vst.msk $0xffff, v2;
	s13 =	sor.u32 s24, s19;
	s26 =	smulhi.u32 $0xA79C7B17, s19  }
0x4b: {  	v60 =	vld [tilespmem:s17+$0x0];
	s15 =	sadd.s32 s18, s15;
	[tilespmem:s16+$0x0 ss:$0x81] =	vst.msk $0xffff, v0;
	s25 =	smulhi.u32 $0xA79C7B17, s13  }
0x4c: {  	v61 =	vld [tilespmem:s17+$0x10];
	[tilespmem:s15+$0x3870 ss:$0x81] =	vst.msk $0xffff, v1  }
0x4d: {  	v62 =	vld [tilespmem:s17+$0x20];
	s12 =	smul.u32 $0xC3800, s12;
	s27 =	sshrl.u32 s26, $0xF;
	[tilespmem:s15+$0x810 ss:$0x81] =	vst.msk $0xffff, v5;
	s16 =	sshrl.u32 s25, $0xF  }
0x4e: {  	v63 =	vld [tilespmem:s17+$0xFFFFFFC0];
	[tilespmem:s15+$0x1020 ss:$0x81] =	vst.msk $0xffff, v58;
	s17 =	sand.u32 $0x7F, s27;
	s16 =	smul.u32 $0xC380, s16  }
0x4f: {  	[tilespmem:s15+$0x1830 ss:$0x81] =	vst.msk $0xffff, v59;
	s28 =	smul.u32 $0x1870, s17  }
.Ltmp4:
0x50: {  	[tilespmem:s15+$0x2040 ss:$0x81] =	vst.msk $0xffff, v60;
	s13 =	ssub.s32 s13, s16;
	(pc) =	sbr.rel .LBB1_5-.Ltmp4, $4  }
0x51: {  	s12 =	sadd.s32 s5, s12;
	[tilespmem:s15+$0x2850 ss:$0x81] =	vst.msk $0xffff, v61;
	s29 =	sand.u32 $0x7, s13  }
0x52: {  	[tilespmem:s15+$0x3060 ss:$0x81] =	vst.msk $0xffff, v62;
	s12 =	sadd.s32 s28, s12;
	s13 =	sshrl.u32 s13, $0x3;
	s30 =	sshll.u32 s29, $0x12  }
0x53: {  	[tilespmem:s15+$0x0 ss:$0x81] =	vst.msk $0xffff, v63;
	s12 =	sadd.s32 s13, s12;
	s31 =	sor.u32 $0x400, s30  }
0x54: {  	[hbm4b:s12+s31] =	stream.strided.scatter [tilespmem:s14], [sflag:$0x2], $0x4000, s8, s31, $0x20;
	[tilespmem:$0x10100] =	vst v63  }
.LBB1_6:
0x55: {  	_ =	sfence.sel $0x180000  }
0x56: {  	s2 =	simm.s32 $0x1;
	[bflag:$0x0] =	sbarrier.arrive $0xFFFF  }
0x57: {  	s31 =	simm.s32 $0x2;
	[sflag:s2] =	ssyncpa.u1 $0x1  }
0x58: {  	[sflag:s31] =	ssyncpa.u1 $0x1  }
0x59: {  	p0 =	sne.s32 s0, $0x0;
	_ =	strace $0x90000047  }
0x5a: {  	s0 =	sadd.s32 @!p0 $0x100000, s1;
	[bflag:$0x2] =	sbarrier.arrive $0xFFFF  }
0x5b: {  	[sflag:s0] =	ssyncadd.tile.s32 @!p0 $0x1;
	_ =	shalt  }
.Lfunc_end1:
_tile_overlayer_lowered:
.L_overlay_start_2:
0x5c: {  	(tag) =	ssettag $0x2  }
0x5d: {  	s0 =	rddreg [dreg:$0x0];
	s2 =	stileid.u32  }
0x5e: {  	s1 =	rddreg [dreg:$0x1];
	p0 =	sne.s32 s2, $0x0  }
0x5f: {  	s3 =	rddreg [dreg:$0x2];
	[bflag:$0x3] =	sbarrier.arrive $0xFFFF;
	s2 =	simm.s32 @!p0 $0x1C01  }
0x60: {  	[timem:s3], [sflag:s2] =	dma.local @!p0 [hbm:s0], s1  }
0x61: {  	s0 =	simm.s32 @!p0 $0x1  }
0x62: {  	_ =	swait.ge @!p0 [sflag:s0], s1  }
0x63: {  	s1 =	ssub.s32 @!p0 $0x0, s1;
	[sflag:s0] =	ssyncset.done @!p0 $0x0  }
0x64: {  	[sflag:s0] =	ssyncadd.s32 @!p0 s1  }
0x65: {  	[bflag:$0x3] =	sbarrier.arrive $0xFFFF  }
0x66: {  	_ =	shalt  }

</sc_bundles>
